<compile_context>
chip_gen: v7x
topology: tpu7x:2x2x1
jax: 0.10.2.dev20260603
libtpu: 0.0.44.dev20260713+nightly
codegen_flags: <defaults>
</compile_context>

<pallas_src>
import functools

import jax
import jax.numpy as jnp
from jax import lax
from jax.experimental import pallas as pl
from jax.experimental.pallas import tpu as pltpu
from jax.experimental.pallas import tpu_sc as plsc

BINS = 1000000
D = 32
NC = 2
NS = 16
NW = NC * NS
B = 4096 * 200
PER_W = B // NW
CH = 512
G = 128
NG = CH // G
NCHUNK = PER_W // CH


def _build():
  mesh = plsc.VectorSubcoreMesh(core_axis_name="c", subcore_axis_name="s")

  @functools.partial(
      pl.kernel,
      out_type=jax.ShapeDtypeStruct((B, D), jnp.float32),
      mesh=mesh,
      scratch_types=[
          pltpu.VMEM((2, CH), jnp.float32),
          pltpu.VMEM((2, CH), jnp.int32),
          pltpu.VMEM((CH, D), jnp.float32),
          pltpu.VMEM((CH, D), jnp.float32),
          pltpu.SemaphoreType.DMA,
          pltpu.SemaphoreType.DMA,
          pltpu.SemaphoreType.DMA,
          pltpu.SemaphoreType.DMA,
          pltpu.SemaphoreType.DMA,
          pltpu.SemaphoreType.DMA,
      ],
      compiler_params=pltpu.CompilerParams(use_tc_tiling_on_sc=False),
  )
  def table_lookup(x_hbm, table_hbm, out_hbm,
                   x_b, idx_b, rows0, rows1,
                   sem_x0, sem_x1, sem_g0, sem_g1, sem_s0, sem_s1):
    wid = lax.axis_index("s") * NC + lax.axis_index("c")
    base = wid * PER_W
    sem_x = (sem_x0, sem_x1)
    sem_g = (sem_g0, sem_g1)
    sem_s = (sem_s0, sem_s1)
    rows_b = (rows0, rows1)

    def x_off(c):
      return base + lax.rem(c, NCHUNK) * CH

    def load_x(c, buf):
      pltpu.make_async_copy(
          x_hbm.at[pl.ds(x_off(c), CH)], x_b.at[buf], sem_x[buf]).start()

    def wait_x(buf):
      pltpu.make_async_copy(
          x_hbm.at[pl.ds(base, CH)], x_b.at[buf], sem_x[buf]).wait()

    def bucketize(buf):
      for i in range(CH // 16):
        xv = x_b[buf, pl.ds(i * 16, 16)]
        idx_b[buf, pl.ds(i * 16, 16)] = jnp.minimum(
            (xv * float(BINS)).astype(jnp.int32), BINS - 1)

    def fire_gathers(buf):
      cps = [
          pltpu.make_async_copy(
              table_hbm.at[idx_b.at[buf, pl.ds(g * G, G)]],
              rows_b[buf].at[pl.ds(g * G, G)],
              sem_g[buf],
          )
          for g in range(NG)
      ]
      for cp in cps:
        cp.start()

    def wait_gathers(buf):
      for g in range(NG):
        pltpu.make_async_copy(
            table_hbm.at[idx_b.at[buf, pl.ds(g * G, G)]],
            rows_b[buf].at[pl.ds(g * G, G)],
            sem_g[buf],
        ).wait()

    def start_store(c, buf):
      pltpu.make_async_copy(
          rows_b[buf], out_hbm.at[pl.ds(base + c * CH, CH)], sem_s[buf]).start()

    def wait_store(buf):
      pltpu.make_async_copy(
          rows_b[buf], out_hbm.at[pl.ds(base, CH)], sem_s[buf]).wait()

    load_x(0, 0)
    wait_x(0)
    bucketize(0)
    fire_gathers(0)
    load_x(1, 1)
    pltpu.make_async_copy(
        rows1, out_hbm.at[pl.ds(base + (NCHUNK - 1) * CH, CH)], sem_s1).start()

    def body(c, b, fire_next, prefetch=True):
      nb = 1 - b
      if fire_next:
        wait_x(nb)
        bucketize(nb)
        if prefetch:
          load_x(c + 2, b)
        wait_store(nb)
        fire_gathers(nb)
      wait_gathers(b)
      start_store(c, b)

    def pipe(t, carry):
      body(2 * t, 0, True)
      body(2 * t + 1, 1, True)
      return carry

    lax.fori_loop(0, NCHUNK // 2 - 1, pipe, 0)

    body(NCHUNK - 2, 0, True, prefetch=False)
    body(NCHUNK - 1, 1, False)

    wait_store(0)
    wait_store(1)

  return table_lookup


_lookup = _build()


def kernel(x, table):
  xf = x.reshape(B)
  out = _lookup(xf, table)
  return out.reshape(4096, 200, D)

# --- scband reference (transcript-rebuilt; emitter-appended) ---
"""Pipeline reference for scband-eiptable-19670950215978 (READ-ONLY COPY).

The authoritative reference and input builder live on the scoring server;
editing this copy changes nothing except your own understanding.
"""

import jax, jax.numpy as jnp
import numpy as np

BINS = 1000000
OUT_FEATURES = 32

def setup_inputs(seed: int = 0) -> dict:
    key = jax.random.key(seed)
    k1, k2 = jax.random.split(key)
    x = jax.random.uniform(k1, (4096, 200, 1), dtype=jnp.float32)
    table = jax.random.normal(k2, (BINS, OUT_FEATURES), dtype=jnp.float32)
    return {"x": x, "table": table}

def reference(x, table):
    bins = table.shape[0]
    idx = jnp.floor(x * bins).astype(jnp.int64)
    idx = jnp.squeeze(idx, axis=-1)
    idx = jnp.where(idx >= bins, bins - 1, idx)
    return jnp.take(table, idx, axis=0)

if __name__ == "__main__":
    import jax
    _d = setup_inputs()
    print(jax.jit(kernel)(*tuple(_d.values())))

</pallas_src>

<mosaic_0001>
#map = affine_map<(d0, d1) -> (0)>
#map1 = affine_map<(d0, d1) -> (0, 0)>
module attributes {stable_mosaic.version = 14 : i64} {
  func.func @table_lookup(%arg0: i32, %arg1: i32, %arg2: memref<819200xf32, #tpu.memory_space<hbm>>, %arg3: memref<1000000x32xf32, #tpu.memory_space<hbm>>, %arg4: memref<819200x32xf32, #tpu.memory_space<hbm>>, %arg5: memref<2x512xf32, #tpu.memory_space<vmem>>, %arg6: memref<2x512xi32, #tpu.memory_space<vmem>>, %arg7: memref<512x32xf32, #tpu.memory_space<vmem>>, %arg8: memref<512x32xf32, #tpu.memory_space<vmem>>, %arg9: memref<!tpu.dma_semaphore, #tpu.memory_space<semaphore_mem>>, %arg10: memref<!tpu.dma_semaphore, #tpu.memory_space<semaphore_mem>>, %arg11: memref<!tpu.dma_semaphore, #tpu.memory_space<semaphore_mem>>, %arg12: memref<!tpu.dma_semaphore, #tpu.memory_space<semaphore_mem>>, %arg13: memref<!tpu.dma_semaphore, #tpu.memory_space<semaphore_mem>>, %arg14: memref<!tpu.dma_semaphore, #tpu.memory_space<semaphore_mem>>) attributes {dimension_semantics = [#tpu.dimension_semantics<core_parallel>, #tpu.dimension_semantics<subcore_parallel>], iteration_bounds = array<i64: 2, 16>, scalar_prefetch = 0 : i64, scratch_operands = 10 : i64, tpu.core_type = #tpu.core_type<sc_vector_subcore>, window_params = [{transform_indices = #map}, {transform_indices = #map1}, {transform_indices = #map1}]} {
    %mul3A = arith.constant 2 : i32
    %mul3A_0 = arith.muli %arg1, %mul3A : i32
    %add3A = arith.addi %mul3A_0, %arg0 : i32
    %mul3A_1 = arith.constant 25600 : i32
    %mul3A_2 = arith.muli %add3A, %mul3A_1 : i32
    %rem3A = arith.constant 0 : i32
    %rem3A_3 = arith.constant 50 : i32
    %rem3A_4 = arith.remsi %rem3A, %rem3A_3 : i32
    %mul3A_5 = arith.constant 512 : i32
    %mul3A_6 = arith.muli %rem3A_4, %mul3A_5 : i32
    %add3A_7 = arith.addi %mul3A_2, %mul3A_6 : i32
    %dma_start3A = arith.constant 0 : i32
    %dma_start3A_8 = arith.constant 0 : i32
    %dma_start3A_9 = tpu.memref_slice %arg5[%dma_start3A, %dma_start3A_8] : memref<2x512xf32, #tpu.memory_space<vmem>> -> memref<1x512xf32, #tpu.memory_space<vmem>>
    %dma_start3A_10 = tpu.memref_squeeze %dma_start3A_9 : memref<1x512xf32, #tpu.memory_space<vmem>> -> memref<512xf32, #tpu.memory_space<vmem>>
    %dma_start3A_11 = tpu.memref_slice %arg2[%add3A_7] : memref<819200xf32, #tpu.memory_space<hbm>> -> memref<512xf32, #tpu.memory_space<hbm>>
    %dma_start3A_12 = arith.constant 0 : i32
    %dma_start3A_13 = tpu.memref_slice %arg5[%dma_start3A, %dma_start3A_12] : memref<2x512xf32, #tpu.memory_space<vmem>> -> memref<1x512xf32, #tpu.memory_space<vmem>>
    %dma_start3A_14 = tpu.memref_squeeze %dma_start3A_13 : memref<1x512xf32, #tpu.memory_space<vmem>> -> memref<512xf32, #tpu.memory_space<vmem>>
    %dma_start3A_15 = tpu.memref_slice %arg2[%add3A_7] : memref<819200xf32, #tpu.memory_space<hbm>> -> memref<512xf32, #tpu.memory_space<hbm>>
    tpu.enqueue_dma source(%dma_start3A_15 : memref<512xf32, #tpu.memory_space<hbm>>) target(%dma_start3A_14 : memref<512xf32, #tpu.memory_space<vmem>>) target_semaphore(%arg9 : memref<!tpu.dma_semaphore, #tpu.memory_space<semaphore_mem>>)
    %dma_wait3A = arith.constant 0 : i32
    %dma_wait3A_16 = arith.constant 0 : i32
    %dma_wait3A_17 = tpu.memref_slice %arg5[%dma_wait3A, %dma_wait3A_16] : memref<2x512xf32, #tpu.memory_space<vmem>> -> memref<1x512xf32, #tpu.memory_space<vmem>>
    %dma_wait3A_18 = tpu.memref_squeeze %dma_wait3A_17 : memref<1x512xf32, #tpu.memory_space<vmem>> -> memref<512xf32, #tpu.memory_space<vmem>>
    %dma_wait3A_19 = tpu.memref_slice %arg2[%mul3A_2] : memref<819200xf32, #tpu.memory_space<hbm>> -> memref<512xf32, #tpu.memory_space<hbm>>
    %dma_wait3A_20 = arith.constant 0 : i32
    %dma_wait3A_21 = tpu.memref_slice %arg5[%dma_wait3A, %dma_wait3A_20] : memref<2x512xf32, #tpu.memory_space<vmem>> -> memref<1x512xf32, #tpu.memory_space<vmem>>
    %dma_wait3A_22 = tpu.memref_squeeze %dma_wait3A_21 : memref<1x512xf32, #tpu.memory_space<vmem>> -> memref<512xf32, #tpu.memory_space<vmem>>
    %dma_wait3A_23 = tpu.memref_slice %arg2[%mul3A_2] : memref<819200xf32, #tpu.memory_space<hbm>> -> memref<512xf32, #tpu.memory_space<hbm>>
    tpu.wait_dma2 semaphore(%arg9 : memref<!tpu.dma_semaphore, #tpu.memory_space<semaphore_mem>>) src(%dma_wait3A_23 : memref<512xf32, #tpu.memory_space<hbm>>) dst(%dma_wait3A_22 : memref<512xf32, #tpu.memory_space<vmem>>)
    %get3A = arith.constant 0 : i32
    %get3A_24 = arith.index_cast %get3A : i32 to index
    %get3A_25 = arith.constant 0 : index
    %get3A_26 = tpu.vector_load %arg5[%get3A_24, %get3A_25] {strides = array<i32>} : memref<2x512xf32, #tpu.memory_space<vmem>>, vector<1x16xf32>,
    %get3A_27 = vector.shape_cast %get3A_26 : vector<1x16xf32> to vector<16xf32>
    %mul3A_28 = arith.constant 1.000000e+06 : f32
    %mul3A_29 = vector.broadcast %mul3A_28 : f32 to vector<16xf32>
    %mul3A_30 = arith.mulf %get3A_27, %mul3A_29 : vector<16xf32>
    %convert_element_type3A = arith.fptosi %mul3A_30 : vector<16xf32> to vector<16xi32>
    %min3A = arith.constant 999999 : i32
    %min3A_31 = vector.broadcast %min3A : i32 to vector<16xi32>
    %min3A_32 = arith.minsi %convert_element_type3A, %min3A_31 : vector<16xi32>
    %swap3A = arith.constant 0 : i32
    %swap3A_33 = arith.index_cast %swap3A : i32 to index
    %swap3A_34 = arith.constant 0 : index
    %swap3A_35 = tpu.vector_load %arg6[%swap3A_33, %swap3A_34] {strides = array<i32>} : memref<2x512xi32, #tpu.memory_space<vmem>>, vector<1x16xi32>,
    %swap3A_36 = vector.shape_cast %swap3A_35 : vector<1x16xi32> to vector<16xi32>
    %swap3A_37 = vector.shape_cast %min3A_32 : vector<16xi32> to vector<1x16xi32>
    tpu.vector_store %arg6[%swap3A_33, %swap3A_34], %swap3A_37 {strides = array<i32>} : memref<2x512xi32, #tpu.memory_space<vmem>>, vector<1x16xi32>,
    %get3A_38 = arith.constant 0 : i32
    %get3A_39 = arith.index_cast %get3A_38 : i32 to index
    %get3A_40 = arith.constant 16 : index
    %get3A_41 = tpu.vector_load %arg5[%get3A_39, %get3A_40] {strides = array<i32>} : memref<2x512xf32, #tpu.memory_space<vmem>>, vector<1x16xf32>,
    %get3A_42 = vector.shape_cast %get3A_41 : vector<1x16xf32> to vector<16xf32>
    %mul3A_43 = arith.constant 1.000000e+06 : f32
    %mul3A_44 = vector.broadcast %mul3A_43 : f32 to vector<16xf32>
    %mul3A_45 = arith.mulf %get3A_42, %mul3A_44 : vector<16xf32>
    %convert_element_type3A_46 = arith.fptosi %mul3A_45 : vector<16xf32> to vector<16xi32>
    %min3A_47 = arith.constant 999999 : i32
    %min3A_48 = vector.broadcast %min3A_47 : i32 to vector<16xi32>
    %min3A_49 = arith.minsi %convert_element_type3A_46, %min3A_48 : vector<16xi32>
    %swap3A_50 = arith.constant 0 : i32
    %swap3A_51 = arith.index_cast %swap3A_50 : i32 to index
    %swap3A_52 = arith.constant 16 : index
    %swap3A_53 = tpu.vector_load %arg6[%swap3A_51, %swap3A_52] {strides = array<i32>} : memref<2x512xi32, #tpu.memory_space<vmem>>, vector<1x16xi32>,
    %swap3A_54 = vector.shape_cast %swap3A_53 : vector<1x16xi32> to vector<16xi32>
    %swap3A_55 = vector.shape_cast %min3A_49 : vector<16xi32> to vector<1x16xi32>
    tpu.vector_store %arg6[%swap3A_51, %swap3A_52], %swap3A_55 {strides = array<i32>} : memref<2x512xi32, #tpu.memory_space<vmem>>, vector<1x16xi32>,
    %get3A_56 = arith.constant 0 : i32
    %get3A_57 = arith.index_cast %get3A_56 : i32 to index
    %get3A_58 = arith.constant 32 : index
    %get3A_59 = tpu.vector_load %arg5[%get3A_57, %get3A_58] {strides = array<i32>} : memref<2x512xf32, #tpu.memory_space<vmem>>, vector<1x16xf32>,
    %get3A_60 = vector.shape_cast %get3A_59 : vector<1x16xf32> to vector<16xf32>
    %mul3A_61 = arith.constant 1.000000e+06 : f32
    %mul3A_62 = vector.broadcast %mul3A_61 : f32 to vector<16xf32>
    %mul3A_63 = arith.mulf %get3A_60, %mul3A_62 : vector<16xf32>
    %convert_element_type3A_64 = arith.fptosi %mul3A_63 : vector<16xf32> to vector<16xi32>
    %min3A_65 = arith.constant 999999 : i32
    %min3A_66 = vector.broadcast %min3A_65 : i32 to vector<16xi32>
    %min3A_67 = arith.minsi %convert_element_type3A_64, %min3A_66 : vector<16xi32>
    %swap3A_68 = arith.constant 0 : i32
    %swap3A_69 = arith.index_cast %swap3A_68 : i32 to index
    %swap3A_70 = arith.constant 32 : index
    %swap3A_71 = tpu.vector_load %arg6[%swap3A_69, %swap3A_70] {strides = array<i32>} : memref<2x512xi32, #tpu.memory_space<vmem>>, vector<1x16xi32>,
    %swap3A_72 = vector.shape_cast %swap3A_71 : vector<1x16xi32> to vector<16xi32>
    %swap3A_73 = vector.shape_cast %min3A_67 : vector<16xi32> to vector<1x16xi32>
    tpu.vector_store %arg6[%swap3A_69, %swap3A_70], %swap3A_73 {strides = array<i32>} : memref<2x512xi32, #tpu.memory_space<vmem>>, vector<1x16xi32>,
    %get3A_74 = arith.constant 0 : i32
    %get3A_75 = arith.index_cast %get3A_74 : i32 to index
    %get3A_76 = arith.constant 48 : index
    %get3A_77 = tpu.vector_load %arg5[%get3A_75, %get3A_76] {strides = array<i32>} : memref<2x512xf32, #tpu.memory_space<vmem>>, vector<1x16xf32>,
    %get3A_78 = vector.shape_cast %get3A_77 : vector<1x16xf32> to vector<16xf32>
    %mul3A_79 = arith.constant 1.000000e+06 : f32
    %mul3A_80 = vector.broadcast %mul3A_79 : f32 to vector<16xf32>
    %mul3A_81 = arith.mulf %get3A_78, %mul3A_80 : vector<16xf32>
    %convert_element_type3A_82 = arith.fptosi %mul3A_81 : vector<16xf32> to vector<16xi32>
    %min3A_83 = arith.constant 999999 : i32
    %min3A_84 = vector.broadcast %min3A_83 : i32 to vector<16xi32>
    %min3A_85 = arith.minsi %convert_element_type3A_82, %min3A_84 : vector<16xi32>
    %swap3A_86 = arith.constant 0 : i32
    %swap3A_87 = arith.index_cast %swap3A_86 : i32 to index
    %swap3A_88 = arith.constant 48 : index
    %swap3A_89 = tpu.vector_load %arg6[%swap3A_87, %swap3A_88] {strides = array<i32>} : memref<2x512xi32, #tpu.memory_space<vmem>>, vector<1x16xi32>,
    %swap3A_90 = vector.shape_cast %swap3A_89 : vector<1x16xi32> to vector<16xi32>
    %swap3A_91 = vector.shape_cast %min3A_85 : vector<16xi32> to vector<1x16xi32>
    tpu.vector_store %arg6[%swap3A_87, %swap3A_88], %swap3A_91 {strides = array<i32>} : memref<2x512xi32, #tpu.memory_space<vmem>>, vector<1x16xi32>,
    %get3A_92 = arith.constant 0 : i32
    %get3A_93 = arith.index_cast %get3A_92 : i32 to index
    %get3A_94 = arith.constant 64 : index
    %get3A_95 = tpu.vector_load %arg5[%get3A_93, %get3A_94] {strides = array<i32>} : memref<2x512xf32, #tpu.memory_space<vmem>>, vector<1x16xf32>,
    %get3A_96 = vector.shape_cast %get3A_95 : vector<1x16xf32> to vector<16xf32>
    %mul3A_97 = arith.constant 1.000000e+06 : f32
    %mul3A_98 = vector.broadcast %mul3A_97 : f32 to vector<16xf32>
    %mul3A_99 = arith.mulf %get3A_96, %mul3A_98 : vector<16xf32>
    %convert_element_type3A_100 = arith.fptosi %mul3A_99 : vector<16xf32> to vector<16xi32>
    %min3A_101 = arith.constant 999999 : i32
    %min3A_102 = vector.broadcast %min3A_101 : i32 to vector<16xi32>
    %min3A_103 = arith.minsi %convert_element_type3A_100, %min3A_102 : vector<16xi32>
    %swap3A_104 = arith.constant 0 : i32
    %swap3A_105 = arith.index_cast %swap3A_104 : i32 to index
    %swap3A_106 = arith.constant 64 : index
    %swap3A_107 = tpu.vector_load %arg6[%swap3A_105, %swap3A_106] {strides = array<i32>} : memref<2x512xi32, #tpu.memory_space<vmem>>, vector<1x16xi32>,
    %swap3A_108 = vector.shape_cast %swap3A_107 : vector<1x16xi32> to vector<16xi32>
    %swap3A_109 = vector.shape_cast %min3A_103 : vector<16xi32> to vector<1x16xi32>
    tpu.vector_store %arg6[%swap3A_105, %swap3A_106], %swap3A_109 {strides = array<i32>} : memref<2x512xi32, #tpu.memory_space<vmem>>, vector<1x16xi32>,
    %get3A_110 = arith.constant 0 : i32
    %get3A_111 = arith.index_cast %get3A_110 : i32 to index
    %get3A_112 = arith.constant 80 : index
    %get3A_113 = tpu.vector_load %arg5[%get3A_111, %get3A_112] {strides = array<i32>} : memref<2x512xf32, #tpu.memory_space<vmem>>, vector<1x16xf32>,
    %get3A_114 = vector.shape_cast %get3A_113 : vector<1x16xf32> to vector<16xf32>
    %mul3A_115 = arith.constant 1.000000e+06 : f32
    %mul3A_116 = vector.broadcast %mul3A_115 : f32 to vector<16xf32>
    %mul3A_117 = arith.mulf %get3A_114, %mul3A_116 : vector<16xf32>
    %convert_element_type3A_118 = arith.fptosi %mul3A_117 : vector<16xf32> to vector<16xi32>
    %min3A_119 = arith.constant 999999 : i32
    %min3A_120 = vector.broadcast %min3A_119 : i32 to vector<16xi32>
    %min3A_121 = arith.minsi %convert_element_type3A_118, %min3A_120 : vector<16xi32>
    %swap3A_122 = arith.constant 0 : i32
    %swap3A_123 = arith.index_cast %swap3A_122 : i32 to index
    %swap3A_124 = arith.constant 80 : index
    %swap3A_125 = tpu.vector_load %arg6[%swap3A_123, %swap3A_124] {strides = array<i32>} : memref<2x512xi32, #tpu.memory_space<vmem>>, vector<1x16xi32>,
    %swap3A_126 = vector.shape_cast %swap3A_125 : vector<1x16xi32> to vector<16xi32>
    %swap3A_127 = vector.shape_cast %min3A_121 : vector<16xi32> to vector<1x16xi32>
    tpu.vector_store %arg6[%swap3A_123, %swap3A_124], %swap3A_127 {strides = array<i32>} : memref<2x512xi32, #tpu.memory_space<vmem>>, vector<1x16xi32>,
    %get3A_128 = arith.constant 0 : i32
    %get3A_129 = arith.index_cast %get3A_128 : i32 to index
    %get3A_130 = arith.constant 96 : index
    %get3A_131 = tpu.vector_load %arg5[%get3A_129, %get3A_130] {strides = array<i32>} : memref<2x512xf32, #tpu.memory_space<vmem>>, vector<1x16xf32>,
    %get3A_132 = vector.shape_cast %get3A_131 : vector<1x16xf32> to vector<16xf32>
    %mul3A_133 = arith.constant 1.000000e+06 : f32
    %mul3A_134 = vector.broadcast %mul3A_133 : f32 to vector<16xf32>
    %mul3A_135 = arith.mulf %get3A_132, %mul3A_134 : vector<16xf32>
    %convert_element_type3A_136 = arith.fptosi %mul3A_135 : vector<16xf32> to vector<16xi32>
    %min3A_137 = arith.constant 999999 : i32
    %min3A_138 = vector.broadcast %min3A_137 : i32 to vector<16xi32>
    %min3A_139 = arith.minsi %convert_element_type3A_136, %min3A_138 : vector<16xi32>
    %swap3A_140 = arith.constant 0 : i32
    %swap3A_141 = arith.index_cast %swap3A_140 : i32 to index
    %swap3A_142 = arith.constant 96 : index
    %swap3A_143 = tpu.vector_load %arg6[%swap3A_141, %swap3A_142] {strides = array<i32>} : memref<2x512xi32, #tpu.memory_space<vmem>>, vector<1x16xi32>,
    %swap3A_144 = vector.shape_cast %swap3A_143 : vector<1x16xi32> to vector<16xi32>
    %swap3A_145 = vector.shape_cast %min3A_139 : vector<16xi32> to vector<1x16xi32>
    tpu.vector_store %arg6[%swap3A_141, %swap3A_142], %swap3A_145 {strides = array<i32>} : memref<2x512xi32, #tpu.memory_space<vmem>>, vector<1x16xi32>,
    %get3A_146 = arith.constant 0 : i32
    %get3A_147 = arith.index_cast %get3A_146 : i32 to index
    %get3A_148 = arith.constant 112 : index
    %get3A_149 = tpu.vector_load %arg5[%get3A_147, %get3A_148] {strides = array<i32>} : memref<2x512xf32, #tpu.memory_space<vmem>>, vector<1x16xf32>,
    %get3A_150 = vector.shape_cast %get3A_149 : vector<1x16xf32> to vector<16xf32>
    %mul3A_151 = arith.constant 1.000000e+06 : f32
    %mul3A_152 = vector.broadcast %mul3A_151 : f32 to vector<16xf32>
    %mul3A_153 = arith.mulf %get3A_150, %mul3A_152 : vector<16xf32>
    %convert_element_type3A_154 = arith.fptosi %mul3A_153 : vector<16xf32> to vector<16xi32>
    %min3A_155 = arith.constant 999999 : i32
    %min3A_156 = vector.broadcast %min3A_155 : i32 to vector<16xi32>
    %min3A_157 = arith.minsi %convert_element_type3A_154, %min3A_156 : vector<16xi32>
    %swap3A_158 = arith.constant 0 : i32
    %swap3A_159 = arith.index_cast %swap3A_158 : i32 to index
    %swap3A_160 = arith.constant 112 : index
    %swap3A_161 = tpu.vector_load %arg6[%swap3A_159, %swap3A_160] {strides = array<i32>} : memref<2x512xi32, #tpu.memory_space<vmem>>, vector<1x16xi32>,
    %swap3A_162 = vector.shape_cast %swap3A_161 : vector<1x16xi32> to vector<16xi32>
    %swap3A_163 = vector.shape_cast %min3A_157 : vector<16xi32> to vector<1x16xi32>
    tpu.vector_store %arg6[%swap3A_159, %swap3A_160], %swap3A_163 {strides = array<i32>} : memref<2x512xi32, #tpu.memory_space<vmem>>, vector<1x16xi32>,
    %get3A_164 = arith.constant 0 : i32
    %get3A_165 = arith.index_cast %get3A_164 : i32 to index
    %get3A_166 = arith.constant 128 : index
    %get3A_167 = tpu.vector_load %arg5[%get3A_165, %get3A_166] {strides = array<i32>} : memref<2x512xf32, #tpu.memory_space<vmem>>, vector<1x16xf32>,
    %get3A_168 = vector.shape_cast %get3A_167 : vector<1x16xf32> to vector<16xf32>
    %mul3A_169 = arith.constant 1.000000e+06 : f32
    %mul3A_170 = vector.broadcast %mul3A_169 : f32 to vector<16xf32>
    %mul3A_171 = arith.mulf %get3A_168, %mul3A_170 : vector<16xf32>
    %convert_element_type3A_172 = arith.fptosi %mul3A_171 : vector<16xf32> to vector<16xi32>
    %min3A_173 = arith.constant 999999 : i32
    %min3A_174 = vector.broadcast %min3A_173 : i32 to vector<16xi32>
    %min3A_175 = arith.minsi %convert_element_type3A_172, %min3A_174 : vector<16xi32>
    %swap3A_176 = arith.constant 0 : i32
    %swap3A_177 = arith.index_cast %swap3A_176 : i32 to index
    %swap3A_178 = arith.constant 128 : index
    %swap3A_179 = tpu.vector_load %arg6[%swap3A_177, %swap3A_178] {strides = array<i32>} : memref<2x512xi32, #tpu.memory_space<vmem>>, vector<1x16xi32>,
    %swap3A_180 = vector.shape_cast %swap3A_179 : vector<1x16xi32> to vector<16xi32>
    %swap3A_181 = vector.shape_cast %min3A_175 : vector<16xi32> to vector<1x16xi32>
    tpu.vector_store %arg6[%swap3A_177, %swap3A_178], %swap3A_181 {strides = array<i32>} : memref<2x512xi32, #tpu.memory_space<vmem>>, vector<1x16xi32>,
    %get3A_182 = arith.constant 0 : i32
    %get3A_183 = arith.index_cast %get3A_182 : i32 to index
    %get3A_184 = arith.constant 144 : index
    %get3A_185 = tpu.vector_load %arg5[%get3A_183, %get3A_184] {strides = array<i32>} : memref<2x512xf32, #tpu.memory_space<vmem>>, vector<1x16xf32>,
    %get3A_186 = vector.shape_cast %get3A_185 : vector<1x16xf32> to vector<16xf32>
    %mul3A_187 = arith.constant 1.000000e+06 : f32
    %mul3A_188 = vector.broadcast %mul3A_187 : f32 to vector<16xf32>
    %mul3A_189 = arith.mulf %get3A_186, %mul3A_188 : vector<16xf32>
    %convert_element_type3A_190 = arith.fptosi %mul3A_189 : vector<16xf32> to vector<16xi32>
    %min3A_191 = arith.constant 999999 : i32
    %min3A_192 = vector.broadcast %min3A_191 : i32 to vector<16xi32>
    %min3A_193 = arith.minsi %convert_element_type3A_190, %min3A_192 : vector<16xi32>
    %swap3A_194 = arith.constant 0 : i32
    %swap3A_195 = arith.index_cast %swap3A_194 : i32 to index
    %swap3A_196 = arith.constant 144 : index
    %swap3A_197 = tpu.vector_load %arg6[%swap3A_195, %swap3A_196] {strides = array<i32>} : memref<2x512xi32, #tpu.memory_space<vmem>>, vector<1x16xi32>,
    %swap3A_198 = vector.shape_cast %swap3A_197 : vector<1x16xi32> to vector<16xi32>
    %swap3A_199 = vector.shape_cast %min3A_193 : vector<16xi32> to vector<1x16xi32>
    tpu.vector_store %arg6[%swap3A_195, %swap3A_196], %swap3A_199 {strides = array<i32>} : memref<2x512xi32, #tpu.memory_space<vmem>>, vector<1x16xi32>,
    %get3A_200 = arith.constant 0 : i32
    %get3A_201 = arith.index_cast %get3A_200 : i32 to index
    %get3A_202 = arith.constant 160 : index
    %get3A_203 = tpu.vector_load %arg5[%get3A_201, %get3A_202] {strides = array<i32>} : memref<2x512xf32, #tpu.memory_space<vmem>>, vector<1x16xf32>,
    %get3A_204 = vector.shape_cast %get3A_203 : vector<1x16xf32> to vector<16xf32>
    %mul3A_205 = arith.constant 1.000000e+06 : f32
    %mul3A_206 = vector.broadcast %mul3A_205 : f32 to vector<16xf32>
    %mul3A_207 = arith.mulf %get3A_204, %mul3A_206 : vector<16xf32>
    %convert_element_type3A_208 = arith.fptosi %mul3A_207 : vector<16xf32> to vector<16xi32>
    %min3A_209 = arith.constant 999999 : i32
    %min3A_210 = vector.broadcast %min3A_209 : i32 to vector<16xi32>
    %min3A_211 = arith.minsi %convert_element_type3A_208, %min3A_210 : vector<16xi32>
    %swap3A_212 = arith.constant 0 : i32
    %swap3A_213 = arith.index_cast %swap3A_212 : i32 to index
    %swap3A_214 = arith.constant 160 : index
    %swap3A_215 = tpu.vector_load %arg6[%swap3A_213, %swap3A_214] {strides = array<i32>} : memref<2x512xi32, #tpu.memory_space<vmem>>, vector<1x16xi32>,
    %swap3A_216 = vector.shape_cast %swap3A_215 : vector<1x16xi32> to vector<16xi32>
    %swap3A_217 = vector.shape_cast %min3A_211 : vector<16xi32> to vector<1x16xi32>
    tpu.vector_store %arg6[%swap3A_213, %swap3A_214], %swap3A_217 {strides = array<i32>} : memref<2x512xi32, #tpu.memory_space<vmem>>, vector<1x16xi32>,
    %get3A_218 = arith.constant 0 : i32
    %get3A_219 = arith.index_cast %get3A_218 : i32 to index
    %get3A_220 = arith.constant 176 : index
    %get3A_221 = tpu.vector_load %arg5[%get3A_219, %get3A_220] {strides = array<i32>} : memref<2x512xf32, #tpu.memory_space<vmem>>, vector<1x16xf32>,
    %get3A_222 = vector.shape_cast %get3A_221 : vector<1x16xf32> to vector<16xf32>
    %mul3A_223 = arith.constant 1.000000e+06 : f32
    %mul3A_224 = vector.broadcast %mul3A_223 : f32 to vector<16xf32>
    %mul3A_225 = arith.mulf %get3A_222, %mul3A_224 : vector<16xf32>
    %convert_element_type3A_226 = arith.fptosi %mul3A_225 : vector<16xf32> to vector<16xi32>
    %min3A_227 = arith.constant 999999 : i32
    %min3A_228 = vector.broadcast %min3A_227 : i32 to vector<16xi32>
    %min3A_229 = arith.minsi %convert_element_type3A_226, %min3A_228 : vector<16xi32>
    %swap3A_230 = arith.constant 0 : i32
    %swap3A_231 = arith.index_cast %swap3A_230 : i32 to index
    %swap3A_232 = arith.constant 176 : index
    %swap3A_233 = tpu.vector_load %arg6[%swap3A_231, %swap3A_232] {strides = array<i32>} : memref<2x512xi32, #tpu.memory_space<vmem>>, vector<1x16xi32>,
    %swap3A_234 = vector.shape_cast %swap3A_233 : vector<1x16xi32> to vector<16xi32>
    %swap3A_235 = vector.shape_cast %min3A_229 : vector<16xi32> to vector<1x16xi32>
    tpu.vector_store %arg6[%swap3A_231, %swap3A_232], %swap3A_235 {strides = array<i32>} : memref<2x512xi32, #tpu.memory_space<vmem>>, vector<1x16xi32>,
    %get3A_236 = arith.constant 0 : i32
    %get3A_237 = arith.index_cast %get3A_236 : i32 to index
    %get3A_238 = arith.constant 192 : index
    %get3A_239 = tpu.vector_load %arg5[%get3A_237, %get3A_238] {strides = array<i32>} : memref<2x512xf32, #tpu.memory_space<vmem>>, vector<1x16xf32>,
    %get3A_240 = vector.shape_cast %get3A_239 : vector<1x16xf32> to vector<16xf32>
    %mul3A_241 = arith.constant 1.000000e+06 : f32
    %mul3A_242 = vector.broadcast %mul3A_241 : f32 to vector<16xf32>
    %mul3A_243 = arith.mulf %get3A_240, %mul3A_242 : vector<16xf32>
    %convert_element_type3A_244 = arith.fptosi %mul3A_243 : vector<16xf32> to vector<16xi32>
    %min3A_245 = arith.constant 999999 : i32
    %min3A_246 = vector.broadcast %min3A_245 : i32 to vector<16xi32>
    %min3A_247 = arith.minsi %convert_element_type3A_244, %min3A_246 : vector<16xi32>
    %swap3A_248 = arith.constant 0 : i32
    %swap3A_249 = arith.index_cast %swap3A_248 : i32 to index
    %swap3A_250 = arith.constant 192 : index
    %swap3A_251 = tpu.vector_load %arg6[%swap3A_249, %swap3A_250] {strides = array<i32>} : memref<2x512xi32, #tpu.memory_space<vmem>>, vector<1x16xi32>,
    %swap3A_252 = vector.shape_cast %swap3A_251 : vector<1x16xi32> to vector<16xi32>
    %swap3A_253 = vector.shape_cast %min3A_247 : vector<16xi32> to vector<1x16xi32>
    tpu.vector_store %arg6[%swap3A_249, %swap3A_250], %swap3A_253 {strides = array<i32>} : memref<2x512xi32, #tpu.memory_space<vmem>>, vector<1x16xi32>,
    %get3A_254 = arith.constant 0 : i32
    %get3A_255 = arith.index_cast %get3A_254 : i32 to index
    %get3A_256 = arith.constant 208 : index
    %get3A_257 = tpu.vector_load %arg5[%get3A_255, %get3A_256] {strides = array<i32>} : memref<2x512xf32, #tpu.memory_space<vmem>>, vector<1x16xf32>,
    %get3A_258 = vector.shape_cast %get3A_257 : vector<1x16xf32> to vector<16xf32>
    %mul3A_259 = arith.constant 1.000000e+06 : f32
    %mul3A_260 = vector.broadcast %mul3A_259 : f32 to vector<16xf32>
    %mul3A_261 = arith.mulf %get3A_258, %mul3A_260 : vector<16xf32>
    %convert_element_type3A_262 = arith.fptosi %mul3A_261 : vector<16xf32> to vector<16xi32>
    %min3A_263 = arith.constant 999999 : i32
    %min3A_264 = vector.broadcast %min3A_263 : i32 to vector<16xi32>
    %min3A_265 = arith.minsi %convert_element_type3A_262, %min3A_264 : vector<16xi32>
    %swap3A_266 = arith.constant 0 : i32
    %swap3A_267 = arith.index_cast %swap3A_266 : i32 to index
    %swap3A_268 = arith.constant 208 : index
    %swap3A_269 = tpu.vector_load %arg6[%swap3A_267, %swap3A_268] {strides = array<i32>} : memref<2x512xi32, #tpu.memory_space<vmem>>, vector<1x16xi32>,
    %swap3A_270 = vector.shape_cast %swap3A_269 : vector<1x16xi32> to vector<16xi32>
    %swap3A_271 = vector.shape_cast %min3A_265 : vector<16xi32> to vector<1x16xi32>
    tpu.vector_store %arg6[%swap3A_267, %swap3A_268], %swap3A_271 {strides = array<i32>} : memref<2x512xi32, #tpu.memory_space<vmem>>, vector<1x16xi32>,
    %get3A_272 = arith.constant 0 : i32
    %get3A_273 = arith.index_cast %get3A_272 : i32 to index
    %get3A_274 = arith.constant 224 : index
    %get3A_275 = tpu.vector_load %arg5[%get3A_273, %get3A_274] {strides = array<i32>} : memref<2x512xf32, #tpu.memory_space<vmem>>, vector<1x16xf32>,
    %get3A_276 = vector.shape_cast %get3A_275 : vector<1x16xf32> to vector<16xf32>
    %mul3A_277 = arith.constant 1.000000e+06 : f32
    %mul3A_278 = vector.broadcast %mul3A_277 : f32 to vector<16xf32>
    %mul3A_279 = arith.mulf %get3A_276, %mul3A_278 : vector<16xf32>
    %convert_element_type3A_280 = arith.fptosi %mul3A_279 : vector<16xf32> to vector<16xi32>
    %min3A_281 = arith.constant 999999 : i32
    %min3A_282 = vector.broadcast %min3A_281 : i32 to vector<16xi32>
    %min3A_283 = arith.minsi %convert_element_type3A_280, %min3A_282 : vector<16xi32>
    %swap3A_284 = arith.constant 0 : i32
    %swap3A_285 = arith.index_cast %swap3A_284 : i32 to index
    %swap3A_286 = arith.constant 224 : index
    %swap3A_287 = tpu.vector_load %arg6[%swap3A_285, %swap3A_286] {strides = array<i32>} : memref<2x512xi32, #tpu.memory_space<vmem>>, vector<1x16xi32>,
    %swap3A_288 = vector.shape_cast %swap3A_287 : vector<1x16xi32> to vector<16xi32>
    %swap3A_289 = vector.shape_cast %min3A_283 : vector<16xi32> to vector<1x16xi32>
    tpu.vector_store %arg6[%swap3A_285, %swap3A_286], %swap3A_289 {strides = array<i32>} : memref<2x512xi32, #tpu.memory_space<vmem>>, vector<1x16xi32>,
    %get3A_290 = arith.constant 0 : i32
    %get3A_291 = arith.index_cast %get3A_290 : i32 to index
    %get3A_292 = arith.constant 240 : index
    %get3A_293 = tpu.vector_load %arg5[%get3A_291, %get3A_292] {strides = array<i32>} : memref<2x512xf32, #tpu.memory_space<vmem>>, vector<1x16xf32>,
    %get3A_294 = vector.shape_cast %get3A_293 : vector<1x16xf32> to vector<16xf32>
    %mul3A_295 = arith.constant 1.000000e+06 : f32
    %mul3A_296 = vector.broadcast %mul3A_295 : f32 to vector<16xf32>
    %mul3A_297 = arith.mulf %get3A_294, %mul3A_296 : vector<16xf32>
    %convert_element_type3A_298 = arith.fptosi %mul3A_297 : vector<16xf32> to vector<16xi32>
    %min3A_299 = arith.constant 999999 : i32
    %min3A_300 = vector.broadcast %min3A_299 : i32 to vector<16xi32>
    %min3A_301 = arith.minsi %convert_element_type3A_298, %min3A_300 : vector<16xi32>
    %swap3A_302 = arith.constant 0 : i32
    %swap3A_303 = arith.index_cast %swap3A_302 : i32 to index
    %swap3A_304 = arith.constant 240 : index
    %swap3A_305 = tpu.vector_load %arg6[%swap3A_303, %swap3A_304] {strides = array<i32>} : memref<2x512xi32, #tpu.memory_space<vmem>>, vector<1x16xi32>,
    %swap3A_306 = vector.shape_cast %swap3A_305 : vector<1x16xi32> to vector<16xi32>
    %swap3A_307 = vector.shape_cast %min3A_301 : vector<16xi32> to vector<1x16xi32>
    tpu.vector_store %arg6[%swap3A_303, %swap3A_304], %swap3A_307 {strides = array<i32>} : memref<2x512xi32, #tpu.memory_space<vmem>>, vector<1x16xi32>,
    %get3A_308 = arith.constant 0 : i32
    %get3A_309 = arith.index_cast %get3A_308 : i32 to index
    %get3A_310 = arith.constant 256 : index
    %get3A_311 = tpu.vector_load %arg5[%get3A_309, %get3A_310] {strides = array<i32>} : memref<2x512xf32, #tpu.memory_space<vmem>>, vector<1x16xf32>,
    %get3A_312 = vector.shape_cast %get3A_311 : vector<1x16xf32> to vector<16xf32>
    %mul3A_313 = arith.constant 1.000000e+06 : f32
    %mul3A_314 = vector.broadcast %mul3A_313 : f32 to vector<16xf32>
    %mul3A_315 = arith.mulf %get3A_312, %mul3A_314 : vector<16xf32>
    %convert_element_type3A_316 = arith.fptosi %mul3A_315 : vector<16xf32> to vector<16xi32>
    %min3A_317 = arith.constant 999999 : i32
    %min3A_318 = vector.broadcast %min3A_317 : i32 to vector<16xi32>
    %min3A_319 = arith.minsi %convert_element_type3A_316, %min3A_318 : vector<16xi32>
    %swap3A_320 = arith.constant 0 : i32
    %swap3A_321 = arith.index_cast %swap3A_320 : i32 to index
    %swap3A_322 = arith.constant 256 : index
    %swap3A_323 = tpu.vector_load %arg6[%swap3A_321, %swap3A_322] {strides = array<i32>} : memref<2x512xi32, #tpu.memory_space<vmem>>, vector<1x16xi32>,
    %swap3A_324 = vector.shape_cast %swap3A_323 : vector<1x16xi32> to vector<16xi32>
    %swap3A_325 = vector.shape_cast %min3A_319 : vector<16xi32> to vector<1x16xi32>
    tpu.vector_store %arg6[%swap3A_321, %swap3A_322], %swap3A_325 {strides = array<i32>} : memref<2x512xi32, #tpu.memory_space<vmem>>, vector<1x16xi32>,
    %get3A_326 = arith.constant 0 : i32
    %get3A_327 = arith.index_cast %get3A_326 : i32 to index
    %get3A_328 = arith.constant 272 : index
    %get3A_329 = tpu.vector_load %arg5[%get3A_327, %get3A_328] {strides = array<i32>} : memref<2x512xf32, #tpu.memory_space<vmem>>, vector<1x16xf32>,
    %get3A_330 = vector.shape_cast %get3A_329 : vector<1x16xf32> to vector<16xf32>
    %mul3A_331 = arith.constant 1.000000e+06 : f32
    %mul3A_332 = vector.broadcast %mul3A_331 : f32 to vector<16xf32>
    %mul3A_333 = arith.mulf %get3A_330, %mul3A_332 : vector<16xf32>
    %convert_element_type3A_334 = arith.fptosi %mul3A_333 : vector<16xf32> to vector<16xi32>
    %min3A_335 = arith.constant 999999 : i32
    %min3A_336 = vector.broadcast %min3A_335 : i32 to vector<16xi32>
    %min3A_337 = arith.minsi %convert_element_type3A_334, %min3A_336 : vector<16xi32>
    %swap3A_338 = arith.constant 0 : i32
    %swap3A_339 = arith.index_cast %swap3A_338 : i32 to index
    %swap3A_340 = arith.constant 272 : index
    %swap3A_341 = tpu.vector_load %arg6[%swap3A_339, %swap3A_340] {strides = array<i32>} : memref<2x512xi32, #tpu.memory_space<vmem>>, vector<1x16xi32>,
    %swap3A_342 = vector.shape_cast %swap3A_341 : vector<1x16xi32> to vector<16xi32>
    %swap3A_343 = vector.shape_cast %min3A_337 : vector<16xi32> to vector<1x16xi32>
    tpu.vector_store %arg6[%swap3A_339, %swap3A_340], %swap3A_343 {strides = array<i32>} : memref<2x512xi32, #tpu.memory_space<vmem>>, vector<1x16xi32>,
    %get3A_344 = arith.constant 0 : i32
    %get3A_345 = arith.index_cast %get3A_344 : i32 to index
    %get3A_346 = arith.constant 288 : index
    %get3A_347 = tpu.vector_load %arg5[%get3A_345, %get3A_346] {strides = array<i32>} : memref<2x512xf32, #tpu.memory_space<vmem>>, vector<1x16xf32>,
    %get3A_348 = vector.shape_cast %get3A_347 : vector<1x16xf32> to vector<16xf32>
    %mul3A_349 = arith.constant 1.000000e+06 : f32
    %mul3A_350 = vector.broadcast %mul3A_349 : f32 to vector<16xf32>
    %mul3A_351 = arith.mulf %get3A_348, %mul3A_350 : vector<16xf32>
    %convert_element_type3A_352 = arith.fptosi %mul3A_351 : vector<16xf32> to vector<16xi32>
    %min3A_353 = arith.constant 999999 : i32
    %min3A_354 = vector.broadcast %min3A_353 : i32 to vector<16xi32>
    %min3A_355 = arith.minsi %convert_element_type3A_352, %min3A_354 : vector<16xi32>
    %swap3A_356 = arith.constant 0 : i32
    %swap3A_357 = arith.index_cast %swap3A_356 : i32 to index
    %swap3A_358 = arith.constant 288 : index
    %swap3A_359 = tpu.vector_load %arg6[%swap3A_357, %swap3A_358] {strides = array<i32>} : memref<2x512xi32, #tpu.memory_space<vmem>>, vector<1x16xi32>,
    %swap3A_360 = vector.shape_cast %swap3A_359 : vector<1x16xi32> to vector<16xi32>
    %swap3A_361 = vector.shape_cast %min3A_355 : vector<16xi32> to vector<1x16xi32>
    tpu.vector_store %arg6[%swap3A_357, %swap3A_358], %swap3A_361 {strides = array<i32>} : memref<2x512xi32, #tpu.memory_space<vmem>>, vector<1x16xi32>,
    %get3A_362 = arith.constant 0 : i32
    %get3A_363 = arith.index_cast %get3A_362 : i32 to index
    %get3A_364 = arith.constant 304 : index
    %get3A_365 = tpu.vector_load %arg5[%get3A_363, %get3A_364] {strides = array<i32>} : memref<2x512xf32, #tpu.memory_space<vmem>>, vector<1x16xf32>,
    %get3A_366 = vector.shape_cast %get3A_365 : vector<1x16xf32> to vector<16xf32>
    %mul3A_367 = arith.constant 1.000000e+06 : f32
    %mul3A_368 = vector.broadcast %mul3A_367 : f32 to vector<16xf32>
    %mul3A_369 = arith.mulf %get3A_366, %mul3A_368 : vector<16xf32>
    %convert_element_type3A_370 = arith.fptosi %mul3A_369 : vector<16xf32> to vector<16xi32>
    %min3A_371 = arith.constant 999999 : i32
    %min3A_372 = vector.broadcast %min3A_371 : i32 to vector<16xi32>
    %min3A_373 = arith.minsi %convert_element_type3A_370, %min3A_372 : vector<16xi32>
    %swap3A_374 = arith.constant 0 : i32
    %swap3A_375 = arith.index_cast %swap3A_374 : i32 to index
    %swap3A_376 = arith.constant 304 : index
    %swap3A_377 = tpu.vector_load %arg6[%swap3A_375, %swap3A_376] {strides = array<i32>} : memref<2x512xi32, #tpu.memory_space<vmem>>, vector<1x16xi32>,
    %swap3A_378 = vector.shape_cast %swap3A_377 : vector<1x16xi32> to vector<16xi32>
    %swap3A_379 = vector.shape_cast %min3A_373 : vector<16xi32> to vector<1x16xi32>
    tpu.vector_store %arg6[%swap3A_375, %swap3A_376], %swap3A_379 {strides = array<i32>} : memref<2x512xi32, #tpu.memory_space<vmem>>, vector<1x16xi32>,
    %get3A_380 = arith.constant 0 : i32
    %get3A_381 = arith.index_cast %get3A_380 : i32 to index
    %get3A_382 = arith.constant 320 : index
    %get3A_383 = tpu.vector_load %arg5[%get3A_381, %get3A_382] {strides = array<i32>} : memref<2x512xf32, #tpu.memory_space<vmem>>, vector<1x16xf32>,
    %get3A_384 = vector.shape_cast %get3A_383 : vector<1x16xf32> to vector<16xf32>
    %mul3A_385 = arith.constant 1.000000e+06 : f32
    %mul3A_386 = vector.broadcast %mul3A_385 : f32 to vector<16xf32>
    %mul3A_387 = arith.mulf %get3A_384, %mul3A_386 : vector<16xf32>
    %convert_element_type3A_388 = arith.fptosi %mul3A_387 : vector<16xf32> to vector<16xi32>
    %min3A_389 = arith.constant 999999 : i32
    %min3A_390 = vector.broadcast %min3A_389 : i32 to vector<16xi32>
    %min3A_391 = arith.minsi %convert_element_type3A_388, %min3A_390 : vector<16xi32>
    %swap3A_392 = arith.constant 0 : i32
    %swap3A_393 = arith.index_cast %swap3A_392 : i32 to index
    %swap3A_394 = arith.constant 320 : index
    %swap3A_395 = tpu.vector_load %arg6[%swap3A_393, %swap3A_394] {strides = array<i32>} : memref<2x512xi32, #tpu.memory_space<vmem>>, vector<1x16xi32>,
    %swap3A_396 = vector.shape_cast %swap3A_395 : vector<1x16xi32> to vector<16xi32>
    %swap3A_397 = vector.shape_cast %min3A_391 : vector<16xi32> to vector<1x16xi32>
    tpu.vector_store %arg6[%swap3A_393, %swap3A_394], %swap3A_397 {strides = array<i32>} : memref<2x512xi32, #tpu.memory_space<vmem>>, vector<1x16xi32>,
    %get3A_398 = arith.constant 0 : i32
    %get3A_399 = arith.index_cast %get3A_398 : i32 to index
    %get3A_400 = arith.constant 336 : index
    %get3A_401 = tpu.vector_load %arg5[%get3A_399, %get3A_400] {strides = array<i32>} : memref<2x512xf32, #tpu.memory_space<vmem>>, vector<1x16xf32>,
    %get3A_402 = vector.shape_cast %get3A_401 : vector<1x16xf32> to vector<16xf32>
    %mul3A_403 = arith.constant 1.000000e+06 : f32
    %mul3A_404 = vector.broadcast %mul3A_403 : f32 to vector<16xf32>
    %mul3A_405 = arith.mulf %get3A_402, %mul3A_404 : vector<16xf32>
    %convert_element_type3A_406 = arith.fptosi %mul3A_405 : vector<16xf32> to vector<16xi32>
    %min3A_407 = arith.constant 999999 : i32
    %min3A_408 = vector.broadcast %min3A_407 : i32 to vector<16xi32>
    %min3A_409 = arith.minsi %convert_element_type3A_406, %min3A_408 : vector<16xi32>
    %swap3A_410 = arith.constant 0 : i32
    %swap3A_411 = arith.index_cast %swap3A_410 : i32 to index
    %swap3A_412 = arith.constant 336 : index
    %swap3A_413 = tpu.vector_load %arg6[%swap3A_411, %swap3A_412] {strides = array<i32>} : memref<2x512xi32, #tpu.memory_space<vmem>>, vector<1x16xi32>,
    %swap3A_414 = vector.shape_cast %swap3A_413 : vector<1x16xi32> to vector<16xi32>
    %swap3A_415 = vector.shape_cast %min3A_409 : vector<16xi32> to vector<1x16xi32>
    tpu.vector_store %arg6[%swap3A_411, %swap3A_412], %swap3A_415 {strides = array<i32>} : memref<2x512xi32, #tpu.memory_space<vmem>>, vector<1x16xi32>,
    %get3A_416 = arith.constant 0 : i32
    %get3A_417 = arith.index_cast %get3A_416 : i32 to index
    %get3A_418 = arith.constant 352 : index
    %get3A_419 = tpu.vector_load %arg5[%get3A_417, %get3A_418] {strides = array<i32>} : memref<2x512xf32, #tpu.memory_space<vmem>>, vector<1x16xf32>,
    %get3A_420 = vector.shape_cast %get3A_419 : vector<1x16xf32> to vector<16xf32>
    %mul3A_421 = arith.constant 1.000000e+06 : f32
    %mul3A_422 = vector.broadcast %mul3A_421 : f32 to vector<16xf32>
    %mul3A_423 = arith.mulf %get3A_420, %mul3A_422 : vector<16xf32>
    %convert_element_type3A_424 = arith.fptosi %mul3A_423 : vector<16xf32> to vector<16xi32>
    %min3A_425 = arith.constant 999999 : i32
    %min3A_426 = vector.broadcast %min3A_425 : i32 to vector<16xi32>
    %min3A_427 = arith.minsi %convert_element_type3A_424, %min3A_426 : vector<16xi32>
    %swap3A_428 = arith.constant 0 : i32
    %swap3A_429 = arith.index_cast %swap3A_428 : i32 to index
    %swap3A_430 = arith.constant 352 : index
    %swap3A_431 = tpu.vector_load %arg6[%swap3A_429, %swap3A_430] {strides = array<i32>} : memref<2x512xi32, #tpu.memory_space<vmem>>, vector<1x16xi32>,
    %swap3A_432 = vector.shape_cast %swap3A_431 : vector<1x16xi32> to vector<16xi32>
    %swap3A_433 = vector.shape_cast %min3A_427 : vector<16xi32> to vector<1x16xi32>
    tpu.vector_store %arg6[%swap3A_429, %swap3A_430], %swap3A_433 {strides = array<i32>} : memref<2x512xi32, #tpu.memory_space<vmem>>, vector<1x16xi32>,
    %get3A_434 = arith.constant 0 : i32
    %get3A_435 = arith.index_cast %get3A_434 : i32 to index
    %get3A_436 = arith.constant 368 : index
    %get3A_437 = tpu.vector_load %arg5[%get3A_435, %get3A_436] {strides = array<i32>} : memref<2x512xf32, #tpu.memory_space<vmem>>, vector<1x16xf32>,
    %get3A_438 = vector.shape_cast %get3A_437 : vector<1x16xf32> to vector<16xf32>
    %mul3A_439 = arith.constant 1.000000e+06 : f32
    %mul3A_440 = vector.broadcast %mul3A_439 : f32 to vector<16xf32>
    %mul3A_441 = arith.mulf %get3A_438, %mul3A_440 : vector<16xf32>
    %convert_element_type3A_442 = arith.fptosi %mul3A_441 : vector<16xf32> to vector<16xi32>
    %min3A_443 = arith.constant 999999 : i32
    %min3A_444 = vector.broadcast %min3A_443 : i32 to vector<16xi32>
    %min3A_445 = arith.minsi %convert_element_type3A_442, %min3A_444 : vector<16xi32>
    %swap3A_446 = arith.constant 0 : i32
    %swap3A_447 = arith.index_cast %swap3A_446 : i32 to index
    %swap3A_448 = arith.constant 368 : index
    %swap3A_449 = tpu.vector_load %arg6[%swap3A_447, %swap3A_448] {strides = array<i32>} : memref<2x512xi32, #tpu.memory_space<vmem>>, vector<1x16xi32>,
    %swap3A_450 = vector.shape_cast %swap3A_449 : vector<1x16xi32> to vector<16xi32>
    %swap3A_451 = vector.shape_cast %min3A_445 : vector<16xi32> to vector<1x16xi32>
    tpu.vector_store %arg6[%swap3A_447, %swap3A_448], %swap3A_451 {strides = array<i32>} : memref<2x512xi32, #tpu.memory_space<vmem>>, vector<1x16xi32>,
    %get3A_452 = arith.constant 0 : i32
    %get3A_453 = arith.index_cast %get3A_452 : i32 to index
    %get3A_454 = arith.constant 384 : index
    %get3A_455 = tpu.vector_load %arg5[%get3A_453, %get3A_454] {strides = array<i32>} : memref<2x512xf32, #tpu.memory_space<vmem>>, vector<1x16xf32>,
    %get3A_456 = vector.shape_cast %get3A_455 : vector<1x16xf32> to vector<16xf32>
    %mul3A_457 = arith.constant 1.000000e+06 : f32
    %mul3A_458 = vector.broadcast %mul3A_457 : f32 to vector<16xf32>
    %mul3A_459 = arith.mulf %get3A_456, %mul3A_458 : vector<16xf32>
    %convert_element_type3A_460 = arith.fptosi %mul3A_459 : vector<16xf32> to vector<16xi32>
    %min3A_461 = arith.constant 999999 : i32
    %min3A_462 = vector.broadcast %min3A_461 : i32 to vector<16xi32>
    %min3A_463 = arith.minsi %convert_element_type3A_460, %min3A_462 : vector<16xi32>
    %swap3A_464 = arith.constant 0 : i32
    %swap3A_465 = arith.index_cast %swap3A_464 : i32 to index
    %swap3A_466 = arith.constant 384 : index
    %swap3A_467 = tpu.vector_load %arg6[%swap3A_465, %swap3A_466] {strides = array<i32>} : memref<2x512xi32, #tpu.memory_space<vmem>>, vector<1x16xi32>,
    %swap3A_468 = vector.shape_cast %swap3A_467 : vector<1x16xi32> to vector<16xi32>
    %swap3A_469 = vector.shape_cast %min3A_463 : vector<16xi32> to vector<1x16xi32>
    tpu.vector_store %arg6[%swap3A_465, %swap3A_466], %swap3A_469 {strides = array<i32>} : memref<2x512xi32, #tpu.memory_space<vmem>>, vector<1x16xi32>,
    %get3A_470 = arith.constant 0 : i32
    %get3A_471 = arith.index_cast %get3A_470 : i32 to index
    %get3A_472 = arith.constant 400 : index
    %get3A_473 = tpu.vector_load %arg5[%get3A_471, %get3A_472] {strides = array<i32>} : memref<2x512xf32, #tpu.memory_space<vmem>>, vector<1x16xf32>,
    %get3A_474 = vector.shape_cast %get3A_473 : vector<1x16xf32> to vector<16xf32>
    %mul3A_475 = arith.constant 1.000000e+06 : f32
    %mul3A_476 = vector.broadcast %mul3A_475 : f32 to vector<16xf32>
    %mul3A_477 = arith.mulf %get3A_474, %mul3A_476 : vector<16xf32>
    %convert_element_type3A_478 = arith.fptosi %mul3A_477 : vector<16xf32> to vector<16xi32>
    %min3A_479 = arith.constant 999999 : i32
    %min3A_480 = vector.broadcast %min3A_479 : i32 to vector<16xi32>
    %min3A_481 = arith.minsi %convert_element_type3A_478, %min3A_480 : vector<16xi32>
    %swap3A_482 = arith.constant 0 : i32
    %swap3A_483 = arith.index_cast %swap3A_482 : i32 to index
    %swap3A_484 = arith.constant 400 : index
    %swap3A_485 = tpu.vector_load %arg6[%swap3A_483, %swap3A_484] {strides = array<i32>} : memref<2x512xi32, #tpu.memory_space<vmem>>, vector<1x16xi32>,
    %swap3A_486 = vector.shape_cast %swap3A_485 : vector<1x16xi32> to vector<16xi32>
    %swap3A_487 = vector.shape_cast %min3A_481 : vector<16xi32> to vector<1x16xi32>
    tpu.vector_store %arg6[%swap3A_483, %swap3A_484], %swap3A_487 {strides = array<i32>} : memref<2x512xi32, #tpu.memory_space<vmem>>, vector<1x16xi32>,
    %get3A_488 = arith.constant 0 : i32
    %get3A_489 = arith.index_cast %get3A_488 : i32 to index
    %get3A_490 = arith.constant 416 : index
    %get3A_491 = tpu.vector_load %arg5[%get3A_489, %get3A_490] {strides = array<i32>} : memref<2x512xf32, #tpu.memory_space<vmem>>, vector<1x16xf32>,
    %get3A_492 = vector.shape_cast %get3A_491 : vector<1x16xf32> to vector<16xf32>
    %mul3A_493 = arith.constant 1.000000e+06 : f32
    %mul3A_494 = vector.broadcast %mul3A_493 : f32 to vector<16xf32>
    %mul3A_495 = arith.mulf %get3A_492, %mul3A_494 : vector<16xf32>
    %convert_element_type3A_496 = arith.fptosi %mul3A_495 : vector<16xf32> to vector<16xi32>
    %min3A_497 = arith.constant 999999 : i32
    %min3A_498 = vector.broadcast %min3A_497 : i32 to vector<16xi32>
    %min3A_499 = arith.minsi %convert_element_type3A_496, %min3A_498 : vector<16xi32>
    %swap3A_500 = arith.constant 0 : i32
    %swap3A_501 = arith.index_cast %swap3A_500 : i32 to index
    %swap3A_502 = arith.constant 416 : index
    %swap3A_503 = tpu.vector_load %arg6[%swap3A_501, %swap3A_502] {strides = array<i32>} : memref<2x512xi32, #tpu.memory_space<vmem>>, vector<1x16xi32>,
    %swap3A_504 = vector.shape_cast %swap3A_503 : vector<1x16xi32> to vector<16xi32>
    %swap3A_505 = vector.shape_cast %min3A_499 : vector<16xi32> to vector<1x16xi32>
    tpu.vector_store %arg6[%swap3A_501, %swap3A_502], %swap3A_505 {strides = array<i32>} : memref<2x512xi32, #tpu.memory_space<vmem>>, vector<1x16xi32>,
    %get3A_506 = arith.constant 0 : i32
    %get3A_507 = arith.index_cast %get3A_506 : i32 to index
    %get3A_508 = arith.constant 432 : index
    %get3A_509 = tpu.vector_load %arg5[%get3A_507, %get3A_508] {strides = array<i32>} : memref<2x512xf32, #tpu.memory_space<vmem>>, vector<1x16xf32>,
    %get3A_510 = vector.shape_cast %get3A_509 : vector<1x16xf32> to vector<16xf32>
    %mul3A_511 = arith.constant 1.000000e+06 : f32
    %mul3A_512 = vector.broadcast %mul3A_511 : f32 to vector<16xf32>
    %mul3A_513 = arith.mulf %get3A_510, %mul3A_512 : vector<16xf32>
    %convert_element_type3A_514 = arith.fptosi %mul3A_513 : vector<16xf32> to vector<16xi32>
    %min3A_515 = arith.constant 999999 : i32
    %min3A_516 = vector.broadcast %min3A_515 : i32 to vector<16xi32>
    %min3A_517 = arith.minsi %convert_element_type3A_514, %min3A_516 : vector<16xi32>
    %swap3A_518 = arith.constant 0 : i32
    %swap3A_519 = arith.index_cast %swap3A_518 : i32 to index
    %swap3A_520 = arith.constant 432 : index
    %swap3A_521 = tpu.vector_load %arg6[%swap3A_519, %swap3A_520] {strides = array<i32>} : memref<2x512xi32, #tpu.memory_space<vmem>>, vector<1x16xi32>,
    %swap3A_522 = vector.shape_cast %swap3A_521 : vector<1x16xi32> to vector<16xi32>
    %swap3A_523 = vector.shape_cast %min3A_517 : vector<16xi32> to vector<1x16xi32>
    tpu.vector_store %arg6[%swap3A_519, %swap3A_520], %swap3A_523 {strides = array<i32>} : memref<2x512xi32, #tpu.memory_space<vmem>>, vector<1x16xi32>,
    %get3A_524 = arith.constant 0 : i32
    %get3A_525 = arith.index_cast %get3A_524 : i32 to index
    %get3A_526 = arith.constant 448 : index
    %get3A_527 = tpu.vector_load %arg5[%get3A_525, %get3A_526] {strides = array<i32>} : memref<2x512xf32, #tpu.memory_space<vmem>>, vector<1x16xf32>,
    %get3A_528 = vector.shape_cast %get3A_527 : vector<1x16xf32> to vector<16xf32>
    %mul3A_529 = arith.constant 1.000000e+06 : f32
    %mul3A_530 = vector.broadcast %mul3A_529 : f32 to vector<16xf32>
    %mul3A_531 = arith.mulf %get3A_528, %mul3A_530 : vector<16xf32>
    %convert_element_type3A_532 = arith.fptosi %mul3A_531 : vector<16xf32> to vector<16xi32>
    %min3A_533 = arith.constant 999999 : i32
    %min3A_534 = vector.broadcast %min3A_533 : i32 to vector<16xi32>
    %min3A_535 = arith.minsi %convert_element_type3A_532, %min3A_534 : vector<16xi32>
    %swap3A_536 = arith.constant 0 : i32
    %swap3A_537 = arith.index_cast %swap3A_536 : i32 to index
    %swap3A_538 = arith.constant 448 : index
    %swap3A_539 = tpu.vector_load %arg6[%swap3A_537, %swap3A_538] {strides = array<i32>} : memref<2x512xi32, #tpu.memory_space<vmem>>, vector<1x16xi32>,
    %swap3A_540 = vector.shape_cast %swap3A_539 : vector<1x16xi32> to vector<16xi32>
    %swap3A_541 = vector.shape_cast %min3A_535 : vector<16xi32> to vector<1x16xi32>
    tpu.vector_store %arg6[%swap3A_537, %swap3A_538], %swap3A_541 {strides = array<i32>} : memref<2x512xi32, #tpu.memory_space<vmem>>, vector<1x16xi32>,
    %get3A_542 = arith.constant 0 : i32
    %get3A_543 = arith.index_cast %get3A_542 : i32 to index
    %get3A_544 = arith.constant 464 : index
    %get3A_545 = tpu.vector_load %arg5[%get3A_543, %get3A_544] {strides = array<i32>} : memref<2x512xf32, #tpu.memory_space<vmem>>, vector<1x16xf32>,
    %get3A_546 = vector.shape_cast %get3A_545 : vector<1x16xf32> to vector<16xf32>
    %mul3A_547 = arith.constant 1.000000e+06 : f32
    %mul3A_548 = vector.broadcast %mul3A_547 : f32 to vector<16xf32>
    %mul3A_549 = arith.mulf %get3A_546, %mul3A_548 : vector<16xf32>
    %convert_element_type3A_550 = arith.fptosi %mul3A_549 : vector<16xf32> to vector<16xi32>
    %min3A_551 = arith.constant 999999 : i32
    %min3A_552 = vector.broadcast %min3A_551 : i32 to vector<16xi32>
    %min3A_553 = arith.minsi %convert_element_type3A_550, %min3A_552 : vector<16xi32>
    %swap3A_554 = arith.constant 0 : i32
    %swap3A_555 = arith.index_cast %swap3A_554 : i32 to index
    %swap3A_556 = arith.constant 464 : index
    %swap3A_557 = tpu.vector_load %arg6[%swap3A_555, %swap3A_556] {strides = array<i32>} : memref<2x512xi32, #tpu.memory_space<vmem>>, vector<1x16xi32>,
    %swap3A_558 = vector.shape_cast %swap3A_557 : vector<1x16xi32> to vector<16xi32>
    %swap3A_559 = vector.shape_cast %min3A_553 : vector<16xi32> to vector<1x16xi32>
    tpu.vector_store %arg6[%swap3A_555, %swap3A_556], %swap3A_559 {strides = array<i32>} : memref<2x512xi32, #tpu.memory_space<vmem>>, vector<1x16xi32>,
    %get3A_560 = arith.constant 0 : i32
    %get3A_561 = arith.index_cast %get3A_560 : i32 to index
    %get3A_562 = arith.constant 480 : index
    %get3A_563 = tpu.vector_load %arg5[%get3A_561, %get3A_562] {strides = array<i32>} : memref<2x512xf32, #tpu.memory_space<vmem>>, vector<1x16xf32>,
    %get3A_564 = vector.shape_cast %get3A_563 : vector<1x16xf32> to vector<16xf32>
    %mul3A_565 = arith.constant 1.000000e+06 : f32
    %mul3A_566 = vector.broadcast %mul3A_565 : f32 to vector<16xf32>
    %mul3A_567 = arith.mulf %get3A_564, %mul3A_566 : vector<16xf32>
    %convert_element_type3A_568 = arith.fptosi %mul3A_567 : vector<16xf32> to vector<16xi32>
    %min3A_569 = arith.constant 999999 : i32
    %min3A_570 = vector.broadcast %min3A_569 : i32 to vector<16xi32>
    %min3A_571 = arith.minsi %convert_element_type3A_568, %min3A_570 : vector<16xi32>
    %swap3A_572 = arith.constant 0 : i32
    %swap3A_573 = arith.index_cast %swap3A_572 : i32 to index
    %swap3A_574 = arith.constant 480 : index
    %swap3A_575 = tpu.vector_load %arg6[%swap3A_573, %swap3A_574] {strides = array<i32>} : memref<2x512xi32, #tpu.memory_space<vmem>>, vector<1x16xi32>,
    %swap3A_576 = vector.shape_cast %swap3A_575 : vector<1x16xi32> to vector<16xi32>
    %swap3A_577 = vector.shape_cast %min3A_571 : vector<16xi32> to vector<1x16xi32>
    tpu.vector_store %arg6[%swap3A_573, %swap3A_574], %swap3A_577 {strides = array<i32>} : memref<2x512xi32, #tpu.memory_space<vmem>>, vector<1x16xi32>,
    %get3A_578 = arith.constant 0 : i32
    %get3A_579 = arith.index_cast %get3A_578 : i32 to index
    %get3A_580 = arith.constant 496 : index
    %get3A_581 = tpu.vector_load %arg5[%get3A_579, %get3A_580] {strides = array<i32>} : memref<2x512xf32, #tpu.memory_space<vmem>>, vector<1x16xf32>,
    %get3A_582 = vector.shape_cast %get3A_581 : vector<1x16xf32> to vector<16xf32>
    %mul3A_583 = arith.constant 1.000000e+06 : f32
    %mul3A_584 = vector.broadcast %mul3A_583 : f32 to vector<16xf32>
    %mul3A_585 = arith.mulf %get3A_582, %mul3A_584 : vector<16xf32>
    %convert_element_type3A_586 = arith.fptosi %mul3A_585 : vector<16xf32> to vector<16xi32>
    %min3A_587 = arith.constant 999999 : i32
    %min3A_588 = vector.broadcast %min3A_587 : i32 to vector<16xi32>
    %min3A_589 = arith.minsi %convert_element_type3A_586, %min3A_588 : vector<16xi32>
    %swap3A_590 = arith.constant 0 : i32
    %swap3A_591 = arith.index_cast %swap3A_590 : i32 to index
    %swap3A_592 = arith.constant 496 : index
    %swap3A_593 = tpu.vector_load %arg6[%swap3A_591, %swap3A_592] {strides = array<i32>} : memref<2x512xi32, #tpu.memory_space<vmem>>, vector<1x16xi32>,
    %swap3A_594 = vector.shape_cast %swap3A_593 : vector<1x16xi32> to vector<16xi32>
    %swap3A_595 = vector.shape_cast %min3A_589 : vector<16xi32> to vector<1x16xi32>
    tpu.vector_store %arg6[%swap3A_591, %swap3A_592], %swap3A_595 {strides = array<i32>} : memref<2x512xi32, #tpu.memory_space<vmem>>, vector<1x16xi32>,
    %dma_start3A_596 = arith.constant 0 : i32
    %dma_start3A_597 = arith.constant 0 : i32
    %dma_start3A_598 = arith.constant 0 : i32
    %dma_start3A_599 = tpu.memref_slice %arg7[%dma_start3A_597, %dma_start3A_598] : memref<512x32xf32, #tpu.memory_space<vmem>> -> memref<128x32xf32, #tpu.memory_space<vmem>>
    %dma_start3A_600 = arith.constant 0 : i32
    %dma_start3A_601 = tpu.memref_slice %arg6[%dma_start3A_596, %dma_start3A_600] : memref<2x512xi32, #tpu.memory_space<vmem>> -> memref<1x128xi32, #tpu.memory_space<vmem>>
    %dma_start3A_602 = tpu.memref_squeeze %dma_start3A_601 : memref<1x128xi32, #tpu.memory_space<vmem>> -> memref<128xi32, #tpu.memory_space<vmem>>
    %dma_start3A_603 = arith.constant 0 : i32
    %dma_start3A_604 = arith.constant 0 : i32
    %dma_start3A_605 = tpu.memref_slice %arg3[%dma_start3A_603, %dma_start3A_604] : memref<1000000x32xf32, #tpu.memory_space<hbm>> -> memref<1000000x32xf32, #tpu.memory_space<hbm>>
    tpu.enqueue_indirect_dma source(%dma_start3A_605 : memref<1000000x32xf32, #tpu.memory_space<hbm>>) target(%dma_start3A_599 : memref<128x32xf32, #tpu.memory_space<vmem>>) offsets(%dma_start3A_602 : memref<128xi32, #tpu.memory_space<vmem>>) semaphore(%arg11 : memref<!tpu.dma_semaphore, #tpu.memory_space<semaphore_mem>>)
    %dma_start3A_606 = arith.constant 0 : i32
    %dma_start3A_607 = arith.constant 128 : i32
    %dma_start3A_608 = arith.constant 0 : i32
    %dma_start3A_609 = tpu.memref_slice %arg7[%dma_start3A_607, %dma_start3A_608] : memref<512x32xf32, #tpu.memory_space<vmem>> -> memref<128x32xf32, #tpu.memory_space<vmem>>
    %dma_start3A_610 = arith.constant 128 : i32
    %dma_start3A_611 = tpu.memref_slice %arg6[%dma_start3A_606, %dma_start3A_610] : memref<2x512xi32, #tpu.memory_space<vmem>> -> memref<1x128xi32, #tpu.memory_space<vmem>>
    %dma_start3A_612 = tpu.memref_squeeze %dma_start3A_611 : memref<1x128xi32, #tpu.memory_space<vmem>> -> memref<128xi32, #tpu.memory_space<vmem>>
    %dma_start3A_613 = arith.constant 0 : i32
    %dma_start3A_614 = arith.constant 0 : i32
    %dma_start3A_615 = tpu.memref_slice %arg3[%dma_start3A_613, %dma_start3A_614] : memref<1000000x32xf32, #tpu.memory_space<hbm>> -> memref<1000000x32xf32, #tpu.memory_space<hbm>>
    tpu.enqueue_indirect_dma source(%dma_start3A_615 : memref<1000000x32xf32, #tpu.memory_space<hbm>>) target(%dma_start3A_609 : memref<128x32xf32, #tpu.memory_space<vmem>>) offsets(%dma_start3A_612 : memref<128xi32, #tpu.memory_space<vmem>>) semaphore(%arg11 : memref<!tpu.dma_semaphore, #tpu.memory_space<semaphore_mem>>)
    %dma_start3A_616 = arith.constant 0 : i32
    %dma_start3A_617 = arith.constant 256 : i32
    %dma_start3A_618 = arith.constant 0 : i32
    %dma_start3A_619 = tpu.memref_slice %arg7[%dma_start3A_617, %dma_start3A_618] : memref<512x32xf32, #tpu.memory_space<vmem>> -> memref<128x32xf32, #tpu.memory_space<vmem>>
    %dma_start3A_620 = arith.constant 256 : i32
    %dma_start3A_621 = tpu.memref_slice %arg6[%dma_start3A_616, %dma_start3A_620] : memref<2x512xi32, #tpu.memory_space<vmem>> -> memref<1x128xi32, #tpu.memory_space<vmem>>
    %dma_start3A_622 = tpu.memref_squeeze %dma_start3A_621 : memref<1x128xi32, #tpu.memory_space<vmem>> -> memref<128xi32, #tpu.memory_space<vmem>>
    %dma_start3A_623 = arith.constant 0 : i32
    %dma_start3A_624 = arith.constant 0 : i32
    %dma_start3A_625 = tpu.memref_slice %arg3[%dma_start3A_623, %dma_start3A_624] : memref<1000000x32xf32, #tpu.memory_space<hbm>> -> memref<1000000x32xf32, #tpu.memory_space<hbm>>
    tpu.enqueue_indirect_dma source(%dma_start3A_625 : memref<1000000x32xf32, #tpu.memory_space<hbm>>) target(%dma_start3A_619 : memref<128x32xf32, #tpu.memory_space<vmem>>) offsets(%dma_start3A_622 : memref<128xi32, #tpu.memory_space<vmem>>) semaphore(%arg11 : memref<!tpu.dma_semaphore, #tpu.memory_space<semaphore_mem>>)
    %dma_start3A_626 = arith.constant 0 : i32
    %dma_start3A_627 = arith.constant 384 : i32
    %dma_start3A_628 = arith.constant 0 : i32
    %dma_start3A_629 = tpu.memref_slice %arg7[%dma_start3A_627, %dma_start3A_628] : memref<512x32xf32, #tpu.memory_space<vmem>> -> memref<128x32xf32, #tpu.memory_space<vmem>>
    %dma_start3A_630 = arith.constant 384 : i32
    %dma_start3A_631 = tpu.memref_slice %arg6[%dma_start3A_626, %dma_start3A_630] : memref<2x512xi32, #tpu.memory_space<vmem>> -> memref<1x128xi32, #tpu.memory_space<vmem>>
    %dma_start3A_632 = tpu.memref_squeeze %dma_start3A_631 : memref<1x128xi32, #tpu.memory_space<vmem>> -> memref<128xi32, #tpu.memory_space<vmem>>
    %dma_start3A_633 = arith.constant 0 : i32
    %dma_start3A_634 = arith.constant 0 : i32
    %dma_start3A_635 = tpu.memref_slice %arg3[%dma_start3A_633, %dma_start3A_634] : memref<1000000x32xf32, #tpu.memory_space<hbm>> -> memref<1000000x32xf32, #tpu.memory_space<hbm>>
    tpu.enqueue_indirect_dma source(%dma_start3A_635 : memref<1000000x32xf32, #tpu.memory_space<hbm>>) target(%dma_start3A_629 : memref<128x32xf32, #tpu.memory_space<vmem>>) offsets(%dma_start3A_632 : memref<128xi32, #tpu.memory_space<vmem>>) semaphore(%arg11 : memref<!tpu.dma_semaphore, #tpu.memory_space<semaphore_mem>>)
    %rem3A_636 = arith.constant 1 : i32
    %rem3A_637 = arith.constant 50 : i32
    %rem3A_638 = arith.remsi %rem3A_636, %rem3A_637 : i32
    %mul3A_639 = arith.constant 512 : i32
    %mul3A_640 = arith.muli %rem3A_638, %mul3A_639 : i32
    %add3A_641 = arith.addi %mul3A_2, %mul3A_640 : i32
    %dma_start3A_642 = arith.constant 1 : i32
    %dma_start3A_643 = arith.constant 0 : i32
    %dma_start3A_644 = tpu.memref_slice %arg5[%dma_start3A_642, %dma_start3A_643] : memref<2x512xf32, #tpu.memory_space<vmem>> -> memref<1x512xf32, #tpu.memory_space<vmem>>
    %dma_start3A_645 = tpu.memref_squeeze %dma_start3A_644 : memref<1x512xf32, #tpu.memory_space<vmem>> -> memref<512xf32, #tpu.memory_space<vmem>>
    %dma_start3A_646 = tpu.memref_slice %arg2[%add3A_641] : memref<819200xf32, #tpu.memory_space<hbm>> -> memref<512xf32, #tpu.memory_space<hbm>>
    %dma_start3A_647 = arith.constant 0 : i32
    %dma_start3A_648 = tpu.memref_slice %arg5[%dma_start3A_642, %dma_start3A_647] : memref<2x512xf32, #tpu.memory_space<vmem>> -> memref<1x512xf32, #tpu.memory_space<vmem>>
    %dma_start3A_649 = tpu.memref_squeeze %dma_start3A_648 : memref<1x512xf32, #tpu.memory_space<vmem>> -> memref<512xf32, #tpu.memory_space<vmem>>
    %dma_start3A_650 = tpu.memref_slice %arg2[%add3A_641] : memref<819200xf32, #tpu.memory_space<hbm>> -> memref<512xf32, #tpu.memory_space<hbm>>
    tpu.enqueue_dma source(%dma_start3A_650 : memref<512xf32, #tpu.memory_space<hbm>>) target(%dma_start3A_649 : memref<512xf32, #tpu.memory_space<vmem>>) target_semaphore(%arg10 : memref<!tpu.dma_semaphore, #tpu.memory_space<semaphore_mem>>)
    %add3A_651 = arith.constant 25088 : i32
    %add3A_652 = arith.addi %mul3A_2, %add3A_651 : i32
    %dma_start3A_653 = arith.constant 0 : i32
    %dma_start3A_654 = tpu.memref_slice %arg4[%add3A_652, %dma_start3A_653] : memref<819200x32xf32, #tpu.memory_space<hbm>> -> memref<512x32xf32, #tpu.memory_space<hbm>>
    %dma_start3A_655 = arith.constant 0 : i32
    %dma_start3A_656 = tpu.memref_slice %arg4[%add3A_652, %dma_start3A_655] : memref<819200x32xf32, #tpu.memory_space<hbm>> -> memref<512x32xf32, #tpu.memory_space<hbm>>
    tpu.enqueue_dma source(%arg8 : memref<512x32xf32, #tpu.memory_space<vmem>>) target(%dma_start3A_656 : memref<512x32xf32, #tpu.memory_space<hbm>>) target_semaphore(%arg14 : memref<!tpu.dma_semaphore, #tpu.memory_space<semaphore_mem>>)
    %scan3A = arith.constant 0 : i32
    %scan3A_657 = arith.constant 0 : i32
    %scan3A_658 = arith.constant 24 : i32
    %scan3A_659 = arith.addi %scan3A_657, %scan3A_658 : i32
    %scan3A_660 = arith.constant 1 : i32
    scf.for %scan3A_1391 = %scan3A_657 to %scan3A_659 step %scan3A_660  : i32 {
      %mul3A_1392 = arith.constant 2 : i32
      %mul3A_1393 = arith.muli %mul3A_1392, %scan3A_1391 : i32
      %dma_wait3A_1394 = arith.constant 1 : i32
      %dma_wait3A_1395 = arith.constant 0 : i32
      %dma_wait3A_1396 = tpu.memref_slice %arg5[%dma_wait3A_1394, %dma_wait3A_1395] : memref<2x512xf32, #tpu.memory_space<vmem>> -> memref<1x512xf32, #tpu.memory_space<vmem>>
      %dma_wait3A_1397 = tpu.memref_squeeze %dma_wait3A_1396 : memref<1x512xf32, #tpu.memory_space<vmem>> -> memref<512xf32, #tpu.memory_space<vmem>>
      %dma_wait3A_1398 = tpu.memref_slice %arg2[%mul3A_2] : memref<819200xf32, #tpu.memory_space<hbm>> -> memref<512xf32, #tpu.memory_space<hbm>>
      %dma_wait3A_1399 = arith.constant 0 : i32
      %dma_wait3A_1400 = tpu.memref_slice %arg5[%dma_wait3A_1394, %dma_wait3A_1399] : memref<2x512xf32, #tpu.memory_space<vmem>> -> memref<1x512xf32, #tpu.memory_space<vmem>>
      %dma_wait3A_1401 = tpu.memref_squeeze %dma_wait3A_1400 : memref<1x512xf32, #tpu.memory_space<vmem>> -> memref<512xf32, #tpu.memory_space<vmem>>
      %dma_wait3A_1402 = tpu.memref_slice %arg2[%mul3A_2] : memref<819200xf32, #tpu.memory_space<hbm>> -> memref<512xf32, #tpu.memory_space<hbm>>
      tpu.wait_dma2 semaphore(%arg10 : memref<!tpu.dma_semaphore, #tpu.memory_space<semaphore_mem>>) src(%dma_wait3A_1402 : memref<512xf32, #tpu.memory_space<hbm>>) dst(%dma_wait3A_1401 : memref<512xf32, #tpu.memory_space<vmem>>)
      %get3A_1403 = arith.constant 1 : i32
      %get3A_1404 = arith.index_cast %get3A_1403 : i32 to index
      %get3A_1405 = arith.constant 0 : index
      %get3A_1406 = tpu.vector_load %arg5[%get3A_1404, %get3A_1405] {strides = array<i32>} : memref<2x512xf32, #tpu.memory_space<vmem>>, vector<1x16xf32>,
      %get3A_1407 = vector.shape_cast %get3A_1406 : vector<1x16xf32> to vector<16xf32>
      %mul3A_1408 = arith.constant 1.000000e+06 : f32
      %mul3A_1409 = vector.broadcast %mul3A_1408 : f32 to vector<16xf32>
      %mul3A_1410 = arith.mulf %get3A_1407, %mul3A_1409 : vector<16xf32>
      %convert_element_type3A_1411 = arith.fptosi %mul3A_1410 : vector<16xf32> to vector<16xi32>
      %min3A_1412 = arith.constant 999999 : i32
      %min3A_1413 = vector.broadcast %min3A_1412 : i32 to vector<16xi32>
      %min3A_1414 = arith.minsi %convert_element_type3A_1411, %min3A_1413 : vector<16xi32>
      %swap3A_1415 = arith.constant 1 : i32
      %swap3A_1416 = arith.index_cast %swap3A_1415 : i32 to index
      %swap3A_1417 = arith.constant 0 : index
      %swap3A_1418 = tpu.vector_load %arg6[%swap3A_1416, %swap3A_1417] {strides = array<i32>} : memref<2x512xi32, #tpu.memory_space<vmem>>, vector<1x16xi32>,
      %swap3A_1419 = vector.shape_cast %swap3A_1418 : vector<1x16xi32> to vector<16xi32>
      %swap3A_1420 = vector.shape_cast %min3A_1414 : vector<16xi32> to vector<1x16xi32>
      tpu.vector_store %arg6[%swap3A_1416, %swap3A_1417], %swap3A_1420 {strides = array<i32>} : memref<2x512xi32, #tpu.memory_space<vmem>>, vector<1x16xi32>,
      %get3A_1421 = arith.constant 1 : i32
      %get3A_1422 = arith.index_cast %get3A_1421 : i32 to index
      %get3A_1423 = arith.constant 16 : index
      %get3A_1424 = tpu.vector_load %arg5[%get3A_1422, %get3A_1423] {strides = array<i32>} : memref<2x512xf32, #tpu.memory_space<vmem>>, vector<1x16xf32>,
      %get3A_1425 = vector.shape_cast %get3A_1424 : vector<1x16xf32> to vector<16xf32>
      %mul3A_1426 = arith.constant 1.000000e+06 : f32
      %mul3A_1427 = vector.broadcast %mul3A_1426 : f32 to vector<16xf32>
      %mul3A_1428 = arith.mulf %get3A_1425, %mul3A_1427 : vector<16xf32>
      %convert_element_type3A_1429 = arith.fptosi %mul3A_1428 : vector<16xf32> to vector<16xi32>
      %min3A_1430 = arith.constant 999999 : i32
      %min3A_1431 = vector.broadcast %min3A_1430 : i32 to vector<16xi32>
      %min3A_1432 = arith.minsi %convert_element_type3A_1429, %min3A_1431 : vector<16xi32>
      %swap3A_1433 = arith.constant 1 : i32
      %swap3A_1434 = arith.index_cast %swap3A_1433 : i32 to index
      %swap3A_1435 = arith.constant 16 : index
      %swap3A_1436 = tpu.vector_load %arg6[%swap3A_1434, %swap3A_1435] {strides = array<i32>} : memref<2x512xi32, #tpu.memory_space<vmem>>, vector<1x16xi32>,
      %swap3A_1437 = vector.shape_cast %swap3A_1436 : vector<1x16xi32> to vector<16xi32>
      %swap3A_1438 = vector.shape_cast %min3A_1432 : vector<16xi32> to vector<1x16xi32>
      tpu.vector_store %arg6[%swap3A_1434, %swap3A_1435], %swap3A_1438 {strides = array<i32>} : memref<2x512xi32, #tpu.memory_space<vmem>>, vector<1x16xi32>,
      %get3A_1439 = arith.constant 1 : i32
      %get3A_1440 = arith.index_cast %get3A_1439 : i32 to index
      %get3A_1441 = arith.constant 32 : index
      %get3A_1442 = tpu.vector_load %arg5[%get3A_1440, %get3A_1441] {strides = array<i32>} : memref<2x512xf32, #tpu.memory_space<vmem>>, vector<1x16xf32>,
      %get3A_1443 = vector.shape_cast %get3A_1442 : vector<1x16xf32> to vector<16xf32>
      %mul3A_1444 = arith.constant 1.000000e+06 : f32
      %mul3A_1445 = vector.broadcast %mul3A_1444 : f32 to vector<16xf32>
      %mul3A_1446 = arith.mulf %get3A_1443, %mul3A_1445 : vector<16xf32>
      %convert_element_type3A_1447 = arith.fptosi %mul3A_1446 : vector<16xf32> to vector<16xi32>
      %min3A_1448 = arith.constant 999999 : i32
      %min3A_1449 = vector.broadcast %min3A_1448 : i32 to vector<16xi32>
      %min3A_1450 = arith.minsi %convert_element_type3A_1447, %min3A_1449 : vector<16xi32>
      %swap3A_1451 = arith.constant 1 : i32
      %swap3A_1452 = arith.index_cast %swap3A_1451 : i32 to index
      %swap3A_1453 = arith.constant 32 : index
      %swap3A_1454 = tpu.vector_load %arg6[%swap3A_1452, %swap3A_1453] {strides = array<i32>} : memref<2x512xi32, #tpu.memory_space<vmem>>, vector<1x16xi32>,
      %swap3A_1455 = vector.shape_cast %swap3A_1454 : vector<1x16xi32> to vector<16xi32>
      %swap3A_1456 = vector.shape_cast %min3A_1450 : vector<16xi32> to vector<1x16xi32>
      tpu.vector_store %arg6[%swap3A_1452, %swap3A_1453], %swap3A_1456 {strides = array<i32>} : memref<2x512xi32, #tpu.memory_space<vmem>>, vector<1x16xi32>,
      %get3A_1457 = arith.constant 1 : i32
      %get3A_1458 = arith.index_cast %get3A_1457 : i32 to index
      %get3A_1459 = arith.constant 48 : index
      %get3A_1460 = tpu.vector_load %arg5[%get3A_1458, %get3A_1459] {strides = array<i32>} : memref<2x512xf32, #tpu.memory_space<vmem>>, vector<1x16xf32>,
      %get3A_1461 = vector.shape_cast %get3A_1460 : vector<1x16xf32> to vector<16xf32>
      %mul3A_1462 = arith.constant 1.000000e+06 : f32
      %mul3A_1463 = vector.broadcast %mul3A_1462 : f32 to vector<16xf32>
      %mul3A_1464 = arith.mulf %get3A_1461, %mul3A_1463 : vector<16xf32>
      %convert_element_type3A_1465 = arith.fptosi %mul3A_1464 : vector<16xf32> to vector<16xi32>
      %min3A_1466 = arith.constant 999999 : i32
      %min3A_1467 = vector.broadcast %min3A_1466 : i32 to vector<16xi32>
      %min3A_1468 = arith.minsi %convert_element_type3A_1465, %min3A_1467 : vector<16xi32>
      %swap3A_1469 = arith.constant 1 : i32
      %swap3A_1470 = arith.index_cast %swap3A_1469 : i32 to index
      %swap3A_1471 = arith.constant 48 : index
      %swap3A_1472 = tpu.vector_load %arg6[%swap3A_1470, %swap3A_1471] {strides = array<i32>} : memref<2x512xi32, #tpu.memory_space<vmem>>, vector<1x16xi32>,
      %swap3A_1473 = vector.shape_cast %swap3A_1472 : vector<1x16xi32> to vector<16xi32>
      %swap3A_1474 = vector.shape_cast %min3A_1468 : vector<16xi32> to vector<1x16xi32>
      tpu.vector_store %arg6[%swap3A_1470, %swap3A_1471], %swap3A_1474 {strides = array<i32>} : memref<2x512xi32, #tpu.memory_space<vmem>>, vector<1x16xi32>,
      %get3A_1475 = arith.constant 1 : i32
      %get3A_1476 = arith.index_cast %get3A_1475 : i32 to index
      %get3A_1477 = arith.constant 64 : index
      %get3A_1478 = tpu.vector_load %arg5[%get3A_1476, %get3A_1477] {strides = array<i32>} : memref<2x512xf32, #tpu.memory_space<vmem>>, vector<1x16xf32>,
      %get3A_1479 = vector.shape_cast %get3A_1478 : vector<1x16xf32> to vector<16xf32>
      %mul3A_1480 = arith.constant 1.000000e+06 : f32
      %mul3A_1481 = vector.broadcast %mul3A_1480 : f32 to vector<16xf32>
      %mul3A_1482 = arith.mulf %get3A_1479, %mul3A_1481 : vector<16xf32>
      %convert_element_type3A_1483 = arith.fptosi %mul3A_1482 : vector<16xf32> to vector<16xi32>
      %min3A_1484 = arith.constant 999999 : i32
      %min3A_1485 = vector.broadcast %min3A_1484 : i32 to vector<16xi32>
      %min3A_1486 = arith.minsi %convert_element_type3A_1483, %min3A_1485 : vector<16xi32>
      %swap3A_1487 = arith.constant 1 : i32
      %swap3A_1488 = arith.index_cast %swap3A_1487 : i32 to index
      %swap3A_1489 = arith.constant 64 : index
      %swap3A_1490 = tpu.vector_load %arg6[%swap3A_1488, %swap3A_1489] {strides = array<i32>} : memref<2x512xi32, #tpu.memory_space<vmem>>, vector<1x16xi32>,
      %swap3A_1491 = vector.shape_cast %swap3A_1490 : vector<1x16xi32> to vector<16xi32>
      %swap3A_1492 = vector.shape_cast %min3A_1486 : vector<16xi32> to vector<1x16xi32>
      tpu.vector_store %arg6[%swap3A_1488, %swap3A_1489], %swap3A_1492 {strides = array<i32>} : memref<2x512xi32, #tpu.memory_space<vmem>>, vector<1x16xi32>,
      %get3A_1493 = arith.constant 1 : i32
      %get3A_1494 = arith.index_cast %get3A_1493 : i32 to index
      %get3A_1495 = arith.constant 80 : index
      %get3A_1496 = tpu.vector_load %arg5[%get3A_1494, %get3A_1495] {strides = array<i32>} : memref<2x512xf32, #tpu.memory_space<vmem>>, vector<1x16xf32>,
      %get3A_1497 = vector.shape_cast %get3A_1496 : vector<1x16xf32> to vector<16xf32>
      %mul3A_1498 = arith.constant 1.000000e+06 : f32
      %mul3A_1499 = vector.broadcast %mul3A_1498 : f32 to vector<16xf32>
      %mul3A_1500 = arith.mulf %get3A_1497, %mul3A_1499 : vector<16xf32>
      %convert_element_type3A_1501 = arith.fptosi %mul3A_1500 : vector<16xf32> to vector<16xi32>
      %min3A_1502 = arith.constant 999999 : i32
      %min3A_1503 = vector.broadcast %min3A_1502 : i32 to vector<16xi32>
      %min3A_1504 = arith.minsi %convert_element_type3A_1501, %min3A_1503 : vector<16xi32>
      %swap3A_1505 = arith.constant 1 : i32
      %swap3A_1506 = arith.index_cast %swap3A_1505 : i32 to index
      %swap3A_1507 = arith.constant 80 : index
      %swap3A_1508 = tpu.vector_load %arg6[%swap3A_1506, %swap3A_1507] {strides = array<i32>} : memref<2x512xi32, #tpu.memory_space<vmem>>, vector<1x16xi32>,
      %swap3A_1509 = vector.shape_cast %swap3A_1508 : vector<1x16xi32> to vector<16xi32>
      %swap3A_1510 = vector.shape_cast %min3A_1504 : vector<16xi32> to vector<1x16xi32>
      tpu.vector_store %arg6[%swap3A_1506, %swap3A_1507], %swap3A_1510 {strides = array<i32>} : memref<2x512xi32, #tpu.memory_space<vmem>>, vector<1x16xi32>,
      %get3A_1511 = arith.constant 1 : i32
      %get3A_1512 = arith.index_cast %get3A_1511 : i32 to index
      %get3A_1513 = arith.constant 96 : index
      %get3A_1514 = tpu.vector_load %arg5[%get3A_1512, %get3A_1513] {strides = array<i32>} : memref<2x512xf32, #tpu.memory_space<vmem>>, vector<1x16xf32>,
      %get3A_1515 = vector.shape_cast %get3A_1514 : vector<1x16xf32> to vector<16xf32>
      %mul3A_1516 = arith.constant 1.000000e+06 : f32
      %mul3A_1517 = vector.broadcast %mul3A_1516 : f32 to vector<16xf32>
      %mul3A_1518 = arith.mulf %get3A_1515, %mul3A_1517 : vector<16xf32>
      %convert_element_type3A_1519 = arith.fptosi %mul3A_1518 : vector<16xf32> to vector<16xi32>
      %min3A_1520 = arith.constant 999999 : i32
      %min3A_1521 = vector.broadcast %min3A_1520 : i32 to vector<16xi32>
      %min3A_1522 = arith.minsi %convert_element_type3A_1519, %min3A_1521 : vector<16xi32>
      %swap3A_1523 = arith.constant 1 : i32
      %swap3A_1524 = arith.index_cast %swap3A_1523 : i32 to index
      %swap3A_1525 = arith.constant 96 : index
      %swap3A_1526 = tpu.vector_load %arg6[%swap3A_1524, %swap3A_1525] {strides = array<i32>} : memref<2x512xi32, #tpu.memory_space<vmem>>, vector<1x16xi32>,
      %swap3A_1527 = vector.shape_cast %swap3A_1526 : vector<1x16xi32> to vector<16xi32>
      %swap3A_1528 = vector.shape_cast %min3A_1522 : vector<16xi32> to vector<1x16xi32>
      tpu.vector_store %arg6[%swap3A_1524, %swap3A_1525], %swap3A_1528 {strides = array<i32>} : memref<2x512xi32, #tpu.memory_space<vmem>>, vector<1x16xi32>,
      %get3A_1529 = arith.constant 1 : i32
      %get3A_1530 = arith.index_cast %get3A_1529 : i32 to index
      %get3A_1531 = arith.constant 112 : index
      %get3A_1532 = tpu.vector_load %arg5[%get3A_1530, %get3A_1531] {strides = array<i32>} : memref<2x512xf32, #tpu.memory_space<vmem>>, vector<1x16xf32>,
      %get3A_1533 = vector.shape_cast %get3A_1532 : vector<1x16xf32> to vector<16xf32>
      %mul3A_1534 = arith.constant 1.000000e+06 : f32
      %mul3A_1535 = vector.broadcast %mul3A_1534 : f32 to vector<16xf32>
      %mul3A_1536 = arith.mulf %get3A_1533, %mul3A_1535 : vector<16xf32>
      %convert_element_type3A_1537 = arith.fptosi %mul3A_1536 : vector<16xf32> to vector<16xi32>
      %min3A_1538 = arith.constant 999999 : i32
      %min3A_1539 = vector.broadcast %min3A_1538 : i32 to vector<16xi32>
      %min3A_1540 = arith.minsi %convert_element_type3A_1537, %min3A_1539 : vector<16xi32>
      %swap3A_1541 = arith.constant 1 : i32
      %swap3A_1542 = arith.index_cast %swap3A_1541 : i32 to index
      %swap3A_1543 = arith.constant 112 : index
      %swap3A_1544 = tpu.vector_load %arg6[%swap3A_1542, %swap3A_1543] {strides = array<i32>} : memref<2x512xi32, #tpu.memory_space<vmem>>, vector<1x16xi32>,
      %swap3A_1545 = vector.shape_cast %swap3A_1544 : vector<1x16xi32> to vector<16xi32>
      %swap3A_1546 = vector.shape_cast %min3A_1540 : vector<16xi32> to vector<1x16xi32>
      tpu.vector_store %arg6[%swap3A_1542, %swap3A_1543], %swap3A_1546 {strides = array<i32>} : memref<2x512xi32, #tpu.memory_space<vmem>>, vector<1x16xi32>,
      %get3A_1547 = arith.constant 1 : i32
      %get3A_1548 = arith.index_cast %get3A_1547 : i32 to index
      %get3A_1549 = arith.constant 128 : index
      %get3A_1550 = tpu.vector_load %arg5[%get3A_1548, %get3A_1549] {strides = array<i32>} : memref<2x512xf32, #tpu.memory_space<vmem>>, vector<1x16xf32>,
      %get3A_1551 = vector.shape_cast %get3A_1550 : vector<1x16xf32> to vector<16xf32>
      %mul3A_1552 = arith.constant 1.000000e+06 : f32
      %mul3A_1553 = vector.broadcast %mul3A_1552 : f32 to vector<16xf32>
      %mul3A_1554 = arith.mulf %get3A_1551, %mul3A_1553 : vector<16xf32>
      %convert_element_type3A_1555 = arith.fptosi %mul3A_1554 : vector<16xf32> to vector<16xi32>
      %min3A_1556 = arith.constant 999999 : i32
      %min3A_1557 = vector.broadcast %min3A_1556 : i32 to vector<16xi32>
      %min3A_1558 = arith.minsi %convert_element_type3A_1555, %min3A_1557 : vector<16xi32>
      %swap3A_1559 = arith.constant 1 : i32
      %swap3A_1560 = arith.index_cast %swap3A_1559 : i32 to index
      %swap3A_1561 = arith.constant 128 : index
      %swap3A_1562 = tpu.vector_load %arg6[%swap3A_1560, %swap3A_1561] {strides = array<i32>} : memref<2x512xi32, #tpu.memory_space<vmem>>, vector<1x16xi32>,
      %swap3A_1563 = vector.shape_cast %swap3A_1562 : vector<1x16xi32> to vector<16xi32>
      %swap3A_1564 = vector.shape_cast %min3A_1558 : vector<16xi32> to vector<1x16xi32>
      tpu.vector_store %arg6[%swap3A_1560, %swap3A_1561], %swap3A_1564 {strides = array<i32>} : memref<2x512xi32, #tpu.memory_space<vmem>>, vector<1x16xi32>,
      %get3A_1565 = arith.constant 1 : i32
      %get3A_1566 = arith.index_cast %get3A_1565 : i32 to index
      %get3A_1567 = arith.constant 144 : index
      %get3A_1568 = tpu.vector_load %arg5[%get3A_1566, %get3A_1567] {strides = array<i32>} : memref<2x512xf32, #tpu.memory_space<vmem>>, vector<1x16xf32>,
      %get3A_1569 = vector.shape_cast %get3A_1568 : vector<1x16xf32> to vector<16xf32>
      %mul3A_1570 = arith.constant 1.000000e+06 : f32
      %mul3A_1571 = vector.broadcast %mul3A_1570 : f32 to vector<16xf32>
      %mul3A_1572 = arith.mulf %get3A_1569, %mul3A_1571 : vector<16xf32>
      %convert_element_type3A_1573 = arith.fptosi %mul3A_1572 : vector<16xf32> to vector<16xi32>
      %min3A_1574 = arith.constant 999999 : i32
      %min3A_1575 = vector.broadcast %min3A_1574 : i32 to vector<16xi32>
      %min3A_1576 = arith.minsi %convert_element_type3A_1573, %min3A_1575 : vector<16xi32>
      %swap3A_1577 = arith.constant 1 : i32
      %swap3A_1578 = arith.index_cast %swap3A_1577 : i32 to index
      %swap3A_1579 = arith.constant 144 : index
      %swap3A_1580 = tpu.vector_load %arg6[%swap3A_1578, %swap3A_1579] {strides = array<i32>} : memref<2x512xi32, #tpu.memory_space<vmem>>, vector<1x16xi32>,
      %swap3A_1581 = vector.shape_cast %swap3A_1580 : vector<1x16xi32> to vector<16xi32>
      %swap3A_1582 = vector.shape_cast %min3A_1576 : vector<16xi32> to vector<1x16xi32>
      tpu.vector_store %arg6[%swap3A_1578, %swap3A_1579], %swap3A_1582 {strides = array<i32>} : memref<2x512xi32, #tpu.memory_space<vmem>>, vector<1x16xi32>,
      %get3A_1583 = arith.constant 1 : i32
      %get3A_1584 = arith.index_cast %get3A_1583 : i32 to index
      %get3A_1585 = arith.constant 160 : index
      %get3A_1586 = tpu.vector_load %arg5[%get3A_1584, %get3A_1585] {strides = array<i32>} : memref<2x512xf32, #tpu.memory_space<vmem>>, vector<1x16xf32>,
      %get3A_1587 = vector.shape_cast %get3A_1586 : vector<1x16xf32> to vector<16xf32>
      %mul3A_1588 = arith.constant 1.000000e+06 : f32
      %mul3A_1589 = vector.broadcast %mul3A_1588 : f32 to vector<16xf32>
      %mul3A_1590 = arith.mulf %get3A_1587, %mul3A_1589 : vector<16xf32>
      %convert_element_type3A_1591 = arith.fptosi %mul3A_1590 : vector<16xf32> to vector<16xi32>
      %min3A_1592 = arith.constant 999999 : i32
      %min3A_1593 = vector.broadcast %min3A_1592 : i32 to vector<16xi32>
      %min3A_1594 = arith.minsi %convert_element_type3A_1591, %min3A_1593 : vector<16xi32>
      %swap3A_1595 = arith.constant 1 : i32
      %swap3A_1596 = arith.index_cast %swap3A_1595 : i32 to index
      %swap3A_1597 = arith.constant 160 : index
      %swap3A_1598 = tpu.vector_load %arg6[%swap3A_1596, %swap3A_1597] {strides = array<i32>} : memref<2x512xi32, #tpu.memory_space<vmem>>, vector<1x16xi32>,
      %swap3A_1599 = vector.shape_cast %swap3A_1598 : vector<1x16xi32> to vector<16xi32>
      %swap3A_1600 = vector.shape_cast %min3A_1594 : vector<16xi32> to vector<1x16xi32>
      tpu.vector_store %arg6[%swap3A_1596, %swap3A_1597], %swap3A_1600 {strides = array<i32>} : memref<2x512xi32, #tpu.memory_space<vmem>>, vector<1x16xi32>,
      %get3A_1601 = arith.constant 1 : i32
      %get3A_1602 = arith.index_cast %get3A_1601 : i32 to index
      %get3A_1603 = arith.constant 176 : index
      %get3A_1604 = tpu.vector_load %arg5[%get3A_1602, %get3A_1603] {strides = array<i32>} : memref<2x512xf32, #tpu.memory_space<vmem>>, vector<1x16xf32>,
      %get3A_1605 = vector.shape_cast %get3A_1604 : vector<1x16xf32> to vector<16xf32>
      %mul3A_1606 = arith.constant 1.000000e+06 : f32
      %mul3A_1607 = vector.broadcast %mul3A_1606 : f32 to vector<16xf32>
      %mul3A_1608 = arith.mulf %get3A_1605, %mul3A_1607 : vector<16xf32>
      %convert_element_type3A_1609 = arith.fptosi %mul3A_1608 : vector<16xf32> to vector<16xi32>
      %min3A_1610 = arith.constant 999999 : i32
      %min3A_1611 = vector.broadcast %min3A_1610 : i32 to vector<16xi32>
      %min3A_1612 = arith.minsi %convert_element_type3A_1609, %min3A_1611 : vector<16xi32>
      %swap3A_1613 = arith.constant 1 : i32
      %swap3A_1614 = arith.index_cast %swap3A_1613 : i32 to index
      %swap3A_1615 = arith.constant 176 : index
      %swap3A_1616 = tpu.vector_load %arg6[%swap3A_1614, %swap3A_1615] {strides = array<i32>} : memref<2x512xi32, #tpu.memory_space<vmem>>, vector<1x16xi32>,
      %swap3A_1617 = vector.shape_cast %swap3A_1616 : vector<1x16xi32> to vector<16xi32>
      %swap3A_1618 = vector.shape_cast %min3A_1612 : vector<16xi32> to vector<1x16xi32>
      tpu.vector_store %arg6[%swap3A_1614, %swap3A_1615], %swap3A_1618 {strides = array<i32>} : memref<2x512xi32, #tpu.memory_space<vmem>>, vector<1x16xi32>,
      %get3A_1619 = arith.constant 1 : i32
      %get3A_1620 = arith.index_cast %get3A_1619 : i32 to index
      %get3A_1621 = arith.constant 192 : index
      %get3A_1622 = tpu.vector_load %arg5[%get3A_1620, %get3A_1621] {strides = array<i32>} : memref<2x512xf32, #tpu.memory_space<vmem>>, vector<1x16xf32>,
      %get3A_1623 = vector.shape_cast %get3A_1622 : vector<1x16xf32> to vector<16xf32>
      %mul3A_1624 = arith.constant 1.000000e+06 : f32
      %mul3A_1625 = vector.broadcast %mul3A_1624 : f32 to vector<16xf32>
      %mul3A_1626 = arith.mulf %get3A_1623, %mul3A_1625 : vector<16xf32>
      %convert_element_type3A_1627 = arith.fptosi %mul3A_1626 : vector<16xf32> to vector<16xi32>
      %min3A_1628 = arith.constant 999999 : i32
      %min3A_1629 = vector.broadcast %min3A_1628 : i32 to vector<16xi32>
      %min3A_1630 = arith.minsi %convert_element_type3A_1627, %min3A_1629 : vector<16xi32>
      %swap3A_1631 = arith.constant 1 : i32
      %swap3A_1632 = arith.index_cast %swap3A_1631 : i32 to index
      %swap3A_1633 = arith.constant 192 : index
      %swap3A_1634 = tpu.vector_load %arg6[%swap3A_1632, %swap3A_1633] {strides = array<i32>} : memref<2x512xi32, #tpu.memory_space<vmem>>, vector<1x16xi32>,
      %swap3A_1635 = vector.shape_cast %swap3A_1634 : vector<1x16xi32> to vector<16xi32>
      %swap3A_1636 = vector.shape_cast %min3A_1630 : vector<16xi32> to vector<1x16xi32>
      tpu.vector_store %arg6[%swap3A_1632, %swap3A_1633], %swap3A_1636 {strides = array<i32>} : memref<2x512xi32, #tpu.memory_space<vmem>>, vector<1x16xi32>,
      %get3A_1637 = arith.constant 1 : i32
      %get3A_1638 = arith.index_cast %get3A_1637 : i32 to index
      %get3A_1639 = arith.constant 208 : index
      %get3A_1640 = tpu.vector_load %arg5[%get3A_1638, %get3A_1639] {strides = array<i32>} : memref<2x512xf32, #tpu.memory_space<vmem>>, vector<1x16xf32>,
      %get3A_1641 = vector.shape_cast %get3A_1640 : vector<1x16xf32> to vector<16xf32>
      %mul3A_1642 = arith.constant 1.000000e+06 : f32
      %mul3A_1643 = vector.broadcast %mul3A_1642 : f32 to vector<16xf32>
      %mul3A_1644 = arith.mulf %get3A_1641, %mul3A_1643 : vector<16xf32>
      %convert_element_type3A_1645 = arith.fptosi %mul3A_1644 : vector<16xf32> to vector<16xi32>
      %min3A_1646 = arith.constant 999999 : i32
      %min3A_1647 = vector.broadcast %min3A_1646 : i32 to vector<16xi32>
      %min3A_1648 = arith.minsi %convert_element_type3A_1645, %min3A_1647 : vector<16xi32>
      %swap3A_1649 = arith.constant 1 : i32
      %swap3A_1650 = arith.index_cast %swap3A_1649 : i32 to index
      %swap3A_1651 = arith.constant 208 : index
      %swap3A_1652 = tpu.vector_load %arg6[%swap3A_1650, %swap3A_1651] {strides = array<i32>} : memref<2x512xi32, #tpu.memory_space<vmem>>, vector<1x16xi32>,
      %swap3A_1653 = vector.shape_cast %swap3A_1652 : vector<1x16xi32> to vector<16xi32>
      %swap3A_1654 = vector.shape_cast %min3A_1648 : vector<16xi32> to vector<1x16xi32>
      tpu.vector_store %arg6[%swap3A_1650, %swap3A_1651], %swap3A_1654 {strides = array<i32>} : memref<2x512xi32, #tpu.memory_space<vmem>>, vector<1x16xi32>,
      %get3A_1655 = arith.constant 1 : i32
      %get3A_1656 = arith.index_cast %get3A_1655 : i32 to index
      %get3A_1657 = arith.constant 224 : index
      %get3A_1658 = tpu.vector_load %arg5[%get3A_1656, %get3A_1657] {strides = array<i32>} : memref<2x512xf32, #tpu.memory_space<vmem>>, vector<1x16xf32>,
      %get3A_1659 = vector.shape_cast %get3A_1658 : vector<1x16xf32> to vector<16xf32>
      %mul3A_1660 = arith.constant 1.000000e+06 : f32
      %mul3A_1661 = vector.broadcast %mul3A_1660 : f32 to vector<16xf32>
      %mul3A_1662 = arith.mulf %get3A_1659, %mul3A_1661 : vector<16xf32>
      %convert_element_type3A_1663 = arith.fptosi %mul3A_1662 : vector<16xf32> to vector<16xi32>
      %min3A_1664 = arith.constant 999999 : i32
      %min3A_1665 = vector.broadcast %min3A_1664 : i32 to vector<16xi32>
      %min3A_1666 = arith.minsi %convert_element_type3A_1663, %min3A_1665 : vector<16xi32>
      %swap3A_1667 = arith.constant 1 : i32
      %swap3A_1668 = arith.index_cast %swap3A_1667 : i32 to index
      %swap3A_1669 = arith.constant 224 : index
      %swap3A_1670 = tpu.vector_load %arg6[%swap3A_1668, %swap3A_1669] {strides = array<i32>} : memref<2x512xi32, #tpu.memory_space<vmem>>, vector<1x16xi32>,
      %swap3A_1671 = vector.shape_cast %swap3A_1670 : vector<1x16xi32> to vector<16xi32>
      %swap3A_1672 = vector.shape_cast %min3A_1666 : vector<16xi32> to vector<1x16xi32>
      tpu.vector_store %arg6[%swap3A_1668, %swap3A_1669], %swap3A_1672 {strides = array<i32>} : memref<2x512xi32, #tpu.memory_space<vmem>>, vector<1x16xi32>,
      %get3A_1673 = arith.constant 1 : i32
      %get3A_1674 = arith.index_cast %get3A_1673 : i32 to index
      %get3A_1675 = arith.constant 240 : index
      %get3A_1676 = tpu.vector_load %arg5[%get3A_1674, %get3A_1675] {strides = array<i32>} : memref<2x512xf32, #tpu.memory_space<vmem>>, vector<1x16xf32>,
      %get3A_1677 = vector.shape_cast %get3A_1676 : vector<1x16xf32> to vector<16xf32>
      %mul3A_1678 = arith.constant 1.000000e+06 : f32
      %mul3A_1679 = vector.broadcast %mul3A_1678 : f32 to vector<16xf32>
      %mul3A_1680 = arith.mulf %get3A_1677, %mul3A_1679 : vector<16xf32>
      %convert_element_type3A_1681 = arith.fptosi %mul3A_1680 : vector<16xf32> to vector<16xi32>
      %min3A_1682 = arith.constant 999999 : i32
      %min3A_1683 = vector.broadcast %min3A_1682 : i32 to vector<16xi32>
      %min3A_1684 = arith.minsi %convert_element_type3A_1681, %min3A_1683 : vector<16xi32>
      %swap3A_1685 = arith.constant 1 : i32
      %swap3A_1686 = arith.index_cast %swap3A_1685 : i32 to index
      %swap3A_1687 = arith.constant 240 : index
      %swap3A_1688 = tpu.vector_load %arg6[%swap3A_1686, %swap3A_1687] {strides = array<i32>} : memref<2x512xi32, #tpu.memory_space<vmem>>, vector<1x16xi32>,
      %swap3A_1689 = vector.shape_cast %swap3A_1688 : vector<1x16xi32> to vector<16xi32>
      %swap3A_1690 = vector.shape_cast %min3A_1684 : vector<16xi32> to vector<1x16xi32>
      tpu.vector_store %arg6[%swap3A_1686, %swap3A_1687], %swap3A_1690 {strides = array<i32>} : memref<2x512xi32, #tpu.memory_space<vmem>>, vector<1x16xi32>,
      %get3A_1691 = arith.constant 1 : i32
      %get3A_1692 = arith.index_cast %get3A_1691 : i32 to index
      %get3A_1693 = arith.constant 256 : index
      %get3A_1694 = tpu.vector_load %arg5[%get3A_1692, %get3A_1693] {strides = array<i32>} : memref<2x512xf32, #tpu.memory_space<vmem>>, vector<1x16xf32>,
      %get3A_1695 = vector.shape_cast %get3A_1694 : vector<1x16xf32> to vector<16xf32>
      %mul3A_1696 = arith.constant 1.000000e+06 : f32
      %mul3A_1697 = vector.broadcast %mul3A_1696 : f32 to vector<16xf32>
      %mul3A_1698 = arith.mulf %get3A_1695, %mul3A_1697 : vector<16xf32>
      %convert_element_type3A_1699 = arith.fptosi %mul3A_1698 : vector<16xf32> to vector<16xi32>
      %min3A_1700 = arith.constant 999999 : i32
      %min3A_1701 = vector.broadcast %min3A_1700 : i32 to vector<16xi32>
      %min3A_1702 = arith.minsi %convert_element_type3A_1699, %min3A_1701 : vector<16xi32>
      %swap3A_1703 = arith.constant 1 : i32
      %swap3A_1704 = arith.index_cast %swap3A_1703 : i32 to index
      %swap3A_1705 = arith.constant 256 : index
      %swap3A_1706 = tpu.vector_load %arg6[%swap3A_1704, %swap3A_1705] {strides = array<i32>} : memref<2x512xi32, #tpu.memory_space<vmem>>, vector<1x16xi32>,
      %swap3A_1707 = vector.shape_cast %swap3A_1706 : vector<1x16xi32> to vector<16xi32>
      %swap3A_1708 = vector.shape_cast %min3A_1702 : vector<16xi32> to vector<1x16xi32>
      tpu.vector_store %arg6[%swap3A_1704, %swap3A_1705], %swap3A_1708 {strides = array<i32>} : memref<2x512xi32, #tpu.memory_space<vmem>>, vector<1x16xi32>,
      %get3A_1709 = arith.constant 1 : i32
      %get3A_1710 = arith.index_cast %get3A_1709 : i32 to index
      %get3A_1711 = arith.constant 272 : index
      %get3A_1712 = tpu.vector_load %arg5[%get3A_1710, %get3A_1711] {strides = array<i32>} : memref<2x512xf32, #tpu.memory_space<vmem>>, vector<1x16xf32>,
      %get3A_1713 = vector.shape_cast %get3A_1712 : vector<1x16xf32> to vector<16xf32>
      %mul3A_1714 = arith.constant 1.000000e+06 : f32
      %mul3A_1715 = vector.broadcast %mul3A_1714 : f32 to vector<16xf32>
      %mul3A_1716 = arith.mulf %get3A_1713, %mul3A_1715 : vector<16xf32>
      %convert_element_type3A_1717 = arith.fptosi %mul3A_1716 : vector<16xf32> to vector<16xi32>
      %min3A_1718 = arith.constant 999999 : i32
      %min3A_1719 = vector.broadcast %min3A_1718 : i32 to vector<16xi32>
      %min3A_1720 = arith.minsi %convert_element_type3A_1717, %min3A_1719 : vector<16xi32>
      %swap3A_1721 = arith.constant 1 : i32
      %swap3A_1722 = arith.index_cast %swap3A_1721 : i32 to index
      %swap3A_1723 = arith.constant 272 : index
      %swap3A_1724 = tpu.vector_load %arg6[%swap3A_1722, %swap3A_1723] {strides = array<i32>} : memref<2x512xi32, #tpu.memory_space<vmem>>, vector<1x16xi32>,
      %swap3A_1725 = vector.shape_cast %swap3A_1724 : vector<1x16xi32> to vector<16xi32>
      %swap3A_1726 = vector.shape_cast %min3A_1720 : vector<16xi32> to vector<1x16xi32>
      tpu.vector_store %arg6[%swap3A_1722, %swap3A_1723], %swap3A_1726 {strides = array<i32>} : memref<2x512xi32, #tpu.memory_space<vmem>>, vector<1x16xi32>,
      %get3A_1727 = arith.constant 1 : i32
      %get3A_1728 = arith.index_cast %get3A_1727 : i32 to index
      %get3A_1729 = arith.constant 288 : index
      %get3A_1730 = tpu.vector_load %arg5[%get3A_1728, %get3A_1729] {strides = array<i32>} : memref<2x512xf32, #tpu.memory_space<vmem>>, vector<1x16xf32>,
      %get3A_1731 = vector.shape_cast %get3A_1730 : vector<1x16xf32> to vector<16xf32>
      %mul3A_1732 = arith.constant 1.000000e+06 : f32
      %mul3A_1733 = vector.broadcast %mul3A_1732 : f32 to vector<16xf32>
      %mul3A_1734 = arith.mulf %get3A_1731, %mul3A_1733 : vector<16xf32>
      %convert_element_type3A_1735 = arith.fptosi %mul3A_1734 : vector<16xf32> to vector<16xi32>
      %min3A_1736 = arith.constant 999999 : i32
      %min3A_1737 = vector.broadcast %min3A_1736 : i32 to vector<16xi32>
      %min3A_1738 = arith.minsi %convert_element_type3A_1735, %min3A_1737 : vector<16xi32>
      %swap3A_1739 = arith.constant 1 : i32
      %swap3A_1740 = arith.index_cast %swap3A_1739 : i32 to index
      %swap3A_1741 = arith.constant 288 : index
      %swap3A_1742 = tpu.vector_load %arg6[%swap3A_1740, %swap3A_1741] {strides = array<i32>} : memref<2x512xi32, #tpu.memory_space<vmem>>, vector<1x16xi32>,
      %swap3A_1743 = vector.shape_cast %swap3A_1742 : vector<1x16xi32> to vector<16xi32>
      %swap3A_1744 = vector.shape_cast %min3A_1738 : vector<16xi32> to vector<1x16xi32>
      tpu.vector_store %arg6[%swap3A_1740, %swap3A_1741], %swap3A_1744 {strides = array<i32>} : memref<2x512xi32, #tpu.memory_space<vmem>>, vector<1x16xi32>,
      %get3A_1745 = arith.constant 1 : i32
      %get3A_1746 = arith.index_cast %get3A_1745 : i32 to index
      %get3A_1747 = arith.constant 304 : index
      %get3A_1748 = tpu.vector_load %arg5[%get3A_1746, %get3A_1747] {strides = array<i32>} : memref<2x512xf32, #tpu.memory_space<vmem>>, vector<1x16xf32>,
      %get3A_1749 = vector.shape_cast %get3A_1748 : vector<1x16xf32> to vector<16xf32>
      %mul3A_1750 = arith.constant 1.000000e+06 : f32
      %mul3A_1751 = vector.broadcast %mul3A_1750 : f32 to vector<16xf32>
      %mul3A_1752 = arith.mulf %get3A_1749, %mul3A_1751 : vector<16xf32>
      %convert_element_type3A_1753 = arith.fptosi %mul3A_1752 : vector<16xf32> to vector<16xi32>
      %min3A_1754 = arith.constant 999999 : i32
      %min3A_1755 = vector.broadcast %min3A_1754 : i32 to vector<16xi32>
      %min3A_1756 = arith.minsi %convert_element_type3A_1753, %min3A_1755 : vector<16xi32>
      %swap3A_1757 = arith.constant 1 : i32
      %swap3A_1758 = arith.index_cast %swap3A_1757 : i32 to index
      %swap3A_1759 = arith.constant 304 : index
      %swap3A_1760 = tpu.vector_load %arg6[%swap3A_1758, %swap3A_1759] {strides = array<i32>} : memref<2x512xi32, #tpu.memory_space<vmem>>, vector<1x16xi32>,
      %swap3A_1761 = vector.shape_cast %swap3A_1760 : vector<1x16xi32> to vector<16xi32>
      %swap3A_1762 = vector.shape_cast %min3A_1756 : vector<16xi32> to vector<1x16xi32>
      tpu.vector_store %arg6[%swap3A_1758, %swap3A_1759], %swap3A_1762 {strides = array<i32>} : memref<2x512xi32, #tpu.memory_space<vmem>>, vector<1x16xi32>,
      %get3A_1763 = arith.constant 1 : i32
      %get3A_1764 = arith.index_cast %get3A_1763 : i32 to index
      %get3A_1765 = arith.constant 320 : index
      %get3A_1766 = tpu.vector_load %arg5[%get3A_1764, %get3A_1765] {strides = array<i32>} : memref<2x512xf32, #tpu.memory_space<vmem>>, vector<1x16xf32>,
      %get3A_1767 = vector.shape_cast %get3A_1766 : vector<1x16xf32> to vector<16xf32>
      %mul3A_1768 = arith.constant 1.000000e+06 : f32
      %mul3A_1769 = vector.broadcast %mul3A_1768 : f32 to vector<16xf32>
      %mul3A_1770 = arith.mulf %get3A_1767, %mul3A_1769 : vector<16xf32>
      %convert_element_type3A_1771 = arith.fptosi %mul3A_1770 : vector<16xf32> to vector<16xi32>
      %min3A_1772 = arith.constant 999999 : i32
      %min3A_1773 = vector.broadcast %min3A_1772 : i32 to vector<16xi32>
      %min3A_1774 = arith.minsi %convert_element_type3A_1771, %min3A_1773 : vector<16xi32>
      %swap3A_1775 = arith.constant 1 : i32
      %swap3A_1776 = arith.index_cast %swap3A_1775 : i32 to index
      %swap3A_1777 = arith.constant 320 : index
      %swap3A_1778 = tpu.vector_load %arg6[%swap3A_1776, %swap3A_1777] {strides = array<i32>} : memref<2x512xi32, #tpu.memory_space<vmem>>, vector<1x16xi32>,
      %swap3A_1779 = vector.shape_cast %swap3A_1778 : vector<1x16xi32> to vector<16xi32>
      %swap3A_1780 = vector.shape_cast %min3A_1774 : vector<16xi32> to vector<1x16xi32>
      tpu.vector_store %arg6[%swap3A_1776, %swap3A_1777], %swap3A_1780 {strides = array<i32>} : memref<2x512xi32, #tpu.memory_space<vmem>>, vector<1x16xi32>,
      %get3A_1781 = arith.constant 1 : i32
      %get3A_1782 = arith.index_cast %get3A_1781 : i32 to index
      %get3A_1783 = arith.constant 336 : index
      %get3A_1784 = tpu.vector_load %arg5[%get3A_1782, %get3A_1783] {strides = array<i32>} : memref<2x512xf32, #tpu.memory_space<vmem>>, vector<1x16xf32>,
      %get3A_1785 = vector.shape_cast %get3A_1784 : vector<1x16xf32> to vector<16xf32>
      %mul3A_1786 = arith.constant 1.000000e+06 : f32
      %mul3A_1787 = vector.broadcast %mul3A_1786 : f32 to vector<16xf32>
      %mul3A_1788 = arith.mulf %get3A_1785, %mul3A_1787 : vector<16xf32>
      %convert_element_type3A_1789 = arith.fptosi %mul3A_1788 : vector<16xf32> to vector<16xi32>
      %min3A_1790 = arith.constant 999999 : i32
      %min3A_1791 = vector.broadcast %min3A_1790 : i32 to vector<16xi32>
      %min3A_1792 = arith.minsi %convert_element_type3A_1789, %min3A_1791 : vector<16xi32>
      %swap3A_1793 = arith.constant 1 : i32
      %swap3A_1794 = arith.index_cast %swap3A_1793 : i32 to index
      %swap3A_1795 = arith.constant 336 : index
      %swap3A_1796 = tpu.vector_load %arg6[%swap3A_1794, %swap3A_1795] {strides = array<i32>} : memref<2x512xi32, #tpu.memory_space<vmem>>, vector<1x16xi32>,
      %swap3A_1797 = vector.shape_cast %swap3A_1796 : vector<1x16xi32> to vector<16xi32>
      %swap3A_1798 = vector.shape_cast %min3A_1792 : vector<16xi32> to vector<1x16xi32>
      tpu.vector_store %arg6[%swap3A_1794, %swap3A_1795], %swap3A_1798 {strides = array<i32>} : memref<2x512xi32, #tpu.memory_space<vmem>>, vector<1x16xi32>,
      %get3A_1799 = arith.constant 1 : i32
      %get3A_1800 = arith.index_cast %get3A_1799 : i32 to index
      %get3A_1801 = arith.constant 352 : index
      %get3A_1802 = tpu.vector_load %arg5[%get3A_1800, %get3A_1801] {strides = array<i32>} : memref<2x512xf32, #tpu.memory_space<vmem>>, vector<1x16xf32>,
      %get3A_1803 = vector.shape_cast %get3A_1802 : vector<1x16xf32> to vector<16xf32>
      %mul3A_1804 = arith.constant 1.000000e+06 : f32
      %mul3A_1805 = vector.broadcast %mul3A_1804 : f32 to vector<16xf32>
      %mul3A_1806 = arith.mulf %get3A_1803, %mul3A_1805 : vector<16xf32>
      %convert_element_type3A_1807 = arith.fptosi %mul3A_1806 : vector<16xf32> to vector<16xi32>
      %min3A_1808 = arith.constant 999999 : i32
      %min3A_1809 = vector.broadcast %min3A_1808 : i32 to vector<16xi32>
      %min3A_1810 = arith.minsi %convert_element_type3A_1807, %min3A_1809 : vector<16xi32>
      %swap3A_1811 = arith.constant 1 : i32
      %swap3A_1812 = arith.index_cast %swap3A_1811 : i32 to index
      %swap3A_1813 = arith.constant 352 : index
      %swap3A_1814 = tpu.vector_load %arg6[%swap3A_1812, %swap3A_1813] {strides = array<i32>} : memref<2x512xi32, #tpu.memory_space<vmem>>, vector<1x16xi32>,
      %swap3A_1815 = vector.shape_cast %swap3A_1814 : vector<1x16xi32> to vector<16xi32>
      %swap3A_1816 = vector.shape_cast %min3A_1810 : vector<16xi32> to vector<1x16xi32>
      tpu.vector_store %arg6[%swap3A_1812, %swap3A_1813], %swap3A_1816 {strides = array<i32>} : memref<2x512xi32, #tpu.memory_space<vmem>>, vector<1x16xi32>,
      %get3A_1817 = arith.constant 1 : i32
      %get3A_1818 = arith.index_cast %get3A_1817 : i32 to index
      %get3A_1819 = arith.constant 368 : index
      %get3A_1820 = tpu.vector_load %arg5[%get3A_1818, %get3A_1819] {strides = array<i32>} : memref<2x512xf32, #tpu.memory_space<vmem>>, vector<1x16xf32>,
      %get3A_1821 = vector.shape_cast %get3A_1820 : vector<1x16xf32> to vector<16xf32>
      %mul3A_1822 = arith.constant 1.000000e+06 : f32
      %mul3A_1823 = vector.broadcast %mul3A_1822 : f32 to vector<16xf32>
      %mul3A_1824 = arith.mulf %get3A_1821, %mul3A_1823 : vector<16xf32>
      %convert_element_type3A_1825 = arith.fptosi %mul3A_1824 : vector<16xf32> to vector<16xi32>
      %min3A_1826 = arith.constant 999999 : i32
      %min3A_1827 = vector.broadcast %min3A_1826 : i32 to vector<16xi32>
      %min3A_1828 = arith.minsi %convert_element_type3A_1825, %min3A_1827 : vector<16xi32>
      %swap3A_1829 = arith.constant 1 : i32
      %swap3A_1830 = arith.index_cast %swap3A_1829 : i32 to index
      %swap3A_1831 = arith.constant 368 : index
      %swap3A_1832 = tpu.vector_load %arg6[%swap3A_1830, %swap3A_1831] {strides = array<i32>} : memref<2x512xi32, #tpu.memory_space<vmem>>, vector<1x16xi32>,
      %swap3A_1833 = vector.shape_cast %swap3A_1832 : vector<1x16xi32> to vector<16xi32>
      %swap3A_1834 = vector.shape_cast %min3A_1828 : vector<16xi32> to vector<1x16xi32>
      tpu.vector_store %arg6[%swap3A_1830, %swap3A_1831], %swap3A_1834 {strides = array<i32>} : memref<2x512xi32, #tpu.memory_space<vmem>>, vector<1x16xi32>,
      %get3A_1835 = arith.constant 1 : i32
      %get3A_1836 = arith.index_cast %get3A_1835 : i32 to index
      %get3A_1837 = arith.constant 384 : index
      %get3A_1838 = tpu.vector_load %arg5[%get3A_1836, %get3A_1837] {strides = array<i32>} : memref<2x512xf32, #tpu.memory_space<vmem>>, vector<1x16xf32>,
      %get3A_1839 = vector.shape_cast %get3A_1838 : vector<1x16xf32> to vector<16xf32>
      %mul3A_1840 = arith.constant 1.000000e+06 : f32
      %mul3A_1841 = vector.broadcast %mul3A_1840 : f32 to vector<16xf32>
      %mul3A_1842 = arith.mulf %get3A_1839, %mul3A_1841 : vector<16xf32>
      %convert_element_type3A_1843 = arith.fptosi %mul3A_1842 : vector<16xf32> to vector<16xi32>
      %min3A_1844 = arith.constant 999999 : i32
      %min3A_1845 = vector.broadcast %min3A_1844 : i32 to vector<16xi32>
      %min3A_1846 = arith.minsi %convert_element_type3A_1843, %min3A_1845 : vector<16xi32>
      %swap3A_1847 = arith.constant 1 : i32
      %swap3A_1848 = arith.index_cast %swap3A_1847 : i32 to index
      %swap3A_1849 = arith.constant 384 : index
      %swap3A_1850 = tpu.vector_load %arg6[%swap3A_1848, %swap3A_1849] {strides = array<i32>} : memref<2x512xi32, #tpu.memory_space<vmem>>, vector<1x16xi32>,
      %swap3A_1851 = vector.shape_cast %swap3A_1850 : vector<1x16xi32> to vector<16xi32>
      %swap3A_1852 = vector.shape_cast %min3A_1846 : vector<16xi32> to vector<1x16xi32>
      tpu.vector_store %arg6[%swap3A_1848, %swap3A_1849], %swap3A_1852 {strides = array<i32>} : memref<2x512xi32, #tpu.memory_space<vmem>>, vector<1x16xi32>,
      %get3A_1853 = arith.constant 1 : i32
      %get3A_1854 = arith.index_cast %get3A_1853 : i32 to index
      %get3A_1855 = arith.constant 400 : index
      %get3A_1856 = tpu.vector_load %arg5[%get3A_1854, %get3A_1855] {strides = array<i32>} : memref<2x512xf32, #tpu.memory_space<vmem>>, vector<1x16xf32>,
      %get3A_1857 = vector.shape_cast %get3A_1856 : vector<1x16xf32> to vector<16xf32>
      %mul3A_1858 = arith.constant 1.000000e+06 : f32
      %mul3A_1859 = vector.broadcast %mul3A_1858 : f32 to vector<16xf32>
      %mul3A_1860 = arith.mulf %get3A_1857, %mul3A_1859 : vector<16xf32>
      %convert_element_type3A_1861 = arith.fptosi %mul3A_1860 : vector<16xf32> to vector<16xi32>
      %min3A_1862 = arith.constant 999999 : i32
      %min3A_1863 = vector.broadcast %min3A_1862 : i32 to vector<16xi32>
      %min3A_1864 = arith.minsi %convert_element_type3A_1861, %min3A_1863 : vector<16xi32>
      %swap3A_1865 = arith.constant 1 : i32
      %swap3A_1866 = arith.index_cast %swap3A_1865 : i32 to index
      %swap3A_1867 = arith.constant 400 : index
      %swap3A_1868 = tpu.vector_load %arg6[%swap3A_1866, %swap3A_1867] {strides = array<i32>} : memref<2x512xi32, #tpu.memory_space<vmem>>, vector<1x16xi32>,
      %swap3A_1869 = vector.shape_cast %swap3A_1868 : vector<1x16xi32> to vector<16xi32>
      %swap3A_1870 = vector.shape_cast %min3A_1864 : vector<16xi32> to vector<1x16xi32>
      tpu.vector_store %arg6[%swap3A_1866, %swap3A_1867], %swap3A_1870 {strides = array<i32>} : memref<2x512xi32, #tpu.memory_space<vmem>>, vector<1x16xi32>,
      %get3A_1871 = arith.constant 1 : i32
      %get3A_1872 = arith.index_cast %get3A_1871 : i32 to index
      %get3A_1873 = arith.constant 416 : index
      %get3A_1874 = tpu.vector_load %arg5[%get3A_1872, %get3A_1873] {strides = array<i32>} : memref<2x512xf32, #tpu.memory_space<vmem>>, vector<1x16xf32>,
      %get3A_1875 = vector.shape_cast %get3A_1874 : vector<1x16xf32> to vector<16xf32>
      %mul3A_1876 = arith.constant 1.000000e+06 : f32
      %mul3A_1877 = vector.broadcast %mul3A_1876 : f32 to vector<16xf32>
      %mul3A_1878 = arith.mulf %get3A_1875, %mul3A_1877 : vector<16xf32>
      %convert_element_type3A_1879 = arith.fptosi %mul3A_1878 : vector<16xf32> to vector<16xi32>
      %min3A_1880 = arith.constant 999999 : i32
      %min3A_1881 = vector.broadcast %min3A_1880 : i32 to vector<16xi32>
      %min3A_1882 = arith.minsi %convert_element_type3A_1879, %min3A_1881 : vector<16xi32>
      %swap3A_1883 = arith.constant 1 : i32
      %swap3A_1884 = arith.index_cast %swap3A_1883 : i32 to index
      %swap3A_1885 = arith.constant 416 : index
      %swap3A_1886 = tpu.vector_load %arg6[%swap3A_1884, %swap3A_1885] {strides = array<i32>} : memref<2x512xi32, #tpu.memory_space<vmem>>, vector<1x16xi32>,
      %swap3A_1887 = vector.shape_cast %swap3A_1886 : vector<1x16xi32> to vector<16xi32>
      %swap3A_1888 = vector.shape_cast %min3A_1882 : vector<16xi32> to vector<1x16xi32>
      tpu.vector_store %arg6[%swap3A_1884, %swap3A_1885], %swap3A_1888 {strides = array<i32>} : memref<2x512xi32, #tpu.memory_space<vmem>>, vector<1x16xi32>,
      %get3A_1889 = arith.constant 1 : i32
      %get3A_1890 = arith.index_cast %get3A_1889 : i32 to index
      %get3A_1891 = arith.constant 432 : index
      %get3A_1892 = tpu.vector_load %arg5[%get3A_1890, %get3A_1891] {strides = array<i32>} : memref<2x512xf32, #tpu.memory_space<vmem>>, vector<1x16xf32>,
      %get3A_1893 = vector.shape_cast %get3A_1892 : vector<1x16xf32> to vector<16xf32>
      %mul3A_1894 = arith.constant 1.000000e+06 : f32
      %mul3A_1895 = vector.broadcast %mul3A_1894 : f32 to vector<16xf32>
      %mul3A_1896 = arith.mulf %get3A_1893, %mul3A_1895 : vector<16xf32>
      %convert_element_type3A_1897 = arith.fptosi %mul3A_1896 : vector<16xf32> to vector<16xi32>
      %min3A_1898 = arith.constant 999999 : i32
      %min3A_1899 = vector.broadcast %min3A_1898 : i32 to vector<16xi32>
      %min3A_1900 = arith.minsi %convert_element_type3A_1897, %min3A_1899 : vector<16xi32>
      %swap3A_1901 = arith.constant 1 : i32
      %swap3A_1902 = arith.index_cast %swap3A_1901 : i32 to index
      %swap3A_1903 = arith.constant 432 : index
      %swap3A_1904 = tpu.vector_load %arg6[%swap3A_1902, %swap3A_1903] {strides = array<i32>} : memref<2x512xi32, #tpu.memory_space<vmem>>, vector<1x16xi32>,
      %swap3A_1905 = vector.shape_cast %swap3A_1904 : vector<1x16xi32> to vector<16xi32>
      %swap3A_1906 = vector.shape_cast %min3A_1900 : vector<16xi32> to vector<1x16xi32>
      tpu.vector_store %arg6[%swap3A_1902, %swap3A_1903], %swap3A_1906 {strides = array<i32>} : memref<2x512xi32, #tpu.memory_space<vmem>>, vector<1x16xi32>,
      %get3A_1907 = arith.constant 1 : i32
      %get3A_1908 = arith.index_cast %get3A_1907 : i32 to index
      %get3A_1909 = arith.constant 448 : index
      %get3A_1910 = tpu.vector_load %arg5[%get3A_1908, %get3A_1909] {strides = array<i32>} : memref<2x512xf32, #tpu.memory_space<vmem>>, vector<1x16xf32>,
      %get3A_1911 = vector.shape_cast %get3A_1910 : vector<1x16xf32> to vector<16xf32>
      %mul3A_1912 = arith.constant 1.000000e+06 : f32
      %mul3A_1913 = vector.broadcast %mul3A_1912 : f32 to vector<16xf32>
      %mul3A_1914 = arith.mulf %get3A_1911, %mul3A_1913 : vector<16xf32>
      %convert_element_type3A_1915 = arith.fptosi %mul3A_1914 : vector<16xf32> to vector<16xi32>
      %min3A_1916 = arith.constant 999999 : i32
      %min3A_1917 = vector.broadcast %min3A_1916 : i32 to vector<16xi32>
      %min3A_1918 = arith.minsi %convert_element_type3A_1915, %min3A_1917 : vector<16xi32>
      %swap3A_1919 = arith.constant 1 : i32
      %swap3A_1920 = arith.index_cast %swap3A_1919 : i32 to index
      %swap3A_1921 = arith.constant 448 : index
      %swap3A_1922 = tpu.vector_load %arg6[%swap3A_1920, %swap3A_1921] {strides = array<i32>} : memref<2x512xi32, #tpu.memory_space<vmem>>, vector<1x16xi32>,
      %swap3A_1923 = vector.shape_cast %swap3A_1922 : vector<1x16xi32> to vector<16xi32>
      %swap3A_1924 = vector.shape_cast %min3A_1918 : vector<16xi32> to vector<1x16xi32>
      tpu.vector_store %arg6[%swap3A_1920, %swap3A_1921], %swap3A_1924 {strides = array<i32>} : memref<2x512xi32, #tpu.memory_space<vmem>>, vector<1x16xi32>,
      %get3A_1925 = arith.constant 1 : i32
      %get3A_1926 = arith.index_cast %get3A_1925 : i32 to index
      %get3A_1927 = arith.constant 464 : index
      %get3A_1928 = tpu.vector_load %arg5[%get3A_1926, %get3A_1927] {strides = array<i32>} : memref<2x512xf32, #tpu.memory_space<vmem>>, vector<1x16xf32>,
      %get3A_1929 = vector.shape_cast %get3A_1928 : vector<1x16xf32> to vector<16xf32>
      %mul3A_1930 = arith.constant 1.000000e+06 : f32
      %mul3A_1931 = vector.broadcast %mul3A_1930 : f32 to vector<16xf32>
      %mul3A_1932 = arith.mulf %get3A_1929, %mul3A_1931 : vector<16xf32>
      %convert_element_type3A_1933 = arith.fptosi %mul3A_1932 : vector<16xf32> to vector<16xi32>
      %min3A_1934 = arith.constant 999999 : i32
      %min3A_1935 = vector.broadcast %min3A_1934 : i32 to vector<16xi32>
      %min3A_1936 = arith.minsi %convert_element_type3A_1933, %min3A_1935 : vector<16xi32>
      %swap3A_1937 = arith.constant 1 : i32
      %swap3A_1938 = arith.index_cast %swap3A_1937 : i32 to index
      %swap3A_1939 = arith.constant 464 : index
      %swap3A_1940 = tpu.vector_load %arg6[%swap3A_1938, %swap3A_1939] {strides = array<i32>} : memref<2x512xi32, #tpu.memory_space<vmem>>, vector<1x16xi32>,
      %swap3A_1941 = vector.shape_cast %swap3A_1940 : vector<1x16xi32> to vector<16xi32>
      %swap3A_1942 = vector.shape_cast %min3A_1936 : vector<16xi32> to vector<1x16xi32>
      tpu.vector_store %arg6[%swap3A_1938, %swap3A_1939], %swap3A_1942 {strides = array<i32>} : memref<2x512xi32, #tpu.memory_space<vmem>>, vector<1x16xi32>,
      %get3A_1943 = arith.constant 1 : i32
      %get3A_1944 = arith.index_cast %get3A_1943 : i32 to index
      %get3A_1945 = arith.constant 480 : index
      %get3A_1946 = tpu.vector_load %arg5[%get3A_1944, %get3A_1945] {strides = array<i32>} : memref<2x512xf32, #tpu.memory_space<vmem>>, vector<1x16xf32>,
      %get3A_1947 = vector.shape_cast %get3A_1946 : vector<1x16xf32> to vector<16xf32>
      %mul3A_1948 = arith.constant 1.000000e+06 : f32
      %mul3A_1949 = vector.broadcast %mul3A_1948 : f32 to vector<16xf32>
      %mul3A_1950 = arith.mulf %get3A_1947, %mul3A_1949 : vector<16xf32>
      %convert_element_type3A_1951 = arith.fptosi %mul3A_1950 : vector<16xf32> to vector<16xi32>
      %min3A_1952 = arith.constant 999999 : i32
      %min3A_1953 = vector.broadcast %min3A_1952 : i32 to vector<16xi32>
      %min3A_1954 = arith.minsi %convert_element_type3A_1951, %min3A_1953 : vector<16xi32>
      %swap3A_1955 = arith.constant 1 : i32
      %swap3A_1956 = arith.index_cast %swap3A_1955 : i32 to index
      %swap3A_1957 = arith.constant 480 : index
      %swap3A_1958 = tpu.vector_load %arg6[%swap3A_1956, %swap3A_1957] {strides = array<i32>} : memref<2x512xi32, #tpu.memory_space<vmem>>, vector<1x16xi32>,
      %swap3A_1959 = vector.shape_cast %swap3A_1958 : vector<1x16xi32> to vector<16xi32>
      %swap3A_1960 = vector.shape_cast %min3A_1954 : vector<16xi32> to vector<1x16xi32>
      tpu.vector_store %arg6[%swap3A_1956, %swap3A_1957], %swap3A_1960 {strides = array<i32>} : memref<2x512xi32, #tpu.memory_space<vmem>>, vector<1x16xi32>,
      %get3A_1961 = arith.constant 1 : i32
      %get3A_1962 = arith.index_cast %get3A_1961 : i32 to index
      %get3A_1963 = arith.constant 496 : index
      %get3A_1964 = tpu.vector_load %arg5[%get3A_1962, %get3A_1963] {strides = array<i32>} : memref<2x512xf32, #tpu.memory_space<vmem>>, vector<1x16xf32>,
      %get3A_1965 = vector.shape_cast %get3A_1964 : vector<1x16xf32> to vector<16xf32>
      %mul3A_1966 = arith.constant 1.000000e+06 : f32
      %mul3A_1967 = vector.broadcast %mul3A_1966 : f32 to vector<16xf32>
      %mul3A_1968 = arith.mulf %get3A_1965, %mul3A_1967 : vector<16xf32>
      %convert_element_type3A_1969 = arith.fptosi %mul3A_1968 : vector<16xf32> to vector<16xi32>
      %min3A_1970 = arith.constant 999999 : i32
      %min3A_1971 = vector.broadcast %min3A_1970 : i32 to vector<16xi32>
      %min3A_1972 = arith.minsi %convert_element_type3A_1969, %min3A_1971 : vector<16xi32>
      %swap3A_1973 = arith.constant 1 : i32
      %swap3A_1974 = arith.index_cast %swap3A_1973 : i32 to index
      %swap3A_1975 = arith.constant 496 : index
      %swap3A_1976 = tpu.vector_load %arg6[%swap3A_1974, %swap3A_1975] {strides = array<i32>} : memref<2x512xi32, #tpu.memory_space<vmem>>, vector<1x16xi32>,
      %swap3A_1977 = vector.shape_cast %swap3A_1976 : vector<1x16xi32> to vector<16xi32>
      %swap3A_1978 = vector.shape_cast %min3A_1972 : vector<16xi32> to vector<1x16xi32>
      tpu.vector_store %arg6[%swap3A_1974, %swap3A_1975], %swap3A_1978 {strides = array<i32>} : memref<2x512xi32, #tpu.memory_space<vmem>>, vector<1x16xi32>,
      %add3A_1979 = arith.constant 2 : i32
      %add3A_1980 = arith.addi %mul3A_1393, %add3A_1979 : i32
      %rem3A_1981 = arith.constant 50 : i32
      %rem3A_1982 = arith.remsi %add3A_1980, %rem3A_1981 : i32
      %mul3A_1983 = arith.constant 512 : i32
      %mul3A_1984 = arith.muli %rem3A_1982, %mul3A_1983 : i32
      %add3A_1985 = arith.addi %mul3A_2, %mul3A_1984 : i32
      %dma_start3A_1986 = arith.constant 0 : i32
      %dma_start3A_1987 = arith.constant 0 : i32
      %dma_start3A_1988 = tpu.memref_slice %arg5[%dma_start3A_1986, %dma_start3A_1987] : memref<2x512xf32, #tpu.memory_space<vmem>> -> memref<1x512xf32, #tpu.memory_space<vmem>>
      %dma_start3A_1989 = tpu.memref_squeeze %dma_start3A_1988 : memref<1x512xf32, #tpu.memory_space<vmem>> -> memref<512xf32, #tpu.memory_space<vmem>>
      %dma_start3A_1990 = tpu.memref_slice %arg2[%add3A_1985] : memref<819200xf32, #tpu.memory_space<hbm>> -> memref<512xf32, #tpu.memory_space<hbm>>
      %dma_start3A_1991 = arith.constant 0 : i32
      %dma_start3A_1992 = tpu.memref_slice %arg5[%dma_start3A_1986, %dma_start3A_1991] : memref<2x512xf32, #tpu.memory_space<vmem>> -> memref<1x512xf32, #tpu.memory_space<vmem>>
      %dma_start3A_1993 = tpu.memref_squeeze %dma_start3A_1992 : memref<1x512xf32, #tpu.memory_space<vmem>> -> memref<512xf32, #tpu.memory_space<vmem>>
      %dma_start3A_1994 = tpu.memref_slice %arg2[%add3A_1985] : memref<819200xf32, #tpu.memory_space<hbm>> -> memref<512xf32, #tpu.memory_space<hbm>>
      tpu.enqueue_dma source(%dma_start3A_1994 : memref<512xf32, #tpu.memory_space<hbm>>) target(%dma_start3A_1993 : memref<512xf32, #tpu.memory_space<vmem>>) target_semaphore(%arg9 : memref<!tpu.dma_semaphore, #tpu.memory_space<semaphore_mem>>)
      %dma_wait3A_1995 = arith.constant 0 : i32
      %dma_wait3A_1996 = tpu.memref_slice %arg4[%mul3A_2, %dma_wait3A_1995] : memref<819200x32xf32, #tpu.memory_space<hbm>> -> memref<512x32xf32, #tpu.memory_space<hbm>>
      %dma_wait3A_1997 = arith.constant 0 : i32
      %dma_wait3A_1998 = tpu.memref_slice %arg4[%mul3A_2, %dma_wait3A_1997] : memref<819200x32xf32, #tpu.memory_space<hbm>> -> memref<512x32xf32, #tpu.memory_space<hbm>>
      tpu.wait_dma2 semaphore(%arg14 : memref<!tpu.dma_semaphore, #tpu.memory_space<semaphore_mem>>) src(%arg8 : memref<512x32xf32, #tpu.memory_space<vmem>>) dst(%dma_wait3A_1998 : memref<512x32xf32, #tpu.memory_space<hbm>>)
      %dma_start3A_1999 = arith.constant 1 : i32
      %dma_start3A_2000 = arith.constant 0 : i32
      %dma_start3A_2001 = arith.constant 0 : i32
      %dma_start3A_2002 = tpu.memref_slice %arg8[%dma_start3A_2000, %dma_start3A_2001] : memref<512x32xf32, #tpu.memory_space<vmem>> -> memref<128x32xf32, #tpu.memory_space<vmem>>
      %dma_start3A_2003 = arith.constant 0 : i32
      %dma_start3A_2004 = tpu.memref_slice %arg6[%dma_start3A_1999, %dma_start3A_2003] : memref<2x512xi32, #tpu.memory_space<vmem>> -> memref<1x128xi32, #tpu.memory_space<vmem>>
      %dma_start3A_2005 = tpu.memref_squeeze %dma_start3A_2004 : memref<1x128xi32, #tpu.memory_space<vmem>> -> memref<128xi32, #tpu.memory_space<vmem>>
      %dma_start3A_2006 = arith.constant 0 : i32
      %dma_start3A_2007 = arith.constant 0 : i32
      %dma_start3A_2008 = tpu.memref_slice %arg3[%dma_start3A_2006, %dma_start3A_2007] : memref<1000000x32xf32, #tpu.memory_space<hbm>> -> memref<1000000x32xf32, #tpu.memory_space<hbm>>
      tpu.enqueue_indirect_dma source(%dma_start3A_2008 : memref<1000000x32xf32, #tpu.memory_space<hbm>>) target(%dma_start3A_2002 : memref<128x32xf32, #tpu.memory_space<vmem>>) offsets(%dma_start3A_2005 : memref<128xi32, #tpu.memory_space<vmem>>) semaphore(%arg12 : memref<!tpu.dma_semaphore, #tpu.memory_space<semaphore_mem>>)
      %dma_start3A_2009 = arith.constant 1 : i32
      %dma_start3A_2010 = arith.constant 128 : i32
      %dma_start3A_2011 = arith.constant 0 : i32
      %dma_start3A_2012 = tpu.memref_slice %arg8[%dma_start3A_2010, %dma_start3A_2011] : memref<512x32xf32, #tpu.memory_space<vmem>> -> memref<128x32xf32, #tpu.memory_space<vmem>>
      %dma_start3A_2013 = arith.constant 128 : i32
      %dma_start3A_2014 = tpu.memref_slice %arg6[%dma_start3A_2009, %dma_start3A_2013] : memref<2x512xi32, #tpu.memory_space<vmem>> -> memref<1x128xi32, #tpu.memory_space<vmem>>
      %dma_start3A_2015 = tpu.memref_squeeze %dma_start3A_2014 : memref<1x128xi32, #tpu.memory_space<vmem>> -> memref<128xi32, #tpu.memory_space<vmem>>
      %dma_start3A_2016 = arith.constant 0 : i32
      %dma_start3A_2017 = arith.constant 0 : i32
      %dma_start3A_2018 = tpu.memref_slice %arg3[%dma_start3A_2016, %dma_start3A_2017] : memref<1000000x32xf32, #tpu.memory_space<hbm>> -> memref<1000000x32xf32, #tpu.memory_space<hbm>>
      tpu.enqueue_indirect_dma source(%dma_start3A_2018 : memref<1000000x32xf32, #tpu.memory_space<hbm>>) target(%dma_start3A_2012 : memref<128x32xf32, #tpu.memory_space<vmem>>) offsets(%dma_start3A_2015 : memref<128xi32, #tpu.memory_space<vmem>>) semaphore(%arg12 : memref<!tpu.dma_semaphore, #tpu.memory_space<semaphore_mem>>)
      %dma_start3A_2019 = arith.constant 1 : i32
      %dma_start3A_2020 = arith.constant 256 : i32
      %dma_start3A_2021 = arith.constant 0 : i32
      %dma_start3A_2022 = tpu.memref_slice %arg8[%dma_start3A_2020, %dma_start3A_2021] : memref<512x32xf32, #tpu.memory_space<vmem>> -> memref<128x32xf32, #tpu.memory_space<vmem>>
      %dma_start3A_2023 = arith.constant 256 : i32
      %dma_start3A_2024 = tpu.memref_slice %arg6[%dma_start3A_2019, %dma_start3A_2023] : memref<2x512xi32, #tpu.memory_space<vmem>> -> memref<1x128xi32, #tpu.memory_space<vmem>>
      %dma_start3A_2025 = tpu.memref_squeeze %dma_start3A_2024 : memref<1x128xi32, #tpu.memory_space<vmem>> -> memref<128xi32, #tpu.memory_space<vmem>>
      %dma_start3A_2026 = arith.constant 0 : i32
      %dma_start3A_2027 = arith.constant 0 : i32
      %dma_start3A_2028 = tpu.memref_slice %arg3[%dma_start3A_2026, %dma_start3A_2027] : memref<1000000x32xf32, #tpu.memory_space<hbm>> -> memref<1000000x32xf32, #tpu.memory_space<hbm>>
      tpu.enqueue_indirect_dma source(%dma_start3A_2028 : memref<1000000x32xf32, #tpu.memory_space<hbm>>) target(%dma_start3A_2022 : memref<128x32xf32, #tpu.memory_space<vmem>>) offsets(%dma_start3A_2025 : memref<128xi32, #tpu.memory_space<vmem>>) semaphore(%arg12 : memref<!tpu.dma_semaphore, #tpu.memory_space<semaphore_mem>>)
      %dma_start3A_2029 = arith.constant 1 : i32
      %dma_start3A_2030 = arith.constant 384 : i32
      %dma_start3A_2031 = arith.constant 0 : i32
      %dma_start3A_2032 = tpu.memref_slice %arg8[%dma_start3A_2030, %dma_start3A_2031] : memref<512x32xf32, #tpu.memory_space<vmem>> -> memref<128x32xf32, #tpu.memory_space<vmem>>
      %dma_start3A_2033 = arith.constant 384 : i32
      %dma_start3A_2034 = tpu.memref_slice %arg6[%dma_start3A_2029, %dma_start3A_2033] : memref<2x512xi32, #tpu.memory_space<vmem>> -> memref<1x128xi32, #tpu.memory_space<vmem>>
      %dma_start3A_2035 = tpu.memref_squeeze %dma_start3A_2034 : memref<1x128xi32, #tpu.memory_space<vmem>> -> memref<128xi32, #tpu.memory_space<vmem>>
      %dma_start3A_2036 = arith.constant 0 : i32
      %dma_start3A_2037 = arith.constant 0 : i32
      %dma_start3A_2038 = tpu.memref_slice %arg3[%dma_start3A_2036, %dma_start3A_2037] : memref<1000000x32xf32, #tpu.memory_space<hbm>> -> memref<1000000x32xf32, #tpu.memory_space<hbm>>
      tpu.enqueue_indirect_dma source(%dma_start3A_2038 : memref<1000000x32xf32, #tpu.memory_space<hbm>>) target(%dma_start3A_2032 : memref<128x32xf32, #tpu.memory_space<vmem>>) offsets(%dma_start3A_2035 : memref<128xi32, #tpu.memory_space<vmem>>) semaphore(%arg12 : memref<!tpu.dma_semaphore, #tpu.memory_space<semaphore_mem>>)
      %dma_wait3A_2039 = arith.constant 0 : i32
      %dma_wait3A_2040 = arith.constant 0 : i32
      %dma_wait3A_2041 = arith.constant 0 : i32
      %dma_wait3A_2042 = tpu.memref_slice %arg7[%dma_wait3A_2040, %dma_wait3A_2041] : memref<512x32xf32, #tpu.memory_space<vmem>> -> memref<128x32xf32, #tpu.memory_space<vmem>>
      %dma_wait3A_2043 = arith.constant 0 : i32
      %dma_wait3A_2044 = tpu.memref_slice %arg6[%dma_wait3A_2039, %dma_wait3A_2043] : memref<2x512xi32, #tpu.memory_space<vmem>> -> memref<1x128xi32, #tpu.memory_space<vmem>>
      %dma_wait3A_2045 = tpu.memref_squeeze %dma_wait3A_2044 : memref<1x128xi32, #tpu.memory_space<vmem>> -> memref<128xi32, #tpu.memory_space<vmem>>
      %dma_wait3A_2046 = arith.constant 0 : i32
      %dma_wait3A_2047 = arith.constant 0 : i32
      %dma_wait3A_2048 = tpu.memref_slice %arg3[%dma_wait3A_2046, %dma_wait3A_2047] : memref<1000000x32xf32, #tpu.memory_space<hbm>> -> memref<1000000x32xf32, #tpu.memory_space<hbm>>
      tpu.wait_indirect_dma semaphore(%arg11 : memref<!tpu.dma_semaphore, #tpu.memory_space<semaphore_mem>>) src(%dma_wait3A_2048 : memref<1000000x32xf32, #tpu.memory_space<hbm>>) dst(%dma_wait3A_2042 : memref<128x32xf32, #tpu.memory_space<vmem>>)
      %dma_wait3A_2049 = arith.constant 0 : i32
      %dma_wait3A_2050 = arith.constant 128 : i32
      %dma_wait3A_2051 = arith.constant 0 : i32
      %dma_wait3A_2052 = tpu.memref_slice %arg7[%dma_wait3A_2050, %dma_wait3A_2051] : memref<512x32xf32, #tpu.memory_space<vmem>> -> memref<128x32xf32, #tpu.memory_space<vmem>>
      %dma_wait3A_2053 = arith.constant 128 : i32
      %dma_wait3A_2054 = tpu.memref_slice %arg6[%dma_wait3A_2049, %dma_wait3A_2053] : memref<2x512xi32, #tpu.memory_space<vmem>> -> memref<1x128xi32, #tpu.memory_space<vmem>>
      %dma_wait3A_2055 = tpu.memref_squeeze %dma_wait3A_2054 : memref<1x128xi32, #tpu.memory_space<vmem>> -> memref<128xi32, #tpu.memory_space<vmem>>
      %dma_wait3A_2056 = arith.constant 0 : i32
      %dma_wait3A_2057 = arith.constant 0 : i32
      %dma_wait3A_2058 = tpu.memref_slice %arg3[%dma_wait3A_2056, %dma_wait3A_2057] : memref<1000000x32xf32, #tpu.memory_space<hbm>> -> memref<1000000x32xf32, #tpu.memory_space<hbm>>
      tpu.wait_indirect_dma semaphore(%arg11 : memref<!tpu.dma_semaphore, #tpu.memory_space<semaphore_mem>>) src(%dma_wait3A_2058 : memref<1000000x32xf32, #tpu.memory_space<hbm>>) dst(%dma_wait3A_2052 : memref<128x32xf32, #tpu.memory_space<vmem>>)
      %dma_wait3A_2059 = arith.constant 0 : i32
      %dma_wait3A_2060 = arith.constant 256 : i32
      %dma_wait3A_2061 = arith.constant 0 : i32
      %dma_wait3A_2062 = tpu.memref_slice %arg7[%dma_wait3A_2060, %dma_wait3A_2061] : memref<512x32xf32, #tpu.memory_space<vmem>> -> memref<128x32xf32, #tpu.memory_space<vmem>>
      %dma_wait3A_2063 = arith.constant 256 : i32
      %dma_wait3A_2064 = tpu.memref_slice %arg6[%dma_wait3A_2059, %dma_wait3A_2063] : memref<2x512xi32, #tpu.memory_space<vmem>> -> memref<1x128xi32, #tpu.memory_space<vmem>>
      %dma_wait3A_2065 = tpu.memref_squeeze %dma_wait3A_2064 : memref<1x128xi32, #tpu.memory_space<vmem>> -> memref<128xi32, #tpu.memory_space<vmem>>
      %dma_wait3A_2066 = arith.constant 0 : i32
      %dma_wait3A_2067 = arith.constant 0 : i32
      %dma_wait3A_2068 = tpu.memref_slice %arg3[%dma_wait3A_2066, %dma_wait3A_2067] : memref<1000000x32xf32, #tpu.memory_space<hbm>> -> memref<1000000x32xf32, #tpu.memory_space<hbm>>
      tpu.wait_indirect_dma semaphore(%arg11 : memref<!tpu.dma_semaphore, #tpu.memory_space<semaphore_mem>>) src(%dma_wait3A_2068 : memref<1000000x32xf32, #tpu.memory_space<hbm>>) dst(%dma_wait3A_2062 : memref<128x32xf32, #tpu.memory_space<vmem>>)
      %dma_wait3A_2069 = arith.constant 0 : i32
      %dma_wait3A_2070 = arith.constant 384 : i32
      %dma_wait3A_2071 = arith.constant 0 : i32
      %dma_wait3A_2072 = tpu.memref_slice %arg7[%dma_wait3A_2070, %dma_wait3A_2071] : memref<512x32xf32, #tpu.memory_space<vmem>> -> memref<128x32xf32, #tpu.memory_space<vmem>>
      %dma_wait3A_2073 = arith.constant 384 : i32
      %dma_wait3A_2074 = tpu.memref_slice %arg6[%dma_wait3A_2069, %dma_wait3A_2073] : memref<2x512xi32, #tpu.memory_space<vmem>> -> memref<1x128xi32, #tpu.memory_space<vmem>>
      %dma_wait3A_2075 = tpu.memref_squeeze %dma_wait3A_2074 : memref<1x128xi32, #tpu.memory_space<vmem>> -> memref<128xi32, #tpu.memory_space<vmem>>
      %dma_wait3A_2076 = arith.constant 0 : i32
      %dma_wait3A_2077 = arith.constant 0 : i32
      %dma_wait3A_2078 = tpu.memref_slice %arg3[%dma_wait3A_2076, %dma_wait3A_2077] : memref<1000000x32xf32, #tpu.memory_space<hbm>> -> memref<1000000x32xf32, #tpu.memory_space<hbm>>
      tpu.wait_indirect_dma semaphore(%arg11 : memref<!tpu.dma_semaphore, #tpu.memory_space<semaphore_mem>>) src(%dma_wait3A_2078 : memref<1000000x32xf32, #tpu.memory_space<hbm>>) dst(%dma_wait3A_2072 : memref<128x32xf32, #tpu.memory_space<vmem>>)
      %mul3A_2079 = arith.constant 512 : i32
      %mul3A_2080 = arith.muli %mul3A_1393, %mul3A_2079 : i32
      %add3A_2081 = arith.addi %mul3A_2, %mul3A_2080 : i32
      %dma_start3A_2082 = arith.constant 0 : i32
      %dma_start3A_2083 = tpu.memref_slice %arg4[%add3A_2081, %dma_start3A_2082] : memref<819200x32xf32, #tpu.memory_space<hbm>> -> memref<512x32xf32, #tpu.memory_space<hbm>>
      %dma_start3A_2084 = arith.constant 0 : i32
      %dma_start3A_2085 = tpu.memref_slice %arg4[%add3A_2081, %dma_start3A_2084] : memref<819200x32xf32, #tpu.memory_space<hbm>> -> memref<512x32xf32, #tpu.memory_space<hbm>>
      tpu.enqueue_dma source(%arg7 : memref<512x32xf32, #tpu.memory_space<vmem>>) target(%dma_start3A_2085 : memref<512x32xf32, #tpu.memory_space<hbm>>) target_semaphore(%arg13 : memref<!tpu.dma_semaphore, #tpu.memory_space<semaphore_mem>>)
      %mul3A_2086 = arith.constant 2 : i32
      %mul3A_2087 = arith.muli %mul3A_2086, %scan3A_1391 : i32
      %add3A_2088 = arith.constant 1 : i32
      %add3A_2089 = arith.addi %mul3A_2087, %add3A_2088 : i32
      %dma_wait3A_2090 = arith.constant 0 : i32
      %dma_wait3A_2091 = arith.constant 0 : i32
      %dma_wait3A_2092 = tpu.memref_slice %arg5[%dma_wait3A_2090, %dma_wait3A_2091] : memref<2x512xf32, #tpu.memory_space<vmem>> -> memref<1x512xf32, #tpu.memory_space<vmem>>
      %dma_wait3A_2093 = tpu.memref_squeeze %dma_wait3A_2092 : memref<1x512xf32, #tpu.memory_space<vmem>> -> memref<512xf32, #tpu.memory_space<vmem>>
      %dma_wait3A_2094 = tpu.memref_slice %arg2[%mul3A_2] : memref<819200xf32, #tpu.memory_space<hbm>> -> memref<512xf32, #tpu.memory_space<hbm>>
      %dma_wait3A_2095 = arith.constant 0 : i32
      %dma_wait3A_2096 = tpu.memref_slice %arg5[%dma_wait3A_2090, %dma_wait3A_2095] : memref<2x512xf32, #tpu.memory_space<vmem>> -> memref<1x512xf32, #tpu.memory_space<vmem>>
      %dma_wait3A_2097 = tpu.memref_squeeze %dma_wait3A_2096 : memref<1x512xf32, #tpu.memory_space<vmem>> -> memref<512xf32, #tpu.memory_space<vmem>>
      %dma_wait3A_2098 = tpu.memref_slice %arg2[%mul3A_2] : memref<819200xf32, #tpu.memory_space<hbm>> -> memref<512xf32, #tpu.memory_space<hbm>>
      tpu.wait_dma2 semaphore(%arg9 : memref<!tpu.dma_semaphore, #tpu.memory_space<semaphore_mem>>) src(%dma_wait3A_2098 : memref<512xf32, #tpu.memory_space<hbm>>) dst(%dma_wait3A_2097 : memref<512xf32, #tpu.memory_space<vmem>>)
      %get3A_2099 = arith.constant 0 : i32
      %get3A_2100 = arith.index_cast %get3A_2099 : i32 to index
      %get3A_2101 = arith.constant 0 : index
      %get3A_2102 = tpu.vector_load %arg5[%get3A_2100, %get3A_2101] {strides = array<i32>} : memref<2x512xf32, #tpu.memory_space<vmem>>, vector<1x16xf32>,
      %get3A_2103 = vector.shape_cast %get3A_2102 : vector<1x16xf32> to vector<16xf32>
      %mul3A_2104 = arith.constant 1.000000e+06 : f32
      %mul3A_2105 = vector.broadcast %mul3A_2104 : f32 to vector<16xf32>
      %mul3A_2106 = arith.mulf %get3A_2103, %mul3A_2105 : vector<16xf32>
      %convert_element_type3A_2107 = arith.fptosi %mul3A_2106 : vector<16xf32> to vector<16xi32>
      %min3A_2108 = arith.constant 999999 : i32
      %min3A_2109 = vector.broadcast %min3A_2108 : i32 to vector<16xi32>
      %min3A_2110 = arith.minsi %convert_element_type3A_2107, %min3A_2109 : vector<16xi32>
      %swap3A_2111 = arith.constant 0 : i32
      %swap3A_2112 = arith.index_cast %swap3A_2111 : i32 to index
      %swap3A_2113 = arith.constant 0 : index
      %swap3A_2114 = tpu.vector_load %arg6[%swap3A_2112, %swap3A_2113] {strides = array<i32>} : memref<2x512xi32, #tpu.memory_space<vmem>>, vector<1x16xi32>,
      %swap3A_2115 = vector.shape_cast %swap3A_2114 : vector<1x16xi32> to vector<16xi32>
      %swap3A_2116 = vector.shape_cast %min3A_2110 : vector<16xi32> to vector<1x16xi32>
      tpu.vector_store %arg6[%swap3A_2112, %swap3A_2113], %swap3A_2116 {strides = array<i32>} : memref<2x512xi32, #tpu.memory_space<vmem>>, vector<1x16xi32>,
      %get3A_2117 = arith.constant 0 : i32
      %get3A_2118 = arith.index_cast %get3A_2117 : i32 to index
      %get3A_2119 = arith.constant 16 : index
      %get3A_2120 = tpu.vector_load %arg5[%get3A_2118, %get3A_2119] {strides = array<i32>} : memref<2x512xf32, #tpu.memory_space<vmem>>, vector<1x16xf32>,
      %get3A_2121 = vector.shape_cast %get3A_2120 : vector<1x16xf32> to vector<16xf32>
      %mul3A_2122 = arith.constant 1.000000e+06 : f32
      %mul3A_2123 = vector.broadcast %mul3A_2122 : f32 to vector<16xf32>
      %mul3A_2124 = arith.mulf %get3A_2121, %mul3A_2123 : vector<16xf32>
      %convert_element_type3A_2125 = arith.fptosi %mul3A_2124 : vector<16xf32> to vector<16xi32>
      %min3A_2126 = arith.constant 999999 : i32
      %min3A_2127 = vector.broadcast %min3A_2126 : i32 to vector<16xi32>
      %min3A_2128 = arith.minsi %convert_element_type3A_2125, %min3A_2127 : vector<16xi32>
      %swap3A_2129 = arith.constant 0 : i32
      %swap3A_2130 = arith.index_cast %swap3A_2129 : i32 to index
      %swap3A_2131 = arith.constant 16 : index
      %swap3A_2132 = tpu.vector_load %arg6[%swap3A_2130, %swap3A_2131] {strides = array<i32>} : memref<2x512xi32, #tpu.memory_space<vmem>>, vector<1x16xi32>,
      %swap3A_2133 = vector.shape_cast %swap3A_2132 : vector<1x16xi32> to vector<16xi32>
      %swap3A_2134 = vector.shape_cast %min3A_2128 : vector<16xi32> to vector<1x16xi32>
      tpu.vector_store %arg6[%swap3A_2130, %swap3A_2131], %swap3A_2134 {strides = array<i32>} : memref<2x512xi32, #tpu.memory_space<vmem>>, vector<1x16xi32>,
      %get3A_2135 = arith.constant 0 : i32
      %get3A_2136 = arith.index_cast %get3A_2135 : i32 to index
      %get3A_2137 = arith.constant 32 : index
      %get3A_2138 = tpu.vector_load %arg5[%get3A_2136, %get3A_2137] {strides = array<i32>} : memref<2x512xf32, #tpu.memory_space<vmem>>, vector<1x16xf32>,
      %get3A_2139 = vector.shape_cast %get3A_2138 : vector<1x16xf32> to vector<16xf32>
      %mul3A_2140 = arith.constant 1.000000e+06 : f32
      %mul3A_2141 = vector.broadcast %mul3A_2140 : f32 to vector<16xf32>
      %mul3A_2142 = arith.mulf %get3A_2139, %mul3A_2141 : vector<16xf32>
      %convert_element_type3A_2143 = arith.fptosi %mul3A_2142 : vector<16xf32> to vector<16xi32>
      %min3A_2144 = arith.constant 999999 : i32
      %min3A_2145 = vector.broadcast %min3A_2144 : i32 to vector<16xi32>
      %min3A_2146 = arith.minsi %convert_element_type3A_2143, %min3A_2145 : vector<16xi32>
      %swap3A_2147 = arith.constant 0 : i32
      %swap3A_2148 = arith.index_cast %swap3A_2147 : i32 to index
      %swap3A_2149 = arith.constant 32 : index
      %swap3A_2150 = tpu.vector_load %arg6[%swap3A_2148, %swap3A_2149] {strides = array<i32>} : memref<2x512xi32, #tpu.memory_space<vmem>>, vector<1x16xi32>,
      %swap3A_2151 = vector.shape_cast %swap3A_2150 : vector<1x16xi32> to vector<16xi32>
      %swap3A_2152 = vector.shape_cast %min3A_2146 : vector<16xi32> to vector<1x16xi32>
      tpu.vector_store %arg6[%swap3A_2148, %swap3A_2149], %swap3A_2152 {strides = array<i32>} : memref<2x512xi32, #tpu.memory_space<vmem>>, vector<1x16xi32>,
      %get3A_2153 = arith.constant 0 : i32
      %get3A_2154 = arith.index_cast %get3A_2153 : i32 to index
      %get3A_2155 = arith.constant 48 : index
      %get3A_2156 = tpu.vector_load %arg5[%get3A_2154, %get3A_2155] {strides = array<i32>} : memref<2x512xf32, #tpu.memory_space<vmem>>, vector<1x16xf32>,
      %get3A_2157 = vector.shape_cast %get3A_2156 : vector<1x16xf32> to vector<16xf32>
      %mul3A_2158 = arith.constant 1.000000e+06 : f32
      %mul3A_2159 = vector.broadcast %mul3A_2158 : f32 to vector<16xf32>
      %mul3A_2160 = arith.mulf %get3A_2157, %mul3A_2159 : vector<16xf32>
      %convert_element_type3A_2161 = arith.fptosi %mul3A_2160 : vector<16xf32> to vector<16xi32>
      %min3A_2162 = arith.constant 999999 : i32
      %min3A_2163 = vector.broadcast %min3A_2162 : i32 to vector<16xi32>
      %min3A_2164 = arith.minsi %convert_element_type3A_2161, %min3A_2163 : vector<16xi32>
      %swap3A_2165 = arith.constant 0 : i32
      %swap3A_2166 = arith.index_cast %swap3A_2165 : i32 to index
      %swap3A_2167 = arith.constant 48 : index
      %swap3A_2168 = tpu.vector_load %arg6[%swap3A_2166, %swap3A_2167] {strides = array<i32>} : memref<2x512xi32, #tpu.memory_space<vmem>>, vector<1x16xi32>,
      %swap3A_2169 = vector.shape_cast %swap3A_2168 : vector<1x16xi32> to vector<16xi32>
      %swap3A_2170 = vector.shape_cast %min3A_2164 : vector<16xi32> to vector<1x16xi32>
      tpu.vector_store %arg6[%swap3A_2166, %swap3A_2167], %swap3A_2170 {strides = array<i32>} : memref<2x512xi32, #tpu.memory_space<vmem>>, vector<1x16xi32>,
      %get3A_2171 = arith.constant 0 : i32
      %get3A_2172 = arith.index_cast %get3A_2171 : i32 to index
      %get3A_2173 = arith.constant 64 : index
      %get3A_2174 = tpu.vector_load %arg5[%get3A_2172, %get3A_2173] {strides = array<i32>} : memref<2x512xf32, #tpu.memory_space<vmem>>, vector<1x16xf32>,
      %get3A_2175 = vector.shape_cast %get3A_2174 : vector<1x16xf32> to vector<16xf32>
      %mul3A_2176 = arith.constant 1.000000e+06 : f32
      %mul3A_2177 = vector.broadcast %mul3A_2176 : f32 to vector<16xf32>
      %mul3A_2178 = arith.mulf %get3A_2175, %mul3A_2177 : vector<16xf32>
      %convert_element_type3A_2179 = arith.fptosi %mul3A_2178 : vector<16xf32> to vector<16xi32>
      %min3A_2180 = arith.constant 999999 : i32
      %min3A_2181 = vector.broadcast %min3A_2180 : i32 to vector<16xi32>
      %min3A_2182 = arith.minsi %convert_element_type3A_2179, %min3A_2181 : vector<16xi32>
      %swap3A_2183 = arith.constant 0 : i32
      %swap3A_2184 = arith.index_cast %swap3A_2183 : i32 to index
      %swap3A_2185 = arith.constant 64 : index
      %swap3A_2186 = tpu.vector_load %arg6[%swap3A_2184, %swap3A_2185] {strides = array<i32>} : memref<2x512xi32, #tpu.memory_space<vmem>>, vector<1x16xi32>,
      %swap3A_2187 = vector.shape_cast %swap3A_2186 : vector<1x16xi32> to vector<16xi32>
      %swap3A_2188 = vector.shape_cast %min3A_2182 : vector<16xi32> to vector<1x16xi32>
      tpu.vector_store %arg6[%swap3A_2184, %swap3A_2185], %swap3A_2188 {strides = array<i32>} : memref<2x512xi32, #tpu.memory_space<vmem>>, vector<1x16xi32>,
      %get3A_2189 = arith.constant 0 : i32
      %get3A_2190 = arith.index_cast %get3A_2189 : i32 to index
      %get3A_2191 = arith.constant 80 : index
      %get3A_2192 = tpu.vector_load %arg5[%get3A_2190, %get3A_2191] {strides = array<i32>} : memref<2x512xf32, #tpu.memory_space<vmem>>, vector<1x16xf32>,
      %get3A_2193 = vector.shape_cast %get3A_2192 : vector<1x16xf32> to vector<16xf32>
      %mul3A_2194 = arith.constant 1.000000e+06 : f32
      %mul3A_2195 = vector.broadcast %mul3A_2194 : f32 to vector<16xf32>
      %mul3A_2196 = arith.mulf %get3A_2193, %mul3A_2195 : vector<16xf32>
      %convert_element_type3A_2197 = arith.fptosi %mul3A_2196 : vector<16xf32> to vector<16xi32>
      %min3A_2198 = arith.constant 999999 : i32
      %min3A_2199 = vector.broadcast %min3A_2198 : i32 to vector<16xi32>
      %min3A_2200 = arith.minsi %convert_element_type3A_2197, %min3A_2199 : vector<16xi32>
      %swap3A_2201 = arith.constant 0 : i32
      %swap3A_2202 = arith.index_cast %swap3A_2201 : i32 to index
      %swap3A_2203 = arith.constant 80 : index
      %swap3A_2204 = tpu.vector_load %arg6[%swap3A_2202, %swap3A_2203] {strides = array<i32>} : memref<2x512xi32, #tpu.memory_space<vmem>>, vector<1x16xi32>,
      %swap3A_2205 = vector.shape_cast %swap3A_2204 : vector<1x16xi32> to vector<16xi32>
      %swap3A_2206 = vector.shape_cast %min3A_2200 : vector<16xi32> to vector<1x16xi32>
      tpu.vector_store %arg6[%swap3A_2202, %swap3A_2203], %swap3A_2206 {strides = array<i32>} : memref<2x512xi32, #tpu.memory_space<vmem>>, vector<1x16xi32>,
      %get3A_2207 = arith.constant 0 : i32
      %get3A_2208 = arith.index_cast %get3A_2207 : i32 to index
      %get3A_2209 = arith.constant 96 : index
      %get3A_2210 = tpu.vector_load %arg5[%get3A_2208, %get3A_2209] {strides = array<i32>} : memref<2x512xf32, #tpu.memory_space<vmem>>, vector<1x16xf32>,
      %get3A_2211 = vector.shape_cast %get3A_2210 : vector<1x16xf32> to vector<16xf32>
      %mul3A_2212 = arith.constant 1.000000e+06 : f32
      %mul3A_2213 = vector.broadcast %mul3A_2212 : f32 to vector<16xf32>
      %mul3A_2214 = arith.mulf %get3A_2211, %mul3A_2213 : vector<16xf32>
      %convert_element_type3A_2215 = arith.fptosi %mul3A_2214 : vector<16xf32> to vector<16xi32>
      %min3A_2216 = arith.constant 999999 : i32
      %min3A_2217 = vector.broadcast %min3A_2216 : i32 to vector<16xi32>
      %min3A_2218 = arith.minsi %convert_element_type3A_2215, %min3A_2217 : vector<16xi32>
      %swap3A_2219 = arith.constant 0 : i32
      %swap3A_2220 = arith.index_cast %swap3A_2219 : i32 to index
      %swap3A_2221 = arith.constant 96 : index
      %swap3A_2222 = tpu.vector_load %arg6[%swap3A_2220, %swap3A_2221] {strides = array<i32>} : memref<2x512xi32, #tpu.memory_space<vmem>>, vector<1x16xi32>,
      %swap3A_2223 = vector.shape_cast %swap3A_2222 : vector<1x16xi32> to vector<16xi32>
      %swap3A_2224 = vector.shape_cast %min3A_2218 : vector<16xi32> to vector<1x16xi32>
      tpu.vector_store %arg6[%swap3A_2220, %swap3A_2221], %swap3A_2224 {strides = array<i32>} : memref<2x512xi32, #tpu.memory_space<vmem>>, vector<1x16xi32>,
      %get3A_2225 = arith.constant 0 : i32
      %get3A_2226 = arith.index_cast %get3A_2225 : i32 to index
      %get3A_2227 = arith.constant 112 : index
      %get3A_2228 = tpu.vector_load %arg5[%get3A_2226, %get3A_2227] {strides = array<i32>} : memref<2x512xf32, #tpu.memory_space<vmem>>, vector<1x16xf32>,
      %get3A_2229 = vector.shape_cast %get3A_2228 : vector<1x16xf32> to vector<16xf32>
      %mul3A_2230 = arith.constant 1.000000e+06 : f32
      %mul3A_2231 = vector.broadcast %mul3A_2230 : f32 to vector<16xf32>
      %mul3A_2232 = arith.mulf %get3A_2229, %mul3A_2231 : vector<16xf32>
      %convert_element_type3A_2233 = arith.fptosi %mul3A_2232 : vector<16xf32> to vector<16xi32>
      %min3A_2234 = arith.constant 999999 : i32
      %min3A_2235 = vector.broadcast %min3A_2234 : i32 to vector<16xi32>
      %min3A_2236 = arith.minsi %convert_element_type3A_2233, %min3A_2235 : vector<16xi32>
      %swap3A_2237 = arith.constant 0 : i32
      %swap3A_2238 = arith.index_cast %swap3A_2237 : i32 to index
      %swap3A_2239 = arith.constant 112 : index
      %swap3A_2240 = tpu.vector_load %arg6[%swap3A_2238, %swap3A_2239] {strides = array<i32>} : memref<2x512xi32, #tpu.memory_space<vmem>>, vector<1x16xi32>,
      %swap3A_2241 = vector.shape_cast %swap3A_2240 : vector<1x16xi32> to vector<16xi32>
      %swap3A_2242 = vector.shape_cast %min3A_2236 : vector<16xi32> to vector<1x16xi32>
      tpu.vector_store %arg6[%swap3A_2238, %swap3A_2239], %swap3A_2242 {strides = array<i32>} : memref<2x512xi32, #tpu.memory_space<vmem>>, vector<1x16xi32>,
      %get3A_2243 = arith.constant 0 : i32
      %get3A_2244 = arith.index_cast %get3A_2243 : i32 to index
      %get3A_2245 = arith.constant 128 : index
      %get3A_2246 = tpu.vector_load %arg5[%get3A_2244, %get3A_2245] {strides = array<i32>} : memref<2x512xf32, #tpu.memory_space<vmem>>, vector<1x16xf32>,
      %get3A_2247 = vector.shape_cast %get3A_2246 : vector<1x16xf32> to vector<16xf32>
      %mul3A_2248 = arith.constant 1.000000e+06 : f32
      %mul3A_2249 = vector.broadcast %mul3A_2248 : f32 to vector<16xf32>
      %mul3A_2250 = arith.mulf %get3A_2247, %mul3A_2249 : vector<16xf32>
      %convert_element_type3A_2251 = arith.fptosi %mul3A_2250 : vector<16xf32> to vector<16xi32>
      %min3A_2252 = arith.constant 999999 : i32
      %min3A_2253 = vector.broadcast %min3A_2252 : i32 to vector<16xi32>
      %min3A_2254 = arith.minsi %convert_element_type3A_2251, %min3A_2253 : vector<16xi32>
      %swap3A_2255 = arith.constant 0 : i32
      %swap3A_2256 = arith.index_cast %swap3A_2255 : i32 to index
      %swap3A_2257 = arith.constant 128 : index
      %swap3A_2258 = tpu.vector_load %arg6[%swap3A_2256, %swap3A_2257] {strides = array<i32>} : memref<2x512xi32, #tpu.memory_space<vmem>>, vector<1x16xi32>,
      %swap3A_2259 = vector.shape_cast %swap3A_2258 : vector<1x16xi32> to vector<16xi32>
      %swap3A_2260 = vector.shape_cast %min3A_2254 : vector<16xi32> to vector<1x16xi32>
      tpu.vector_store %arg6[%swap3A_2256, %swap3A_2257], %swap3A_2260 {strides = array<i32>} : memref<2x512xi32, #tpu.memory_space<vmem>>, vector<1x16xi32>,
      %get3A_2261 = arith.constant 0 : i32
      %get3A_2262 = arith.index_cast %get3A_2261 : i32 to index
      %get3A_2263 = arith.constant 144 : index
      %get3A_2264 = tpu.vector_load %arg5[%get3A_2262, %get3A_2263] {strides = array<i32>} : memref<2x512xf32, #tpu.memory_space<vmem>>, vector<1x16xf32>,
      %get3A_2265 = vector.shape_cast %get3A_2264 : vector<1x16xf32> to vector<16xf32>
      %mul3A_2266 = arith.constant 1.000000e+06 : f32
      %mul3A_2267 = vector.broadcast %mul3A_2266 : f32 to vector<16xf32>
      %mul3A_2268 = arith.mulf %get3A_2265, %mul3A_2267 : vector<16xf32>
      %convert_element_type3A_2269 = arith.fptosi %mul3A_2268 : vector<16xf32> to vector<16xi32>
      %min3A_2270 = arith.constant 999999 : i32
      %min3A_2271 = vector.broadcast %min3A_2270 : i32 to vector<16xi32>
      %min3A_2272 = arith.minsi %convert_element_type3A_2269, %min3A_2271 : vector<16xi32>
      %swap3A_2273 = arith.constant 0 : i32
      %swap3A_2274 = arith.index_cast %swap3A_2273 : i32 to index
      %swap3A_2275 = arith.constant 144 : index
      %swap3A_2276 = tpu.vector_load %arg6[%swap3A_2274, %swap3A_2275] {strides = array<i32>} : memref<2x512xi32, #tpu.memory_space<vmem>>, vector<1x16xi32>,
      %swap3A_2277 = vector.shape_cast %swap3A_2276 : vector<1x16xi32> to vector<16xi32>
      %swap3A_2278 = vector.shape_cast %min3A_2272 : vector<16xi32> to vector<1x16xi32>
      tpu.vector_store %arg6[%swap3A_2274, %swap3A_2275], %swap3A_2278 {strides = array<i32>} : memref<2x512xi32, #tpu.memory_space<vmem>>, vector<1x16xi32>,
      %get3A_2279 = arith.constant 0 : i32
      %get3A_2280 = arith.index_cast %get3A_2279 : i32 to index
      %get3A_2281 = arith.constant 160 : index
      %get3A_2282 = tpu.vector_load %arg5[%get3A_2280, %get3A_2281] {strides = array<i32>} : memref<2x512xf32, #tpu.memory_space<vmem>>, vector<1x16xf32>,
      %get3A_2283 = vector.shape_cast %get3A_2282 : vector<1x16xf32> to vector<16xf32>
      %mul3A_2284 = arith.constant 1.000000e+06 : f32
      %mul3A_2285 = vector.broadcast %mul3A_2284 : f32 to vector<16xf32>
      %mul3A_2286 = arith.mulf %get3A_2283, %mul3A_2285 : vector<16xf32>
      %convert_element_type3A_2287 = arith.fptosi %mul3A_2286 : vector<16xf32> to vector<16xi32>
      %min3A_2288 = arith.constant 999999 : i32
      %min3A_2289 = vector.broadcast %min3A_2288 : i32 to vector<16xi32>
      %min3A_2290 = arith.minsi %convert_element_type3A_2287, %min3A_2289 : vector<16xi32>
      %swap3A_2291 = arith.constant 0 : i32
      %swap3A_2292 = arith.index_cast %swap3A_2291 : i32 to index
      %swap3A_2293 = arith.constant 160 : index
      %swap3A_2294 = tpu.vector_load %arg6[%swap3A_2292, %swap3A_2293] {strides = array<i32>} : memref<2x512xi32, #tpu.memory_space<vmem>>, vector<1x16xi32>,
      %swap3A_2295 = vector.shape_cast %swap3A_2294 : vector<1x16xi32> to vector<16xi32>
      %swap3A_2296 = vector.shape_cast %min3A_2290 : vector<16xi32> to vector<1x16xi32>
      tpu.vector_store %arg6[%swap3A_2292, %swap3A_2293], %swap3A_2296 {strides = array<i32>} : memref<2x512xi32, #tpu.memory_space<vmem>>, vector<1x16xi32>,
      %get3A_2297 = arith.constant 0 : i32
      %get3A_2298 = arith.index_cast %get3A_2297 : i32 to index
      %get3A_2299 = arith.constant 176 : index
      %get3A_2300 = tpu.vector_load %arg5[%get3A_2298, %get3A_2299] {strides = array<i32>} : memref<2x512xf32, #tpu.memory_space<vmem>>, vector<1x16xf32>,
      %get3A_2301 = vector.shape_cast %get3A_2300 : vector<1x16xf32> to vector<16xf32>
      %mul3A_2302 = arith.constant 1.000000e+06 : f32
      %mul3A_2303 = vector.broadcast %mul3A_2302 : f32 to vector<16xf32>
      %mul3A_2304 = arith.mulf %get3A_2301, %mul3A_2303 : vector<16xf32>
      %convert_element_type3A_2305 = arith.fptosi %mul3A_2304 : vector<16xf32> to vector<16xi32>
      %min3A_2306 = arith.constant 999999 : i32
      %min3A_2307 = vector.broadcast %min3A_2306 : i32 to vector<16xi32>
      %min3A_2308 = arith.minsi %convert_element_type3A_2305, %min3A_2307 : vector<16xi32>
      %swap3A_2309 = arith.constant 0 : i32
      %swap3A_2310 = arith.index_cast %swap3A_2309 : i32 to index
      %swap3A_2311 = arith.constant 176 : index
      %swap3A_2312 = tpu.vector_load %arg6[%swap3A_2310, %swap3A_2311] {strides = array<i32>} : memref<2x512xi32, #tpu.memory_space<vmem>>, vector<1x16xi32>,
      %swap3A_2313 = vector.shape_cast %swap3A_2312 : vector<1x16xi32> to vector<16xi32>
      %swap3A_2314 = vector.shape_cast %min3A_2308 : vector<16xi32> to vector<1x16xi32>
      tpu.vector_store %arg6[%swap3A_2310, %swap3A_2311], %swap3A_2314 {strides = array<i32>} : memref<2x512xi32, #tpu.memory_space<vmem>>, vector<1x16xi32>,
      %get3A_2315 = arith.constant 0 : i32
      %get3A_2316 = arith.index_cast %get3A_2315 : i32 to index
      %get3A_2317 = arith.constant 192 : index
      %get3A_2318 = tpu.vector_load %arg5[%get3A_2316, %get3A_2317] {strides = array<i32>} : memref<2x512xf32, #tpu.memory_space<vmem>>, vector<1x16xf32>,
      %get3A_2319 = vector.shape_cast %get3A_2318 : vector<1x16xf32> to vector<16xf32>
      %mul3A_2320 = arith.constant 1.000000e+06 : f32
      %mul3A_2321 = vector.broadcast %mul3A_2320 : f32 to vector<16xf32>
      %mul3A_2322 = arith.mulf %get3A_2319, %mul3A_2321 : vector<16xf32>
      %convert_element_type3A_2323 = arith.fptosi %mul3A_2322 : vector<16xf32> to vector<16xi32>
      %min3A_2324 = arith.constant 999999 : i32
      %min3A_2325 = vector.broadcast %min3A_2324 : i32 to vector<16xi32>
      %min3A_2326 = arith.minsi %convert_element_type3A_2323, %min3A_2325 : vector<16xi32>
      %swap3A_2327 = arith.constant 0 : i32
      %swap3A_2328 = arith.index_cast %swap3A_2327 : i32 to index
      %swap3A_2329 = arith.constant 192 : index
      %swap3A_2330 = tpu.vector_load %arg6[%swap3A_2328, %swap3A_2329] {strides = array<i32>} : memref<2x512xi32, #tpu.memory_space<vmem>>, vector<1x16xi32>,
      %swap3A_2331 = vector.shape_cast %swap3A_2330 : vector<1x16xi32> to vector<16xi32>
      %swap3A_2332 = vector.shape_cast %min3A_2326 : vector<16xi32> to vector<1x16xi32>
      tpu.vector_store %arg6[%swap3A_2328, %swap3A_2329], %swap3A_2332 {strides = array<i32>} : memref<2x512xi32, #tpu.memory_space<vmem>>, vector<1x16xi32>,
      %get3A_2333 = arith.constant 0 : i32
      %get3A_2334 = arith.index_cast %get3A_2333 : i32 to index
      %get3A_2335 = arith.constant 208 : index
      %get3A_2336 = tpu.vector_load %arg5[%get3A_2334, %get3A_2335] {strides = array<i32>} : memref<2x512xf32, #tpu.memory_space<vmem>>, vector<1x16xf32>,
      %get3A_2337 = vector.shape_cast %get3A_2336 : vector<1x16xf32> to vector<16xf32>
      %mul3A_2338 = arith.constant 1.000000e+06 : f32
      %mul3A_2339 = vector.broadcast %mul3A_2338 : f32 to vector<16xf32>
      %mul3A_2340 = arith.mulf %get3A_2337, %mul3A_2339 : vector<16xf32>
      %convert_element_type3A_2341 = arith.fptosi %mul3A_2340 : vector<16xf32> to vector<16xi32>
      %min3A_2342 = arith.constant 999999 : i32
      %min3A_2343 = vector.broadcast %min3A_2342 : i32 to vector<16xi32>
      %min3A_2344 = arith.minsi %convert_element_type3A_2341, %min3A_2343 : vector<16xi32>
      %swap3A_2345 = arith.constant 0 : i32
      %swap3A_2346 = arith.index_cast %swap3A_2345 : i32 to index
      %swap3A_2347 = arith.constant 208 : index
      %swap3A_2348 = tpu.vector_load %arg6[%swap3A_2346, %swap3A_2347] {strides = array<i32>} : memref<2x512xi32, #tpu.memory_space<vmem>>, vector<1x16xi32>,
      %swap3A_2349 = vector.shape_cast %swap3A_2348 : vector<1x16xi32> to vector<16xi32>
      %swap3A_2350 = vector.shape_cast %min3A_2344 : vector<16xi32> to vector<1x16xi32>
      tpu.vector_store %arg6[%swap3A_2346, %swap3A_2347], %swap3A_2350 {strides = array<i32>} : memref<2x512xi32, #tpu.memory_space<vmem>>, vector<1x16xi32>,
      %get3A_2351 = arith.constant 0 : i32
      %get3A_2352 = arith.index_cast %get3A_2351 : i32 to index
      %get3A_2353 = arith.constant 224 : index
      %get3A_2354 = tpu.vector_load %arg5[%get3A_2352, %get3A_2353] {strides = array<i32>} : memref<2x512xf32, #tpu.memory_space<vmem>>, vector<1x16xf32>,
      %get3A_2355 = vector.shape_cast %get3A_2354 : vector<1x16xf32> to vector<16xf32>
      %mul3A_2356 = arith.constant 1.000000e+06 : f32
      %mul3A_2357 = vector.broadcast %mul3A_2356 : f32 to vector<16xf32>
      %mul3A_2358 = arith.mulf %get3A_2355, %mul3A_2357 : vector<16xf32>
      %convert_element_type3A_2359 = arith.fptosi %mul3A_2358 : vector<16xf32> to vector<16xi32>
      %min3A_2360 = arith.constant 999999 : i32
      %min3A_2361 = vector.broadcast %min3A_2360 : i32 to vector<16xi32>
      %min3A_2362 = arith.minsi %convert_element_type3A_2359, %min3A_2361 : vector<16xi32>
      %swap3A_2363 = arith.constant 0 : i32
      %swap3A_2364 = arith.index_cast %swap3A_2363 : i32 to index
      %swap3A_2365 = arith.constant 224 : index
      %swap3A_2366 = tpu.vector_load %arg6[%swap3A_2364, %swap3A_2365] {strides = array<i32>} : memref<2x512xi32, #tpu.memory_space<vmem>>, vector<1x16xi32>,
      %swap3A_2367 = vector.shape_cast %swap3A_2366 : vector<1x16xi32> to vector<16xi32>
      %swap3A_2368 = vector.shape_cast %min3A_2362 : vector<16xi32> to vector<1x16xi32>
      tpu.vector_store %arg6[%swap3A_2364, %swap3A_2365], %swap3A_2368 {strides = array<i32>} : memref<2x512xi32, #tpu.memory_space<vmem>>, vector<1x16xi32>,
      %get3A_2369 = arith.constant 0 : i32
      %get3A_2370 = arith.index_cast %get3A_2369 : i32 to index
      %get3A_2371 = arith.constant 240 : index
      %get3A_2372 = tpu.vector_load %arg5[%get3A_2370, %get3A_2371] {strides = array<i32>} : memref<2x512xf32, #tpu.memory_space<vmem>>, vector<1x16xf32>,
      %get3A_2373 = vector.shape_cast %get3A_2372 : vector<1x16xf32> to vector<16xf32>
      %mul3A_2374 = arith.constant 1.000000e+06 : f32
      %mul3A_2375 = vector.broadcast %mul3A_2374 : f32 to vector<16xf32>
      %mul3A_2376 = arith.mulf %get3A_2373, %mul3A_2375 : vector<16xf32>
      %convert_element_type3A_2377 = arith.fptosi %mul3A_2376 : vector<16xf32> to vector<16xi32>
      %min3A_2378 = arith.constant 999999 : i32
      %min3A_2379 = vector.broadcast %min3A_2378 : i32 to vector<16xi32>
      %min3A_2380 = arith.minsi %convert_element_type3A_2377, %min3A_2379 : vector<16xi32>
      %swap3A_2381 = arith.constant 0 : i32
      %swap3A_2382 = arith.index_cast %swap3A_2381 : i32 to index
      %swap3A_2383 = arith.constant 240 : index
      %swap3A_2384 = tpu.vector_load %arg6[%swap3A_2382, %swap3A_2383] {strides = array<i32>} : memref<2x512xi32, #tpu.memory_space<vmem>>, vector<1x16xi32>,
      %swap3A_2385 = vector.shape_cast %swap3A_2384 : vector<1x16xi32> to vector<16xi32>
      %swap3A_2386 = vector.shape_cast %min3A_2380 : vector<16xi32> to vector<1x16xi32>
      tpu.vector_store %arg6[%swap3A_2382, %swap3A_2383], %swap3A_2386 {strides = array<i32>} : memref<2x512xi32, #tpu.memory_space<vmem>>, vector<1x16xi32>,
      %get3A_2387 = arith.constant 0 : i32
      %get3A_2388 = arith.index_cast %get3A_2387 : i32 to index
      %get3A_2389 = arith.constant 256 : index
      %get3A_2390 = tpu.vector_load %arg5[%get3A_2388, %get3A_2389] {strides = array<i32>} : memref<2x512xf32, #tpu.memory_space<vmem>>, vector<1x16xf32>,
      %get3A_2391 = vector.shape_cast %get3A_2390 : vector<1x16xf32> to vector<16xf32>
      %mul3A_2392 = arith.constant 1.000000e+06 : f32
      %mul3A_2393 = vector.broadcast %mul3A_2392 : f32 to vector<16xf32>
      %mul3A_2394 = arith.mulf %get3A_2391, %mul3A_2393 : vector<16xf32>
      %convert_element_type3A_2395 = arith.fptosi %mul3A_2394 : vector<16xf32> to vector<16xi32>
      %min3A_2396 = arith.constant 999999 : i32
      %min3A_2397 = vector.broadcast %min3A_2396 : i32 to vector<16xi32>
      %min3A_2398 = arith.minsi %convert_element_type3A_2395, %min3A_2397 : vector<16xi32>
      %swap3A_2399 = arith.constant 0 : i32
      %swap3A_2400 = arith.index_cast %swap3A_2399 : i32 to index
      %swap3A_2401 = arith.constant 256 : index
      %swap3A_2402 = tpu.vector_load %arg6[%swap3A_2400, %swap3A_2401] {strides = array<i32>} : memref<2x512xi32, #tpu.memory_space<vmem>>, vector<1x16xi32>,
      %swap3A_2403 = vector.shape_cast %swap3A_2402 : vector<1x16xi32> to vector<16xi32>
      %swap3A_2404 = vector.shape_cast %min3A_2398 : vector<16xi32> to vector<1x16xi32>
      tpu.vector_store %arg6[%swap3A_2400, %swap3A_2401], %swap3A_2404 {strides = array<i32>} : memref<2x512xi32, #tpu.memory_space<vmem>>, vector<1x16xi32>,
      %get3A_2405 = arith.constant 0 : i32
      %get3A_2406 = arith.index_cast %get3A_2405 : i32 to index
      %get3A_2407 = arith.constant 272 : index
      %get3A_2408 = tpu.vector_load %arg5[%get3A_2406, %get3A_2407] {strides = array<i32>} : memref<2x512xf32, #tpu.memory_space<vmem>>, vector<1x16xf32>,
      %get3A_2409 = vector.shape_cast %get3A_2408 : vector<1x16xf32> to vector<16xf32>
      %mul3A_2410 = arith.constant 1.000000e+06 : f32
      %mul3A_2411 = vector.broadcast %mul3A_2410 : f32 to vector<16xf32>
      %mul3A_2412 = arith.mulf %get3A_2409, %mul3A_2411 : vector<16xf32>
      %convert_element_type3A_2413 = arith.fptosi %mul3A_2412 : vector<16xf32> to vector<16xi32>
      %min3A_2414 = arith.constant 999999 : i32
      %min3A_2415 = vector.broadcast %min3A_2414 : i32 to vector<16xi32>
      %min3A_2416 = arith.minsi %convert_element_type3A_2413, %min3A_2415 : vector<16xi32>
      %swap3A_2417 = arith.constant 0 : i32
      %swap3A_2418 = arith.index_cast %swap3A_2417 : i32 to index
      %swap3A_2419 = arith.constant 272 : index
      %swap3A_2420 = tpu.vector_load %arg6[%swap3A_2418, %swap3A_2419] {strides = array<i32>} : memref<2x512xi32, #tpu.memory_space<vmem>>, vector<1x16xi32>,
      %swap3A_2421 = vector.shape_cast %swap3A_2420 : vector<1x16xi32> to vector<16xi32>
      %swap3A_2422 = vector.shape_cast %min3A_2416 : vector<16xi32> to vector<1x16xi32>
      tpu.vector_store %arg6[%swap3A_2418, %swap3A_2419], %swap3A_2422 {strides = array<i32>} : memref<2x512xi32, #tpu.memory_space<vmem>>, vector<1x16xi32>,
      %get3A_2423 = arith.constant 0 : i32
      %get3A_2424 = arith.index_cast %get3A_2423 : i32 to index
      %get3A_2425 = arith.constant 288 : index
      %get3A_2426 = tpu.vector_load %arg5[%get3A_2424, %get3A_2425] {strides = array<i32>} : memref<2x512xf32, #tpu.memory_space<vmem>>, vector<1x16xf32>,
      %get3A_2427 = vector.shape_cast %get3A_2426 : vector<1x16xf32> to vector<16xf32>
      %mul3A_2428 = arith.constant 1.000000e+06 : f32
      %mul3A_2429 = vector.broadcast %mul3A_2428 : f32 to vector<16xf32>
      %mul3A_2430 = arith.mulf %get3A_2427, %mul3A_2429 : vector<16xf32>
      %convert_element_type3A_2431 = arith.fptosi %mul3A_2430 : vector<16xf32> to vector<16xi32>
      %min3A_2432 = arith.constant 999999 : i32
      %min3A_2433 = vector.broadcast %min3A_2432 : i32 to vector<16xi32>
      %min3A_2434 = arith.minsi %convert_element_type3A_2431, %min3A_2433 : vector<16xi32>
      %swap3A_2435 = arith.constant 0 : i32
      %swap3A_2436 = arith.index_cast %swap3A_2435 : i32 to index
      %swap3A_2437 = arith.constant 288 : index
      %swap3A_2438 = tpu.vector_load %arg6[%swap3A_2436, %swap3A_2437] {strides = array<i32>} : memref<2x512xi32, #tpu.memory_space<vmem>>, vector<1x16xi32>,
      %swap3A_2439 = vector.shape_cast %swap3A_2438 : vector<1x16xi32> to vector<16xi32>
      %swap3A_2440 = vector.shape_cast %min3A_2434 : vector<16xi32> to vector<1x16xi32>
      tpu.vector_store %arg6[%swap3A_2436, %swap3A_2437], %swap3A_2440 {strides = array<i32>} : memref<2x512xi32, #tpu.memory_space<vmem>>, vector<1x16xi32>,
      %get3A_2441 = arith.constant 0 : i32
      %get3A_2442 = arith.index_cast %get3A_2441 : i32 to index
      %get3A_2443 = arith.constant 304 : index
      %get3A_2444 = tpu.vector_load %arg5[%get3A_2442, %get3A_2443] {strides = array<i32>} : memref<2x512xf32, #tpu.memory_space<vmem>>, vector<1x16xf32>,
      %get3A_2445 = vector.shape_cast %get3A_2444 : vector<1x16xf32> to vector<16xf32>
      %mul3A_2446 = arith.constant 1.000000e+06 : f32
      %mul3A_2447 = vector.broadcast %mul3A_2446 : f32 to vector<16xf32>
      %mul3A_2448 = arith.mulf %get3A_2445, %mul3A_2447 : vector<16xf32>
      %convert_element_type3A_2449 = arith.fptosi %mul3A_2448 : vector<16xf32> to vector<16xi32>
      %min3A_2450 = arith.constant 999999 : i32
      %min3A_2451 = vector.broadcast %min3A_2450 : i32 to vector<16xi32>
      %min3A_2452 = arith.minsi %convert_element_type3A_2449, %min3A_2451 : vector<16xi32>
      %swap3A_2453 = arith.constant 0 : i32
      %swap3A_2454 = arith.index_cast %swap3A_2453 : i32 to index
      %swap3A_2455 = arith.constant 304 : index
      %swap3A_2456 = tpu.vector_load %arg6[%swap3A_2454, %swap3A_2455] {strides = array<i32>} : memref<2x512xi32, #tpu.memory_space<vmem>>, vector<1x16xi32>,
      %swap3A_2457 = vector.shape_cast %swap3A_2456 : vector<1x16xi32> to vector<16xi32>
      %swap3A_2458 = vector.shape_cast %min3A_2452 : vector<16xi32> to vector<1x16xi32>
      tpu.vector_store %arg6[%swap3A_2454, %swap3A_2455], %swap3A_2458 {strides = array<i32>} : memref<2x512xi32, #tpu.memory_space<vmem>>, vector<1x16xi32>,
      %get3A_2459 = arith.constant 0 : i32
      %get3A_2460 = arith.index_cast %get3A_2459 : i32 to index
      %get3A_2461 = arith.constant 320 : index
      %get3A_2462 = tpu.vector_load %arg5[%get3A_2460, %get3A_2461] {strides = array<i32>} : memref<2x512xf32, #tpu.memory_space<vmem>>, vector<1x16xf32>,
      %get3A_2463 = vector.shape_cast %get3A_2462 : vector<1x16xf32> to vector<16xf32>
      %mul3A_2464 = arith.constant 1.000000e+06 : f32
      %mul3A_2465 = vector.broadcast %mul3A_2464 : f32 to vector<16xf32>
      %mul3A_2466 = arith.mulf %get3A_2463, %mul3A_2465 : vector<16xf32>
      %convert_element_type3A_2467 = arith.fptosi %mul3A_2466 : vector<16xf32> to vector<16xi32>
      %min3A_2468 = arith.constant 999999 : i32
      %min3A_2469 = vector.broadcast %min3A_2468 : i32 to vector<16xi32>
      %min3A_2470 = arith.minsi %convert_element_type3A_2467, %min3A_2469 : vector<16xi32>
      %swap3A_2471 = arith.constant 0 : i32
      %swap3A_2472 = arith.index_cast %swap3A_2471 : i32 to index
      %swap3A_2473 = arith.constant 320 : index
      %swap3A_2474 = tpu.vector_load %arg6[%swap3A_2472, %swap3A_2473] {strides = array<i32>} : memref<2x512xi32, #tpu.memory_space<vmem>>, vector<1x16xi32>,
      %swap3A_2475 = vector.shape_cast %swap3A_2474 : vector<1x16xi32> to vector<16xi32>
      %swap3A_2476 = vector.shape_cast %min3A_2470 : vector<16xi32> to vector<1x16xi32>
      tpu.vector_store %arg6[%swap3A_2472, %swap3A_2473], %swap3A_2476 {strides = array<i32>} : memref<2x512xi32, #tpu.memory_space<vmem>>, vector<1x16xi32>,
      %get3A_2477 = arith.constant 0 : i32
      %get3A_2478 = arith.index_cast %get3A_2477 : i32 to index
      %get3A_2479 = arith.constant 336 : index
      %get3A_2480 = tpu.vector_load %arg5[%get3A_2478, %get3A_2479] {strides = array<i32>} : memref<2x512xf32, #tpu.memory_space<vmem>>, vector<1x16xf32>,
      %get3A_2481 = vector.shape_cast %get3A_2480 : vector<1x16xf32> to vector<16xf32>
      %mul3A_2482 = arith.constant 1.000000e+06 : f32
      %mul3A_2483 = vector.broadcast %mul3A_2482 : f32 to vector<16xf32>
      %mul3A_2484 = arith.mulf %get3A_2481, %mul3A_2483 : vector<16xf32>
      %convert_element_type3A_2485 = arith.fptosi %mul3A_2484 : vector<16xf32> to vector<16xi32>
      %min3A_2486 = arith.constant 999999 : i32
      %min3A_2487 = vector.broadcast %min3A_2486 : i32 to vector<16xi32>
      %min3A_2488 = arith.minsi %convert_element_type3A_2485, %min3A_2487 : vector<16xi32>
      %swap3A_2489 = arith.constant 0 : i32
      %swap3A_2490 = arith.index_cast %swap3A_2489 : i32 to index
      %swap3A_2491 = arith.constant 336 : index
      %swap3A_2492 = tpu.vector_load %arg6[%swap3A_2490, %swap3A_2491] {strides = array<i32>} : memref<2x512xi32, #tpu.memory_space<vmem>>, vector<1x16xi32>,
      %swap3A_2493 = vector.shape_cast %swap3A_2492 : vector<1x16xi32> to vector<16xi32>
      %swap3A_2494 = vector.shape_cast %min3A_2488 : vector<16xi32> to vector<1x16xi32>
      tpu.vector_store %arg6[%swap3A_2490, %swap3A_2491], %swap3A_2494 {strides = array<i32>} : memref<2x512xi32, #tpu.memory_space<vmem>>, vector<1x16xi32>,
      %get3A_2495 = arith.constant 0 : i32
      %get3A_2496 = arith.index_cast %get3A_2495 : i32 to index
      %get3A_2497 = arith.constant 352 : index
      %get3A_2498 = tpu.vector_load %arg5[%get3A_2496, %get3A_2497] {strides = array<i32>} : memref<2x512xf32, #tpu.memory_space<vmem>>, vector<1x16xf32>,
      %get3A_2499 = vector.shape_cast %get3A_2498 : vector<1x16xf32> to vector<16xf32>
      %mul3A_2500 = arith.constant 1.000000e+06 : f32
      %mul3A_2501 = vector.broadcast %mul3A_2500 : f32 to vector<16xf32>
      %mul3A_2502 = arith.mulf %get3A_2499, %mul3A_2501 : vector<16xf32>
      %convert_element_type3A_2503 = arith.fptosi %mul3A_2502 : vector<16xf32> to vector<16xi32>
      %min3A_2504 = arith.constant 999999 : i32
      %min3A_2505 = vector.broadcast %min3A_2504 : i32 to vector<16xi32>
      %min3A_2506 = arith.minsi %convert_element_type3A_2503, %min3A_2505 : vector<16xi32>
      %swap3A_2507 = arith.constant 0 : i32
      %swap3A_2508 = arith.index_cast %swap3A_2507 : i32 to index
      %swap3A_2509 = arith.constant 352 : index
      %swap3A_2510 = tpu.vector_load %arg6[%swap3A_2508, %swap3A_2509] {strides = array<i32>} : memref<2x512xi32, #tpu.memory_space<vmem>>, vector<1x16xi32>,
      %swap3A_2511 = vector.shape_cast %swap3A_2510 : vector<1x16xi32> to vector<16xi32>
      %swap3A_2512 = vector.shape_cast %min3A_2506 : vector<16xi32> to vector<1x16xi32>
      tpu.vector_store %arg6[%swap3A_2508, %swap3A_2509], %swap3A_2512 {strides = array<i32>} : memref<2x512xi32, #tpu.memory_space<vmem>>, vector<1x16xi32>,
      %get3A_2513 = arith.constant 0 : i32
      %get3A_2514 = arith.index_cast %get3A_2513 : i32 to index
      %get3A_2515 = arith.constant 368 : index
      %get3A_2516 = tpu.vector_load %arg5[%get3A_2514, %get3A_2515] {strides = array<i32>} : memref<2x512xf32, #tpu.memory_space<vmem>>, vector<1x16xf32>,
      %get3A_2517 = vector.shape_cast %get3A_2516 : vector<1x16xf32> to vector<16xf32>
      %mul3A_2518 = arith.constant 1.000000e+06 : f32
      %mul3A_2519 = vector.broadcast %mul3A_2518 : f32 to vector<16xf32>
      %mul3A_2520 = arith.mulf %get3A_2517, %mul3A_2519 : vector<16xf32>
      %convert_element_type3A_2521 = arith.fptosi %mul3A_2520 : vector<16xf32> to vector<16xi32>
      %min3A_2522 = arith.constant 999999 : i32
      %min3A_2523 = vector.broadcast %min3A_2522 : i32 to vector<16xi32>
      %min3A_2524 = arith.minsi %convert_element_type3A_2521, %min3A_2523 : vector<16xi32>
      %swap3A_2525 = arith.constant 0 : i32
      %swap3A_2526 = arith.index_cast %swap3A_2525 : i32 to index
      %swap3A_2527 = arith.constant 368 : index
      %swap3A_2528 = tpu.vector_load %arg6[%swap3A_2526, %swap3A_2527] {strides = array<i32>} : memref<2x512xi32, #tpu.memory_space<vmem>>, vector<1x16xi32>,
      %swap3A_2529 = vector.shape_cast %swap3A_2528 : vector<1x16xi32> to vector<16xi32>
      %swap3A_2530 = vector.shape_cast %min3A_2524 : vector<16xi32> to vector<1x16xi32>
      tpu.vector_store %arg6[%swap3A_2526, %swap3A_2527], %swap3A_2530 {strides = array<i32>} : memref<2x512xi32, #tpu.memory_space<vmem>>, vector<1x16xi32>,
      %get3A_2531 = arith.constant 0 : i32
      %get3A_2532 = arith.index_cast %get3A_2531 : i32 to index
      %get3A_2533 = arith.constant 384 : index
      %get3A_2534 = tpu.vector_load %arg5[%get3A_2532, %get3A_2533] {strides = array<i32>} : memref<2x512xf32, #tpu.memory_space<vmem>>, vector<1x16xf32>,
      %get3A_2535 = vector.shape_cast %get3A_2534 : vector<1x16xf32> to vector<16xf32>
      %mul3A_2536 = arith.constant 1.000000e+06 : f32
      %mul3A_2537 = vector.broadcast %mul3A_2536 : f32 to vector<16xf32>
      %mul3A_2538 = arith.mulf %get3A_2535, %mul3A_2537 : vector<16xf32>
      %convert_element_type3A_2539 = arith.fptosi %mul3A_2538 : vector<16xf32> to vector<16xi32>
      %min3A_2540 = arith.constant 999999 : i32
      %min3A_2541 = vector.broadcast %min3A_2540 : i32 to vector<16xi32>
      %min3A_2542 = arith.minsi %convert_element_type3A_2539, %min3A_2541 : vector<16xi32>
      %swap3A_2543 = arith.constant 0 : i32
      %swap3A_2544 = arith.index_cast %swap3A_2543 : i32 to index
      %swap3A_2545 = arith.constant 384 : index
      %swap3A_2546 = tpu.vector_load %arg6[%swap3A_2544, %swap3A_2545] {strides = array<i32>} : memref<2x512xi32, #tpu.memory_space<vmem>>, vector<1x16xi32>,
      %swap3A_2547 = vector.shape_cast %swap3A_2546 : vector<1x16xi32> to vector<16xi32>
      %swap3A_2548 = vector.shape_cast %min3A_2542 : vector<16xi32> to vector<1x16xi32>
      tpu.vector_store %arg6[%swap3A_2544, %swap3A_2545], %swap3A_2548 {strides = array<i32>} : memref<2x512xi32, #tpu.memory_space<vmem>>, vector<1x16xi32>,
      %get3A_2549 = arith.constant 0 : i32
      %get3A_2550 = arith.index_cast %get3A_2549 : i32 to index
      %get3A_2551 = arith.constant 400 : index
      %get3A_2552 = tpu.vector_load %arg5[%get3A_2550, %get3A_2551] {strides = array<i32>} : memref<2x512xf32, #tpu.memory_space<vmem>>, vector<1x16xf32>,
      %get3A_2553 = vector.shape_cast %get3A_2552 : vector<1x16xf32> to vector<16xf32>
      %mul3A_2554 = arith.constant 1.000000e+06 : f32
      %mul3A_2555 = vector.broadcast %mul3A_2554 : f32 to vector<16xf32>
      %mul3A_2556 = arith.mulf %get3A_2553, %mul3A_2555 : vector<16xf32>
      %convert_element_type3A_2557 = arith.fptosi %mul3A_2556 : vector<16xf32> to vector<16xi32>
      %min3A_2558 = arith.constant 999999 : i32
      %min3A_2559 = vector.broadcast %min3A_2558 : i32 to vector<16xi32>
      %min3A_2560 = arith.minsi %convert_element_type3A_2557, %min3A_2559 : vector<16xi32>
      %swap3A_2561 = arith.constant 0 : i32
      %swap3A_2562 = arith.index_cast %swap3A_2561 : i32 to index
      %swap3A_2563 = arith.constant 400 : index
      %swap3A_2564 = tpu.vector_load %arg6[%swap3A_2562, %swap3A_2563] {strides = array<i32>} : memref<2x512xi32, #tpu.memory_space<vmem>>, vector<1x16xi32>,
      %swap3A_2565 = vector.shape_cast %swap3A_2564 : vector<1x16xi32> to vector<16xi32>
      %swap3A_2566 = vector.shape_cast %min3A_2560 : vector<16xi32> to vector<1x16xi32>
      tpu.vector_store %arg6[%swap3A_2562, %swap3A_2563], %swap3A_2566 {strides = array<i32>} : memref<2x512xi32, #tpu.memory_space<vmem>>, vector<1x16xi32>,
      %get3A_2567 = arith.constant 0 : i32
      %get3A_2568 = arith.index_cast %get3A_2567 : i32 to index
      %get3A_2569 = arith.constant 416 : index
      %get3A_2570 = tpu.vector_load %arg5[%get3A_2568, %get3A_2569] {strides = array<i32>} : memref<2x512xf32, #tpu.memory_space<vmem>>, vector<1x16xf32>,
      %get3A_2571 = vector.shape_cast %get3A_2570 : vector<1x16xf32> to vector<16xf32>
      %mul3A_2572 = arith.constant 1.000000e+06 : f32
      %mul3A_2573 = vector.broadcast %mul3A_2572 : f32 to vector<16xf32>
      %mul3A_2574 = arith.mulf %get3A_2571, %mul3A_2573 : vector<16xf32>
      %convert_element_type3A_2575 = arith.fptosi %mul3A_2574 : vector<16xf32> to vector<16xi32>
      %min3A_2576 = arith.constant 999999 : i32
      %min3A_2577 = vector.broadcast %min3A_2576 : i32 to vector<16xi32>
      %min3A_2578 = arith.minsi %convert_element_type3A_2575, %min3A_2577 : vector<16xi32>
      %swap3A_2579 = arith.constant 0 : i32
      %swap3A_2580 = arith.index_cast %swap3A_2579 : i32 to index
      %swap3A_2581 = arith.constant 416 : index
      %swap3A_2582 = tpu.vector_load %arg6[%swap3A_2580, %swap3A_2581] {strides = array<i32>} : memref<2x512xi32, #tpu.memory_space<vmem>>, vector<1x16xi32>,
      %swap3A_2583 = vector.shape_cast %swap3A_2582 : vector<1x16xi32> to vector<16xi32>
      %swap3A_2584 = vector.shape_cast %min3A_2578 : vector<16xi32> to vector<1x16xi32>
      tpu.vector_store %arg6[%swap3A_2580, %swap3A_2581], %swap3A_2584 {strides = array<i32>} : memref<2x512xi32, #tpu.memory_space<vmem>>, vector<1x16xi32>,
      %get3A_2585 = arith.constant 0 : i32
      %get3A_2586 = arith.index_cast %get3A_2585 : i32 to index
      %get3A_2587 = arith.constant 432 : index
      %get3A_2588 = tpu.vector_load %arg5[%get3A_2586, %get3A_2587] {strides = array<i32>} : memref<2x512xf32, #tpu.memory_space<vmem>>, vector<1x16xf32>,
      %get3A_2589 = vector.shape_cast %get3A_2588 : vector<1x16xf32> to vector<16xf32>
      %mul3A_2590 = arith.constant 1.000000e+06 : f32
      %mul3A_2591 = vector.broadcast %mul3A_2590 : f32 to vector<16xf32>
      %mul3A_2592 = arith.mulf %get3A_2589, %mul3A_2591 : vector<16xf32>
      %convert_element_type3A_2593 = arith.fptosi %mul3A_2592 : vector<16xf32> to vector<16xi32>
      %min3A_2594 = arith.constant 999999 : i32
      %min3A_2595 = vector.broadcast %min3A_2594 : i32 to vector<16xi32>
      %min3A_2596 = arith.minsi %convert_element_type3A_2593, %min3A_2595 : vector<16xi32>
      %swap3A_2597 = arith.constant 0 : i32
      %swap3A_2598 = arith.index_cast %swap3A_2597 : i32 to index
      %swap3A_2599 = arith.constant 432 : index
      %swap3A_2600 = tpu.vector_load %arg6[%swap3A_2598, %swap3A_2599] {strides = array<i32>} : memref<2x512xi32, #tpu.memory_space<vmem>>, vector<1x16xi32>,
      %swap3A_2601 = vector.shape_cast %swap3A_2600 : vector<1x16xi32> to vector<16xi32>
      %swap3A_2602 = vector.shape_cast %min3A_2596 : vector<16xi32> to vector<1x16xi32>
      tpu.vector_store %arg6[%swap3A_2598, %swap3A_2599], %swap3A_2602 {strides = array<i32>} : memref<2x512xi32, #tpu.memory_space<vmem>>, vector<1x16xi32>,
      %get3A_2603 = arith.constant 0 : i32
      %get3A_2604 = arith.index_cast %get3A_2603 : i32 to index
      %get3A_2605 = arith.constant 448 : index
      %get3A_2606 = tpu.vector_load %arg5[%get3A_2604, %get3A_2605] {strides = array<i32>} : memref<2x512xf32, #tpu.memory_space<vmem>>, vector<1x16xf32>,
      %get3A_2607 = vector.shape_cast %get3A_2606 : vector<1x16xf32> to vector<16xf32>
      %mul3A_2608 = arith.constant 1.000000e+06 : f32
      %mul3A_2609 = vector.broadcast %mul3A_2608 : f32 to vector<16xf32>
      %mul3A_2610 = arith.mulf %get3A_2607, %mul3A_2609 : vector<16xf32>
      %convert_element_type3A_2611 = arith.fptosi %mul3A_2610 : vector<16xf32> to vector<16xi32>
      %min3A_2612 = arith.constant 999999 : i32
      %min3A_2613 = vector.broadcast %min3A_2612 : i32 to vector<16xi32>
      %min3A_2614 = arith.minsi %convert_element_type3A_2611, %min3A_2613 : vector<16xi32>
      %swap3A_2615 = arith.constant 0 : i32
      %swap3A_2616 = arith.index_cast %swap3A_2615 : i32 to index
      %swap3A_2617 = arith.constant 448 : index
      %swap3A_2618 = tpu.vector_load %arg6[%swap3A_2616, %swap3A_2617] {strides = array<i32>} : memref<2x512xi32, #tpu.memory_space<vmem>>, vector<1x16xi32>,
      %swap3A_2619 = vector.shape_cast %swap3A_2618 : vector<1x16xi32> to vector<16xi32>
      %swap3A_2620 = vector.shape_cast %min3A_2614 : vector<16xi32> to vector<1x16xi32>
      tpu.vector_store %arg6[%swap3A_2616, %swap3A_2617], %swap3A_2620 {strides = array<i32>} : memref<2x512xi32, #tpu.memory_space<vmem>>, vector<1x16xi32>,
      %get3A_2621 = arith.constant 0 : i32
      %get3A_2622 = arith.index_cast %get3A_2621 : i32 to index
      %get3A_2623 = arith.constant 464 : index
      %get3A_2624 = tpu.vector_load %arg5[%get3A_2622, %get3A_2623] {strides = array<i32>} : memref<2x512xf32, #tpu.memory_space<vmem>>, vector<1x16xf32>,
      %get3A_2625 = vector.shape_cast %get3A_2624 : vector<1x16xf32> to vector<16xf32>
      %mul3A_2626 = arith.constant 1.000000e+06 : f32
      %mul3A_2627 = vector.broadcast %mul3A_2626 : f32 to vector<16xf32>
      %mul3A_2628 = arith.mulf %get3A_2625, %mul3A_2627 : vector<16xf32>
      %convert_element_type3A_2629 = arith.fptosi %mul3A_2628 : vector<16xf32> to vector<16xi32>
      %min3A_2630 = arith.constant 999999 : i32
      %min3A_2631 = vector.broadcast %min3A_2630 : i32 to vector<16xi32>
      %min3A_2632 = arith.minsi %convert_element_type3A_2629, %min3A_2631 : vector<16xi32>
      %swap3A_2633 = arith.constant 0 : i32
      %swap3A_2634 = arith.index_cast %swap3A_2633 : i32 to index
      %swap3A_2635 = arith.constant 464 : index
      %swap3A_2636 = tpu.vector_load %arg6[%swap3A_2634, %swap3A_2635] {strides = array<i32>} : memref<2x512xi32, #tpu.memory_space<vmem>>, vector<1x16xi32>,
      %swap3A_2637 = vector.shape_cast %swap3A_2636 : vector<1x16xi32> to vector<16xi32>
      %swap3A_2638 = vector.shape_cast %min3A_2632 : vector<16xi32> to vector<1x16xi32>
      tpu.vector_store %arg6[%swap3A_2634, %swap3A_2635], %swap3A_2638 {strides = array<i32>} : memref<2x512xi32, #tpu.memory_space<vmem>>, vector<1x16xi32>,
      %get3A_2639 = arith.constant 0 : i32
      %get3A_2640 = arith.index_cast %get3A_2639 : i32 to index
      %get3A_2641 = arith.constant 480 : index
      %get3A_2642 = tpu.vector_load %arg5[%get3A_2640, %get3A_2641] {strides = array<i32>} : memref<2x512xf32, #tpu.memory_space<vmem>>, vector<1x16xf32>,
      %get3A_2643 = vector.shape_cast %get3A_2642 : vector<1x16xf32> to vector<16xf32>
      %mul3A_2644 = arith.constant 1.000000e+06 : f32
      %mul3A_2645 = vector.broadcast %mul3A_2644 : f32 to vector<16xf32>
      %mul3A_2646 = arith.mulf %get3A_2643, %mul3A_2645 : vector<16xf32>
      %convert_element_type3A_2647 = arith.fptosi %mul3A_2646 : vector<16xf32> to vector<16xi32>
      %min3A_2648 = arith.constant 999999 : i32
      %min3A_2649 = vector.broadcast %min3A_2648 : i32 to vector<16xi32>
      %min3A_2650 = arith.minsi %convert_element_type3A_2647, %min3A_2649 : vector<16xi32>
      %swap3A_2651 = arith.constant 0 : i32
      %swap3A_2652 = arith.index_cast %swap3A_2651 : i32 to index
      %swap3A_2653 = arith.constant 480 : index
      %swap3A_2654 = tpu.vector_load %arg6[%swap3A_2652, %swap3A_2653] {strides = array<i32>} : memref<2x512xi32, #tpu.memory_space<vmem>>, vector<1x16xi32>,
      %swap3A_2655 = vector.shape_cast %swap3A_2654 : vector<1x16xi32> to vector<16xi32>
      %swap3A_2656 = vector.shape_cast %min3A_2650 : vector<16xi32> to vector<1x16xi32>
      tpu.vector_store %arg6[%swap3A_2652, %swap3A_2653], %swap3A_2656 {strides = array<i32>} : memref<2x512xi32, #tpu.memory_space<vmem>>, vector<1x16xi32>,
      %get3A_2657 = arith.constant 0 : i32
      %get3A_2658 = arith.index_cast %get3A_2657 : i32 to index
      %get3A_2659 = arith.constant 496 : index
      %get3A_2660 = tpu.vector_load %arg5[%get3A_2658, %get3A_2659] {strides = array<i32>} : memref<2x512xf32, #tpu.memory_space<vmem>>, vector<1x16xf32>,
      %get3A_2661 = vector.shape_cast %get3A_2660 : vector<1x16xf32> to vector<16xf32>
      %mul3A_2662 = arith.constant 1.000000e+06 : f32
      %mul3A_2663 = vector.broadcast %mul3A_2662 : f32 to vector<16xf32>
      %mul3A_2664 = arith.mulf %get3A_2661, %mul3A_2663 : vector<16xf32>
      %convert_element_type3A_2665 = arith.fptosi %mul3A_2664 : vector<16xf32> to vector<16xi32>
      %min3A_2666 = arith.constant 999999 : i32
      %min3A_2667 = vector.broadcast %min3A_2666 : i32 to vector<16xi32>
      %min3A_2668 = arith.minsi %convert_element_type3A_2665, %min3A_2667 : vector<16xi32>
      %swap3A_2669 = arith.constant 0 : i32
      %swap3A_2670 = arith.index_cast %swap3A_2669 : i32 to index
      %swap3A_2671 = arith.constant 496 : index
      %swap3A_2672 = tpu.vector_load %arg6[%swap3A_2670, %swap3A_2671] {strides = array<i32>} : memref<2x512xi32, #tpu.memory_space<vmem>>, vector<1x16xi32>,
      %swap3A_2673 = vector.shape_cast %swap3A_2672 : vector<1x16xi32> to vector<16xi32>
      %swap3A_2674 = vector.shape_cast %min3A_2668 : vector<16xi32> to vector<1x16xi32>
      tpu.vector_store %arg6[%swap3A_2670, %swap3A_2671], %swap3A_2674 {strides = array<i32>} : memref<2x512xi32, #tpu.memory_space<vmem>>, vector<1x16xi32>,
      %add3A_2675 = arith.constant 2 : i32
      %add3A_2676 = arith.addi %add3A_2089, %add3A_2675 : i32
      %rem3A_2677 = arith.constant 50 : i32
      %rem3A_2678 = arith.remsi %add3A_2676, %rem3A_2677 : i32
      %mul3A_2679 = arith.constant 512 : i32
      %mul3A_2680 = arith.muli %rem3A_2678, %mul3A_2679 : i32
      %add3A_2681 = arith.addi %mul3A_2, %mul3A_2680 : i32
      %dma_start3A_2682 = arith.constant 1 : i32
      %dma_start3A_2683 = arith.constant 0 : i32
      %dma_start3A_2684 = tpu.memref_slice %arg5[%dma_start3A_2682, %dma_start3A_2683] : memref<2x512xf32, #tpu.memory_space<vmem>> -> memref<1x512xf32, #tpu.memory_space<vmem>>
      %dma_start3A_2685 = tpu.memref_squeeze %dma_start3A_2684 : memref<1x512xf32, #tpu.memory_space<vmem>> -> memref<512xf32, #tpu.memory_space<vmem>>
      %dma_start3A_2686 = tpu.memref_slice %arg2[%add3A_2681] : memref<819200xf32, #tpu.memory_space<hbm>> -> memref<512xf32, #tpu.memory_space<hbm>>
      %dma_start3A_2687 = arith.constant 0 : i32
      %dma_start3A_2688 = tpu.memref_slice %arg5[%dma_start3A_2682, %dma_start3A_2687] : memref<2x512xf32, #tpu.memory_space<vmem>> -> memref<1x512xf32, #tpu.memory_space<vmem>>
      %dma_start3A_2689 = tpu.memref_squeeze %dma_start3A_2688 : memref<1x512xf32, #tpu.memory_space<vmem>> -> memref<512xf32, #tpu.memory_space<vmem>>
      %dma_start3A_2690 = tpu.memref_slice %arg2[%add3A_2681] : memref<819200xf32, #tpu.memory_space<hbm>> -> memref<512xf32, #tpu.memory_space<hbm>>
      tpu.enqueue_dma source(%dma_start3A_2690 : memref<512xf32, #tpu.memory_space<hbm>>) target(%dma_start3A_2689 : memref<512xf32, #tpu.memory_space<vmem>>) target_semaphore(%arg10 : memref<!tpu.dma_semaphore, #tpu.memory_space<semaphore_mem>>)
      %dma_wait3A_2691 = arith.constant 0 : i32
      %dma_wait3A_2692 = tpu.memref_slice %arg4[%mul3A_2, %dma_wait3A_2691] : memref<819200x32xf32, #tpu.memory_space<hbm>> -> memref<512x32xf32, #tpu.memory_space<hbm>>
      %dma_wait3A_2693 = arith.constant 0 : i32
      %dma_wait3A_2694 = tpu.memref_slice %arg4[%mul3A_2, %dma_wait3A_2693] : memref<819200x32xf32, #tpu.memory_space<hbm>> -> memref<512x32xf32, #tpu.memory_space<hbm>>
      tpu.wait_dma2 semaphore(%arg13 : memref<!tpu.dma_semaphore, #tpu.memory_space<semaphore_mem>>) src(%arg7 : memref<512x32xf32, #tpu.memory_space<vmem>>) dst(%dma_wait3A_2694 : memref<512x32xf32, #tpu.memory_space<hbm>>)
      %dma_start3A_2695 = arith.constant 0 : i32
      %dma_start3A_2696 = arith.constant 0 : i32
      %dma_start3A_2697 = arith.constant 0 : i32
      %dma_start3A_2698 = tpu.memref_slice %arg7[%dma_start3A_2696, %dma_start3A_2697] : memref<512x32xf32, #tpu.memory_space<vmem>> -> memref<128x32xf32, #tpu.memory_space<vmem>>
      %dma_start3A_2699 = arith.constant 0 : i32
      %dma_start3A_2700 = tpu.memref_slice %arg6[%dma_start3A_2695, %dma_start3A_2699] : memref<2x512xi32, #tpu.memory_space<vmem>> -> memref<1x128xi32, #tpu.memory_space<vmem>>
      %dma_start3A_2701 = tpu.memref_squeeze %dma_start3A_2700 : memref<1x128xi32, #tpu.memory_space<vmem>> -> memref<128xi32, #tpu.memory_space<vmem>>
      %dma_start3A_2702 = arith.constant 0 : i32
      %dma_start3A_2703 = arith.constant 0 : i32
      %dma_start3A_2704 = tpu.memref_slice %arg3[%dma_start3A_2702, %dma_start3A_2703] : memref<1000000x32xf32, #tpu.memory_space<hbm>> -> memref<1000000x32xf32, #tpu.memory_space<hbm>>
      tpu.enqueue_indirect_dma source(%dma_start3A_2704 : memref<1000000x32xf32, #tpu.memory_space<hbm>>) target(%dma_start3A_2698 : memref<128x32xf32, #tpu.memory_space<vmem>>) offsets(%dma_start3A_2701 : memref<128xi32, #tpu.memory_space<vmem>>) semaphore(%arg11 : memref<!tpu.dma_semaphore, #tpu.memory_space<semaphore_mem>>)
      %dma_start3A_2705 = arith.constant 0 : i32
      %dma_start3A_2706 = arith.constant 128 : i32
      %dma_start3A_2707 = arith.constant 0 : i32
      %dma_start3A_2708 = tpu.memref_slice %arg7[%dma_start3A_2706, %dma_start3A_2707] : memref<512x32xf32, #tpu.memory_space<vmem>> -> memref<128x32xf32, #tpu.memory_space<vmem>>
      %dma_start3A_2709 = arith.constant 128 : i32
      %dma_start3A_2710 = tpu.memref_slice %arg6[%dma_start3A_2705, %dma_start3A_2709] : memref<2x512xi32, #tpu.memory_space<vmem>> -> memref<1x128xi32, #tpu.memory_space<vmem>>
      %dma_start3A_2711 = tpu.memref_squeeze %dma_start3A_2710 : memref<1x128xi32, #tpu.memory_space<vmem>> -> memref<128xi32, #tpu.memory_space<vmem>>
      %dma_start3A_2712 = arith.constant 0 : i32
      %dma_start3A_2713 = arith.constant 0 : i32
      %dma_start3A_2714 = tpu.memref_slice %arg3[%dma_start3A_2712, %dma_start3A_2713] : memref<1000000x32xf32, #tpu.memory_space<hbm>> -> memref<1000000x32xf32, #tpu.memory_space<hbm>>
      tpu.enqueue_indirect_dma source(%dma_start3A_2714 : memref<1000000x32xf32, #tpu.memory_space<hbm>>) target(%dma_start3A_2708 : memref<128x32xf32, #tpu.memory_space<vmem>>) offsets(%dma_start3A_2711 : memref<128xi32, #tpu.memory_space<vmem>>) semaphore(%arg11 : memref<!tpu.dma_semaphore, #tpu.memory_space<semaphore_mem>>)
      %dma_start3A_2715 = arith.constant 0 : i32
      %dma_start3A_2716 = arith.constant 256 : i32
      %dma_start3A_2717 = arith.constant 0 : i32
      %dma_start3A_2718 = tpu.memref_slice %arg7[%dma_start3A_2716, %dma_start3A_2717] : memref<512x32xf32, #tpu.memory_space<vmem>> -> memref<128x32xf32, #tpu.memory_space<vmem>>
      %dma_start3A_2719 = arith.constant 256 : i32
      %dma_start3A_2720 = tpu.memref_slice %arg6[%dma_start3A_2715, %dma_start3A_2719] : memref<2x512xi32, #tpu.memory_space<vmem>> -> memref<1x128xi32, #tpu.memory_space<vmem>>
      %dma_start3A_2721 = tpu.memref_squeeze %dma_start3A_2720 : memref<1x128xi32, #tpu.memory_space<vmem>> -> memref<128xi32, #tpu.memory_space<vmem>>
      %dma_start3A_2722 = arith.constant 0 : i32
      %dma_start3A_2723 = arith.constant 0 : i32
      %dma_start3A_2724 = tpu.memref_slice %arg3[%dma_start3A_2722, %dma_start3A_2723] : memref<1000000x32xf32, #tpu.memory_space<hbm>> -> memref<1000000x32xf32, #tpu.memory_space<hbm>>
      tpu.enqueue_indirect_dma source(%dma_start3A_2724 : memref<1000000x32xf32, #tpu.memory_space<hbm>>) target(%dma_start3A_2718 : memref<128x32xf32, #tpu.memory_space<vmem>>) offsets(%dma_start3A_2721 : memref<128xi32, #tpu.memory_space<vmem>>) semaphore(%arg11 : memref<!tpu.dma_semaphore, #tpu.memory_space<semaphore_mem>>)
      %dma_start3A_2725 = arith.constant 0 : i32
      %dma_start3A_2726 = arith.constant 384 : i32
      %dma_start3A_2727 = arith.constant 0 : i32
      %dma_start3A_2728 = tpu.memref_slice %arg7[%dma_start3A_2726, %dma_start3A_2727] : memref<512x32xf32, #tpu.memory_space<vmem>> -> memref<128x32xf32, #tpu.memory_space<vmem>>
      %dma_start3A_2729 = arith.constant 384 : i32
      %dma_start3A_2730 = tpu.memref_slice %arg6[%dma_start3A_2725, %dma_start3A_2729] : memref<2x512xi32, #tpu.memory_space<vmem>> -> memref<1x128xi32, #tpu.memory_space<vmem>>
      %dma_start3A_2731 = tpu.memref_squeeze %dma_start3A_2730 : memref<1x128xi32, #tpu.memory_space<vmem>> -> memref<128xi32, #tpu.memory_space<vmem>>
      %dma_start3A_2732 = arith.constant 0 : i32
      %dma_start3A_2733 = arith.constant 0 : i32
      %dma_start3A_2734 = tpu.memref_slice %arg3[%dma_start3A_2732, %dma_start3A_2733] : memref<1000000x32xf32, #tpu.memory_space<hbm>> -> memref<1000000x32xf32, #tpu.memory_space<hbm>>
      tpu.enqueue_indirect_dma source(%dma_start3A_2734 : memref<1000000x32xf32, #tpu.memory_space<hbm>>) target(%dma_start3A_2728 : memref<128x32xf32, #tpu.memory_space<vmem>>) offsets(%dma_start3A_2731 : memref<128xi32, #tpu.memory_space<vmem>>) semaphore(%arg11 : memref<!tpu.dma_semaphore, #tpu.memory_space<semaphore_mem>>)
      %dma_wait3A_2735 = arith.constant 1 : i32
      %dma_wait3A_2736 = arith.constant 0 : i32
      %dma_wait3A_2737 = arith.constant 0 : i32
      %dma_wait3A_2738 = tpu.memref_slice %arg8[%dma_wait3A_2736, %dma_wait3A_2737] : memref<512x32xf32, #tpu.memory_space<vmem>> -> memref<128x32xf32, #tpu.memory_space<vmem>>
      %dma_wait3A_2739 = arith.constant 0 : i32
      %dma_wait3A_2740 = tpu.memref_slice %arg6[%dma_wait3A_2735, %dma_wait3A_2739] : memref<2x512xi32, #tpu.memory_space<vmem>> -> memref<1x128xi32, #tpu.memory_space<vmem>>
      %dma_wait3A_2741 = tpu.memref_squeeze %dma_wait3A_2740 : memref<1x128xi32, #tpu.memory_space<vmem>> -> memref<128xi32, #tpu.memory_space<vmem>>
      %dma_wait3A_2742 = arith.constant 0 : i32
      %dma_wait3A_2743 = arith.constant 0 : i32
      %dma_wait3A_2744 = tpu.memref_slice %arg3[%dma_wait3A_2742, %dma_wait3A_2743] : memref<1000000x32xf32, #tpu.memory_space<hbm>> -> memref<1000000x32xf32, #tpu.memory_space<hbm>>
      tpu.wait_indirect_dma semaphore(%arg12 : memref<!tpu.dma_semaphore, #tpu.memory_space<semaphore_mem>>) src(%dma_wait3A_2744 : memref<1000000x32xf32, #tpu.memory_space<hbm>>) dst(%dma_wait3A_2738 : memref<128x32xf32, #tpu.memory_space<vmem>>)
      %dma_wait3A_2745 = arith.constant 1 : i32
      %dma_wait3A_2746 = arith.constant 128 : i32
      %dma_wait3A_2747 = arith.constant 0 : i32
      %dma_wait3A_2748 = tpu.memref_slice %arg8[%dma_wait3A_2746, %dma_wait3A_2747] : memref<512x32xf32, #tpu.memory_space<vmem>> -> memref<128x32xf32, #tpu.memory_space<vmem>>
      %dma_wait3A_2749 = arith.constant 128 : i32
      %dma_wait3A_2750 = tpu.memref_slice %arg6[%dma_wait3A_2745, %dma_wait3A_2749] : memref<2x512xi32, #tpu.memory_space<vmem>> -> memref<1x128xi32, #tpu.memory_space<vmem>>
      %dma_wait3A_2751 = tpu.memref_squeeze %dma_wait3A_2750 : memref<1x128xi32, #tpu.memory_space<vmem>> -> memref<128xi32, #tpu.memory_space<vmem>>
      %dma_wait3A_2752 = arith.constant 0 : i32
      %dma_wait3A_2753 = arith.constant 0 : i32
      %dma_wait3A_2754 = tpu.memref_slice %arg3[%dma_wait3A_2752, %dma_wait3A_2753] : memref<1000000x32xf32, #tpu.memory_space<hbm>> -> memref<1000000x32xf32, #tpu.memory_space<hbm>>
      tpu.wait_indirect_dma semaphore(%arg12 : memref<!tpu.dma_semaphore, #tpu.memory_space<semaphore_mem>>) src(%dma_wait3A_2754 : memref<1000000x32xf32, #tpu.memory_space<hbm>>) dst(%dma_wait3A_2748 : memref<128x32xf32, #tpu.memory_space<vmem>>)
      %dma_wait3A_2755 = arith.constant 1 : i32
      %dma_wait3A_2756 = arith.constant 256 : i32
      %dma_wait3A_2757 = arith.constant 0 : i32
      %dma_wait3A_2758 = tpu.memref_slice %arg8[%dma_wait3A_2756, %dma_wait3A_2757] : memref<512x32xf32, #tpu.memory_space<vmem>> -> memref<128x32xf32, #tpu.memory_space<vmem>>
      %dma_wait3A_2759 = arith.constant 256 : i32
      %dma_wait3A_2760 = tpu.memref_slice %arg6[%dma_wait3A_2755, %dma_wait3A_2759] : memref<2x512xi32, #tpu.memory_space<vmem>> -> memref<1x128xi32, #tpu.memory_space<vmem>>
      %dma_wait3A_2761 = tpu.memref_squeeze %dma_wait3A_2760 : memref<1x128xi32, #tpu.memory_space<vmem>> -> memref<128xi32, #tpu.memory_space<vmem>>
      %dma_wait3A_2762 = arith.constant 0 : i32
      %dma_wait3A_2763 = arith.constant 0 : i32
      %dma_wait3A_2764 = tpu.memref_slice %arg3[%dma_wait3A_2762, %dma_wait3A_2763] : memref<1000000x32xf32, #tpu.memory_space<hbm>> -> memref<1000000x32xf32, #tpu.memory_space<hbm>>
      tpu.wait_indirect_dma semaphore(%arg12 : memref<!tpu.dma_semaphore, #tpu.memory_space<semaphore_mem>>) src(%dma_wait3A_2764 : memref<1000000x32xf32, #tpu.memory_space<hbm>>) dst(%dma_wait3A_2758 : memref<128x32xf32, #tpu.memory_space<vmem>>)
      %dma_wait3A_2765 = arith.constant 1 : i32
      %dma_wait3A_2766 = arith.constant 384 : i32
      %dma_wait3A_2767 = arith.constant 0 : i32
      %dma_wait3A_2768 = tpu.memref_slice %arg8[%dma_wait3A_2766, %dma_wait3A_2767] : memref<512x32xf32, #tpu.memory_space<vmem>> -> memref<128x32xf32, #tpu.memory_space<vmem>>
      %dma_wait3A_2769 = arith.constant 384 : i32
      %dma_wait3A_2770 = tpu.memref_slice %arg6[%dma_wait3A_2765, %dma_wait3A_2769] : memref<2x512xi32, #tpu.memory_space<vmem>> -> memref<1x128xi32, #tpu.memory_space<vmem>>
      %dma_wait3A_2771 = tpu.memref_squeeze %dma_wait3A_2770 : memref<1x128xi32, #tpu.memory_space<vmem>> -> memref<128xi32, #tpu.memory_space<vmem>>
      %dma_wait3A_2772 = arith.constant 0 : i32
      %dma_wait3A_2773 = arith.constant 0 : i32
      %dma_wait3A_2774 = tpu.memref_slice %arg3[%dma_wait3A_2772, %dma_wait3A_2773] : memref<1000000x32xf32, #tpu.memory_space<hbm>> -> memref<1000000x32xf32, #tpu.memory_space<hbm>>
      tpu.wait_indirect_dma semaphore(%arg12 : memref<!tpu.dma_semaphore, #tpu.memory_space<semaphore_mem>>) src(%dma_wait3A_2774 : memref<1000000x32xf32, #tpu.memory_space<hbm>>) dst(%dma_wait3A_2768 : memref<128x32xf32, #tpu.memory_space<vmem>>)
      %mul3A_2775 = arith.constant 512 : i32
      %mul3A_2776 = arith.muli %add3A_2089, %mul3A_2775 : i32
      %add3A_2777 = arith.addi %mul3A_2, %mul3A_2776 : i32
      %dma_start3A_2778 = arith.constant 0 : i32
      %dma_start3A_2779 = tpu.memref_slice %arg4[%add3A_2777, %dma_start3A_2778] : memref<819200x32xf32, #tpu.memory_space<hbm>> -> memref<512x32xf32, #tpu.memory_space<hbm>>
      %dma_start3A_2780 = arith.constant 0 : i32
      %dma_start3A_2781 = tpu.memref_slice %arg4[%add3A_2777, %dma_start3A_2780] : memref<819200x32xf32, #tpu.memory_space<hbm>> -> memref<512x32xf32, #tpu.memory_space<hbm>>
      tpu.enqueue_dma source(%arg8 : memref<512x32xf32, #tpu.memory_space<vmem>>) target(%dma_start3A_2781 : memref<512x32xf32, #tpu.memory_space<hbm>>) target_semaphore(%arg14 : memref<!tpu.dma_semaphore, #tpu.memory_space<semaphore_mem>>)
    }
    %scan3A_661 = arith.constant 24 : i32
    %dma_wait3A_662 = arith.constant 1 : i32
    %dma_wait3A_663 = arith.constant 0 : i32
    %dma_wait3A_664 = tpu.memref_slice %arg5[%dma_wait3A_662, %dma_wait3A_663] : memref<2x512xf32, #tpu.memory_space<vmem>> -> memref<1x512xf32, #tpu.memory_space<vmem>>
    %dma_wait3A_665 = tpu.memref_squeeze %dma_wait3A_664 : memref<1x512xf32, #tpu.memory_space<vmem>> -> memref<512xf32, #tpu.memory_space<vmem>>
    %dma_wait3A_666 = tpu.memref_slice %arg2[%mul3A_2] : memref<819200xf32, #tpu.memory_space<hbm>> -> memref<512xf32, #tpu.memory_space<hbm>>
    %dma_wait3A_667 = arith.constant 0 : i32
    %dma_wait3A_668 = tpu.memref_slice %arg5[%dma_wait3A_662, %dma_wait3A_667] : memref<2x512xf32, #tpu.memory_space<vmem>> -> memref<1x512xf32, #tpu.memory_space<vmem>>
    %dma_wait3A_669 = tpu.memref_squeeze %dma_wait3A_668 : memref<1x512xf32, #tpu.memory_space<vmem>> -> memref<512xf32, #tpu.memory_space<vmem>>
    %dma_wait3A_670 = tpu.memref_slice %arg2[%mul3A_2] : memref<819200xf32, #tpu.memory_space<hbm>> -> memref<512xf32, #tpu.memory_space<hbm>>
    tpu.wait_dma2 semaphore(%arg10 : memref<!tpu.dma_semaphore, #tpu.memory_space<semaphore_mem>>) src(%dma_wait3A_670 : memref<512xf32, #tpu.memory_space<hbm>>) dst(%dma_wait3A_669 : memref<512xf32, #tpu.memory_space<vmem>>)
    %get3A_671 = arith.constant 1 : i32
    %get3A_672 = arith.index_cast %get3A_671 : i32 to index
    %get3A_673 = arith.constant 0 : index
    %get3A_674 = tpu.vector_load %arg5[%get3A_672, %get3A_673] {strides = array<i32>} : memref<2x512xf32, #tpu.memory_space<vmem>>, vector<1x16xf32>,
    %get3A_675 = vector.shape_cast %get3A_674 : vector<1x16xf32> to vector<16xf32>
    %mul3A_676 = arith.constant 1.000000e+06 : f32
    %mul3A_677 = vector.broadcast %mul3A_676 : f32 to vector<16xf32>
    %mul3A_678 = arith.mulf %get3A_675, %mul3A_677 : vector<16xf32>
    %convert_element_type3A_679 = arith.fptosi %mul3A_678 : vector<16xf32> to vector<16xi32>
    %min3A_680 = arith.constant 999999 : i32
    %min3A_681 = vector.broadcast %min3A_680 : i32 to vector<16xi32>
    %min3A_682 = arith.minsi %convert_element_type3A_679, %min3A_681 : vector<16xi32>
    %swap3A_683 = arith.constant 1 : i32
    %swap3A_684 = arith.index_cast %swap3A_683 : i32 to index
    %swap3A_685 = arith.constant 0 : index
    %swap3A_686 = tpu.vector_load %arg6[%swap3A_684, %swap3A_685] {strides = array<i32>} : memref<2x512xi32, #tpu.memory_space<vmem>>, vector<1x16xi32>,
    %swap3A_687 = vector.shape_cast %swap3A_686 : vector<1x16xi32> to vector<16xi32>
    %swap3A_688 = vector.shape_cast %min3A_682 : vector<16xi32> to vector<1x16xi32>
    tpu.vector_store %arg6[%swap3A_684, %swap3A_685], %swap3A_688 {strides = array<i32>} : memref<2x512xi32, #tpu.memory_space<vmem>>, vector<1x16xi32>,
    %get3A_689 = arith.constant 1 : i32
    %get3A_690 = arith.index_cast %get3A_689 : i32 to index
    %get3A_691 = arith.constant 16 : index
    %get3A_692 = tpu.vector_load %arg5[%get3A_690, %get3A_691] {strides = array<i32>} : memref<2x512xf32, #tpu.memory_space<vmem>>, vector<1x16xf32>,
    %get3A_693 = vector.shape_cast %get3A_692 : vector<1x16xf32> to vector<16xf32>
    %mul3A_694 = arith.constant 1.000000e+06 : f32
    %mul3A_695 = vector.broadcast %mul3A_694 : f32 to vector<16xf32>
    %mul3A_696 = arith.mulf %get3A_693, %mul3A_695 : vector<16xf32>
    %convert_element_type3A_697 = arith.fptosi %mul3A_696 : vector<16xf32> to vector<16xi32>
    %min3A_698 = arith.constant 999999 : i32
    %min3A_699 = vector.broadcast %min3A_698 : i32 to vector<16xi32>
    %min3A_700 = arith.minsi %convert_element_type3A_697, %min3A_699 : vector<16xi32>
    %swap3A_701 = arith.constant 1 : i32
    %swap3A_702 = arith.index_cast %swap3A_701 : i32 to index
    %swap3A_703 = arith.constant 16 : index
    %swap3A_704 = tpu.vector_load %arg6[%swap3A_702, %swap3A_703] {strides = array<i32>} : memref<2x512xi32, #tpu.memory_space<vmem>>, vector<1x16xi32>,
    %swap3A_705 = vector.shape_cast %swap3A_704 : vector<1x16xi32> to vector<16xi32>
    %swap3A_706 = vector.shape_cast %min3A_700 : vector<16xi32> to vector<1x16xi32>
    tpu.vector_store %arg6[%swap3A_702, %swap3A_703], %swap3A_706 {strides = array<i32>} : memref<2x512xi32, #tpu.memory_space<vmem>>, vector<1x16xi32>,
    %get3A_707 = arith.constant 1 : i32
    %get3A_708 = arith.index_cast %get3A_707 : i32 to index
    %get3A_709 = arith.constant 32 : index
    %get3A_710 = tpu.vector_load %arg5[%get3A_708, %get3A_709] {strides = array<i32>} : memref<2x512xf32, #tpu.memory_space<vmem>>, vector<1x16xf32>,
    %get3A_711 = vector.shape_cast %get3A_710 : vector<1x16xf32> to vector<16xf32>
    %mul3A_712 = arith.constant 1.000000e+06 : f32
    %mul3A_713 = vector.broadcast %mul3A_712 : f32 to vector<16xf32>
    %mul3A_714 = arith.mulf %get3A_711, %mul3A_713 : vector<16xf32>
    %convert_element_type3A_715 = arith.fptosi %mul3A_714 : vector<16xf32> to vector<16xi32>
    %min3A_716 = arith.constant 999999 : i32
    %min3A_717 = vector.broadcast %min3A_716 : i32 to vector<16xi32>
    %min3A_718 = arith.minsi %convert_element_type3A_715, %min3A_717 : vector<16xi32>
    %swap3A_719 = arith.constant 1 : i32
    %swap3A_720 = arith.index_cast %swap3A_719 : i32 to index
    %swap3A_721 = arith.constant 32 : index
    %swap3A_722 = tpu.vector_load %arg6[%swap3A_720, %swap3A_721] {strides = array<i32>} : memref<2x512xi32, #tpu.memory_space<vmem>>, vector<1x16xi32>,
    %swap3A_723 = vector.shape_cast %swap3A_722 : vector<1x16xi32> to vector<16xi32>
    %swap3A_724 = vector.shape_cast %min3A_718 : vector<16xi32> to vector<1x16xi32>
    tpu.vector_store %arg6[%swap3A_720, %swap3A_721], %swap3A_724 {strides = array<i32>} : memref<2x512xi32, #tpu.memory_space<vmem>>, vector<1x16xi32>,
    %get3A_725 = arith.constant 1 : i32
    %get3A_726 = arith.index_cast %get3A_725 : i32 to index
    %get3A_727 = arith.constant 48 : index
    %get3A_728 = tpu.vector_load %arg5[%get3A_726, %get3A_727] {strides = array<i32>} : memref<2x512xf32, #tpu.memory_space<vmem>>, vector<1x16xf32>,
    %get3A_729 = vector.shape_cast %get3A_728 : vector<1x16xf32> to vector<16xf32>
    %mul3A_730 = arith.constant 1.000000e+06 : f32
    %mul3A_731 = vector.broadcast %mul3A_730 : f32 to vector<16xf32>
    %mul3A_732 = arith.mulf %get3A_729, %mul3A_731 : vector<16xf32>
    %convert_element_type3A_733 = arith.fptosi %mul3A_732 : vector<16xf32> to vector<16xi32>
    %min3A_734 = arith.constant 999999 : i32
    %min3A_735 = vector.broadcast %min3A_734 : i32 to vector<16xi32>
    %min3A_736 = arith.minsi %convert_element_type3A_733, %min3A_735 : vector<16xi32>
    %swap3A_737 = arith.constant 1 : i32
    %swap3A_738 = arith.index_cast %swap3A_737 : i32 to index
    %swap3A_739 = arith.constant 48 : index
    %swap3A_740 = tpu.vector_load %arg6[%swap3A_738, %swap3A_739] {strides = array<i32>} : memref<2x512xi32, #tpu.memory_space<vmem>>, vector<1x16xi32>,
    %swap3A_741 = vector.shape_cast %swap3A_740 : vector<1x16xi32> to vector<16xi32>
    %swap3A_742 = vector.shape_cast %min3A_736 : vector<16xi32> to vector<1x16xi32>
    tpu.vector_store %arg6[%swap3A_738, %swap3A_739], %swap3A_742 {strides = array<i32>} : memref<2x512xi32, #tpu.memory_space<vmem>>, vector<1x16xi32>,
    %get3A_743 = arith.constant 1 : i32
    %get3A_744 = arith.index_cast %get3A_743 : i32 to index
    %get3A_745 = arith.constant 64 : index
    %get3A_746 = tpu.vector_load %arg5[%get3A_744, %get3A_745] {strides = array<i32>} : memref<2x512xf32, #tpu.memory_space<vmem>>, vector<1x16xf32>,
    %get3A_747 = vector.shape_cast %get3A_746 : vector<1x16xf32> to vector<16xf32>
    %mul3A_748 = arith.constant 1.000000e+06 : f32
    %mul3A_749 = vector.broadcast %mul3A_748 : f32 to vector<16xf32>
    %mul3A_750 = arith.mulf %get3A_747, %mul3A_749 : vector<16xf32>
    %convert_element_type3A_751 = arith.fptosi %mul3A_750 : vector<16xf32> to vector<16xi32>
    %min3A_752 = arith.constant 999999 : i32
    %min3A_753 = vector.broadcast %min3A_752 : i32 to vector<16xi32>
    %min3A_754 = arith.minsi %convert_element_type3A_751, %min3A_753 : vector<16xi32>
    %swap3A_755 = arith.constant 1 : i32
    %swap3A_756 = arith.index_cast %swap3A_755 : i32 to index
    %swap3A_757 = arith.constant 64 : index
    %swap3A_758 = tpu.vector_load %arg6[%swap3A_756, %swap3A_757] {strides = array<i32>} : memref<2x512xi32, #tpu.memory_space<vmem>>, vector<1x16xi32>,
    %swap3A_759 = vector.shape_cast %swap3A_758 : vector<1x16xi32> to vector<16xi32>
    %swap3A_760 = vector.shape_cast %min3A_754 : vector<16xi32> to vector<1x16xi32>
    tpu.vector_store %arg6[%swap3A_756, %swap3A_757], %swap3A_760 {strides = array<i32>} : memref<2x512xi32, #tpu.memory_space<vmem>>, vector<1x16xi32>,
    %get3A_761 = arith.constant 1 : i32
    %get3A_762 = arith.index_cast %get3A_761 : i32 to index
    %get3A_763 = arith.constant 80 : index
    %get3A_764 = tpu.vector_load %arg5[%get3A_762, %get3A_763] {strides = array<i32>} : memref<2x512xf32, #tpu.memory_space<vmem>>, vector<1x16xf32>,
    %get3A_765 = vector.shape_cast %get3A_764 : vector<1x16xf32> to vector<16xf32>
    %mul3A_766 = arith.constant 1.000000e+06 : f32
    %mul3A_767 = vector.broadcast %mul3A_766 : f32 to vector<16xf32>
    %mul3A_768 = arith.mulf %get3A_765, %mul3A_767 : vector<16xf32>
    %convert_element_type3A_769 = arith.fptosi %mul3A_768 : vector<16xf32> to vector<16xi32>
    %min3A_770 = arith.constant 999999 : i32
    %min3A_771 = vector.broadcast %min3A_770 : i32 to vector<16xi32>
    %min3A_772 = arith.minsi %convert_element_type3A_769, %min3A_771 : vector<16xi32>
    %swap3A_773 = arith.constant 1 : i32
    %swap3A_774 = arith.index_cast %swap3A_773 : i32 to index
    %swap3A_775 = arith.constant 80 : index
    %swap3A_776 = tpu.vector_load %arg6[%swap3A_774, %swap3A_775] {strides = array<i32>} : memref<2x512xi32, #tpu.memory_space<vmem>>, vector<1x16xi32>,
    %swap3A_777 = vector.shape_cast %swap3A_776 : vector<1x16xi32> to vector<16xi32>
    %swap3A_778 = vector.shape_cast %min3A_772 : vector<16xi32> to vector<1x16xi32>
    tpu.vector_store %arg6[%swap3A_774, %swap3A_775], %swap3A_778 {strides = array<i32>} : memref<2x512xi32, #tpu.memory_space<vmem>>, vector<1x16xi32>,
    %get3A_779 = arith.constant 1 : i32
    %get3A_780 = arith.index_cast %get3A_779 : i32 to index
    %get3A_781 = arith.constant 96 : index
    %get3A_782 = tpu.vector_load %arg5[%get3A_780, %get3A_781] {strides = array<i32>} : memref<2x512xf32, #tpu.memory_space<vmem>>, vector<1x16xf32>,
    %get3A_783 = vector.shape_cast %get3A_782 : vector<1x16xf32> to vector<16xf32>
    %mul3A_784 = arith.constant 1.000000e+06 : f32
    %mul3A_785 = vector.broadcast %mul3A_784 : f32 to vector<16xf32>
    %mul3A_786 = arith.mulf %get3A_783, %mul3A_785 : vector<16xf32>
    %convert_element_type3A_787 = arith.fptosi %mul3A_786 : vector<16xf32> to vector<16xi32>
    %min3A_788 = arith.constant 999999 : i32
    %min3A_789 = vector.broadcast %min3A_788 : i32 to vector<16xi32>
    %min3A_790 = arith.minsi %convert_element_type3A_787, %min3A_789 : vector<16xi32>
    %swap3A_791 = arith.constant 1 : i32
    %swap3A_792 = arith.index_cast %swap3A_791 : i32 to index
    %swap3A_793 = arith.constant 96 : index
    %swap3A_794 = tpu.vector_load %arg6[%swap3A_792, %swap3A_793] {strides = array<i32>} : memref<2x512xi32, #tpu.memory_space<vmem>>, vector<1x16xi32>,
    %swap3A_795 = vector.shape_cast %swap3A_794 : vector<1x16xi32> to vector<16xi32>
    %swap3A_796 = vector.shape_cast %min3A_790 : vector<16xi32> to vector<1x16xi32>
    tpu.vector_store %arg6[%swap3A_792, %swap3A_793], %swap3A_796 {strides = array<i32>} : memref<2x512xi32, #tpu.memory_space<vmem>>, vector<1x16xi32>,
    %get3A_797 = arith.constant 1 : i32
    %get3A_798 = arith.index_cast %get3A_797 : i32 to index
    %get3A_799 = arith.constant 112 : index
    %get3A_800 = tpu.vector_load %arg5[%get3A_798, %get3A_799] {strides = array<i32>} : memref<2x512xf32, #tpu.memory_space<vmem>>, vector<1x16xf32>,
    %get3A_801 = vector.shape_cast %get3A_800 : vector<1x16xf32> to vector<16xf32>
    %mul3A_802 = arith.constant 1.000000e+06 : f32
    %mul3A_803 = vector.broadcast %mul3A_802 : f32 to vector<16xf32>
    %mul3A_804 = arith.mulf %get3A_801, %mul3A_803 : vector<16xf32>
    %convert_element_type3A_805 = arith.fptosi %mul3A_804 : vector<16xf32> to vector<16xi32>
    %min3A_806 = arith.constant 999999 : i32
    %min3A_807 = vector.broadcast %min3A_806 : i32 to vector<16xi32>
    %min3A_808 = arith.minsi %convert_element_type3A_805, %min3A_807 : vector<16xi32>
    %swap3A_809 = arith.constant 1 : i32
    %swap3A_810 = arith.index_cast %swap3A_809 : i32 to index
    %swap3A_811 = arith.constant 112 : index
    %swap3A_812 = tpu.vector_load %arg6[%swap3A_810, %swap3A_811] {strides = array<i32>} : memref<2x512xi32, #tpu.memory_space<vmem>>, vector<1x16xi32>,
    %swap3A_813 = vector.shape_cast %swap3A_812 : vector<1x16xi32> to vector<16xi32>
    %swap3A_814 = vector.shape_cast %min3A_808 : vector<16xi32> to vector<1x16xi32>
    tpu.vector_store %arg6[%swap3A_810, %swap3A_811], %swap3A_814 {strides = array<i32>} : memref<2x512xi32, #tpu.memory_space<vmem>>, vector<1x16xi32>,
    %get3A_815 = arith.constant 1 : i32
    %get3A_816 = arith.index_cast %get3A_815 : i32 to index
    %get3A_817 = arith.constant 128 : index
    %get3A_818 = tpu.vector_load %arg5[%get3A_816, %get3A_817] {strides = array<i32>} : memref<2x512xf32, #tpu.memory_space<vmem>>, vector<1x16xf32>,
    %get3A_819 = vector.shape_cast %get3A_818 : vector<1x16xf32> to vector<16xf32>
    %mul3A_820 = arith.constant 1.000000e+06 : f32
    %mul3A_821 = vector.broadcast %mul3A_820 : f32 to vector<16xf32>
    %mul3A_822 = arith.mulf %get3A_819, %mul3A_821 : vector<16xf32>
    %convert_element_type3A_823 = arith.fptosi %mul3A_822 : vector<16xf32> to vector<16xi32>
    %min3A_824 = arith.constant 999999 : i32
    %min3A_825 = vector.broadcast %min3A_824 : i32 to vector<16xi32>
    %min3A_826 = arith.minsi %convert_element_type3A_823, %min3A_825 : vector<16xi32>
    %swap3A_827 = arith.constant 1 : i32
    %swap3A_828 = arith.index_cast %swap3A_827 : i32 to index
    %swap3A_829 = arith.constant 128 : index
    %swap3A_830 = tpu.vector_load %arg6[%swap3A_828, %swap3A_829] {strides = array<i32>} : memref<2x512xi32, #tpu.memory_space<vmem>>, vector<1x16xi32>,
    %swap3A_831 = vector.shape_cast %swap3A_830 : vector<1x16xi32> to vector<16xi32>
    %swap3A_832 = vector.shape_cast %min3A_826 : vector<16xi32> to vector<1x16xi32>
    tpu.vector_store %arg6[%swap3A_828, %swap3A_829], %swap3A_832 {strides = array<i32>} : memref<2x512xi32, #tpu.memory_space<vmem>>, vector<1x16xi32>,
    %get3A_833 = arith.constant 1 : i32
    %get3A_834 = arith.index_cast %get3A_833 : i32 to index
    %get3A_835 = arith.constant 144 : index
    %get3A_836 = tpu.vector_load %arg5[%get3A_834, %get3A_835] {strides = array<i32>} : memref<2x512xf32, #tpu.memory_space<vmem>>, vector<1x16xf32>,
    %get3A_837 = vector.shape_cast %get3A_836 : vector<1x16xf32> to vector<16xf32>
    %mul3A_838 = arith.constant 1.000000e+06 : f32
    %mul3A_839 = vector.broadcast %mul3A_838 : f32 to vector<16xf32>
    %mul3A_840 = arith.mulf %get3A_837, %mul3A_839 : vector<16xf32>
    %convert_element_type3A_841 = arith.fptosi %mul3A_840 : vector<16xf32> to vector<16xi32>
    %min3A_842 = arith.constant 999999 : i32
    %min3A_843 = vector.broadcast %min3A_842 : i32 to vector<16xi32>
    %min3A_844 = arith.minsi %convert_element_type3A_841, %min3A_843 : vector<16xi32>
    %swap3A_845 = arith.constant 1 : i32
    %swap3A_846 = arith.index_cast %swap3A_845 : i32 to index
    %swap3A_847 = arith.constant 144 : index
    %swap3A_848 = tpu.vector_load %arg6[%swap3A_846, %swap3A_847] {strides = array<i32>} : memref<2x512xi32, #tpu.memory_space<vmem>>, vector<1x16xi32>,
    %swap3A_849 = vector.shape_cast %swap3A_848 : vector<1x16xi32> to vector<16xi32>
    %swap3A_850 = vector.shape_cast %min3A_844 : vector<16xi32> to vector<1x16xi32>
    tpu.vector_store %arg6[%swap3A_846, %swap3A_847], %swap3A_850 {strides = array<i32>} : memref<2x512xi32, #tpu.memory_space<vmem>>, vector<1x16xi32>,
    %get3A_851 = arith.constant 1 : i32
    %get3A_852 = arith.index_cast %get3A_851 : i32 to index
    %get3A_853 = arith.constant 160 : index
    %get3A_854 = tpu.vector_load %arg5[%get3A_852, %get3A_853] {strides = array<i32>} : memref<2x512xf32, #tpu.memory_space<vmem>>, vector<1x16xf32>,
    %get3A_855 = vector.shape_cast %get3A_854 : vector<1x16xf32> to vector<16xf32>
    %mul3A_856 = arith.constant 1.000000e+06 : f32
    %mul3A_857 = vector.broadcast %mul3A_856 : f32 to vector<16xf32>
    %mul3A_858 = arith.mulf %get3A_855, %mul3A_857 : vector<16xf32>
    %convert_element_type3A_859 = arith.fptosi %mul3A_858 : vector<16xf32> to vector<16xi32>
    %min3A_860 = arith.constant 999999 : i32
    %min3A_861 = vector.broadcast %min3A_860 : i32 to vector<16xi32>
    %min3A_862 = arith.minsi %convert_element_type3A_859, %min3A_861 : vector<16xi32>
    %swap3A_863 = arith.constant 1 : i32
    %swap3A_864 = arith.index_cast %swap3A_863 : i32 to index
    %swap3A_865 = arith.constant 160 : index
    %swap3A_866 = tpu.vector_load %arg6[%swap3A_864, %swap3A_865] {strides = array<i32>} : memref<2x512xi32, #tpu.memory_space<vmem>>, vector<1x16xi32>,
    %swap3A_867 = vector.shape_cast %swap3A_866 : vector<1x16xi32> to vector<16xi32>
    %swap3A_868 = vector.shape_cast %min3A_862 : vector<16xi32> to vector<1x16xi32>
    tpu.vector_store %arg6[%swap3A_864, %swap3A_865], %swap3A_868 {strides = array<i32>} : memref<2x512xi32, #tpu.memory_space<vmem>>, vector<1x16xi32>,
    %get3A_869 = arith.constant 1 : i32
    %get3A_870 = arith.index_cast %get3A_869 : i32 to index
    %get3A_871 = arith.constant 176 : index
    %get3A_872 = tpu.vector_load %arg5[%get3A_870, %get3A_871] {strides = array<i32>} : memref<2x512xf32, #tpu.memory_space<vmem>>, vector<1x16xf32>,
    %get3A_873 = vector.shape_cast %get3A_872 : vector<1x16xf32> to vector<16xf32>
    %mul3A_874 = arith.constant 1.000000e+06 : f32
    %mul3A_875 = vector.broadcast %mul3A_874 : f32 to vector<16xf32>
    %mul3A_876 = arith.mulf %get3A_873, %mul3A_875 : vector<16xf32>
    %convert_element_type3A_877 = arith.fptosi %mul3A_876 : vector<16xf32> to vector<16xi32>
    %min3A_878 = arith.constant 999999 : i32
    %min3A_879 = vector.broadcast %min3A_878 : i32 to vector<16xi32>
    %min3A_880 = arith.minsi %convert_element_type3A_877, %min3A_879 : vector<16xi32>
    %swap3A_881 = arith.constant 1 : i32
    %swap3A_882 = arith.index_cast %swap3A_881 : i32 to index
    %swap3A_883 = arith.constant 176 : index
    %swap3A_884 = tpu.vector_load %arg6[%swap3A_882, %swap3A_883] {strides = array<i32>} : memref<2x512xi32, #tpu.memory_space<vmem>>, vector<1x16xi32>,
    %swap3A_885 = vector.shape_cast %swap3A_884 : vector<1x16xi32> to vector<16xi32>
    %swap3A_886 = vector.shape_cast %min3A_880 : vector<16xi32> to vector<1x16xi32>
    tpu.vector_store %arg6[%swap3A_882, %swap3A_883], %swap3A_886 {strides = array<i32>} : memref<2x512xi32, #tpu.memory_space<vmem>>, vector<1x16xi32>,
    %get3A_887 = arith.constant 1 : i32
    %get3A_888 = arith.index_cast %get3A_887 : i32 to index
    %get3A_889 = arith.constant 192 : index
    %get3A_890 = tpu.vector_load %arg5[%get3A_888, %get3A_889] {strides = array<i32>} : memref<2x512xf32, #tpu.memory_space<vmem>>, vector<1x16xf32>,
    %get3A_891 = vector.shape_cast %get3A_890 : vector<1x16xf32> to vector<16xf32>
    %mul3A_892 = arith.constant 1.000000e+06 : f32
    %mul3A_893 = vector.broadcast %mul3A_892 : f32 to vector<16xf32>
    %mul3A_894 = arith.mulf %get3A_891, %mul3A_893 : vector<16xf32>
    %convert_element_type3A_895 = arith.fptosi %mul3A_894 : vector<16xf32> to vector<16xi32>
    %min3A_896 = arith.constant 999999 : i32
    %min3A_897 = vector.broadcast %min3A_896 : i32 to vector<16xi32>
    %min3A_898 = arith.minsi %convert_element_type3A_895, %min3A_897 : vector<16xi32>
    %swap3A_899 = arith.constant 1 : i32
    %swap3A_900 = arith.index_cast %swap3A_899 : i32 to index
    %swap3A_901 = arith.constant 192 : index
    %swap3A_902 = tpu.vector_load %arg6[%swap3A_900, %swap3A_901] {strides = array<i32>} : memref<2x512xi32, #tpu.memory_space<vmem>>, vector<1x16xi32>,
    %swap3A_903 = vector.shape_cast %swap3A_902 : vector<1x16xi32> to vector<16xi32>
    %swap3A_904 = vector.shape_cast %min3A_898 : vector<16xi32> to vector<1x16xi32>
    tpu.vector_store %arg6[%swap3A_900, %swap3A_901], %swap3A_904 {strides = array<i32>} : memref<2x512xi32, #tpu.memory_space<vmem>>, vector<1x16xi32>,
    %get3A_905 = arith.constant 1 : i32
    %get3A_906 = arith.index_cast %get3A_905 : i32 to index
    %get3A_907 = arith.constant 208 : index
    %get3A_908 = tpu.vector_load %arg5[%get3A_906, %get3A_907] {strides = array<i32>} : memref<2x512xf32, #tpu.memory_space<vmem>>, vector<1x16xf32>,
    %get3A_909 = vector.shape_cast %get3A_908 : vector<1x16xf32> to vector<16xf32>
    %mul3A_910 = arith.constant 1.000000e+06 : f32
    %mul3A_911 = vector.broadcast %mul3A_910 : f32 to vector<16xf32>
    %mul3A_912 = arith.mulf %get3A_909, %mul3A_911 : vector<16xf32>
    %convert_element_type3A_913 = arith.fptosi %mul3A_912 : vector<16xf32> to vector<16xi32>
    %min3A_914 = arith.constant 999999 : i32
    %min3A_915 = vector.broadcast %min3A_914 : i32 to vector<16xi32>
    %min3A_916 = arith.minsi %convert_element_type3A_913, %min3A_915 : vector<16xi32>
    %swap3A_917 = arith.constant 1 : i32
    %swap3A_918 = arith.index_cast %swap3A_917 : i32 to index
    %swap3A_919 = arith.constant 208 : index
    %swap3A_920 = tpu.vector_load %arg6[%swap3A_918, %swap3A_919] {strides = array<i32>} : memref<2x512xi32, #tpu.memory_space<vmem>>, vector<1x16xi32>,
    %swap3A_921 = vector.shape_cast %swap3A_920 : vector<1x16xi32> to vector<16xi32>
    %swap3A_922 = vector.shape_cast %min3A_916 : vector<16xi32> to vector<1x16xi32>
    tpu.vector_store %arg6[%swap3A_918, %swap3A_919], %swap3A_922 {strides = array<i32>} : memref<2x512xi32, #tpu.memory_space<vmem>>, vector<1x16xi32>,
    %get3A_923 = arith.constant 1 : i32
    %get3A_924 = arith.index_cast %get3A_923 : i32 to index
    %get3A_925 = arith.constant 224 : index
    %get3A_926 = tpu.vector_load %arg5[%get3A_924, %get3A_925] {strides = array<i32>} : memref<2x512xf32, #tpu.memory_space<vmem>>, vector<1x16xf32>,
    %get3A_927 = vector.shape_cast %get3A_926 : vector<1x16xf32> to vector<16xf32>
    %mul3A_928 = arith.constant 1.000000e+06 : f32
    %mul3A_929 = vector.broadcast %mul3A_928 : f32 to vector<16xf32>
    %mul3A_930 = arith.mulf %get3A_927, %mul3A_929 : vector<16xf32>
    %convert_element_type3A_931 = arith.fptosi %mul3A_930 : vector<16xf32> to vector<16xi32>
    %min3A_932 = arith.constant 999999 : i32
    %min3A_933 = vector.broadcast %min3A_932 : i32 to vector<16xi32>
    %min3A_934 = arith.minsi %convert_element_type3A_931, %min3A_933 : vector<16xi32>
    %swap3A_935 = arith.constant 1 : i32
    %swap3A_936 = arith.index_cast %swap3A_935 : i32 to index
    %swap3A_937 = arith.constant 224 : index
    %swap3A_938 = tpu.vector_load %arg6[%swap3A_936, %swap3A_937] {strides = array<i32>} : memref<2x512xi32, #tpu.memory_space<vmem>>, vector<1x16xi32>,
    %swap3A_939 = vector.shape_cast %swap3A_938 : vector<1x16xi32> to vector<16xi32>
    %swap3A_940 = vector.shape_cast %min3A_934 : vector<16xi32> to vector<1x16xi32>
    tpu.vector_store %arg6[%swap3A_936, %swap3A_937], %swap3A_940 {strides = array<i32>} : memref<2x512xi32, #tpu.memory_space<vmem>>, vector<1x16xi32>,
    %get3A_941 = arith.constant 1 : i32
    %get3A_942 = arith.index_cast %get3A_941 : i32 to index
    %get3A_943 = arith.constant 240 : index
    %get3A_944 = tpu.vector_load %arg5[%get3A_942, %get3A_943] {strides = array<i32>} : memref<2x512xf32, #tpu.memory_space<vmem>>, vector<1x16xf32>,
    %get3A_945 = vector.shape_cast %get3A_944 : vector<1x16xf32> to vector<16xf32>
    %mul3A_946 = arith.constant 1.000000e+06 : f32
    %mul3A_947 = vector.broadcast %mul3A_946 : f32 to vector<16xf32>
    %mul3A_948 = arith.mulf %get3A_945, %mul3A_947 : vector<16xf32>
    %convert_element_type3A_949 = arith.fptosi %mul3A_948 : vector<16xf32> to vector<16xi32>
    %min3A_950 = arith.constant 999999 : i32
    %min3A_951 = vector.broadcast %min3A_950 : i32 to vector<16xi32>
    %min3A_952 = arith.minsi %convert_element_type3A_949, %min3A_951 : vector<16xi32>
    %swap3A_953 = arith.constant 1 : i32
    %swap3A_954 = arith.index_cast %swap3A_953 : i32 to index
    %swap3A_955 = arith.constant 240 : index
    %swap3A_956 = tpu.vector_load %arg6[%swap3A_954, %swap3A_955] {strides = array<i32>} : memref<2x512xi32, #tpu.memory_space<vmem>>, vector<1x16xi32>,
    %swap3A_957 = vector.shape_cast %swap3A_956 : vector<1x16xi32> to vector<16xi32>
    %swap3A_958 = vector.shape_cast %min3A_952 : vector<16xi32> to vector<1x16xi32>
    tpu.vector_store %arg6[%swap3A_954, %swap3A_955], %swap3A_958 {strides = array<i32>} : memref<2x512xi32, #tpu.memory_space<vmem>>, vector<1x16xi32>,
    %get3A_959 = arith.constant 1 : i32
    %get3A_960 = arith.index_cast %get3A_959 : i32 to index
    %get3A_961 = arith.constant 256 : index
    %get3A_962 = tpu.vector_load %arg5[%get3A_960, %get3A_961] {strides = array<i32>} : memref<2x512xf32, #tpu.memory_space<vmem>>, vector<1x16xf32>,
    %get3A_963 = vector.shape_cast %get3A_962 : vector<1x16xf32> to vector<16xf32>
    %mul3A_964 = arith.constant 1.000000e+06 : f32
    %mul3A_965 = vector.broadcast %mul3A_964 : f32 to vector<16xf32>
    %mul3A_966 = arith.mulf %get3A_963, %mul3A_965 : vector<16xf32>
    %convert_element_type3A_967 = arith.fptosi %mul3A_966 : vector<16xf32> to vector<16xi32>
    %min3A_968 = arith.constant 999999 : i32
    %min3A_969 = vector.broadcast %min3A_968 : i32 to vector<16xi32>
    %min3A_970 = arith.minsi %convert_element_type3A_967, %min3A_969 : vector<16xi32>
    %swap3A_971 = arith.constant 1 : i32
    %swap3A_972 = arith.index_cast %swap3A_971 : i32 to index
    %swap3A_973 = arith.constant 256 : index
    %swap3A_974 = tpu.vector_load %arg6[%swap3A_972, %swap3A_973] {strides = array<i32>} : memref<2x512xi32, #tpu.memory_space<vmem>>, vector<1x16xi32>,
    %swap3A_975 = vector.shape_cast %swap3A_974 : vector<1x16xi32> to vector<16xi32>
    %swap3A_976 = vector.shape_cast %min3A_970 : vector<16xi32> to vector<1x16xi32>
    tpu.vector_store %arg6[%swap3A_972, %swap3A_973], %swap3A_976 {strides = array<i32>} : memref<2x512xi32, #tpu.memory_space<vmem>>, vector<1x16xi32>,
    %get3A_977 = arith.constant 1 : i32
    %get3A_978 = arith.index_cast %get3A_977 : i32 to index
    %get3A_979 = arith.constant 272 : index
    %get3A_980 = tpu.vector_load %arg5[%get3A_978, %get3A_979] {strides = array<i32>} : memref<2x512xf32, #tpu.memory_space<vmem>>, vector<1x16xf32>,
    %get3A_981 = vector.shape_cast %get3A_980 : vector<1x16xf32> to vector<16xf32>
    %mul3A_982 = arith.constant 1.000000e+06 : f32
    %mul3A_983 = vector.broadcast %mul3A_982 : f32 to vector<16xf32>
    %mul3A_984 = arith.mulf %get3A_981, %mul3A_983 : vector<16xf32>
    %convert_element_type3A_985 = arith.fptosi %mul3A_984 : vector<16xf32> to vector<16xi32>
    %min3A_986 = arith.constant 999999 : i32
    %min3A_987 = vector.broadcast %min3A_986 : i32 to vector<16xi32>
    %min3A_988 = arith.minsi %convert_element_type3A_985, %min3A_987 : vector<16xi32>
    %swap3A_989 = arith.constant 1 : i32
    %swap3A_990 = arith.index_cast %swap3A_989 : i32 to index
    %swap3A_991 = arith.constant 272 : index
    %swap3A_992 = tpu.vector_load %arg6[%swap3A_990, %swap3A_991] {strides = array<i32>} : memref<2x512xi32, #tpu.memory_space<vmem>>, vector<1x16xi32>,
    %swap3A_993 = vector.shape_cast %swap3A_992 : vector<1x16xi32> to vector<16xi32>
    %swap3A_994 = vector.shape_cast %min3A_988 : vector<16xi32> to vector<1x16xi32>
    tpu.vector_store %arg6[%swap3A_990, %swap3A_991], %swap3A_994 {strides = array<i32>} : memref<2x512xi32, #tpu.memory_space<vmem>>, vector<1x16xi32>,
    %get3A_995 = arith.constant 1 : i32
    %get3A_996 = arith.index_cast %get3A_995 : i32 to index
    %get3A_997 = arith.constant 288 : index
    %get3A_998 = tpu.vector_load %arg5[%get3A_996, %get3A_997] {strides = array<i32>} : memref<2x512xf32, #tpu.memory_space<vmem>>, vector<1x16xf32>,
    %get3A_999 = vector.shape_cast %get3A_998 : vector<1x16xf32> to vector<16xf32>
    %mul3A_1000 = arith.constant 1.000000e+06 : f32
    %mul3A_1001 = vector.broadcast %mul3A_1000 : f32 to vector<16xf32>
    %mul3A_1002 = arith.mulf %get3A_999, %mul3A_1001 : vector<16xf32>
    %convert_element_type3A_1003 = arith.fptosi %mul3A_1002 : vector<16xf32> to vector<16xi32>
    %min3A_1004 = arith.constant 999999 : i32
    %min3A_1005 = vector.broadcast %min3A_1004 : i32 to vector<16xi32>
    %min3A_1006 = arith.minsi %convert_element_type3A_1003, %min3A_1005 : vector<16xi32>
    %swap3A_1007 = arith.constant 1 : i32
    %swap3A_1008 = arith.index_cast %swap3A_1007 : i32 to index
    %swap3A_1009 = arith.constant 288 : index
    %swap3A_1010 = tpu.vector_load %arg6[%swap3A_1008, %swap3A_1009] {strides = array<i32>} : memref<2x512xi32, #tpu.memory_space<vmem>>, vector<1x16xi32>,
    %swap3A_1011 = vector.shape_cast %swap3A_1010 : vector<1x16xi32> to vector<16xi32>
    %swap3A_1012 = vector.shape_cast %min3A_1006 : vector<16xi32> to vector<1x16xi32>
    tpu.vector_store %arg6[%swap3A_1008, %swap3A_1009], %swap3A_1012 {strides = array<i32>} : memref<2x512xi32, #tpu.memory_space<vmem>>, vector<1x16xi32>,
    %get3A_1013 = arith.constant 1 : i32
    %get3A_1014 = arith.index_cast %get3A_1013 : i32 to index
    %get3A_1015 = arith.constant 304 : index
    %get3A_1016 = tpu.vector_load %arg5[%get3A_1014, %get3A_1015] {strides = array<i32>} : memref<2x512xf32, #tpu.memory_space<vmem>>, vector<1x16xf32>,
    %get3A_1017 = vector.shape_cast %get3A_1016 : vector<1x16xf32> to vector<16xf32>
    %mul3A_1018 = arith.constant 1.000000e+06 : f32
    %mul3A_1019 = vector.broadcast %mul3A_1018 : f32 to vector<16xf32>
    %mul3A_1020 = arith.mulf %get3A_1017, %mul3A_1019 : vector<16xf32>
    %convert_element_type3A_1021 = arith.fptosi %mul3A_1020 : vector<16xf32> to vector<16xi32>
    %min3A_1022 = arith.constant 999999 : i32
    %min3A_1023 = vector.broadcast %min3A_1022 : i32 to vector<16xi32>
    %min3A_1024 = arith.minsi %convert_element_type3A_1021, %min3A_1023 : vector<16xi32>
    %swap3A_1025 = arith.constant 1 : i32
    %swap3A_1026 = arith.index_cast %swap3A_1025 : i32 to index
    %swap3A_1027 = arith.constant 304 : index
    %swap3A_1028 = tpu.vector_load %arg6[%swap3A_1026, %swap3A_1027] {strides = array<i32>} : memref<2x512xi32, #tpu.memory_space<vmem>>, vector<1x16xi32>,
    %swap3A_1029 = vector.shape_cast %swap3A_1028 : vector<1x16xi32> to vector<16xi32>
    %swap3A_1030 = vector.shape_cast %min3A_1024 : vector<16xi32> to vector<1x16xi32>
    tpu.vector_store %arg6[%swap3A_1026, %swap3A_1027], %swap3A_1030 {strides = array<i32>} : memref<2x512xi32, #tpu.memory_space<vmem>>, vector<1x16xi32>,
    %get3A_1031 = arith.constant 1 : i32
    %get3A_1032 = arith.index_cast %get3A_1031 : i32 to index
    %get3A_1033 = arith.constant 320 : index
    %get3A_1034 = tpu.vector_load %arg5[%get3A_1032, %get3A_1033] {strides = array<i32>} : memref<2x512xf32, #tpu.memory_space<vmem>>, vector<1x16xf32>,
    %get3A_1035 = vector.shape_cast %get3A_1034 : vector<1x16xf32> to vector<16xf32>
    %mul3A_1036 = arith.constant 1.000000e+06 : f32
    %mul3A_1037 = vector.broadcast %mul3A_1036 : f32 to vector<16xf32>
    %mul3A_1038 = arith.mulf %get3A_1035, %mul3A_1037 : vector<16xf32>
    %convert_element_type3A_1039 = arith.fptosi %mul3A_1038 : vector<16xf32> to vector<16xi32>
    %min3A_1040 = arith.constant 999999 : i32
    %min3A_1041 = vector.broadcast %min3A_1040 : i32 to vector<16xi32>
    %min3A_1042 = arith.minsi %convert_element_type3A_1039, %min3A_1041 : vector<16xi32>
    %swap3A_1043 = arith.constant 1 : i32
    %swap3A_1044 = arith.index_cast %swap3A_1043 : i32 to index
    %swap3A_1045 = arith.constant 320 : index
    %swap3A_1046 = tpu.vector_load %arg6[%swap3A_1044, %swap3A_1045] {strides = array<i32>} : memref<2x512xi32, #tpu.memory_space<vmem>>, vector<1x16xi32>,
    %swap3A_1047 = vector.shape_cast %swap3A_1046 : vector<1x16xi32> to vector<16xi32>
    %swap3A_1048 = vector.shape_cast %min3A_1042 : vector<16xi32> to vector<1x16xi32>
    tpu.vector_store %arg6[%swap3A_1044, %swap3A_1045], %swap3A_1048 {strides = array<i32>} : memref<2x512xi32, #tpu.memory_space<vmem>>, vector<1x16xi32>,
    %get3A_1049 = arith.constant 1 : i32
    %get3A_1050 = arith.index_cast %get3A_1049 : i32 to index
    %get3A_1051 = arith.constant 336 : index
    %get3A_1052 = tpu.vector_load %arg5[%get3A_1050, %get3A_1051] {strides = array<i32>} : memref<2x512xf32, #tpu.memory_space<vmem>>, vector<1x16xf32>,
    %get3A_1053 = vector.shape_cast %get3A_1052 : vector<1x16xf32> to vector<16xf32>
    %mul3A_1054 = arith.constant 1.000000e+06 : f32
    %mul3A_1055 = vector.broadcast %mul3A_1054 : f32 to vector<16xf32>
    %mul3A_1056 = arith.mulf %get3A_1053, %mul3A_1055 : vector<16xf32>
    %convert_element_type3A_1057 = arith.fptosi %mul3A_1056 : vector<16xf32> to vector<16xi32>
    %min3A_1058 = arith.constant 999999 : i32
    %min3A_1059 = vector.broadcast %min3A_1058 : i32 to vector<16xi32>
    %min3A_1060 = arith.minsi %convert_element_type3A_1057, %min3A_1059 : vector<16xi32>
    %swap3A_1061 = arith.constant 1 : i32
    %swap3A_1062 = arith.index_cast %swap3A_1061 : i32 to index
    %swap3A_1063 = arith.constant 336 : index
    %swap3A_1064 = tpu.vector_load %arg6[%swap3A_1062, %swap3A_1063] {strides = array<i32>} : memref<2x512xi32, #tpu.memory_space<vmem>>, vector<1x16xi32>,
    %swap3A_1065 = vector.shape_cast %swap3A_1064 : vector<1x16xi32> to vector<16xi32>
    %swap3A_1066 = vector.shape_cast %min3A_1060 : vector<16xi32> to vector<1x16xi32>
    tpu.vector_store %arg6[%swap3A_1062, %swap3A_1063], %swap3A_1066 {strides = array<i32>} : memref<2x512xi32, #tpu.memory_space<vmem>>, vector<1x16xi32>,
    %get3A_1067 = arith.constant 1 : i32
    %get3A_1068 = arith.index_cast %get3A_1067 : i32 to index
    %get3A_1069 = arith.constant 352 : index
    %get3A_1070 = tpu.vector_load %arg5[%get3A_1068, %get3A_1069] {strides = array<i32>} : memref<2x512xf32, #tpu.memory_space<vmem>>, vector<1x16xf32>,
    %get3A_1071 = vector.shape_cast %get3A_1070 : vector<1x16xf32> to vector<16xf32>
    %mul3A_1072 = arith.constant 1.000000e+06 : f32
    %mul3A_1073 = vector.broadcast %mul3A_1072 : f32 to vector<16xf32>
    %mul3A_1074 = arith.mulf %get3A_1071, %mul3A_1073 : vector<16xf32>
    %convert_element_type3A_1075 = arith.fptosi %mul3A_1074 : vector<16xf32> to vector<16xi32>
    %min3A_1076 = arith.constant 999999 : i32
    %min3A_1077 = vector.broadcast %min3A_1076 : i32 to vector<16xi32>
    %min3A_1078 = arith.minsi %convert_element_type3A_1075, %min3A_1077 : vector<16xi32>
    %swap3A_1079 = arith.constant 1 : i32
    %swap3A_1080 = arith.index_cast %swap3A_1079 : i32 to index
    %swap3A_1081 = arith.constant 352 : index
    %swap3A_1082 = tpu.vector_load %arg6[%swap3A_1080, %swap3A_1081] {strides = array<i32>} : memref<2x512xi32, #tpu.memory_space<vmem>>, vector<1x16xi32>,
    %swap3A_1083 = vector.shape_cast %swap3A_1082 : vector<1x16xi32> to vector<16xi32>
    %swap3A_1084 = vector.shape_cast %min3A_1078 : vector<16xi32> to vector<1x16xi32>
    tpu.vector_store %arg6[%swap3A_1080, %swap3A_1081], %swap3A_1084 {strides = array<i32>} : memref<2x512xi32, #tpu.memory_space<vmem>>, vector<1x16xi32>,
    %get3A_1085 = arith.constant 1 : i32
    %get3A_1086 = arith.index_cast %get3A_1085 : i32 to index
    %get3A_1087 = arith.constant 368 : index
    %get3A_1088 = tpu.vector_load %arg5[%get3A_1086, %get3A_1087] {strides = array<i32>} : memref<2x512xf32, #tpu.memory_space<vmem>>, vector<1x16xf32>,
    %get3A_1089 = vector.shape_cast %get3A_1088 : vector<1x16xf32> to vector<16xf32>
    %mul3A_1090 = arith.constant 1.000000e+06 : f32
    %mul3A_1091 = vector.broadcast %mul3A_1090 : f32 to vector<16xf32>
    %mul3A_1092 = arith.mulf %get3A_1089, %mul3A_1091 : vector<16xf32>
    %convert_element_type3A_1093 = arith.fptosi %mul3A_1092 : vector<16xf32> to vector<16xi32>
    %min3A_1094 = arith.constant 999999 : i32
    %min3A_1095 = vector.broadcast %min3A_1094 : i32 to vector<16xi32>
    %min3A_1096 = arith.minsi %convert_element_type3A_1093, %min3A_1095 : vector<16xi32>
    %swap3A_1097 = arith.constant 1 : i32
    %swap3A_1098 = arith.index_cast %swap3A_1097 : i32 to index
    %swap3A_1099 = arith.constant 368 : index
    %swap3A_1100 = tpu.vector_load %arg6[%swap3A_1098, %swap3A_1099] {strides = array<i32>} : memref<2x512xi32, #tpu.memory_space<vmem>>, vector<1x16xi32>,
    %swap3A_1101 = vector.shape_cast %swap3A_1100 : vector<1x16xi32> to vector<16xi32>
    %swap3A_1102 = vector.shape_cast %min3A_1096 : vector<16xi32> to vector<1x16xi32>
    tpu.vector_store %arg6[%swap3A_1098, %swap3A_1099], %swap3A_1102 {strides = array<i32>} : memref<2x512xi32, #tpu.memory_space<vmem>>, vector<1x16xi32>,
    %get3A_1103 = arith.constant 1 : i32
    %get3A_1104 = arith.index_cast %get3A_1103 : i32 to index
    %get3A_1105 = arith.constant 384 : index
    %get3A_1106 = tpu.vector_load %arg5[%get3A_1104, %get3A_1105] {strides = array<i32>} : memref<2x512xf32, #tpu.memory_space<vmem>>, vector<1x16xf32>,
    %get3A_1107 = vector.shape_cast %get3A_1106 : vector<1x16xf32> to vector<16xf32>
    %mul3A_1108 = arith.constant 1.000000e+06 : f32
    %mul3A_1109 = vector.broadcast %mul3A_1108 : f32 to vector<16xf32>
    %mul3A_1110 = arith.mulf %get3A_1107, %mul3A_1109 : vector<16xf32>
    %convert_element_type3A_1111 = arith.fptosi %mul3A_1110 : vector<16xf32> to vector<16xi32>
    %min3A_1112 = arith.constant 999999 : i32
    %min3A_1113 = vector.broadcast %min3A_1112 : i32 to vector<16xi32>
    %min3A_1114 = arith.minsi %convert_element_type3A_1111, %min3A_1113 : vector<16xi32>
    %swap3A_1115 = arith.constant 1 : i32
    %swap3A_1116 = arith.index_cast %swap3A_1115 : i32 to index
    %swap3A_1117 = arith.constant 384 : index
    %swap3A_1118 = tpu.vector_load %arg6[%swap3A_1116, %swap3A_1117] {strides = array<i32>} : memref<2x512xi32, #tpu.memory_space<vmem>>, vector<1x16xi32>,
    %swap3A_1119 = vector.shape_cast %swap3A_1118 : vector<1x16xi32> to vector<16xi32>
    %swap3A_1120 = vector.shape_cast %min3A_1114 : vector<16xi32> to vector<1x16xi32>
    tpu.vector_store %arg6[%swap3A_1116, %swap3A_1117], %swap3A_1120 {strides = array<i32>} : memref<2x512xi32, #tpu.memory_space<vmem>>, vector<1x16xi32>,
    %get3A_1121 = arith.constant 1 : i32
    %get3A_1122 = arith.index_cast %get3A_1121 : i32 to index
    %get3A_1123 = arith.constant 400 : index
    %get3A_1124 = tpu.vector_load %arg5[%get3A_1122, %get3A_1123] {strides = array<i32>} : memref<2x512xf32, #tpu.memory_space<vmem>>, vector<1x16xf32>,
    %get3A_1125 = vector.shape_cast %get3A_1124 : vector<1x16xf32> to vector<16xf32>
    %mul3A_1126 = arith.constant 1.000000e+06 : f32
    %mul3A_1127 = vector.broadcast %mul3A_1126 : f32 to vector<16xf32>
    %mul3A_1128 = arith.mulf %get3A_1125, %mul3A_1127 : vector<16xf32>
    %convert_element_type3A_1129 = arith.fptosi %mul3A_1128 : vector<16xf32> to vector<16xi32>
    %min3A_1130 = arith.constant 999999 : i32
    %min3A_1131 = vector.broadcast %min3A_1130 : i32 to vector<16xi32>
    %min3A_1132 = arith.minsi %convert_element_type3A_1129, %min3A_1131 : vector<16xi32>
    %swap3A_1133 = arith.constant 1 : i32
    %swap3A_1134 = arith.index_cast %swap3A_1133 : i32 to index
    %swap3A_1135 = arith.constant 400 : index
    %swap3A_1136 = tpu.vector_load %arg6[%swap3A_1134, %swap3A_1135] {strides = array<i32>} : memref<2x512xi32, #tpu.memory_space<vmem>>, vector<1x16xi32>,
    %swap3A_1137 = vector.shape_cast %swap3A_1136 : vector<1x16xi32> to vector<16xi32>
    %swap3A_1138 = vector.shape_cast %min3A_1132 : vector<16xi32> to vector<1x16xi32>
    tpu.vector_store %arg6[%swap3A_1134, %swap3A_1135], %swap3A_1138 {strides = array<i32>} : memref<2x512xi32, #tpu.memory_space<vmem>>, vector<1x16xi32>,
    %get3A_1139 = arith.constant 1 : i32
    %get3A_1140 = arith.index_cast %get3A_1139 : i32 to index
    %get3A_1141 = arith.constant 416 : index
    %get3A_1142 = tpu.vector_load %arg5[%get3A_1140, %get3A_1141] {strides = array<i32>} : memref<2x512xf32, #tpu.memory_space<vmem>>, vector<1x16xf32>,
    %get3A_1143 = vector.shape_cast %get3A_1142 : vector<1x16xf32> to vector<16xf32>
    %mul3A_1144 = arith.constant 1.000000e+06 : f32
    %mul3A_1145 = vector.broadcast %mul3A_1144 : f32 to vector<16xf32>
    %mul3A_1146 = arith.mulf %get3A_1143, %mul3A_1145 : vector<16xf32>
    %convert_element_type3A_1147 = arith.fptosi %mul3A_1146 : vector<16xf32> to vector<16xi32>
    %min3A_1148 = arith.constant 999999 : i32
    %min3A_1149 = vector.broadcast %min3A_1148 : i32 to vector<16xi32>
    %min3A_1150 = arith.minsi %convert_element_type3A_1147, %min3A_1149 : vector<16xi32>
    %swap3A_1151 = arith.constant 1 : i32
    %swap3A_1152 = arith.index_cast %swap3A_1151 : i32 to index
    %swap3A_1153 = arith.constant 416 : index
    %swap3A_1154 = tpu.vector_load %arg6[%swap3A_1152, %swap3A_1153] {strides = array<i32>} : memref<2x512xi32, #tpu.memory_space<vmem>>, vector<1x16xi32>,
    %swap3A_1155 = vector.shape_cast %swap3A_1154 : vector<1x16xi32> to vector<16xi32>
    %swap3A_1156 = vector.shape_cast %min3A_1150 : vector<16xi32> to vector<1x16xi32>
    tpu.vector_store %arg6[%swap3A_1152, %swap3A_1153], %swap3A_1156 {strides = array<i32>} : memref<2x512xi32, #tpu.memory_space<vmem>>, vector<1x16xi32>,
    %get3A_1157 = arith.constant 1 : i32
    %get3A_1158 = arith.index_cast %get3A_1157 : i32 to index
    %get3A_1159 = arith.constant 432 : index
    %get3A_1160 = tpu.vector_load %arg5[%get3A_1158, %get3A_1159] {strides = array<i32>} : memref<2x512xf32, #tpu.memory_space<vmem>>, vector<1x16xf32>,
    %get3A_1161 = vector.shape_cast %get3A_1160 : vector<1x16xf32> to vector<16xf32>
    %mul3A_1162 = arith.constant 1.000000e+06 : f32
    %mul3A_1163 = vector.broadcast %mul3A_1162 : f32 to vector<16xf32>
    %mul3A_1164 = arith.mulf %get3A_1161, %mul3A_1163 : vector<16xf32>
    %convert_element_type3A_1165 = arith.fptosi %mul3A_1164 : vector<16xf32> to vector<16xi32>
    %min3A_1166 = arith.constant 999999 : i32
    %min3A_1167 = vector.broadcast %min3A_1166 : i32 to vector<16xi32>
    %min3A_1168 = arith.minsi %convert_element_type3A_1165, %min3A_1167 : vector<16xi32>
    %swap3A_1169 = arith.constant 1 : i32
    %swap3A_1170 = arith.index_cast %swap3A_1169 : i32 to index
    %swap3A_1171 = arith.constant 432 : index
    %swap3A_1172 = tpu.vector_load %arg6[%swap3A_1170, %swap3A_1171] {strides = array<i32>} : memref<2x512xi32, #tpu.memory_space<vmem>>, vector<1x16xi32>,
    %swap3A_1173 = vector.shape_cast %swap3A_1172 : vector<1x16xi32> to vector<16xi32>
    %swap3A_1174 = vector.shape_cast %min3A_1168 : vector<16xi32> to vector<1x16xi32>
    tpu.vector_store %arg6[%swap3A_1170, %swap3A_1171], %swap3A_1174 {strides = array<i32>} : memref<2x512xi32, #tpu.memory_space<vmem>>, vector<1x16xi32>,
    %get3A_1175 = arith.constant 1 : i32
    %get3A_1176 = arith.index_cast %get3A_1175 : i32 to index
    %get3A_1177 = arith.constant 448 : index
    %get3A_1178 = tpu.vector_load %arg5[%get3A_1176, %get3A_1177] {strides = array<i32>} : memref<2x512xf32, #tpu.memory_space<vmem>>, vector<1x16xf32>,
    %get3A_1179 = vector.shape_cast %get3A_1178 : vector<1x16xf32> to vector<16xf32>
    %mul3A_1180 = arith.constant 1.000000e+06 : f32
    %mul3A_1181 = vector.broadcast %mul3A_1180 : f32 to vector<16xf32>
    %mul3A_1182 = arith.mulf %get3A_1179, %mul3A_1181 : vector<16xf32>
    %convert_element_type3A_1183 = arith.fptosi %mul3A_1182 : vector<16xf32> to vector<16xi32>
    %min3A_1184 = arith.constant 999999 : i32
    %min3A_1185 = vector.broadcast %min3A_1184 : i32 to vector<16xi32>
    %min3A_1186 = arith.minsi %convert_element_type3A_1183, %min3A_1185 : vector<16xi32>
    %swap3A_1187 = arith.constant 1 : i32
    %swap3A_1188 = arith.index_cast %swap3A_1187 : i32 to index
    %swap3A_1189 = arith.constant 448 : index
    %swap3A_1190 = tpu.vector_load %arg6[%swap3A_1188, %swap3A_1189] {strides = array<i32>} : memref<2x512xi32, #tpu.memory_space<vmem>>, vector<1x16xi32>,
    %swap3A_1191 = vector.shape_cast %swap3A_1190 : vector<1x16xi32> to vector<16xi32>
    %swap3A_1192 = vector.shape_cast %min3A_1186 : vector<16xi32> to vector<1x16xi32>
    tpu.vector_store %arg6[%swap3A_1188, %swap3A_1189], %swap3A_1192 {strides = array<i32>} : memref<2x512xi32, #tpu.memory_space<vmem>>, vector<1x16xi32>,
    %get3A_1193 = arith.constant 1 : i32
    %get3A_1194 = arith.index_cast %get3A_1193 : i32 to index
    %get3A_1195 = arith.constant 464 : index
    %get3A_1196 = tpu.vector_load %arg5[%get3A_1194, %get3A_1195] {strides = array<i32>} : memref<2x512xf32, #tpu.memory_space<vmem>>, vector<1x16xf32>,
    %get3A_1197 = vector.shape_cast %get3A_1196 : vector<1x16xf32> to vector<16xf32>
    %mul3A_1198 = arith.constant 1.000000e+06 : f32
    %mul3A_1199 = vector.broadcast %mul3A_1198 : f32 to vector<16xf32>
    %mul3A_1200 = arith.mulf %get3A_1197, %mul3A_1199 : vector<16xf32>
    %convert_element_type3A_1201 = arith.fptosi %mul3A_1200 : vector<16xf32> to vector<16xi32>
    %min3A_1202 = arith.constant 999999 : i32
    %min3A_1203 = vector.broadcast %min3A_1202 : i32 to vector<16xi32>
    %min3A_1204 = arith.minsi %convert_element_type3A_1201, %min3A_1203 : vector<16xi32>
    %swap3A_1205 = arith.constant 1 : i32
    %swap3A_1206 = arith.index_cast %swap3A_1205 : i32 to index
    %swap3A_1207 = arith.constant 464 : index
    %swap3A_1208 = tpu.vector_load %arg6[%swap3A_1206, %swap3A_1207] {strides = array<i32>} : memref<2x512xi32, #tpu.memory_space<vmem>>, vector<1x16xi32>,
    %swap3A_1209 = vector.shape_cast %swap3A_1208 : vector<1x16xi32> to vector<16xi32>
    %swap3A_1210 = vector.shape_cast %min3A_1204 : vector<16xi32> to vector<1x16xi32>
    tpu.vector_store %arg6[%swap3A_1206, %swap3A_1207], %swap3A_1210 {strides = array<i32>} : memref<2x512xi32, #tpu.memory_space<vmem>>, vector<1x16xi32>,
    %get3A_1211 = arith.constant 1 : i32
    %get3A_1212 = arith.index_cast %get3A_1211 : i32 to index
    %get3A_1213 = arith.constant 480 : index
    %get3A_1214 = tpu.vector_load %arg5[%get3A_1212, %get3A_1213] {strides = array<i32>} : memref<2x512xf32, #tpu.memory_space<vmem>>, vector<1x16xf32>,
    %get3A_1215 = vector.shape_cast %get3A_1214 : vector<1x16xf32> to vector<16xf32>
    %mul3A_1216 = arith.constant 1.000000e+06 : f32
    %mul3A_1217 = vector.broadcast %mul3A_1216 : f32 to vector<16xf32>
    %mul3A_1218 = arith.mulf %get3A_1215, %mul3A_1217 : vector<16xf32>
    %convert_element_type3A_1219 = arith.fptosi %mul3A_1218 : vector<16xf32> to vector<16xi32>
    %min3A_1220 = arith.constant 999999 : i32
    %min3A_1221 = vector.broadcast %min3A_1220 : i32 to vector<16xi32>
    %min3A_1222 = arith.minsi %convert_element_type3A_1219, %min3A_1221 : vector<16xi32>
    %swap3A_1223 = arith.constant 1 : i32
    %swap3A_1224 = arith.index_cast %swap3A_1223 : i32 to index
    %swap3A_1225 = arith.constant 480 : index
    %swap3A_1226 = tpu.vector_load %arg6[%swap3A_1224, %swap3A_1225] {strides = array<i32>} : memref<2x512xi32, #tpu.memory_space<vmem>>, vector<1x16xi32>,
    %swap3A_1227 = vector.shape_cast %swap3A_1226 : vector<1x16xi32> to vector<16xi32>
    %swap3A_1228 = vector.shape_cast %min3A_1222 : vector<16xi32> to vector<1x16xi32>
    tpu.vector_store %arg6[%swap3A_1224, %swap3A_1225], %swap3A_1228 {strides = array<i32>} : memref<2x512xi32, #tpu.memory_space<vmem>>, vector<1x16xi32>,
    %get3A_1229 = arith.constant 1 : i32
    %get3A_1230 = arith.index_cast %get3A_1229 : i32 to index
    %get3A_1231 = arith.constant 496 : index
    %get3A_1232 = tpu.vector_load %arg5[%get3A_1230, %get3A_1231] {strides = array<i32>} : memref<2x512xf32, #tpu.memory_space<vmem>>, vector<1x16xf32>,
    %get3A_1233 = vector.shape_cast %get3A_1232 : vector<1x16xf32> to vector<16xf32>
    %mul3A_1234 = arith.constant 1.000000e+06 : f32
    %mul3A_1235 = vector.broadcast %mul3A_1234 : f32 to vector<16xf32>
    %mul3A_1236 = arith.mulf %get3A_1233, %mul3A_1235 : vector<16xf32>
    %convert_element_type3A_1237 = arith.fptosi %mul3A_1236 : vector<16xf32> to vector<16xi32>
    %min3A_1238 = arith.constant 999999 : i32
    %min3A_1239 = vector.broadcast %min3A_1238 : i32 to vector<16xi32>
    %min3A_1240 = arith.minsi %convert_element_type3A_1237, %min3A_1239 : vector<16xi32>
    %swap3A_1241 = arith.constant 1 : i32
    %swap3A_1242 = arith.index_cast %swap3A_1241 : i32 to index
    %swap3A_1243 = arith.constant 496 : index
    %swap3A_1244 = tpu.vector_load %arg6[%swap3A_1242, %swap3A_1243] {strides = array<i32>} : memref<2x512xi32, #tpu.memory_space<vmem>>, vector<1x16xi32>,
    %swap3A_1245 = vector.shape_cast %swap3A_1244 : vector<1x16xi32> to vector<16xi32>
    %swap3A_1246 = vector.shape_cast %min3A_1240 : vector<16xi32> to vector<1x16xi32>
    tpu.vector_store %arg6[%swap3A_1242, %swap3A_1243], %swap3A_1246 {strides = array<i32>} : memref<2x512xi32, #tpu.memory_space<vmem>>, vector<1x16xi32>,
    %dma_wait3A_1247 = arith.constant 0 : i32
    %dma_wait3A_1248 = tpu.memref_slice %arg4[%mul3A_2, %dma_wait3A_1247] : memref<819200x32xf32, #tpu.memory_space<hbm>> -> memref<512x32xf32, #tpu.memory_space<hbm>>
    %dma_wait3A_1249 = arith.constant 0 : i32
    %dma_wait3A_1250 = tpu.memref_slice %arg4[%mul3A_2, %dma_wait3A_1249] : memref<819200x32xf32, #tpu.memory_space<hbm>> -> memref<512x32xf32, #tpu.memory_space<hbm>>
    tpu.wait_dma2 semaphore(%arg14 : memref<!tpu.dma_semaphore, #tpu.memory_space<semaphore_mem>>) src(%arg8 : memref<512x32xf32, #tpu.memory_space<vmem>>) dst(%dma_wait3A_1250 : memref<512x32xf32, #tpu.memory_space<hbm>>)
    %dma_start3A_1251 = arith.constant 1 : i32
    %dma_start3A_1252 = arith.constant 0 : i32
    %dma_start3A_1253 = arith.constant 0 : i32
    %dma_start3A_1254 = tpu.memref_slice %arg8[%dma_start3A_1252, %dma_start3A_1253] : memref<512x32xf32, #tpu.memory_space<vmem>> -> memref<128x32xf32, #tpu.memory_space<vmem>>
    %dma_start3A_1255 = arith.constant 0 : i32
    %dma_start3A_1256 = tpu.memref_slice %arg6[%dma_start3A_1251, %dma_start3A_1255] : memref<2x512xi32, #tpu.memory_space<vmem>> -> memref<1x128xi32, #tpu.memory_space<vmem>>
    %dma_start3A_1257 = tpu.memref_squeeze %dma_start3A_1256 : memref<1x128xi32, #tpu.memory_space<vmem>> -> memref<128xi32, #tpu.memory_space<vmem>>
    %dma_start3A_1258 = arith.constant 0 : i32
    %dma_start3A_1259 = arith.constant 0 : i32
    %dma_start3A_1260 = tpu.memref_slice %arg3[%dma_start3A_1258, %dma_start3A_1259] : memref<1000000x32xf32, #tpu.memory_space<hbm>> -> memref<1000000x32xf32, #tpu.memory_space<hbm>>
    tpu.enqueue_indirect_dma source(%dma_start3A_1260 : memref<1000000x32xf32, #tpu.memory_space<hbm>>) target(%dma_start3A_1254 : memref<128x32xf32, #tpu.memory_space<vmem>>) offsets(%dma_start3A_1257 : memref<128xi32, #tpu.memory_space<vmem>>) semaphore(%arg12 : memref<!tpu.dma_semaphore, #tpu.memory_space<semaphore_mem>>)
    %dma_start3A_1261 = arith.constant 1 : i32
    %dma_start3A_1262 = arith.constant 128 : i32
    %dma_start3A_1263 = arith.constant 0 : i32
    %dma_start3A_1264 = tpu.memref_slice %arg8[%dma_start3A_1262, %dma_start3A_1263] : memref<512x32xf32, #tpu.memory_space<vmem>> -> memref<128x32xf32, #tpu.memory_space<vmem>>
    %dma_start3A_1265 = arith.constant 128 : i32
    %dma_start3A_1266 = tpu.memref_slice %arg6[%dma_start3A_1261, %dma_start3A_1265] : memref<2x512xi32, #tpu.memory_space<vmem>> -> memref<1x128xi32, #tpu.memory_space<vmem>>
    %dma_start3A_1267 = tpu.memref_squeeze %dma_start3A_1266 : memref<1x128xi32, #tpu.memory_space<vmem>> -> memref<128xi32, #tpu.memory_space<vmem>>
    %dma_start3A_1268 = arith.constant 0 : i32
    %dma_start3A_1269 = arith.constant 0 : i32
    %dma_start3A_1270 = tpu.memref_slice %arg3[%dma_start3A_1268, %dma_start3A_1269] : memref<1000000x32xf32, #tpu.memory_space<hbm>> -> memref<1000000x32xf32, #tpu.memory_space<hbm>>
    tpu.enqueue_indirect_dma source(%dma_start3A_1270 : memref<1000000x32xf32, #tpu.memory_space<hbm>>) target(%dma_start3A_1264 : memref<128x32xf32, #tpu.memory_space<vmem>>) offsets(%dma_start3A_1267 : memref<128xi32, #tpu.memory_space<vmem>>) semaphore(%arg12 : memref<!tpu.dma_semaphore, #tpu.memory_space<semaphore_mem>>)
    %dma_start3A_1271 = arith.constant 1 : i32
    %dma_start3A_1272 = arith.constant 256 : i32
    %dma_start3A_1273 = arith.constant 0 : i32
    %dma_start3A_1274 = tpu.memref_slice %arg8[%dma_start3A_1272, %dma_start3A_1273] : memref<512x32xf32, #tpu.memory_space<vmem>> -> memref<128x32xf32, #tpu.memory_space<vmem>>
    %dma_start3A_1275 = arith.constant 256 : i32
    %dma_start3A_1276 = tpu.memref_slice %arg6[%dma_start3A_1271, %dma_start3A_1275] : memref<2x512xi32, #tpu.memory_space<vmem>> -> memref<1x128xi32, #tpu.memory_space<vmem>>
    %dma_start3A_1277 = tpu.memref_squeeze %dma_start3A_1276 : memref<1x128xi32, #tpu.memory_space<vmem>> -> memref<128xi32, #tpu.memory_space<vmem>>
    %dma_start3A_1278 = arith.constant 0 : i32
    %dma_start3A_1279 = arith.constant 0 : i32
    %dma_start3A_1280 = tpu.memref_slice %arg3[%dma_start3A_1278, %dma_start3A_1279] : memref<1000000x32xf32, #tpu.memory_space<hbm>> -> memref<1000000x32xf32, #tpu.memory_space<hbm>>
    tpu.enqueue_indirect_dma source(%dma_start3A_1280 : memref<1000000x32xf32, #tpu.memory_space<hbm>>) target(%dma_start3A_1274 : memref<128x32xf32, #tpu.memory_space<vmem>>) offsets(%dma_start3A_1277 : memref<128xi32, #tpu.memory_space<vmem>>) semaphore(%arg12 : memref<!tpu.dma_semaphore, #tpu.memory_space<semaphore_mem>>)
    %dma_start3A_1281 = arith.constant 1 : i32
    %dma_start3A_1282 = arith.constant 384 : i32
    %dma_start3A_1283 = arith.constant 0 : i32
    %dma_start3A_1284 = tpu.memref_slice %arg8[%dma_start3A_1282, %dma_start3A_1283] : memref<512x32xf32, #tpu.memory_space<vmem>> -> memref<128x32xf32, #tpu.memory_space<vmem>>
    %dma_start3A_1285 = arith.constant 384 : i32
    %dma_start3A_1286 = tpu.memref_slice %arg6[%dma_start3A_1281, %dma_start3A_1285] : memref<2x512xi32, #tpu.memory_space<vmem>> -> memref<1x128xi32, #tpu.memory_space<vmem>>
    %dma_start3A_1287 = tpu.memref_squeeze %dma_start3A_1286 : memref<1x128xi32, #tpu.memory_space<vmem>> -> memref<128xi32, #tpu.memory_space<vmem>>
    %dma_start3A_1288 = arith.constant 0 : i32
    %dma_start3A_1289 = arith.constant 0 : i32
    %dma_start3A_1290 = tpu.memref_slice %arg3[%dma_start3A_1288, %dma_start3A_1289] : memref<1000000x32xf32, #tpu.memory_space<hbm>> -> memref<1000000x32xf32, #tpu.memory_space<hbm>>
    tpu.enqueue_indirect_dma source(%dma_start3A_1290 : memref<1000000x32xf32, #tpu.memory_space<hbm>>) target(%dma_start3A_1284 : memref<128x32xf32, #tpu.memory_space<vmem>>) offsets(%dma_start3A_1287 : memref<128xi32, #tpu.memory_space<vmem>>) semaphore(%arg12 : memref<!tpu.dma_semaphore, #tpu.memory_space<semaphore_mem>>)
    %dma_wait3A_1291 = arith.constant 0 : i32
    %dma_wait3A_1292 = arith.constant 0 : i32
    %dma_wait3A_1293 = arith.constant 0 : i32
    %dma_wait3A_1294 = tpu.memref_slice %arg7[%dma_wait3A_1292, %dma_wait3A_1293] : memref<512x32xf32, #tpu.memory_space<vmem>> -> memref<128x32xf32, #tpu.memory_space<vmem>>
    %dma_wait3A_1295 = arith.constant 0 : i32
    %dma_wait3A_1296 = tpu.memref_slice %arg6[%dma_wait3A_1291, %dma_wait3A_1295] : memref<2x512xi32, #tpu.memory_space<vmem>> -> memref<1x128xi32, #tpu.memory_space<vmem>>
    %dma_wait3A_1297 = tpu.memref_squeeze %dma_wait3A_1296 : memref<1x128xi32, #tpu.memory_space<vmem>> -> memref<128xi32, #tpu.memory_space<vmem>>
    %dma_wait3A_1298 = arith.constant 0 : i32
    %dma_wait3A_1299 = arith.constant 0 : i32
    %dma_wait3A_1300 = tpu.memref_slice %arg3[%dma_wait3A_1298, %dma_wait3A_1299] : memref<1000000x32xf32, #tpu.memory_space<hbm>> -> memref<1000000x32xf32, #tpu.memory_space<hbm>>
    tpu.wait_indirect_dma semaphore(%arg11 : memref<!tpu.dma_semaphore, #tpu.memory_space<semaphore_mem>>) src(%dma_wait3A_1300 : memref<1000000x32xf32, #tpu.memory_space<hbm>>) dst(%dma_wait3A_1294 : memref<128x32xf32, #tpu.memory_space<vmem>>)
    %dma_wait3A_1301 = arith.constant 0 : i32
    %dma_wait3A_1302 = arith.constant 128 : i32
    %dma_wait3A_1303 = arith.constant 0 : i32
    %dma_wait3A_1304 = tpu.memref_slice %arg7[%dma_wait3A_1302, %dma_wait3A_1303] : memref<512x32xf32, #tpu.memory_space<vmem>> -> memref<128x32xf32, #tpu.memory_space<vmem>>
    %dma_wait3A_1305 = arith.constant 128 : i32
    %dma_wait3A_1306 = tpu.memref_slice %arg6[%dma_wait3A_1301, %dma_wait3A_1305] : memref<2x512xi32, #tpu.memory_space<vmem>> -> memref<1x128xi32, #tpu.memory_space<vmem>>
    %dma_wait3A_1307 = tpu.memref_squeeze %dma_wait3A_1306 : memref<1x128xi32, #tpu.memory_space<vmem>> -> memref<128xi32, #tpu.memory_space<vmem>>
    %dma_wait3A_1308 = arith.constant 0 : i32
    %dma_wait3A_1309 = arith.constant 0 : i32
    %dma_wait3A_1310 = tpu.memref_slice %arg3[%dma_wait3A_1308, %dma_wait3A_1309] : memref<1000000x32xf32, #tpu.memory_space<hbm>> -> memref<1000000x32xf32, #tpu.memory_space<hbm>>
    tpu.wait_indirect_dma semaphore(%arg11 : memref<!tpu.dma_semaphore, #tpu.memory_space<semaphore_mem>>) src(%dma_wait3A_1310 : memref<1000000x32xf32, #tpu.memory_space<hbm>>) dst(%dma_wait3A_1304 : memref<128x32xf32, #tpu.memory_space<vmem>>)
    %dma_wait3A_1311 = arith.constant 0 : i32
    %dma_wait3A_1312 = arith.constant 256 : i32
    %dma_wait3A_1313 = arith.constant 0 : i32
    %dma_wait3A_1314 = tpu.memref_slice %arg7[%dma_wait3A_1312, %dma_wait3A_1313] : memref<512x32xf32, #tpu.memory_space<vmem>> -> memref<128x32xf32, #tpu.memory_space<vmem>>
    %dma_wait3A_1315 = arith.constant 256 : i32
    %dma_wait3A_1316 = tpu.memref_slice %arg6[%dma_wait3A_1311, %dma_wait3A_1315] : memref<2x512xi32, #tpu.memory_space<vmem>> -> memref<1x128xi32, #tpu.memory_space<vmem>>
    %dma_wait3A_1317 = tpu.memref_squeeze %dma_wait3A_1316 : memref<1x128xi32, #tpu.memory_space<vmem>> -> memref<128xi32, #tpu.memory_space<vmem>>
    %dma_wait3A_1318 = arith.constant 0 : i32
    %dma_wait3A_1319 = arith.constant 0 : i32
    %dma_wait3A_1320 = tpu.memref_slice %arg3[%dma_wait3A_1318, %dma_wait3A_1319] : memref<1000000x32xf32, #tpu.memory_space<hbm>> -> memref<1000000x32xf32, #tpu.memory_space<hbm>>
    tpu.wait_indirect_dma semaphore(%arg11 : memref<!tpu.dma_semaphore, #tpu.memory_space<semaphore_mem>>) src(%dma_wait3A_1320 : memref<1000000x32xf32, #tpu.memory_space<hbm>>) dst(%dma_wait3A_1314 : memref<128x32xf32, #tpu.memory_space<vmem>>)
    %dma_wait3A_1321 = arith.constant 0 : i32
    %dma_wait3A_1322 = arith.constant 384 : i32
    %dma_wait3A_1323 = arith.constant 0 : i32
    %dma_wait3A_1324 = tpu.memref_slice %arg7[%dma_wait3A_1322, %dma_wait3A_1323] : memref<512x32xf32, #tpu.memory_space<vmem>> -> memref<128x32xf32, #tpu.memory_space<vmem>>
    %dma_wait3A_1325 = arith.constant 384 : i32
    %dma_wait3A_1326 = tpu.memref_slice %arg6[%dma_wait3A_1321, %dma_wait3A_1325] : memref<2x512xi32, #tpu.memory_space<vmem>> -> memref<1x128xi32, #tpu.memory_space<vmem>>
    %dma_wait3A_1327 = tpu.memref_squeeze %dma_wait3A_1326 : memref<1x128xi32, #tpu.memory_space<vmem>> -> memref<128xi32, #tpu.memory_space<vmem>>
    %dma_wait3A_1328 = arith.constant 0 : i32
    %dma_wait3A_1329 = arith.constant 0 : i32
    %dma_wait3A_1330 = tpu.memref_slice %arg3[%dma_wait3A_1328, %dma_wait3A_1329] : memref<1000000x32xf32, #tpu.memory_space<hbm>> -> memref<1000000x32xf32, #tpu.memory_space<hbm>>
    tpu.wait_indirect_dma semaphore(%arg11 : memref<!tpu.dma_semaphore, #tpu.memory_space<semaphore_mem>>) src(%dma_wait3A_1330 : memref<1000000x32xf32, #tpu.memory_space<hbm>>) dst(%dma_wait3A_1324 : memref<128x32xf32, #tpu.memory_space<vmem>>)
    %add3A_1331 = arith.constant 24576 : i32
    %add3A_1332 = arith.addi %mul3A_2, %add3A_1331 : i32
    %dma_start3A_1333 = arith.constant 0 : i32
    %dma_start3A_1334 = tpu.memref_slice %arg4[%add3A_1332, %dma_start3A_1333] : memref<819200x32xf32, #tpu.memory_space<hbm>> -> memref<512x32xf32, #tpu.memory_space<hbm>>
    %dma_start3A_1335 = arith.constant 0 : i32
    %dma_start3A_1336 = tpu.memref_slice %arg4[%add3A_1332, %dma_start3A_1335] : memref<819200x32xf32, #tpu.memory_space<hbm>> -> memref<512x32xf32, #tpu.memory_space<hbm>>
    tpu.enqueue_dma source(%arg7 : memref<512x32xf32, #tpu.memory_space<vmem>>) target(%dma_start3A_1336 : memref<512x32xf32, #tpu.memory_space<hbm>>) target_semaphore(%arg13 : memref<!tpu.dma_semaphore, #tpu.memory_space<semaphore_mem>>)
    %dma_wait3A_1337 = arith.constant 1 : i32
    %dma_wait3A_1338 = arith.constant 0 : i32
    %dma_wait3A_1339 = arith.constant 0 : i32
    %dma_wait3A_1340 = tpu.memref_slice %arg8[%dma_wait3A_1338, %dma_wait3A_1339] : memref<512x32xf32, #tpu.memory_space<vmem>> -> memref<128x32xf32, #tpu.memory_space<vmem>>
    %dma_wait3A_1341 = arith.constant 0 : i32
    %dma_wait3A_1342 = tpu.memref_slice %arg6[%dma_wait3A_1337, %dma_wait3A_1341] : memref<2x512xi32, #tpu.memory_space<vmem>> -> memref<1x128xi32, #tpu.memory_space<vmem>>
    %dma_wait3A_1343 = tpu.memref_squeeze %dma_wait3A_1342 : memref<1x128xi32, #tpu.memory_space<vmem>> -> memref<128xi32, #tpu.memory_space<vmem>>
    %dma_wait3A_1344 = arith.constant 0 : i32
    %dma_wait3A_1345 = arith.constant 0 : i32
    %dma_wait3A_1346 = tpu.memref_slice %arg3[%dma_wait3A_1344, %dma_wait3A_1345] : memref<1000000x32xf32, #tpu.memory_space<hbm>> -> memref<1000000x32xf32, #tpu.memory_space<hbm>>
    tpu.wait_indirect_dma semaphore(%arg12 : memref<!tpu.dma_semaphore, #tpu.memory_space<semaphore_mem>>) src(%dma_wait3A_1346 : memref<1000000x32xf32, #tpu.memory_space<hbm>>) dst(%dma_wait3A_1340 : memref<128x32xf32, #tpu.memory_space<vmem>>)
    %dma_wait3A_1347 = arith.constant 1 : i32
    %dma_wait3A_1348 = arith.constant 128 : i32
    %dma_wait3A_1349 = arith.constant 0 : i32
    %dma_wait3A_1350 = tpu.memref_slice %arg8[%dma_wait3A_1348, %dma_wait3A_1349] : memref<512x32xf32, #tpu.memory_space<vmem>> -> memref<128x32xf32, #tpu.memory_space<vmem>>
    %dma_wait3A_1351 = arith.constant 128 : i32
    %dma_wait3A_1352 = tpu.memref_slice %arg6[%dma_wait3A_1347, %dma_wait3A_1351] : memref<2x512xi32, #tpu.memory_space<vmem>> -> memref<1x128xi32, #tpu.memory_space<vmem>>
    %dma_wait3A_1353 = tpu.memref_squeeze %dma_wait3A_1352 : memref<1x128xi32, #tpu.memory_space<vmem>> -> memref<128xi32, #tpu.memory_space<vmem>>
    %dma_wait3A_1354 = arith.constant 0 : i32
    %dma_wait3A_1355 = arith.constant 0 : i32
    %dma_wait3A_1356 = tpu.memref_slice %arg3[%dma_wait3A_1354, %dma_wait3A_1355] : memref<1000000x32xf32, #tpu.memory_space<hbm>> -> memref<1000000x32xf32, #tpu.memory_space<hbm>>
    tpu.wait_indirect_dma semaphore(%arg12 : memref<!tpu.dma_semaphore, #tpu.memory_space<semaphore_mem>>) src(%dma_wait3A_1356 : memref<1000000x32xf32, #tpu.memory_space<hbm>>) dst(%dma_wait3A_1350 : memref<128x32xf32, #tpu.memory_space<vmem>>)
    %dma_wait3A_1357 = arith.constant 1 : i32
    %dma_wait3A_1358 = arith.constant 256 : i32
    %dma_wait3A_1359 = arith.constant 0 : i32
    %dma_wait3A_1360 = tpu.memref_slice %arg8[%dma_wait3A_1358, %dma_wait3A_1359] : memref<512x32xf32, #tpu.memory_space<vmem>> -> memref<128x32xf32, #tpu.memory_space<vmem>>
    %dma_wait3A_1361 = arith.constant 256 : i32
    %dma_wait3A_1362 = tpu.memref_slice %arg6[%dma_wait3A_1357, %dma_wait3A_1361] : memref<2x512xi32, #tpu.memory_space<vmem>> -> memref<1x128xi32, #tpu.memory_space<vmem>>
    %dma_wait3A_1363 = tpu.memref_squeeze %dma_wait3A_1362 : memref<1x128xi32, #tpu.memory_space<vmem>> -> memref<128xi32, #tpu.memory_space<vmem>>
    %dma_wait3A_1364 = arith.constant 0 : i32
    %dma_wait3A_1365 = arith.constant 0 : i32
    %dma_wait3A_1366 = tpu.memref_slice %arg3[%dma_wait3A_1364, %dma_wait3A_1365] : memref<1000000x32xf32, #tpu.memory_space<hbm>> -> memref<1000000x32xf32, #tpu.memory_space<hbm>>
    tpu.wait_indirect_dma semaphore(%arg12 : memref<!tpu.dma_semaphore, #tpu.memory_space<semaphore_mem>>) src(%dma_wait3A_1366 : memref<1000000x32xf32, #tpu.memory_space<hbm>>) dst(%dma_wait3A_1360 : memref<128x32xf32, #tpu.memory_space<vmem>>)
    %dma_wait3A_1367 = arith.constant 1 : i32
    %dma_wait3A_1368 = arith.constant 384 : i32
    %dma_wait3A_1369 = arith.constant 0 : i32
    %dma_wait3A_1370 = tpu.memref_slice %arg8[%dma_wait3A_1368, %dma_wait3A_1369] : memref<512x32xf32, #tpu.memory_space<vmem>> -> memref<128x32xf32, #tpu.memory_space<vmem>>
    %dma_wait3A_1371 = arith.constant 384 : i32
    %dma_wait3A_1372 = tpu.memref_slice %arg6[%dma_wait3A_1367, %dma_wait3A_1371] : memref<2x512xi32, #tpu.memory_space<vmem>> -> memref<1x128xi32, #tpu.memory_space<vmem>>
    %dma_wait3A_1373 = tpu.memref_squeeze %dma_wait3A_1372 : memref<1x128xi32, #tpu.memory_space<vmem>> -> memref<128xi32, #tpu.memory_space<vmem>>
    %dma_wait3A_1374 = arith.constant 0 : i32
    %dma_wait3A_1375 = arith.constant 0 : i32
    %dma_wait3A_1376 = tpu.memref_slice %arg3[%dma_wait3A_1374, %dma_wait3A_1375] : memref<1000000x32xf32, #tpu.memory_space<hbm>> -> memref<1000000x32xf32, #tpu.memory_space<hbm>>
    tpu.wait_indirect_dma semaphore(%arg12 : memref<!tpu.dma_semaphore, #tpu.memory_space<semaphore_mem>>) src(%dma_wait3A_1376 : memref<1000000x32xf32, #tpu.memory_space<hbm>>) dst(%dma_wait3A_1370 : memref<128x32xf32, #tpu.memory_space<vmem>>)
    %add3A_1377 = arith.constant 25088 : i32
    %add3A_1378 = arith.addi %mul3A_2, %add3A_1377 : i32
    %dma_start3A_1379 = arith.constant 0 : i32
    %dma_start3A_1380 = tpu.memref_slice %arg4[%add3A_1378, %dma_start3A_1379] : memref<819200x32xf32, #tpu.memory_space<hbm>> -> memref<512x32xf32, #tpu.memory_space<hbm>>
    %dma_start3A_1381 = arith.constant 0 : i32
    %dma_start3A_1382 = tpu.memref_slice %arg4[%add3A_1378, %dma_start3A_1381] : memref<819200x32xf32, #tpu.memory_space<hbm>> -> memref<512x32xf32, #tpu.memory_space<hbm>>
    tpu.enqueue_dma source(%arg8 : memref<512x32xf32, #tpu.memory_space<vmem>>) target(%dma_start3A_1382 : memref<512x32xf32, #tpu.memory_space<hbm>>) target_semaphore(%arg14 : memref<!tpu.dma_semaphore, #tpu.memory_space<semaphore_mem>>)
    %dma_wait3A_1383 = arith.constant 0 : i32
    %dma_wait3A_1384 = tpu.memref_slice %arg4[%mul3A_2, %dma_wait3A_1383] : memref<819200x32xf32, #tpu.memory_space<hbm>> -> memref<512x32xf32, #tpu.memory_space<hbm>>
    %dma_wait3A_1385 = arith.constant 0 : i32
    %dma_wait3A_1386 = tpu.memref_slice %arg4[%mul3A_2, %dma_wait3A_1385] : memref<819200x32xf32, #tpu.memory_space<hbm>> -> memref<512x32xf32, #tpu.memory_space<hbm>>
    tpu.wait_dma2 semaphore(%arg13 : memref<!tpu.dma_semaphore, #tpu.memory_space<semaphore_mem>>) src(%arg7 : memref<512x32xf32, #tpu.memory_space<vmem>>) dst(%dma_wait3A_1386 : memref<512x32xf32, #tpu.memory_space<hbm>>)
    %dma_wait3A_1387 = arith.constant 0 : i32
    %dma_wait3A_1388 = tpu.memref_slice %arg4[%mul3A_2, %dma_wait3A_1387] : memref<819200x32xf32, #tpu.memory_space<hbm>> -> memref<512x32xf32, #tpu.memory_space<hbm>>
    %dma_wait3A_1389 = arith.constant 0 : i32
    %dma_wait3A_1390 = tpu.memref_slice %arg4[%mul3A_2, %dma_wait3A_1389] : memref<819200x32xf32, #tpu.memory_space<hbm>> -> memref<512x32xf32, #tpu.memory_space<hbm>>
    tpu.wait_dma2 semaphore(%arg14 : memref<!tpu.dma_semaphore, #tpu.memory_space<semaphore_mem>>) src(%arg8 : memref<512x32xf32, #tpu.memory_space<vmem>>) dst(%dma_wait3A_1390 : memref<512x32xf32, #tpu.memory_space<hbm>>)
    return
  }
}

</mosaic_0001>

<sc_bundles>
// kernel: kernel.3.cloned.1.call-start
scs
__scs_entry_jumppad:
0x0: {  	(pc) =	sbr.rel $0x88, $3  }
0x1: {  	(tag) =	ssettag $0x0;
	lr =	simm.s32 $0x1  }
0x2: {  	[smem:$0x3F9F] =	sst lr;
	_ =	strace $0xD0000000  }
0x3: {  	_ = 	snop  }
0x4: {  	_ = 	snop  }
0x5: {  	_ = 	snop  }
0x6: {  	_ = 	snop  }
0x7: {  	_ = 	snop  }
__scs_overlays_trampoline_lowered:
0x8: {  	[smem:$0x3FAE] =	sst s0  }
0x9: {  	[smem:$0x3FAF] =	sst s1  }
0xa: {  	[smem:$0x3FB0] =	sst s2  }
0xb: {  	[smem:$0x3FB1] =	sst s3  }
0xc: {  	[smem:$0x3FB2] =	sst s4  }
0xd: {  	[smem:$0x3FB3] =	sst s5  }
0xe: {  	[smem:$0x3FB4] =	sst s6  }
0xf: {  	[smem:$0x3FB5] =	sst s7  }
0x10: {  	[smem:$0x3FB6] =	sst s8  }
0x11: {  	[smem:$0x3FB7] =	sst s9;
	s0 =	simm.s32 @!p0 $0x0  }
0x12: {  	s1 =	sld [smem:$0x3F9D];
	s0 =	simm.s32 @p0 $0x1  }
0x13: {  	[smem:$0x3FB8] =	sst s0;
	s0 =	simm.s32 @!p1 $0x0  }
0x14: {  	s2 =	sld [smem:$0x3F9C];
	s0 =	simm.s32 @p1 $0x1  }
0x15: {  	[smem:$0x3FB9] =	sst s0;
	s0 =	simm.s32 @!p2 $0x0  }
0x16: {  	s3 =	sld [smem:$0x3FDB];
	s0 =	simm.s32 @p2 $0x1  }
0x17: {  	s4 =	simm.s32 $0x1BF5;
	[smem:$0x3FBB] =	sst s0  }
0x18: {  	s0 =	sld [smem:$0x3F9E];
	_ =	swait.ge [sflag:s4], $0x0  }
0x19: {  	s7 =	sld [smem:$0x3F9F]  }
0x1a: {  	s8 =	sadd.s32 $0xFFFFE003, lr  }
0x1b: {  	s9 =	sadd.s32 $0xFFFFFEF7, lr;
	s5 =	simm.s32 $0xFFFFFFFF;
	p2 =	slt.u32 s8, $0xFFFFF086  }
0x1c: {  	p1 =	slt.u32 s9, $0xF7A;
	s5 =	simm.s32 @!p2 $0x0  }
0x1d: {  	s5 =	simm.s32 @p1 $0x1;
	p0 =	seq.s32 s7, s2  }
0x1e: {  	s7 =	smul.u32 @!p0 $0xF7A, s2;
	p2 =	seq.s32 @!p0 s5, $0x0  }
0x1f: {  	s9 =	smul.u32 $0xF7A, s1;
	s8 =	simm.s32 @!p0 $0x1BF5;
	p2 =	por !p2, p0  }
0x20: {  	[sflag:s8] =	ssyncset.s32 @!p0 $0xFFFFF086;
	s6 =	sadd.s32 @!p0 s3, s7;
	s7 =	simm.s32 @!p0 $0x108  }
0x21: {  	s3 =	sadd.s32 s3, s9;
	s6 =	sadd.s32 @!p0 $0x88, s6;
	s7 =	simm.s32 @p2 $0x1082  }
0x22: {  	[simem:s7], [sflag:s8] =	dma.local @!p0 [hbm:s6], $0xF7A  }
0x23: {  	s9 =	sor.u32 $0xD0000000, s2;
	s6 =	simm.s32 $0x108;
	_ =	swait.ge @!p0 [sflag:s8], $0x0  }
0x24: {  	s3 =	sadd.s32 $0x88, s3;
	s6 =	simm.s32 @!p1 $0x1082;
	[sflag:s4] =	ssyncset.s32 $0xFFFFF086  }
0x25: {  	[simem:s6], [sflag:s4] =	dma.local [hbm:s3], $0xF7A  }
0x26: {  	[smem:$0x3F9F] =	sst s1;
	(tag) =	ssettag s2;
	_ =	strace s9  }
0x27: {  	s1 =	sld [smem:$0x3FAF]  }
0x28: {  	s2 =	sld [smem:$0x3FB0]  }
0x29: {  	s4 =	sld [smem:$0x3FB2]  }
0x2a: {  	p0 =	seq.s32 s5, $0x0;
	s5 =	sld [smem:$0x3FB3]  }
0x2b: {  	s6 =	sld [smem:$0x3FB4]  }
0x2c: {  	s7 =	sld [smem:$0x3FB5]  }
0x2d: {  	s3 =	simm.s32 $0x108;
	s8 =	sld [smem:$0x3FB6]  }
0x2e: {  	s3 =	simm.s32 @!p0 $0x1082;
	s9 =	sld [smem:$0x3FB7]  }
0x2f: {  	lr =	sadd.s32 s0, s3;
	s0 =	sld [smem:$0x3FAE]  }
0x30: {  	s3 =	sld [smem:$0x3FB1]  }
0x31: {  	[smem:$0x3FBA] =	sst s10  }
0x32: {  	s10 =	sld [smem:$0x3FB8];
	_ =	sdelay $0x3  }
0x33: {  	p0 =	seq.s32 s10, $0x1;
	s10 =	sld [smem:$0x3FBA];
	_ =	sdelay $0x3  }
0x34: {  	[smem:$0x3FBA] =	sst s10  }
0x35: {  	s10 =	sld [smem:$0x3FB9];
	_ =	sdelay $0x3  }
0x36: {  	p1 =	seq.s32 s10, $0x1;
	s10 =	sld [smem:$0x3FBA];
	_ =	sdelay $0x3  }
0x37: {  	[smem:$0x3FBA] =	sst s10  }
0x38: {  	s10 =	sld [smem:$0x3FBB]  }
0x39: {  	_ = 	snop;
	(pc) =	sbr.ind lr, $3  }
0x3a: {  	_ = 	snop  }
0x3b: {  	_ = 	snop  }
0x3c: {  	p2 =	seq.s32 s10, $0x1;
	s10 =	sld [smem:$0x3FBA]  }
0x3d: {  	_ =	shalt  }
0x3e: {  	_ =	shalt  }
0x3f: {  	_ =	shalt  }
0x40: {  	_ =	shalt  }
0x41: {  	_ =	shalt  }
0x42: {  	_ =	shalt  }
0x43: {  	_ =	shalt  }
0x44: {  	_ =	shalt  }
0x45: {  	_ =	shalt  }
0x46: {  	_ =	shalt  }
0x47: {  	_ =	shalt  }
0x48: {  	_ =	shalt  }
0x49: {  	_ =	shalt  }
0x4a: {  	_ =	shalt  }
0x4b: {  	_ =	shalt  }
0x4c: {  	_ =	shalt  }
0x4d: {  	_ =	shalt  }
0x4e: {  	_ =	shalt  }
0x4f: {  	_ =	shalt  }
0x50: {  	_ =	shalt  }
0x51: {  	_ =	shalt  }
0x52: {  	_ =	shalt  }
0x53: {  	_ =	shalt  }
0x54: {  	_ =	shalt  }
0x55: {  	_ =	shalt  }
0x56: {  	_ =	shalt  }
0x57: {  	_ =	shalt  }
0x58: {  	_ =	shalt  }
0x59: {  	_ =	shalt  }
0x5a: {  	_ =	shalt  }
0x5b: {  	_ =	shalt  }
0x5c: {  	_ =	shalt  }
0x5d: {  	_ =	shalt  }
0x5e: {  	_ =	shalt  }
0x5f: {  	_ =	shalt  }
0x60: {  	_ =	shalt  }
0x61: {  	_ =	shalt  }
0x62: {  	_ =	shalt  }
0x63: {  	_ =	shalt  }
0x64: {  	_ =	shalt  }
0x65: {  	_ =	shalt  }
0x66: {  	_ =	shalt  }
0x67: {  	_ =	shalt  }
0x68: {  	_ =	shalt  }
0x69: {  	_ =	shalt  }
0x6a: {  	_ =	shalt  }
0x6b: {  	_ =	shalt  }
0x6c: {  	_ =	shalt  }
0x6d: {  	_ =	shalt  }
0x6e: {  	_ =	shalt  }
0x6f: {  	_ =	shalt  }
0x70: {  	_ =	shalt  }
0x71: {  	_ =	shalt  }
0x72: {  	_ =	shalt  }
0x73: {  	_ =	shalt  }
0x74: {  	_ =	shalt  }
0x75: {  	_ =	shalt  }
0x76: {  	_ =	shalt  }
0x77: {  	_ =	shalt  }
0x78: {  	_ =	shalt  }
0x79: {  	_ =	shalt  }
0x7a: {  	_ =	shalt  }
0x7b: {  	_ =	shalt  }
0x7c: {  	_ =	shalt  }
0x7d: {  	_ =	shalt  }
0x7e: {  	_ =	shalt  }
0x7f: {  	_ =	shalt  }
0x80: {  	_ =	shalt  }
0x81: {  	_ =	shalt  }
0x82: {  	_ =	shalt  }
0x83: {  	_ =	shalt  }
0x84: {  	_ =	shalt  }
0x85: {  	_ =	shalt  }
0x86: {  	_ =	shalt  }
0x87: {  	_ =	shalt  }
.Lfunc_end0:
.L_simem_size_0:
called_computation.1_lowered:
.L_overlay_start_0:
0x88: {  	s2 =	sld [smem:$0x3FD9]  }
0x89: {  	s3 =	sld [smem:$0x3FFE];
	_ =	sdelay $0x1  }
0x8a: {  	s1 =	srdreg.scid  }
0x8b: {  	s0 =	sand.u32 $0x1, s1  }
0x8c: {  	s17 =	sshll.u32 s0, $0xA;
	s2 =	sadd.s32 s3, s2  }
0x8d: {  	s2 =	sadd.s32 s2, s17  }
0x8e: {  	[smem:$0x3FC6] =	sst s2  }
0x8f: {  	_ = 	snop  }
0x90: {  	s2 =	sld [smem:$0x3FD0];
	(tm) =	ssettm $0x1  }
0x91: {  	s18 =	sld [smem:$0x3FFB];
	_ =	sdelay $0x3  }
0x92: {  	_ =	strace s18  }
0x93: {  	s3 =	sld [smem:$0x3FFC];
	_ =	sdelay $0x3  }
0x94: {  	_ =	strace s3  }
0x95: {  	s3 =	sld [smem:$0x3FFD];
	_ =	sdelay $0x3  }
0x96: {  	_ =	strace s3  }
0x97: {  	_ =	strace $0x8FFFFFFF  }
0x98: {  	s19 =	sld [smem:$0x3FDB];
	_ =	sdelay $0x1  }
0x99: {  	s4 =	simm.s32 $_scs_section_size  }
0x9a: {  	s5 =	simm.s32 $_size__tile_overlayer_lowered;
	s6 =	simm.s32 $_tile_overlayer_lowered  }
0x9b: {  	s22 =	simm.s32 $0x1BFF;
	s21 =	sshll.u32 s6, $0x1;
	s3 =	sadd.s32 s4, s19  }
0x9c: {  	s7 =	simm.s32 $0x0;
	s20 =	sshll.u32 s5, $0x1;
	s5 =	sadd.s32 s21, s3  }
0x9d: {  	[timem:s7], [sflag:s22] =	dma.local [hbm:s5], s20  }
0x9e: {  	_ =	swait.ge [sflag:s22], s20  }
0x9f: {  	s4 =	ssub.s32 $0x0, s20;
	[sflag:s22] =	ssyncset.done $0x0  }
0xa0: {  	[sflag:s22] =	ssyncadd.s32 s4;
	_ =	sdelay $0x1  }
0xa1: {  	s23 =	simm.s32 $0x1B8B  }
0xa2: {  	_ =	swait.ge [sflag:s23], $0x1  }
0xa3: {  	[sflag:s23] =	ssyncset.done $0x0  }
0xa4: {  	s25 =	simm.s32 $0x1B8E;
	s24 =	sld [smem:$0x3FFE];
	[sflag:s23] =	ssyncadd.s32 $0xFFFFFFFF  }
0xa5: {  	s26 =	simm.s32 $execute0_lowered;
	[smem:$0x3FD2] =	sst s25  }
0xa6: {  	s5 =	sshll.u32 s26, $0x1;
	_ =	strace $0x80000046;
	[dreg:$0x1] =	wrdreg $0xFFFFFFFF  }
0xa7: {  	s28 =	simm.s32 $_size_execute0_lowered;
	s3 =	sadd.s32 s3, s5;
	[dreg:$0x0] =	wrdreg $0x0  }
0xa8: {  	s5 =	sshll.u32 s28, $0x1;
	[dreg:$0x2] =	wrdreg s3  }
0xa9: {  	[dreg:$0x3] =	wrdreg s5  }
0xaa: {  	[dreg:$0x4] =	wrdreg $0xC0  }
0xab: {  	_ =	task [dreg:s7], $0x5FFFF  }
0xac: {  	[dreg:$0x1] =	wrdreg $0xFFFFFFFF  }
0xad: {  	[dreg:$0x0] =	wrdreg $0x60  }
0xae: {  	[dreg:$0x2] =	wrdreg s24  }
0xaf: {  	[dreg:$0x3] =	wrdreg s2  }
0xb0: {  	[dreg:$0x4] =	wrdreg $0x9  }
0xb1: {  	_ =	task.clear_ibuf [dreg:s7], $0x5FFFF;
	_ =	strace $0x90000046  }
0xb2: {  	s29 =	simm.s32 $0x9;
	_ =	strace $0x80000048  }
0xb3: {  	_ =	swait.ge [sflag:s29], $0x1  }
0xb4: {  	[sflag:s29] =	ssyncadd.s32 $0xFFFFFFFF  }
0xb5: {  	_ =	strace $0x90000048  }
0xb6: {  	_ =	sfence  }
0xb7: {  	s30 =	sld [smem:$0x0];
	_ =	sdelay $0x2  }
0xb8: {  	s31 =	sshll.u32 s1, $0xD;
	s1 =	sshrl.u32 s1, $0x2  }
0xb9: {  	s3 =	sand.u32 $0x4000, s31;
	s1 =	sadd.s32 s1, s30  }
0xba: {  	s0 =	sor.u32 s3, s0;
	s1 =	sshll.u32 s1, $0x11  }
0xbb: {  	s0 =	sor.u32 s1, s0  }
0xbc: {  	s0 =	sadd.s32 $0x8F2B, s0  }
0xbd: {  	[sflag:s0] =	ssyncadd.remote.s32 $0x1  }
0xbe: {  	_ =	sfence.sel $0xFFFF  }
0xbf: {  	[dreg:$0x0] =	wrdreg $0xFFFFFFFF;
	(pc) =	sbr.abs _section_cstart, $3  }
0xc0: {  	[dreg:$0x1] =	wrdreg $0xFFFFFFFF  }
0xc1: {  	_ =	task.clear_ibuf [dreg:s7], $0x2FFFF;
	_ =	strace $0x9FFFFFFF  }
0xc2: {  	(tm) =	ssettm $0x7FFFFFFF  }
0xc3: {  	_ =	shalt  }
tec
execute0_lowered:
.L_overlay_start_1:
0x0: {  	(tag) =	ssettag $0x1  }
0x1: {  	s0 =	rddreg [dreg:$0x0];
	s1 =	srdreg.scid  }
0x2: {  	s11 =	stileid.u32;
	s5 =	rddreg [dreg:$0x1];
	s2 =	simm.s32 $0x0  }
0x3: {  	s13 =	simm.s32 $0x80;
	s14 =	simm.s32 $0x400;
	s15 =	simm.s32 $0x800  }
0x4: {  	s16 =	simm.s32 $0x480;
	s17 =	simm.s32 $0x1800;
	s9 =	smul.u32 $0x32000, s11  }
0x5: {  	s18 =	simm.s32 $0x500;
	s28 =	simm.s32 $0x680;
	s20 =	smul.u32 $0x190000, s11  }
0x6: {  	s1 =	sand.u32 $0x1, s1;
	s3 =	sshll.u32 s11, $0x1;
	s11 =	smul.u32 $0xC800, s11  }
0x7: {  	s29 =	simm.s32 $0x5800;
	s30 =	simm.s32 $0x700;
	s10 =	smul.u32 $0x19000, s1  }
0x8: {  	[smem:$0x7FF] =	sst s2;
	s4 =	sadd.s32 $0xF42E00, s0;
	s22 =	smul.u32 $0xC8000, s1  }
0x9: {  	s3 =	sor.u32 s1, s3;
	s8 =	ssub.s32 $0x2, s1;
	s1 =	smul.u32 $0x6400, s1  }
0xa: {  	s31 =	simm.s32 $0x6800;
	_ =	strace $0x80000047;
	s6 =	smul.u32 $0x6400, s3  }
0xb: {  	s7 =	smul.u32 $0xC8000, s3;
	s19 =	sshrl.u32 s8, $0x1;
	s9 =	sadd.s32 s9, s5  }
0xc: {  	s3 =	sadd.s32 $0xA00, s0;
	s0 =	ssub.s32 s8, s19;
	s24 =	sadd.s32 s10, s9  }
0xd: {  	s1 =	sadd.s32 s1, s11;
	s19 =	simm.s32 $0x2800;
	s8 =	simm.s32 $0x5  }
0xe: {  	s9 =	simm.s32 $0x4;
	s10 =	simm.s32 $0x0;
	s6 =	sshrl.u32 s6, $0x3  }
0xf: {  	s21 =	sshrl.u32 s7, $0x3;
	s7 =	sadd.s32 s22, s20;
	s25 =	sadd.s32 $0x600, s1  }
0x10: {  	s0 =	smax.u32 s0, $0x1;
	s1 =	sadd.s32 $0x400, s1;
	s20 =	simm.s32 $0x580  }
0x11: {  	s22 =	simm.s32 $0x200;
	s12 =	sadd.s32 s3, s6;
	s6 =	sadd.s32 s5, s21  }
0x12: {  	s7 =	sshrl.u32 s7, $0x3;
	[dreg:$0x9] =	wrdreg s0;
	s26 =	sshrl.u32 s25, $0x3  }
0x13: {  	[dreg:$0xa] =	wrdreg s1;
	s21 =	simm.s32 $0x3800;
	s25 =	simm.s32 $0x6  }
0x14: {  	s1 =	simm.s32 $0x780;
	[dreg:$0x5] =	wrdreg s12;
	s12 =	sadd.s32 $0x40, s12  }
0x15: {  	s23 =	sadd.s32 $0x18800, s6;
	s6 =	sadd.s32 $0x18000, s6;
	[dreg:$0x6] =	wrdreg s12  }
0x16: {  	s5 =	sadd.s32 s7, s5;
	s0 =	sadd.s32 s26, s3;
	[dreg:$0x8] =	wrdreg s6  }
0x17: {  	s26 =	simm.s32 $0x600;
	s6 =	sadd.s32 $0x800, s24;
	[dreg:$0x4] =	wrdreg s5  }
0x18: {  	s7 =	smov.u32 s23;
	[dreg:$0xb] =	wrdreg s0;
	s12 =	simm.s32 $0x1  }
0x19: {  	s23 =	simm.s32 $0x4800;
	s24 =	simm.s32 $0x2;
	[dreg:$0x3] =	wrdreg s6  }
0x1a: {  	s0 =	simm.s32 $0x7800;
	s6 =	simm.s32 $0x3;
	[dreg:$0x7] =	wrdreg s7  }
.LBB2_1:
0x1b: {  	[dreg:$0xc] =	wrdreg s10  }
0x1c: {  	s5 =	rddreg [dreg:$0x5]  }
0x1d: {  	[tilespmem:s2], [sflag:$0x1] =	stream.linear.gather [hbm4b:s5+s2], $0x200, $0x38;
	[tilespmem:$0x8800] =	vst v63  }
0x1e: {  	_ =	swait.ge [sflag:s12], $0x200  }
0x1f: {  	[sflag:s12] =	ssyncset.done $0x0  }
0x20: {  	[sflag:s12] =	ssyncadd.s32 $0xFFFFFE00  }
0x21: {  	v0 =	vld [tilespmem:$0x0]  }
0x22: {  	v1 =	vld [tilespmem:$0x10]  }
0x23: {  	v2 =	vld [tilespmem:$0x20]  }
0x24: {  	v3 =	vld [tilespmem:$0x30]  }
0x25: {  	v4 =	vld [tilespmem:$0x40]  }
0x26: {  	v5 =	vld [tilespmem:$0x50]  }
0x27: {  	v6 =	vld [tilespmem:$0x60]  }
0x28: {  	v7 =	vld [tilespmem:$0x70]  }
0x29: {  	v8 =	vld [tilespmem:$0x80]  }
0x2a: {  	v9 =	vld [tilespmem:$0x90]  }
0x2b: {  	v10 =	vld [tilespmem:$0xA0]  }
0x2c: {  	v11 =	vld [tilespmem:$0xB0]  }
0x2d: {  	v12 =	vld [tilespmem:$0xC0]  }
0x2e: {  	v13 =	vld [tilespmem:$0xD0]  }
0x2f: {  	v14 =	vld [tilespmem:$0xE0]  }
0x30: {  	v15 =	vld [tilespmem:$0xF0]  }
0x31: {  	v16 =	vld [tilespmem:$0x100]  }
0x32: {  	v17 =	vld [tilespmem:$0x110]  }
0x33: {  	v18 =	vld [tilespmem:$0x120]  }
0x34: {  	v19 =	vld [tilespmem:$0x130];
	v0 =	vmul.f32 $1.000000000e+06, v0  }
0x35: {  	v62 =	vld [tilespmem:$0x150];
	v1 =	vmul.f32 $1.000000000e+06, v1;
	v2 =	vmul.f32 $1.000000000e+06, v2  }
0x36: {  	v20 =	vld [tilespmem:$0x160];
	v3 =	vmul.f32 $1.000000000e+06, v3;
	v4 =	vmul.f32 $1.000000000e+06, v4  }
0x37: {  	v25 =	vld [tilespmem:$0x180];
	v5 =	vmul.f32 $1.000000000e+06, v5;
	v6 =	vmul.f32 $1.000000000e+06, v6  }
0x38: {  	v26 =	vld [tilespmem:$0x190];
	v7 =	vmul.f32 $1.000000000e+06, v7;
	v8 =	vmul.f32 $1.000000000e+06, v8  }
0x39: {  	v29 =	vld [tilespmem:$0x1A0];
	v9 =	vmul.f32 $1.000000000e+06, v9;
	v10 =	vmul.f32 $1.000000000e+06, v10  }
0x3a: {  	v32 =	vld [tilespmem:$0x1B0];
	v11 =	vmul.f32 $1.000000000e+06, v11;
	v12 =	vmul.f32 $1.000000000e+06, v12  }
0x3b: {  	v37 =	vld [tilespmem:$0x1C0];
	v13 =	vmul.f32 $1.000000000e+06, v13;
	v14 =	vmul.f32 $1.000000000e+06, v14  }
0x3c: {  	v41 =	vld [tilespmem:$0x1D0];
	v15 =	vmul.f32 $1.000000000e+06, v15;
	v54 =	vmul.f32 $1.000000000e+06, v16  }
0x3d: {  	v44 =	vld [tilespmem:$0x1E0];
	v59 =	vmul.f32 $1.000000000e+06, v17;
	v61 =	vmul.f32 $1.000000000e+06, v18  }
0x3e: {  	v18 =	vmul.f32 $1.000000000e+06, v19;
	v24 =	vmul.f32 $1.000000000e+06, v62  }
0x3f: {  	v28 =	vmul.f32 $1.000000000e+06, v20;
	v31 =	vmul.f32 $1.000000000e+06, v25  }
0x40: {  	v34 =	vmul.f32 $1.000000000e+06, v26;
	v39 =	vmul.f32 $1.000000000e+06, v29  }
0x41: {  	v43 =	vmul.f32 $1.000000000e+06, v32;
	v46 =	vmul.f32 $1.000000000e+06, v37  }
0x42: {  	v50 =	vmul.f32 $1.000000000e+06, v41;
	v52 =	vmul.f32 $1.000000000e+06, v44  }
0x43: {  	v0 =	vtrunc.f32 v0;
	v1 =	vtrunc.f32 v1  }
0x44: {  	v2 =	vtrunc.f32 v2;
	v3 =	vtrunc.f32 v3  }
0x45: {  	v4 =	vtrunc.f32 v4;
	v5 =	vtrunc.f32 v5  }
0x46: {  	v6 =	vtrunc.f32 v6;
	v7 =	vtrunc.f32 v7  }
0x47: {  	v8 =	vtrunc.f32 v8;
	v9 =	vtrunc.f32 v9  }
0x48: {  	v10 =	vtrunc.f32 v10;
	v11 =	vtrunc.f32 v11  }
0x49: {  	v12 =	vtrunc.f32 v12;
	v13 =	vtrunc.f32 v13  }
0x4a: {  	v14 =	vtrunc.f32 v14;
	v53 =	vtrunc.f32 v15  }
0x4b: {  	v58 =	vtrunc.f32 v54;
	v63 =	vtrunc.f32 v59  }
0x4c: {  	v19 =	vtrunc.f32 v61;
	v21 =	vtrunc.f32 v18  }
0x4d: {  	v27 =	vtrunc.f32 v24;
	v30 =	vtrunc.f32 v28  }
0x4e: {  	v36 =	vtrunc.f32 v31;
	v38 =	vtrunc.f32 v34  }
0x4f: {  	v42 =	vtrunc.f32 v39;
	v49 =	vtrunc.f32 v46  }
0x50: {  	v0 =	vcvt.f32.s32 v0;
	v1 =	vcvt.f32.s32 v1  }
0x51: {  	v2 =	vcvt.f32.s32 v2;
	v3 =	vcvt.f32.s32 v3  }
0x52: {  	v4 =	vcvt.f32.s32 v4;
	v5 =	vcvt.f32.s32 v5  }
0x53: {  	v6 =	vcvt.f32.s32 v6;
	v7 =	vcvt.f32.s32 v7  }
0x54: {  	v8 =	vcvt.f32.s32 v8;
	v9 =	vcvt.f32.s32 v9  }
0x55: {  	v10 =	vcvt.f32.s32 v10;
	v11 =	vcvt.f32.s32 v11;
	vm0 =	vlt.s32 v0, $0xF423F  }
0x56: {  	v12 =	vcvt.f32.s32 v12;
	vm1 =	vlt.s32 v1, $0xF423F;
	v0 =	vnsel vm0, $0xF423F, v0  }
0x57: {  	v13 =	vcvt.f32.s32 v13;
	vm10 =	vlt.s32 v2, $0xF423F;
	v1 =	vnsel vm1, $0xF423F, v1;
	[tilespmem:$0x400] =	vst v0  }
0x58: {  	v14 =	vcvt.f32.s32 v14;
	vm11 =	vlt.s32 v3, $0xF423F;
	v2 =	vnsel vm10, $0xF423F, v2;
	[tilespmem:$0x410] =	vst v1  }
0x59: {  	v40 =	vcvt.f32.s32 v36;
	vm12 =	vlt.s32 v4, $0xF423F;
	v3 =	vnsel vm11, $0xF423F, v3;
	[tilespmem:$0x420] =	vst v2  }
0x5a: {  	vm13 =	vlt.s32 v5, $0xF423F;
	vm14 =	vlt.s32 v6, $0xF423F;
	v4 =	vnsel vm12, $0xF423F, v4;
	[tilespmem:$0x430] =	vst v3  }
0x5b: {  	v57 =	vld [tilespmem:$0x140];
	vm15 =	vlt.s32 v7, $0xF423F;
	vm4 =	vlt.s32 v8, $0xF423F;
	v5 =	vnsel vm13, $0xF423F, v5;
	[tilespmem:$0x440] =	vst v4  }
0x5c: {  	vm5 =	vlt.s32 v9, $0xF423F;
	vm6 =	vlt.s32 v10, $0xF423F;
	v6 =	vnsel vm14, $0xF423F, v6;
	[tilespmem:$0x450] =	vst v5  }
0x5d: {  	vm7 =	vlt.s32 v11, $0xF423F;
	vm8 =	vlt.s32 v12, $0xF423F;
	v7 =	vnsel vm15, $0xF423F, v7;
	[tilespmem:$0x460] =	vst v6  }
0x5e: {  	v22 =	vld [tilespmem:$0x170];
	vm9 =	vlt.s32 v13, $0xF423F;
	v8 =	vnsel vm4, $0xF423F, v8;
	v9 =	vnsel vm5, $0xF423F, v9;
	[tilespmem:$0x470] =	vst v7  }
0x5f: {  	v10 =	vnsel vm6, $0xF423F, v10;
	v11 =	vnsel vm7, $0xF423F, v11;
	v55 =	vnsel vm8, $0xF423F, v12;
	[tilespmem:$0x480] =	vst v8  }
0x60: {  	v56 =	vnsel vm9, $0xF423F, v13;
	v13 =	vmul.f32 $1.000000000e+06, v57;
	v0 =	vcvt.f32.s32 v53;
	[tilespmem:$0x490] =	vst v9  }
0x61: {  	vm10 =	vlt.s32 v14, $0xF423F;
	v2 =	vcvt.f32.s32 v58;
	v4 =	vcvt.f32.s32 v63;
	[tilespmem:$0x4A0] =	vst v10  }
0x62: {  	vm8 =	vlt.s32 v40, $0xF423F;
	v5 =	vcvt.f32.s32 v19;
	v6 =	vcvt.f32.s32 v21;
	[tilespmem:$0x4B0] =	vst v11  }
0x63: {  	v60 =	vnsel vm10, $0xF423F, v14;
	v10 =	vcvt.f32.s32 v27;
	[tilespmem:$0x4C0] =	vst v55;
	v7 =	vmul.f32 $1.000000000e+06, v22  }
0x64: {  	[tilespmem:$0x4D0] =	vst v56;
	v1 =	vcvt.f32.s32 v30;
	v53 =	vtrunc.f32 v50;
	vm11 =	vlt.s32 v0, $0xF423F  }
0x65: {  	v56 =	vtrunc.f32 v52;
	[tilespmem:$0x4E0] =	vst v60;
	vm12 =	vlt.s32 v2, $0xF423F;
	v0 =	vnsel vm11, $0xF423F, v0  }
0x66: {  	v23 =	vtrunc.f32 v13;
	vm13 =	vlt.s32 v4, $0xF423F;
	v2 =	vnsel vm12, $0xF423F, v2;
	[tilespmem:$0x4F0] =	vst v0  }
0x67: {  	v55 =	vcvt.f32.s32 v53;
	vm14 =	vlt.s32 v5, $0xF423F;
	v4 =	vnsel vm13, $0xF423F, v4;
	[tilespmem:$0x500] =	vst v2  }
0x68: {  	v57 =	vcvt.f32.s32 v56;
	vm15 =	vlt.s32 v6, $0xF423F;
	v5 =	vnsel vm14, $0xF423F, v5;
	[tilespmem:$0x510] =	vst v4  }
0x69: {  	v8 =	vcvt.f32.s32 v23;
	vm5 =	vlt.s32 v10, $0xF423F;
	v6 =	vnsel vm15, $0xF423F, v6;
	[tilespmem:$0x520] =	vst v5  }
0x6a: {  	v45 =	vld [tilespmem:$0x1F0];
	v33 =	vtrunc.f32 v7;
	vm6 =	vlt.s32 v1, $0xF423F;
	v35 =	vnsel vm5, $0xF423F, v10;
	[tilespmem:$0x530] =	vst v6  }
0x6b: {  	v7 =	vtrunc.f32 v43;
	v3 =	vcvt.f32.s32 v33;
	v1 =	vnsel vm6, $0xF423F, v1;
	[tilespmem:$0x550] =	vst v35  }
0x6c: {  	v48 =	vcvt.f32.s32 v7;
	vm13 =	vlt.s32 v55, $0xF423F;
	v4 =	vnsel vm8, $0xF423F, v40;
	[tilespmem:$0x560] =	vst v1  }
0x6d: {  	vm14 =	vlt.s32 v57, $0xF423F;
	vm4 =	vlt.s32 v8, $0xF423F;
	v61 =	vnsel vm13, $0xF423F, v55;
	[tilespmem:$0x580] =	vst v4  }
0x6e: {  	v2 =	vcvt.f32.s32 v38;
	v5 =	vcvt.f32.s32 v42;
	v62 =	vnsel vm14, $0xF423F, v57;
	[tilespmem:$0x5D0] =	vst v61  }
0x6f: {  	v6 =	vmul.f32 $1.000000000e+06, v45;
	v8 =	vnsel vm4, $0xF423F, v8;
	vm7 =	vlt.s32 v3, $0xF423F;
	[tilespmem:$0x5E0] =	vst v62  }
0x70: {  	v1 =	vcvt.f32.s32 v49;
	vm11 =	vlt.s32 v48, $0xF423F;
	v3 =	vnsel vm7, $0xF423F, v3;
	[tilespmem:$0x540] =	vst v8  }
0x71: {  	vm9 =	vlt.s32 v2, $0xF423F;
	v54 =	vnsel vm11, $0xF423F, v48;
	v58 =	vtrunc.f32 v6;
	[tilespmem:$0x570] =	vst v3  }
0x72: {  	vm10 =	vlt.s32 v5, $0xF423F;
	v47 =	vnsel vm9, $0xF423F, v2;
	[tilespmem:$0x5B0] =	vst v54;
	v60 =	vcvt.f32.s32 v58  }
0x73: {  	vm12 =	vlt.s32 v1, $0xF423F;
	v51 =	vnsel vm10, $0xF423F, v5;
	[tilespmem:$0x590] =	vst v47  }
0x74: {  	v59 =	vnsel vm12, $0xF423F, v1;
	[tilespmem:$0x5A0] =	vst v51;
	vm15 =	vlt.s32 v60, $0xF423F  }
0x75: {  	[tilespmem:$0x5C0] =	vst v59;
	v63 =	vnsel vm15, $0xF423F, v60  }
0x76: {  	[tilespmem:$0x5F0] =	vst v63  }
0x77: {  	[tilespmem:s15], [sflag:$0x3] =	stream.indirect.gather [hbm4b:s4+s13], $0x20, s14, s13, $0xb8;
	[tilespmem:$0x8800] =	vst v63  }
0x78: {  	_ = 	snop  }
0x79: {  	[tilespmem:s17], [sflag:$0x3] =	stream.indirect.gather [hbm4b:s4+s13], $0x20, s16, s13, $0xb8;
	[tilespmem:$0x8800] =	vst v63  }
0x7a: {  	_ = 	snop  }
0x7b: {  	[tilespmem:s19], [sflag:$0x3] =	stream.indirect.gather [hbm4b:s4+s13], $0x20, s18, s13, $0xb8;
	[tilespmem:$0x8800] =	vst v63  }
0x7c: {  	_ = 	snop  }
0x7d: {  	[tilespmem:s21], [sflag:$0x3] =	stream.indirect.gather [hbm4b:s4+s13], $0x20, s20, s13, $0xb8;
	[tilespmem:$0x8800] =	vst v63  }
0x7e: {  	s11 =	rddreg [dreg:$0x6]  }
0x7f: {  	[tilespmem:s22], [sflag:$0x2] =	stream.linear.gather [hbm4b:s11+s2], $0x200, $0x38;
	[tilespmem:$0x8800] =	vst v63  }
0x80: {  	s5 =	rddreg [dreg:$0xa]  }
0x81: {  	[hbm4b:s7+s2] =	stream.linear.scatter [tilespmem:s23], [sflag:$0x6], $0x4000, $0x38;
	[tilespmem:$0x8800] =	vst v63  }
0x82: {  	s11 =	rddreg [dreg:$0xb];
	s7 =	simm.s32 $0x0  }
.LBB2_2:
0x83: {  	_ =	swait.ge [sflag:s24], $0x200  }
0x84: {  	[sflag:s24] =	ssyncset.done $0x0  }
0x85: {  	[sflag:s24] =	ssyncadd.s32 $0xFFFFFE00  }
0x86: {  	v0 =	vld [tilespmem:$0x200]  }
0x87: {  	v1 =	vld [tilespmem:$0x210]  }
0x88: {  	v2 =	vld [tilespmem:$0x220]  }
0x89: {  	v3 =	vld [tilespmem:$0x230]  }
0x8a: {  	v4 =	vld [tilespmem:$0x240]  }
0x8b: {  	v5 =	vld [tilespmem:$0x250]  }
0x8c: {  	v6 =	vld [tilespmem:$0x260]  }
0x8d: {  	v7 =	vld [tilespmem:$0x270]  }
0x8e: {  	v8 =	vld [tilespmem:$0x280]  }
0x8f: {  	v9 =	vld [tilespmem:$0x290]  }
0x90: {  	v10 =	vld [tilespmem:$0x2A0]  }
0x91: {  	v11 =	vld [tilespmem:$0x2B0]  }
0x92: {  	v12 =	vld [tilespmem:$0x2C0]  }
0x93: {  	v13 =	vld [tilespmem:$0x2D0]  }
0x94: {  	v14 =	vld [tilespmem:$0x2E0]  }
0x95: {  	v15 =	vld [tilespmem:$0x2F0]  }
0x96: {  	v16 =	vld [tilespmem:$0x300]  }
0x97: {  	v17 =	vld [tilespmem:$0x310];
	v0 =	vmul.f32 $1.000000000e+06, v0  }
0x98: {  	v18 =	vld [tilespmem:$0x320];
	v1 =	vmul.f32 $1.000000000e+06, v1;
	v2 =	vmul.f32 $1.000000000e+06, v2  }
0x99: {  	v19 =	vld [tilespmem:$0x330];
	v3 =	vmul.f32 $1.000000000e+06, v3;
	v4 =	vmul.f32 $1.000000000e+06, v4  }
0x9a: {  	v39 =	vld [tilespmem:$0x350];
	v5 =	vmul.f32 $1.000000000e+06, v5;
	v6 =	vmul.f32 $1.000000000e+06, v6  }
0x9b: {  	v43 =	vld [tilespmem:$0x360];
	v7 =	vmul.f32 $1.000000000e+06, v7;
	v8 =	vmul.f32 $1.000000000e+06, v8  }
0x9c: {  	v48 =	vld [tilespmem:$0x380];
	v9 =	vmul.f32 $1.000000000e+06, v9;
	v10 =	vmul.f32 $1.000000000e+06, v10  }
0x9d: {  	v49 =	vld [tilespmem:$0x390];
	v11 =	vmul.f32 $1.000000000e+06, v11;
	v12 =	vmul.f32 $1.000000000e+06, v12  }
0x9e: {  	v52 =	vld [tilespmem:$0x3A0];
	v13 =	vmul.f32 $1.000000000e+06, v13;
	v14 =	vmul.f32 $1.000000000e+06, v14  }
0x9f: {  	v60 =	vld [tilespmem:$0x3C0];
	v15 =	vmul.f32 $1.000000000e+06, v15;
	v31 =	vmul.f32 $1.000000000e+06, v16  }
0xa0: {  	v36 =	vmul.f32 $1.000000000e+06, v17;
	v38 =	vmul.f32 $1.000000000e+06, v18  }
0xa1: {  	v41 =	vmul.f32 $1.000000000e+06, v19;
	v47 =	vmul.f32 $1.000000000e+06, v39  }
0xa2: {  	v51 =	vmul.f32 $1.000000000e+06, v43;
	v54 =	vmul.f32 $1.000000000e+06, v48  }
0xa3: {  	v57 =	vmul.f32 $1.000000000e+06, v49;
	v62 =	vmul.f32 $1.000000000e+06, v52  }
0xa4: {  	v18 =	vmul.f32 $1.000000000e+06, v60;
	v0 =	vtrunc.f32 v0  }
0xa5: {  	v1 =	vtrunc.f32 v1;
	v2 =	vtrunc.f32 v2  }
0xa6: {  	v3 =	vtrunc.f32 v3;
	v4 =	vtrunc.f32 v4  }
0xa7: {  	v5 =	vtrunc.f32 v5;
	v6 =	vtrunc.f32 v6  }
0xa8: {  	v7 =	vtrunc.f32 v7;
	v8 =	vtrunc.f32 v8  }
0xa9: {  	v9 =	vtrunc.f32 v9;
	v10 =	vtrunc.f32 v10  }
0xaa: {  	v11 =	vtrunc.f32 v11;
	v12 =	vtrunc.f32 v12  }
0xab: {  	v55 =	vld [tilespmem:$0x3B0];
	v13 =	vtrunc.f32 v13;
	v14 =	vtrunc.f32 v14  }
0xac: {  	v30 =	vtrunc.f32 v15;
	v35 =	vtrunc.f32 v31  }
0xad: {  	v40 =	vtrunc.f32 v36;
	v42 =	vtrunc.f32 v38  }
0xae: {  	v44 =	vtrunc.f32 v41;
	v50 =	vtrunc.f32 v47  }
0xaf: {  	v53 =	vtrunc.f32 v51;
	v59 =	vtrunc.f32 v54  }
0xb0: {  	v61 =	vtrunc.f32 v57;
	v15 =	vmul.f32 $1.000000000e+06, v55  }
0xb1: {  	v21 =	vtrunc.f32 v18;
	v0 =	vcvt.f32.s32 v0  }
0xb2: {  	v1 =	vcvt.f32.s32 v1;
	v2 =	vcvt.f32.s32 v2  }
0xb3: {  	v3 =	vcvt.f32.s32 v3;
	v4 =	vcvt.f32.s32 v4  }
0xb4: {  	v5 =	vcvt.f32.s32 v5;
	v6 =	vcvt.f32.s32 v6  }
0xb5: {  	v7 =	vcvt.f32.s32 v7;
	v8 =	vcvt.f32.s32 v8  }
0xb6: {  	v9 =	vcvt.f32.s32 v9;
	v10 =	vcvt.f32.s32 v10  }
0xb7: {  	v11 =	vcvt.f32.s32 v11;
	v12 =	vcvt.f32.s32 v12  }
0xb8: {  	v13 =	vcvt.f32.s32 v13;
	v14 =	vcvt.f32.s32 v14;
	vm0 =	vlt.s32 v0, $0xF423F  }
0xb9: {  	v63 =	vcvt.f32.s32 v59;
	vm1 =	vlt.s32 v1, $0xF423F;
	v0 =	vnsel vm0, $0xF423F, v0  }
0xba: {  	vm14 =	vlt.s32 v2, $0xF423F;
	vm15 =	vlt.s32 v3, $0xF423F;
	v1 =	vnsel vm1, $0xF423F, v1;
	[tilespmem:$0x600] =	vst v0  }
0xbb: {  	v16 =	vld [tilespmem:$0x3E0];
	vm4 =	vlt.s32 v4, $0xF423F;
	vm5 =	vlt.s32 v5, $0xF423F;
	v2 =	vnsel vm14, $0xF423F, v2;
	[tilespmem:$0x610] =	vst v1  }
0xbc: {  	vm6 =	vlt.s32 v6, $0xF423F;
	vm7 =	vlt.s32 v7, $0xF423F;
	v3 =	vnsel vm15, $0xF423F, v3;
	[tilespmem:$0x620] =	vst v2  }
0xbd: {  	v34 =	vld [tilespmem:$0x340];
	vm8 =	vlt.s32 v8, $0xF423F;
	vm9 =	vlt.s32 v9, $0xF423F;
	v4 =	vnsel vm4, $0xF423F, v4;
	[tilespmem:$0x630] =	vst v3  }
0xbe: {  	vm10 =	vlt.s32 v10, $0xF423F;
	vm11 =	vlt.s32 v11, $0xF423F;
	v5 =	vnsel vm5, $0xF423F, v5;
	[tilespmem:$0x640] =	vst v4  }
0xbf: {  	vm12 =	vlt.s32 v12, $0xF423F;
	vm13 =	vlt.s32 v13, $0xF423F;
	v6 =	vnsel vm6, $0xF423F, v6;
	[tilespmem:$0x650] =	vst v5  }
0xc0: {  	v45 =	vld [tilespmem:$0x370];
	v24 =	vmul.f32 $1.000000000e+06, v16;
	v7 =	vnsel vm7, $0xF423F, v7;
	v8 =	vnsel vm8, $0xF423F, v8;
	[tilespmem:$0x660] =	vst v6  }
0xc1: {  	v9 =	vnsel vm9, $0xF423F, v9;
	v10 =	vnsel vm10, $0xF423F, v10;
	v11 =	vnsel vm11, $0xF423F, v11;
	[tilespmem:$0x670] =	vst v7  }
0xc2: {  	v33 =	vnsel vm13, $0xF423F, v13;
	v13 =	vmul.f32 $1.000000000e+06, v34;
	v0 =	vcvt.f32.s32 v30;
	[tilespmem:$0x680] =	vst v8  }
0xc3: {  	v32 =	vnsel vm12, $0xF423F, v12;
	v2 =	vcvt.f32.s32 v35;
	v4 =	vcvt.f32.s32 v40;
	[tilespmem:$0x690] =	vst v9  }
0xc4: {  	vm14 =	vlt.s32 v14, $0xF423F;
	v5 =	vcvt.f32.s32 v42;
	v6 =	vcvt.f32.s32 v44;
	[tilespmem:$0x6A0] =	vst v10  }
0xc5: {  	vm12 =	vlt.s32 v63, $0xF423F;
	[tilespmem:$0x6B0] =	vst v11;
	v10 =	vcvt.f32.s32 v50;
	v7 =	vmul.f32 $1.000000000e+06, v45  }
0xc6: {  	v37 =	vnsel vm14, $0xF423F, v14;
	[tilespmem:$0x6C0] =	vst v32;
	v1 =	vcvt.f32.s32 v53;
	v14 =	vtrunc.f32 v62  }
0xc7: {  	[tilespmem:$0x6D0] =	vst v33;
	v19 =	vnsel vm12, $0xF423F, v63;
	v27 =	vtrunc.f32 v24;
	v46 =	vtrunc.f32 v13  }
0xc8: {  	[tilespmem:$0x6E0] =	vst v37;
	v28 =	vcvt.f32.s32 v27;
	vm15 =	vlt.s32 v0, $0xF423F;
	vm4 =	vlt.s32 v2, $0xF423F  }
0xc9: {  	[tilespmem:$0x780] =	vst v19;
	vm5 =	vlt.s32 v4, $0xF423F;
	vm6 =	vlt.s32 v5, $0xF423F;
	v0 =	vnsel vm15, $0xF423F, v0  }
0xca: {  	v8 =	vcvt.f32.s32 v46;
	vm7 =	vlt.s32 v6, $0xF423F;
	v2 =	vnsel vm4, $0xF423F, v2;
	[tilespmem:$0x6F0] =	vst v0  }
0xcb: {  	v12 =	vld [tilespmem:$0x3D0];
	vm9 =	vlt.s32 v10, $0xF423F;
	v56 =	vtrunc.f32 v7;
	v4 =	vnsel vm5, $0xF423F, v4;
	[tilespmem:$0x700] =	vst v2  }
0xcc: {  	v17 =	vld [tilespmem:$0x3F0];
	vm10 =	vlt.s32 v1, $0xF423F;
	v7 =	vtrunc.f32 v15;
	v5 =	vnsel vm6, $0xF423F, v5;
	[tilespmem:$0x710] =	vst v4  }
0xcd: {  	v6 =	vnsel vm7, $0xF423F, v6;
	v58 =	vnsel vm9, $0xF423F, v10;
	v3 =	vcvt.f32.s32 v56;
	[tilespmem:$0x720] =	vst v5  }
0xce: {  	v1 =	vnsel vm10, $0xF423F, v1;
	v20 =	vcvt.f32.s32 v7;
	vm6 =	vlt.s32 v28, $0xF423F;
	[tilespmem:$0x730] =	vst v6  }
0xcf: {  	vm8 =	vlt.s32 v8, $0xF423F;
	v2 =	vcvt.f32.s32 v61;
	v5 =	vcvt.f32.s32 v14;
	[tilespmem:$0x750] =	vst v58  }
0xd0: {  	[tilespmem:$0x760] =	vst v1;
	v22 =	vmul.f32 $1.000000000e+06, v12;
	v1 =	vcvt.f32.s32 v21;
	v31 =	vnsel vm6, $0xF423F, v28  }
0xd1: {  	v6 =	vmul.f32 $1.000000000e+06, v17;
	v8 =	vnsel vm8, $0xF423F, v8;
	vm11 =	vlt.s32 v3, $0xF423F;
	[tilespmem:$0x7E0] =	vst v31  }
0xd2: {  	vm15 =	vlt.s32 v20, $0xF423F;
	v3 =	vnsel vm11, $0xF423F, v3;
	[tilespmem:$0x740] =	vst v8;
	vm13 =	vlt.s32 v2, $0xF423F  }
0xd3: {  	vm14 =	vlt.s32 v5, $0xF423F;
	v25 =	vtrunc.f32 v22;
	v26 =	vnsel vm15, $0xF423F, v20;
	[tilespmem:$0x770] =	vst v3  }
0xd4: {  	v29 =	vtrunc.f32 v6;
	v2 =	vnsel vm13, $0xF423F, v2;
	v0 =	vcvt.f32.s32 v25;
	[tilespmem:$0x7B0] =	vst v26  }
0xd5: {  	vm4 =	vlt.s32 v1, $0xF423F;
	v23 =	vnsel vm14, $0xF423F, v5;
	v30 =	vcvt.f32.s32 v29;
	[tilespmem:$0x790] =	vst v2  }
0xd6: {  	v1 =	vnsel vm4, $0xF423F, v1;
	[tilespmem:$0x7A0] =	vst v23;
	vm5 =	vlt.s32 v0, $0xF423F  }
0xd7: {  	[tilespmem:$0x7C0] =	vst v1;
	vm7 =	vlt.s32 v30, $0xF423F;
	v0 =	vnsel vm5, $0xF423F, v0  }
0xd8: {  	s10 =	sshrl.u32 s5, $0x3;
	v32 =	vnsel vm7, $0xF423F, v30;
	[tilespmem:$0x7D0] =	vst v0  }
0xd9: {  	s10 =	sadd.s32 s3, s10;
	[tilespmem:$0x7F0] =	vst v32  }
0xda: {  	[tilespmem:s2], [sflag:$0x1] =	stream.linear.gather [hbm4b:s10+s2], $0x200, $0x38;
	[tilespmem:$0x8800] =	vst v63  }
0xdb: {  	_ =	swait.ge [sflag:s25], $0x4000  }
0xdc: {  	[sflag:s25] =	ssyncset.done $0x0  }
0xdd: {  	[sflag:s25] =	ssyncadd.s32 $0xFFFFC000  }
0xde: {  	[tilespmem:s23], [sflag:$0x4] =	stream.indirect.gather [hbm4b:s4+s13], $0x20, s26, s13, $0xb8;
	[tilespmem:$0x8800] =	vst v63  }
0xdf: {  	_ = 	snop  }
0xe0: {  	[tilespmem:s29], [sflag:$0x4] =	stream.indirect.gather [hbm4b:s4+s13], $0x20, s28, s13, $0xb8;
	[tilespmem:$0x8800] =	vst v63  }
0xe1: {  	_ = 	snop  }
0xe2: {  	[tilespmem:s31], [sflag:$0x4] =	stream.indirect.gather [hbm4b:s4+s13], $0x20, s30, s13, $0xb8;
	[tilespmem:$0x8800] =	vst v63  }
0xe3: {  	_ = 	snop  }
0xe4: {  	[tilespmem:s0], [sflag:$0x4] =	stream.indirect.gather [hbm4b:s4+s13], $0x20, s1, s13, $0xb8;
	[tilespmem:$0x8800] =	vst v63  }
0xe5: {  	_ =	swait.ge [sflag:s6], $0x1000  }
0xe6: {  	[sflag:s6] =	ssyncset.done $0x0  }
0xe7: {  	[sflag:s6] =	ssyncadd.s32 $0xFFFFF000  }
0xe8: {  	_ =	swait.ge [sflag:s6], $0x1000  }
0xe9: {  	[sflag:s6] =	ssyncset.done $0x0  }
0xea: {  	[sflag:s6] =	ssyncadd.s32 $0xFFFFF000  }
0xeb: {  	_ =	swait.ge [sflag:s6], $0x1000  }
0xec: {  	[sflag:s6] =	ssyncset.done $0x0  }
0xed: {  	[sflag:s6] =	ssyncadd.s32 $0xFFFFF000  }
0xee: {  	_ =	swait.ge [sflag:s6], $0x1000  }
0xef: {  	s10 =	rddreg [dreg:$0x4];
	[sflag:s6] =	ssyncset.done $0x0  }
0xf0: {  	[sflag:s6] =	ssyncadd.s32 $0xFFFFF000;
	s10 =	sadd.s32 s7, s10  }
0xf1: {  	[hbm4b:s10+s2] =	stream.linear.scatter [tilespmem:s15], [sflag:$0x5], $0x4000, $0x38;
	[tilespmem:$0x8800] =	vst v63  }
0xf2: {  	_ =	swait.ge [sflag:s12], $0x200  }
0xf3: {  	[sflag:s12] =	ssyncset.done $0x0  }
0xf4: {  	[sflag:s12] =	ssyncadd.s32 $0xFFFFFE00  }
0xf5: {  	v33 =	vld [tilespmem:$0x0]  }
0xf6: {  	v34 =	vld [tilespmem:$0x10]  }
0xf7: {  	v35 =	vld [tilespmem:$0x20]  }
0xf8: {  	v36 =	vld [tilespmem:$0x30]  }
0xf9: {  	v37 =	vld [tilespmem:$0x40]  }
0xfa: {  	v38 =	vld [tilespmem:$0x50]  }
0xfb: {  	v39 =	vld [tilespmem:$0x60]  }
0xfc: {  	v40 =	vld [tilespmem:$0x70]  }
0xfd: {  	v41 =	vld [tilespmem:$0x80]  }
0xfe: {  	v42 =	vld [tilespmem:$0x90]  }
0xff: {  	v43 =	vld [tilespmem:$0xA0]  }
0x100: {  	v44 =	vld [tilespmem:$0xB0]  }
0x101: {  	v45 =	vld [tilespmem:$0xC0]  }
0x102: {  	v46 =	vld [tilespmem:$0xD0]  }
0x103: {  	v47 =	vld [tilespmem:$0xE0]  }
0x104: {  	v48 =	vld [tilespmem:$0xF0]  }
0x105: {  	v49 =	vld [tilespmem:$0x100]  }
0x106: {  	v50 =	vld [tilespmem:$0x110];
	v0 =	vmul.f32 $1.000000000e+06, v33  }
0x107: {  	v51 =	vld [tilespmem:$0x120];
	v1 =	vmul.f32 $1.000000000e+06, v34;
	v2 =	vmul.f32 $1.000000000e+06, v35  }
0x108: {  	v52 =	vld [tilespmem:$0x130];
	v3 =	vmul.f32 $1.000000000e+06, v36;
	v4 =	vmul.f32 $1.000000000e+06, v37  }
0x109: {  	v62 =	vld [tilespmem:$0x150];
	v5 =	vmul.f32 $1.000000000e+06, v38;
	v6 =	vmul.f32 $1.000000000e+06, v39  }
0x10a: {  	v20 =	vld [tilespmem:$0x160];
	v7 =	vmul.f32 $1.000000000e+06, v40;
	v8 =	vmul.f32 $1.000000000e+06, v41  }
0x10b: {  	v25 =	vld [tilespmem:$0x180];
	v9 =	vmul.f32 $1.000000000e+06, v42;
	v10 =	vmul.f32 $1.000000000e+06, v43  }
0x10c: {  	v26 =	vld [tilespmem:$0x190];
	v11 =	vmul.f32 $1.000000000e+06, v44;
	v12 =	vmul.f32 $1.000000000e+06, v45  }
0x10d: {  	v29 =	vld [tilespmem:$0x1A0];
	v13 =	vmul.f32 $1.000000000e+06, v46;
	v14 =	vmul.f32 $1.000000000e+06, v47  }
0x10e: {  	v32 =	vld [tilespmem:$0x1B0];
	v15 =	vmul.f32 $1.000000000e+06, v48;
	v54 =	vmul.f32 $1.000000000e+06, v49  }
0x10f: {  	v59 =	vmul.f32 $1.000000000e+06, v50;
	v61 =	vmul.f32 $1.000000000e+06, v51  }
0x110: {  	v18 =	vmul.f32 $1.000000000e+06, v52;
	v24 =	vmul.f32 $1.000000000e+06, v62  }
0x111: {  	v28 =	vmul.f32 $1.000000000e+06, v20;
	v31 =	vmul.f32 $1.000000000e+06, v25  }
0x112: {  	v34 =	vmul.f32 $1.000000000e+06, v26;
	v39 =	vmul.f32 $1.000000000e+06, v29  }
0x113: {  	v43 =	vmul.f32 $1.000000000e+06, v32;
	v0 =	vtrunc.f32 v0  }
0x114: {  	v1 =	vtrunc.f32 v1;
	v2 =	vtrunc.f32 v2  }
0x115: {  	v3 =	vtrunc.f32 v3;
	v4 =	vtrunc.f32 v4  }
0x116: {  	v5 =	vtrunc.f32 v5;
	v6 =	vtrunc.f32 v6  }
0x117: {  	v7 =	vtrunc.f32 v7;
	v8 =	vtrunc.f32 v8  }
0x118: {  	v9 =	vtrunc.f32 v9;
	v10 =	vtrunc.f32 v10  }
0x119: {  	v11 =	vtrunc.f32 v11;
	v12 =	vtrunc.f32 v12  }
0x11a: {  	v13 =	vtrunc.f32 v13;
	v14 =	vtrunc.f32 v14  }
0x11b: {  	v53 =	vtrunc.f32 v15;
	v58 =	vtrunc.f32 v54  }
0x11c: {  	v63 =	vtrunc.f32 v59;
	v19 =	vtrunc.f32 v61  }
0x11d: {  	v21 =	vtrunc.f32 v18;
	v27 =	vtrunc.f32 v24  }
0x11e: {  	v30 =	vtrunc.f32 v28;
	v36 =	vtrunc.f32 v31  }
0x11f: {  	v38 =	vtrunc.f32 v34;
	v42 =	vtrunc.f32 v39  }
0x120: {  	v0 =	vcvt.f32.s32 v0;
	v1 =	vcvt.f32.s32 v1  }
0x121: {  	v2 =	vcvt.f32.s32 v2;
	v3 =	vcvt.f32.s32 v3  }
0x122: {  	v4 =	vcvt.f32.s32 v4;
	v5 =	vcvt.f32.s32 v5  }
0x123: {  	v6 =	vcvt.f32.s32 v6;
	v7 =	vcvt.f32.s32 v7  }
0x124: {  	v8 =	vcvt.f32.s32 v8;
	v9 =	vcvt.f32.s32 v9  }
0x125: {  	v10 =	vcvt.f32.s32 v10;
	v11 =	vcvt.f32.s32 v11  }
0x126: {  	v12 =	vcvt.f32.s32 v12;
	v13 =	vcvt.f32.s32 v13  }
0x127: {  	v37 =	vld [tilespmem:$0x1C0];
	v14 =	vcvt.f32.s32 v14;
	v40 =	vcvt.f32.s32 v36;
	vm8 =	vlt.s32 v0, $0xF423F  }
0x128: {  	v41 =	vld [tilespmem:$0x1D0];
	vm9 =	vlt.s32 v1, $0xF423F;
	vm10 =	vlt.s32 v2, $0xF423F;
	v0 =	vnsel vm8, $0xF423F, v0  }
0x129: {  	v44 =	vld [tilespmem:$0x1E0];
	vm11 =	vlt.s32 v3, $0xF423F;
	vm12 =	vlt.s32 v4, $0xF423F;
	v1 =	vnsel vm9, $0xF423F, v1;
	[tilespmem:$0x400] =	vst v0  }
0x12a: {  	vm13 =	vlt.s32 v5, $0xF423F;
	vm14 =	vlt.s32 v6, $0xF423F;
	v2 =	vnsel vm10, $0xF423F, v2;
	[tilespmem:$0x410] =	vst v1  }
0x12b: {  	vm15 =	vlt.s32 v7, $0xF423F;
	vm4 =	vlt.s32 v8, $0xF423F;
	v3 =	vnsel vm11, $0xF423F, v3;
	[tilespmem:$0x420] =	vst v2  }
0x12c: {  	vm5 =	vlt.s32 v9, $0xF423F;
	vm6 =	vlt.s32 v10, $0xF423F;
	v4 =	vnsel vm12, $0xF423F, v4;
	[tilespmem:$0x430] =	vst v3  }
0x12d: {  	vm7 =	vlt.s32 v11, $0xF423F;
	v46 =	vmul.f32 $1.000000000e+06, v37;
	v5 =	vnsel vm13, $0xF423F, v5;
	[tilespmem:$0x440] =	vst v4  }
0x12e: {  	v57 =	vld [tilespmem:$0x140];
	v50 =	vmul.f32 $1.000000000e+06, v41;
	v52 =	vmul.f32 $1.000000000e+06, v44;
	v6 =	vnsel vm14, $0xF423F, v6;
	[tilespmem:$0x450] =	vst v5  }
0x12f: {  	v7 =	vnsel vm15, $0xF423F, v7;
	v8 =	vnsel vm4, $0xF423F, v8;
	v9 =	vnsel vm5, $0xF423F, v9;
	[tilespmem:$0x460] =	vst v6  }
0x130: {  	v22 =	vld [tilespmem:$0x170];
	v10 =	vnsel vm6, $0xF423F, v10;
	v11 =	vnsel vm7, $0xF423F, v11;
	vm8 =	vlt.s32 v12, $0xF423F;
	[tilespmem:$0x470] =	vst v7  }
0x131: {  	vm9 =	vlt.s32 v13, $0xF423F;
	vm10 =	vlt.s32 v14, $0xF423F;
	v0 =	vcvt.f32.s32 v53;
	[tilespmem:$0x480] =	vst v8  }
0x132: {  	v55 =	vnsel vm8, $0xF423F, v12;
	v2 =	vcvt.f32.s32 v58;
	v4 =	vcvt.f32.s32 v63;
	[tilespmem:$0x490] =	vst v9  }
0x133: {  	v56 =	vnsel vm9, $0xF423F, v13;
	v13 =	vmul.f32 $1.000000000e+06, v57;
	v5 =	vcvt.f32.s32 v19;
	[tilespmem:$0x4A0] =	vst v10  }
0x134: {  	v60 =	vnsel vm10, $0xF423F, v14;
	v6 =	vcvt.f32.s32 v21;
	[tilespmem:$0x4B0] =	vst v11;
	v10 =	vcvt.f32.s32 v27  }
0x135: {  	v7 =	vmul.f32 $1.000000000e+06, v22;
	v1 =	vcvt.f32.s32 v30;
	vm8 =	vlt.s32 v40, $0xF423F;
	[tilespmem:$0x4C0] =	vst v55  }
0x136: {  	v49 =	vtrunc.f32 v46;
	v53 =	vtrunc.f32 v50;
	[tilespmem:$0x4D0] =	vst v56;
	vm11 =	vlt.s32 v0, $0xF423F  }
0x137: {  	[tilespmem:$0x4E0] =	vst v60;
	v55 =	vcvt.f32.s32 v53;
	vm12 =	vlt.s32 v2, $0xF423F;
	v0 =	vnsel vm11, $0xF423F, v0  }
0x138: {  	v56 =	vtrunc.f32 v52;
	vm13 =	vlt.s32 v4, $0xF423F;
	v2 =	vnsel vm12, $0xF423F, v2;
	[tilespmem:$0x4F0] =	vst v0  }
0x139: {  	v23 =	vtrunc.f32 v13;
	vm14 =	vlt.s32 v5, $0xF423F;
	v4 =	vnsel vm13, $0xF423F, v4;
	[tilespmem:$0x500] =	vst v2  }
0x13a: {  	vm15 =	vlt.s32 v6, $0xF423F;
	vm5 =	vlt.s32 v10, $0xF423F;
	v5 =	vnsel vm14, $0xF423F, v5;
	[tilespmem:$0x510] =	vst v4  }
0x13b: {  	v33 =	vtrunc.f32 v7;
	vm6 =	vlt.s32 v1, $0xF423F;
	v6 =	vnsel vm15, $0xF423F, v6;
	[tilespmem:$0x520] =	vst v5  }
0x13c: {  	v45 =	vld [tilespmem:$0x1F0];
	v7 =	vtrunc.f32 v43;
	v57 =	vcvt.f32.s32 v56;
	v35 =	vnsel vm5, $0xF423F, v10;
	[tilespmem:$0x530] =	vst v6  }
0x13d: {  	v8 =	vcvt.f32.s32 v23;
	v3 =	vcvt.f32.s32 v33;
	v1 =	vnsel vm6, $0xF423F, v1;
	[tilespmem:$0x550] =	vst v35  }
0x13e: {  	v48 =	vcvt.f32.s32 v7;
	vm13 =	vlt.s32 v55, $0xF423F;
	v4 =	vnsel vm8, $0xF423F, v40;
	[tilespmem:$0x560] =	vst v1  }
0x13f: {  	v2 =	vcvt.f32.s32 v38;
	v61 =	vnsel vm13, $0xF423F, v55;
	vm14 =	vlt.s32 v57, $0xF423F;
	[tilespmem:$0x580] =	vst v4  }
0x140: {  	v5 =	vcvt.f32.s32 v42;
	vm4 =	vlt.s32 v8, $0xF423F;
	[tilespmem:$0x5D0] =	vst v61;
	v62 =	vnsel vm14, $0xF423F, v57  }
0x141: {  	v6 =	vmul.f32 $1.000000000e+06, v45;
	vm7 =	vlt.s32 v3, $0xF423F;
	v8 =	vnsel vm4, $0xF423F, v8;
	[tilespmem:$0x5E0] =	vst v62  }
0x142: {  	v1 =	vcvt.f32.s32 v49;
	vm11 =	vlt.s32 v48, $0xF423F;
	v3 =	vnsel vm7, $0xF423F, v3;
	[tilespmem:$0x540] =	vst v8  }
0x143: {  	vm9 =	vlt.s32 v2, $0xF423F;
	v54 =	vnsel vm11, $0xF423F, v48;
	v58 =	vtrunc.f32 v6;
	[tilespmem:$0x570] =	vst v3  }
0x144: {  	vm10 =	vlt.s32 v5, $0xF423F;
	v47 =	vnsel vm9, $0xF423F, v2;
	[tilespmem:$0x5B0] =	vst v54;
	v60 =	vcvt.f32.s32 v58  }
0x145: {  	vm12 =	vlt.s32 v1, $0xF423F;
	v51 =	vnsel vm10, $0xF423F, v5;
	[tilespmem:$0x590] =	vst v47  }
0x146: {  	v59 =	vnsel vm12, $0xF423F, v1;
	[tilespmem:$0x5A0] =	vst v51;
	vm15 =	vlt.s32 v60, $0xF423F  }
0x147: {  	[tilespmem:$0x5C0] =	vst v59;
	v63 =	vnsel vm15, $0xF423F, v60  }
0x148: {  	[tilespmem:$0x5F0] =	vst v63  }
0x149: {  	[tilespmem:s22], [sflag:$0x2] =	stream.linear.gather [hbm4b:s11+s2], $0x200, $0x38;
	[tilespmem:$0x8800] =	vst v63  }
0x14a: {  	_ =	swait.ge [sflag:s8], $0x4000  }
0x14b: {  	[sflag:s8] =	ssyncset.done $0x0  }
0x14c: {  	[sflag:s8] =	ssyncadd.s32 $0xFFFFC000  }
0x14d: {  	[tilespmem:s15], [sflag:$0x3] =	stream.indirect.gather [hbm4b:s4+s13], $0x20, s14, s13, $0xb8;
	[tilespmem:$0x8800] =	vst v63  }
0x14e: {  	_ = 	snop  }
0x14f: {  	[tilespmem:s17], [sflag:$0x3] =	stream.indirect.gather [hbm4b:s4+s13], $0x20, s16, s13, $0xb8;
	[tilespmem:$0x8800] =	vst v63  }
0x150: {  	_ = 	snop  }
0x151: {  	[tilespmem:s19], [sflag:$0x3] =	stream.indirect.gather [hbm4b:s4+s13], $0x20, s18, s13, $0xb8;
	[tilespmem:$0x8800] =	vst v63  }
0x152: {  	_ = 	snop  }
0x153: {  	[tilespmem:s21], [sflag:$0x3] =	stream.indirect.gather [hbm4b:s4+s13], $0x20, s20, s13, $0xb8;
	[tilespmem:$0x8800] =	vst v63  }
0x154: {  	_ =	swait.ge [sflag:s9], $0x1000  }
0x155: {  	[sflag:s9] =	ssyncset.done $0x0  }
0x156: {  	[sflag:s9] =	ssyncadd.s32 $0xFFFFF000  }
0x157: {  	_ =	swait.ge [sflag:s9], $0x1000  }
0x158: {  	[sflag:s9] =	ssyncset.done $0x0  }
0x159: {  	[sflag:s9] =	ssyncadd.s32 $0xFFFFF000  }
0x15a: {  	_ =	swait.ge [sflag:s9], $0x1000  }
0x15b: {  	p0 =	sne.s32 s7, $0x17000;
	[sflag:s9] =	ssyncset.done $0x0  }
.Ltmp0:
0x15c: {  	[sflag:s9] =	ssyncadd.s32 $0xFFFFF000;
	(pc) =	sbr.rel @p0 .LBB2_2-.Ltmp0, $4  }
0x15d: {  	s5 =	sadd.s32 $0x400, s5;
	_ =	swait.ge [sflag:s9], $0x1000  }
0x15e: {  	s11 =	sadd.s32 $0x80, s11;
	s10 =	rddreg [dreg:$0x3];
	[sflag:s9] =	ssyncset.done $0x0  }
0x15f: {  	[sflag:s9] =	ssyncadd.s32 $0xFFFFF000;
	s10 =	sadd.s32 s7, s10;
	s7 =	sadd.s32 $0x1000, s7  }
0x160: {  	[hbm4b:s10+s2] =	stream.linear.scatter [tilespmem:s23], [sflag:$0x6], $0x4000, $0x38;
	[tilespmem:$0x8800] =	vst v63  }
0x161: {  	_ =	swait.ge [sflag:s24], $0x200  }
0x162: {  	[sflag:s24] =	ssyncset.done $0x0  }
0x163: {  	[sflag:s24] =	ssyncadd.s32 $0xFFFFFE00  }
0x164: {  	v0 =	vld [tilespmem:$0x200]  }
0x165: {  	v1 =	vld [tilespmem:$0x210]  }
0x166: {  	v2 =	vld [tilespmem:$0x220]  }
0x167: {  	v3 =	vld [tilespmem:$0x230]  }
0x168: {  	v4 =	vld [tilespmem:$0x240]  }
0x169: {  	v5 =	vld [tilespmem:$0x250]  }
0x16a: {  	v6 =	vld [tilespmem:$0x260]  }
0x16b: {  	v7 =	vld [tilespmem:$0x270]  }
0x16c: {  	v8 =	vld [tilespmem:$0x280]  }
0x16d: {  	v9 =	vld [tilespmem:$0x290]  }
0x16e: {  	v10 =	vld [tilespmem:$0x2A0]  }
0x16f: {  	v11 =	vld [tilespmem:$0x2B0]  }
0x170: {  	v12 =	vld [tilespmem:$0x2C0]  }
0x171: {  	v13 =	vld [tilespmem:$0x2D0]  }
0x172: {  	v14 =	vld [tilespmem:$0x2E0]  }
0x173: {  	v15 =	vld [tilespmem:$0x2F0]  }
0x174: {  	v16 =	vld [tilespmem:$0x300]  }
0x175: {  	v17 =	vld [tilespmem:$0x310]  }
0x176: {  	v18 =	vld [tilespmem:$0x320]  }
0x177: {  	v19 =	vld [tilespmem:$0x330];
	v0 =	vmul.f32 $1.000000000e+06, v0  }
0x178: {  	v62 =	vld [tilespmem:$0x350];
	v1 =	vmul.f32 $1.000000000e+06, v1;
	v2 =	vmul.f32 $1.000000000e+06, v2  }
0x179: {  	v20 =	vld [tilespmem:$0x360];
	v3 =	vmul.f32 $1.000000000e+06, v3;
	v4 =	vmul.f32 $1.000000000e+06, v4  }
0x17a: {  	v25 =	vld [tilespmem:$0x380];
	v5 =	vmul.f32 $1.000000000e+06, v5;
	v6 =	vmul.f32 $1.000000000e+06, v6  }
0x17b: {  	v26 =	vld [tilespmem:$0x390];
	v7 =	vmul.f32 $1.000000000e+06, v7;
	v8 =	vmul.f32 $1.000000000e+06, v8  }
0x17c: {  	v29 =	vld [tilespmem:$0x3A0];
	v9 =	vmul.f32 $1.000000000e+06, v9;
	v10 =	vmul.f32 $1.000000000e+06, v10  }
0x17d: {  	v32 =	vld [tilespmem:$0x3B0];
	v11 =	vmul.f32 $1.000000000e+06, v11;
	v12 =	vmul.f32 $1.000000000e+06, v12  }
0x17e: {  	v37 =	vld [tilespmem:$0x3C0];
	v13 =	vmul.f32 $1.000000000e+06, v13;
	v14 =	vmul.f32 $1.000000000e+06, v14  }
0x17f: {  	v41 =	vld [tilespmem:$0x3D0];
	v15 =	vmul.f32 $1.000000000e+06, v15;
	v54 =	vmul.f32 $1.000000000e+06, v16  }
0x180: {  	v44 =	vld [tilespmem:$0x3E0];
	v59 =	vmul.f32 $1.000000000e+06, v17;
	v61 =	vmul.f32 $1.000000000e+06, v18  }
0x181: {  	v18 =	vmul.f32 $1.000000000e+06, v19;
	v24 =	vmul.f32 $1.000000000e+06, v62  }
0x182: {  	v28 =	vmul.f32 $1.000000000e+06, v20;
	v31 =	vmul.f32 $1.000000000e+06, v25  }
0x183: {  	v34 =	vmul.f32 $1.000000000e+06, v26;
	v39 =	vmul.f32 $1.000000000e+06, v29  }
0x184: {  	v43 =	vmul.f32 $1.000000000e+06, v32;
	v46 =	vmul.f32 $1.000000000e+06, v37  }
0x185: {  	v50 =	vmul.f32 $1.000000000e+06, v41;
	v52 =	vmul.f32 $1.000000000e+06, v44  }
0x186: {  	v0 =	vtrunc.f32 v0;
	v1 =	vtrunc.f32 v1  }
0x187: {  	v2 =	vtrunc.f32 v2;
	v3 =	vtrunc.f32 v3  }
0x188: {  	v4 =	vtrunc.f32 v4;
	v5 =	vtrunc.f32 v5  }
0x189: {  	v6 =	vtrunc.f32 v6;
	v7 =	vtrunc.f32 v7  }
0x18a: {  	v8 =	vtrunc.f32 v8;
	v9 =	vtrunc.f32 v9  }
0x18b: {  	v10 =	vtrunc.f32 v10;
	v11 =	vtrunc.f32 v11  }
0x18c: {  	v12 =	vtrunc.f32 v12;
	v13 =	vtrunc.f32 v13  }
0x18d: {  	v14 =	vtrunc.f32 v14;
	v53 =	vtrunc.f32 v15  }
0x18e: {  	v58 =	vtrunc.f32 v54;
	v63 =	vtrunc.f32 v59  }
0x18f: {  	v19 =	vtrunc.f32 v61;
	v21 =	vtrunc.f32 v18  }
0x190: {  	v27 =	vtrunc.f32 v24;
	v30 =	vtrunc.f32 v28  }
0x191: {  	v36 =	vtrunc.f32 v31;
	v38 =	vtrunc.f32 v34  }
0x192: {  	v42 =	vtrunc.f32 v39;
	v49 =	vtrunc.f32 v46  }
0x193: {  	v0 =	vcvt.f32.s32 v0;
	v1 =	vcvt.f32.s32 v1  }
0x194: {  	v2 =	vcvt.f32.s32 v2;
	v3 =	vcvt.f32.s32 v3  }
0x195: {  	v4 =	vcvt.f32.s32 v4;
	v5 =	vcvt.f32.s32 v5  }
0x196: {  	v6 =	vcvt.f32.s32 v6;
	v7 =	vcvt.f32.s32 v7  }
0x197: {  	v8 =	vcvt.f32.s32 v8;
	v9 =	vcvt.f32.s32 v9  }
0x198: {  	v10 =	vcvt.f32.s32 v10;
	v11 =	vcvt.f32.s32 v11;
	vm0 =	vlt.s32 v0, $0xF423F  }
0x199: {  	v12 =	vcvt.f32.s32 v12;
	vm1 =	vlt.s32 v1, $0xF423F;
	v0 =	vnsel vm0, $0xF423F, v0  }
0x19a: {  	v13 =	vcvt.f32.s32 v13;
	vm10 =	vlt.s32 v2, $0xF423F;
	v1 =	vnsel vm1, $0xF423F, v1;
	[tilespmem:$0x600] =	vst v0  }
0x19b: {  	v14 =	vcvt.f32.s32 v14;
	vm11 =	vlt.s32 v3, $0xF423F;
	v2 =	vnsel vm10, $0xF423F, v2;
	[tilespmem:$0x610] =	vst v1  }
0x19c: {  	v40 =	vcvt.f32.s32 v36;
	vm12 =	vlt.s32 v4, $0xF423F;
	v3 =	vnsel vm11, $0xF423F, v3;
	[tilespmem:$0x620] =	vst v2  }
0x19d: {  	vm13 =	vlt.s32 v5, $0xF423F;
	vm14 =	vlt.s32 v6, $0xF423F;
	v4 =	vnsel vm12, $0xF423F, v4;
	[tilespmem:$0x630] =	vst v3  }
0x19e: {  	v57 =	vld [tilespmem:$0x340];
	vm15 =	vlt.s32 v7, $0xF423F;
	vm4 =	vlt.s32 v8, $0xF423F;
	v5 =	vnsel vm13, $0xF423F, v5;
	[tilespmem:$0x640] =	vst v4  }
0x19f: {  	vm5 =	vlt.s32 v9, $0xF423F;
	vm6 =	vlt.s32 v10, $0xF423F;
	v6 =	vnsel vm14, $0xF423F, v6;
	[tilespmem:$0x650] =	vst v5  }
0x1a0: {  	vm7 =	vlt.s32 v11, $0xF423F;
	vm8 =	vlt.s32 v12, $0xF423F;
	v7 =	vnsel vm15, $0xF423F, v7;
	[tilespmem:$0x660] =	vst v6  }
0x1a1: {  	v22 =	vld [tilespmem:$0x370];
	vm9 =	vlt.s32 v13, $0xF423F;
	v8 =	vnsel vm4, $0xF423F, v8;
	v9 =	vnsel vm5, $0xF423F, v9;
	[tilespmem:$0x670] =	vst v7  }
0x1a2: {  	v10 =	vnsel vm6, $0xF423F, v10;
	v11 =	vnsel vm7, $0xF423F, v11;
	v55 =	vnsel vm8, $0xF423F, v12;
	[tilespmem:$0x680] =	vst v8  }
0x1a3: {  	v56 =	vnsel vm9, $0xF423F, v13;
	v13 =	vmul.f32 $1.000000000e+06, v57;
	v0 =	vcvt.f32.s32 v53;
	[tilespmem:$0x690] =	vst v9  }
0x1a4: {  	vm10 =	vlt.s32 v14, $0xF423F;
	v2 =	vcvt.f32.s32 v58;
	v4 =	vcvt.f32.s32 v63;
	[tilespmem:$0x6A0] =	vst v10  }
0x1a5: {  	vm8 =	vlt.s32 v40, $0xF423F;
	v5 =	vcvt.f32.s32 v19;
	v6 =	vcvt.f32.s32 v21;
	[tilespmem:$0x6B0] =	vst v11  }
0x1a6: {  	v60 =	vnsel vm10, $0xF423F, v14;
	v10 =	vcvt.f32.s32 v27;
	[tilespmem:$0x6C0] =	vst v55;
	v7 =	vmul.f32 $1.000000000e+06, v22  }
0x1a7: {  	[tilespmem:$0x6D0] =	vst v56;
	v1 =	vcvt.f32.s32 v30;
	v53 =	vtrunc.f32 v50;
	vm11 =	vlt.s32 v0, $0xF423F  }
0x1a8: {  	v56 =	vtrunc.f32 v52;
	[tilespmem:$0x6E0] =	vst v60;
	vm12 =	vlt.s32 v2, $0xF423F;
	v0 =	vnsel vm11, $0xF423F, v0  }
0x1a9: {  	v23 =	vtrunc.f32 v13;
	vm13 =	vlt.s32 v4, $0xF423F;
	v2 =	vnsel vm12, $0xF423F, v2;
	[tilespmem:$0x6F0] =	vst v0  }
0x1aa: {  	v55 =	vcvt.f32.s32 v53;
	vm14 =	vlt.s32 v5, $0xF423F;
	v4 =	vnsel vm13, $0xF423F, v4;
	[tilespmem:$0x700] =	vst v2  }
0x1ab: {  	v57 =	vcvt.f32.s32 v56;
	vm15 =	vlt.s32 v6, $0xF423F;
	v5 =	vnsel vm14, $0xF423F, v5;
	[tilespmem:$0x710] =	vst v4  }
0x1ac: {  	v8 =	vcvt.f32.s32 v23;
	vm5 =	vlt.s32 v10, $0xF423F;
	v6 =	vnsel vm15, $0xF423F, v6;
	[tilespmem:$0x720] =	vst v5  }
0x1ad: {  	v45 =	vld [tilespmem:$0x3F0];
	v33 =	vtrunc.f32 v7;
	vm6 =	vlt.s32 v1, $0xF423F;
	v35 =	vnsel vm5, $0xF423F, v10;
	[tilespmem:$0x730] =	vst v6  }
0x1ae: {  	v7 =	vtrunc.f32 v43;
	v3 =	vcvt.f32.s32 v33;
	v1 =	vnsel vm6, $0xF423F, v1;
	[tilespmem:$0x750] =	vst v35  }
0x1af: {  	v48 =	vcvt.f32.s32 v7;
	vm13 =	vlt.s32 v55, $0xF423F;
	v4 =	vnsel vm8, $0xF423F, v40;
	[tilespmem:$0x760] =	vst v1  }
0x1b0: {  	vm14 =	vlt.s32 v57, $0xF423F;
	vm4 =	vlt.s32 v8, $0xF423F;
	v61 =	vnsel vm13, $0xF423F, v55;
	[tilespmem:$0x780] =	vst v4  }
0x1b1: {  	v2 =	vcvt.f32.s32 v38;
	v5 =	vcvt.f32.s32 v42;
	v62 =	vnsel vm14, $0xF423F, v57;
	[tilespmem:$0x7D0] =	vst v61  }
0x1b2: {  	v6 =	vmul.f32 $1.000000000e+06, v45;
	v8 =	vnsel vm4, $0xF423F, v8;
	vm7 =	vlt.s32 v3, $0xF423F;
	[tilespmem:$0x7E0] =	vst v62  }
0x1b3: {  	v1 =	vcvt.f32.s32 v49;
	vm11 =	vlt.s32 v48, $0xF423F;
	v3 =	vnsel vm7, $0xF423F, v3;
	[tilespmem:$0x740] =	vst v8  }
0x1b4: {  	vm9 =	vlt.s32 v2, $0xF423F;
	v54 =	vnsel vm11, $0xF423F, v48;
	v58 =	vtrunc.f32 v6;
	[tilespmem:$0x770] =	vst v3  }
0x1b5: {  	vm10 =	vlt.s32 v5, $0xF423F;
	v47 =	vnsel vm9, $0xF423F, v2;
	[tilespmem:$0x7B0] =	vst v54;
	v60 =	vcvt.f32.s32 v58  }
0x1b6: {  	vm12 =	vlt.s32 v1, $0xF423F;
	v51 =	vnsel vm10, $0xF423F, v5;
	[tilespmem:$0x790] =	vst v47  }
0x1b7: {  	v59 =	vnsel vm12, $0xF423F, v1;
	[tilespmem:$0x7A0] =	vst v51;
	vm15 =	vlt.s32 v60, $0xF423F  }
0x1b8: {  	[tilespmem:$0x7C0] =	vst v59;
	v63 =	vnsel vm15, $0xF423F, v60  }
0x1b9: {  	[tilespmem:$0x7F0] =	vst v63  }
0x1ba: {  	_ =	swait.ge [sflag:s25], $0x4000  }
0x1bb: {  	[sflag:s25] =	ssyncset.done $0x0  }
0x1bc: {  	[sflag:s25] =	ssyncadd.s32 $0xFFFFC000  }
0x1bd: {  	[tilespmem:s23], [sflag:$0x4] =	stream.indirect.gather [hbm4b:s4+s13], $0x20, s26, s13, $0xb8;
	[tilespmem:$0x8800] =	vst v63  }
0x1be: {  	_ = 	snop  }
0x1bf: {  	[tilespmem:s29], [sflag:$0x4] =	stream.indirect.gather [hbm4b:s4+s13], $0x20, s28, s13, $0xb8;
	[tilespmem:$0x8800] =	vst v63  }
0x1c0: {  	_ = 	snop  }
0x1c1: {  	[tilespmem:s31], [sflag:$0x4] =	stream.indirect.gather [hbm4b:s4+s13], $0x20, s30, s13, $0xb8;
	[tilespmem:$0x8800] =	vst v63  }
0x1c2: {  	_ = 	snop  }
0x1c3: {  	[tilespmem:s0], [sflag:$0x4] =	stream.indirect.gather [hbm4b:s4+s13], $0x20, s1, s13, $0xb8;
	[tilespmem:$0x8800] =	vst v63  }
0x1c4: {  	_ =	swait.ge [sflag:s6], $0x1000  }
0x1c5: {  	[sflag:s6] =	ssyncset.done $0x0  }
0x1c6: {  	[sflag:s6] =	ssyncadd.s32 $0xFFFFF000  }
0x1c7: {  	_ =	swait.ge [sflag:s6], $0x1000  }
0x1c8: {  	[sflag:s6] =	ssyncset.done $0x0  }
0x1c9: {  	[sflag:s6] =	ssyncadd.s32 $0xFFFFF000  }
0x1ca: {  	_ =	swait.ge [sflag:s6], $0x1000  }
0x1cb: {  	[sflag:s6] =	ssyncset.done $0x0  }
0x1cc: {  	[sflag:s6] =	ssyncadd.s32 $0xFFFFF000  }
0x1cd: {  	_ =	swait.ge [sflag:s6], $0x1000  }
0x1ce: {  	[sflag:s6] =	ssyncset.done $0x0  }
0x1cf: {  	s5 =	rddreg [dreg:$0x8];
	[sflag:s6] =	ssyncadd.s32 $0xFFFFF000  }
0x1d0: {  	[hbm4b:s5+s2] =	stream.linear.scatter [tilespmem:s15], [sflag:$0x5], $0x4000, $0x38;
	[tilespmem:$0x8800] =	vst v63  }
0x1d1: {  	_ =	swait.ge [sflag:s9], $0x1000  }
0x1d2: {  	[sflag:s9] =	ssyncset.done $0x0  }
0x1d3: {  	[sflag:s9] =	ssyncadd.s32 $0xFFFFF000  }
0x1d4: {  	_ =	swait.ge [sflag:s9], $0x1000  }
0x1d5: {  	[sflag:s9] =	ssyncset.done $0x0  }
0x1d6: {  	[sflag:s9] =	ssyncadd.s32 $0xFFFFF000  }
0x1d7: {  	_ =	swait.ge [sflag:s9], $0x1000  }
0x1d8: {  	[sflag:s9] =	ssyncset.done $0x0  }
0x1d9: {  	[sflag:s9] =	ssyncadd.s32 $0xFFFFF000  }
0x1da: {  	_ =	swait.ge [sflag:s9], $0x1000  }
0x1db: {  	[sflag:s9] =	ssyncset.done $0x0  }
0x1dc: {  	s7 =	rddreg [dreg:$0x7];
	[sflag:s9] =	ssyncadd.s32 $0xFFFFF000  }
0x1dd: {  	[hbm4b:s7+s2] =	stream.linear.scatter [tilespmem:s23], [sflag:$0x6], $0x4000, $0x38;
	[tilespmem:$0x8800] =	vst v63  }
0x1de: {  	_ =	swait.ge [sflag:s8], $0x4000  }
0x1df: {  	[sflag:s8] =	ssyncset.done $0x0  }
0x1e0: {  	[sflag:s8] =	ssyncadd.s32 $0xFFFFC000  }
0x1e1: {  	_ =	swait.ge [sflag:s25], $0x4000  }
0x1e2: {  	s10 =	rddreg [dreg:$0xc]  }
0x1e3: {  	s11 =	rddreg [dreg:$0x9];
	s10 =	sadd.s32 $0x1, s10  }
0x1e4: {  	p0 =	sne.s32 s10, s11  }
.Ltmp1:
0x1e5: {  	_ = 	snop;
	(pc) =	sbr.rel @p0 .LBB2_1-.Ltmp1, $3  }
0x1e6: {  	_ =	sdelay $0x1  }
0x1e7: {  	[sflag:s25] =	ssyncset.done $0x0  }
0x1e8: {  	[sflag:s25] =	ssyncadd.s32 $0xFFFFC000  }
0x1e9: {  	_ =	sfence.sel $0x180000  }
0x1ea: {  	[bflag:$0x0] =	sbarrier.arrive $0xFFFF  }
0x1eb: {  	_ =	strace $0x90000047  }
0x1ec: {  	s0 =	stileid.u32;
	[bflag:$0x2] =	sbarrier.arrive $0xFFFF  }
0x1ed: {  	p0 =	sne.s32 s0, $0x0;
	s0 =	rddreg [dreg:$0x2]  }
0x1ee: {  	s0 =	sadd.s32 @!p0 $0x100000, s0  }
0x1ef: {  	[sflag:s0] =	ssyncadd.tile.s32 @!p0 $0x1;
	_ =	shalt  }
.Lfunc_end2:
_tile_overlayer_lowered:
.L_overlay_start_2:
0x1f0: {  	(tag) =	ssettag $0x2  }
0x1f1: {  	s0 =	rddreg [dreg:$0x0];
	s2 =	stileid.u32  }
0x1f2: {  	s1 =	rddreg [dreg:$0x1];
	p0 =	sne.s32 s2, $0x0  }
0x1f3: {  	s3 =	rddreg [dreg:$0x2];
	[bflag:$0x3] =	sbarrier.arrive $0xFFFF;
	s2 =	simm.s32 @!p0 $0x1C07  }
0x1f4: {  	[timem:s3], [sflag:s2] =	dma.local @!p0 [hbm:s0], s1  }
0x1f5: {  	s0 =	simm.s32 @!p0 $0x7  }
0x1f6: {  	_ =	swait.ge @!p0 [sflag:s0], s1  }
0x1f7: {  	s1 =	ssub.s32 @!p0 $0x0, s1;
	[sflag:s0] =	ssyncset.done @!p0 $0x0  }
0x1f8: {  	[sflag:s0] =	ssyncadd.s32 @!p0 s1  }
0x1f9: {  	[bflag:$0x3] =	sbarrier.arrive $0xFFFF  }
0x1fa: {  	_ =	shalt  }

// kernel: sparse-core-data-format-call.cloned.1.call-start
scs
called_computation_lowered:
.L_overlay_start_0:
0x0: {  	s2 =	sld [smem:$0x3FD9]  }
0x1: {  	s3 =	sld [smem:$0x3FFE];
	_ =	sdelay $0x1  }
0x2: {  	s1 =	srdreg.scid  }
0x3: {  	s0 =	sand.u32 $0x1, s1  }
0x4: {  	s18 =	sshll.u32 s0, $0xA;
	s2 =	sadd.s32 s3, s2  }
0x5: {  	s2 =	sadd.s32 s2, s18  }
0x6: {  	[smem:$0x3FC6] =	sst s2  }
0x7: {  	_ = 	snop  }
0x8: {  	s2 =	sld [smem:$0x3FD0];
	(tm) =	ssettm $0x1  }
0x9: {  	s19 =	sld [smem:$0x3FFB];
	_ =	sdelay $0x3  }
0xa: {  	_ =	strace s19  }
0xb: {  	s3 =	sld [smem:$0x3FFC];
	_ =	sdelay $0x3  }
0xc: {  	_ =	strace s3  }
0xd: {  	s3 =	sld [smem:$0x3FFD];
	_ =	sdelay $0x3  }
0xe: {  	_ =	strace s3  }
0xf: {  	_ =	strace $0x8FFFFFFF  }
0x10: {  	s20 =	sld [smem:$0x3FDB];
	_ =	sdelay $0x1  }
0x11: {  	s4 =	simm.s32 $_scs_section_size  }
0x12: {  	s5 =	simm.s32 $_size__tile_overlayer_lowered;
	s6 =	simm.s32 $_tile_overlayer_lowered  }
0x13: {  	s23 =	simm.s32 $0x1BFF;
	s22 =	sshll.u32 s6, $0x1;
	s3 =	sadd.s32 s4, s20  }
0x14: {  	s7 =	simm.s32 $0x0;
	s21 =	sshll.u32 s5, $0x1;
	s5 =	sadd.s32 s22, s3  }
0x15: {  	[timem:s7], [sflag:s23] =	dma.local [hbm:s5], s21  }
0x16: {  	_ =	swait.ge [sflag:s23], s21  }
0x17: {  	s4 =	ssub.s32 $0x0, s21;
	[sflag:s23] =	ssyncset.done $0x0  }
0x18: {  	[sflag:s23] =	ssyncadd.s32 s4;
	_ =	sdelay $0x1  }
0x19: {  	s24 =	simm.s32 $0x1B8B  }
0x1a: {  	_ =	swait.ge [sflag:s24], $0x1  }
0x1b: {  	[sflag:s24] =	ssyncset.done $0x0  }
0x1c: {  	s26 =	simm.s32 $0x1B8E;
	s25 =	sld [smem:$0x3FFE];
	[sflag:s24] =	ssyncadd.s32 $0xFFFFFFFF  }
0x1d: {  	s27 =	simm.s32 $execute0_lowered;
	[smem:$0x3FD2] =	sst s26  }
0x1e: {  	s5 =	sshll.u32 s27, $0x1;
	_ =	strace $0x80000049;
	[dreg:$0x1] =	wrdreg $0xFFFFFFFF  }
0x1f: {  	s28 =	simm.s32 $_size_execute0_lowered;
	s3 =	sadd.s32 s3, s5;
	[dreg:$0x0] =	wrdreg $0x0  }
0x20: {  	s5 =	sshll.u32 s28, $0x1;
	[dreg:$0x2] =	wrdreg s3  }
0x21: {  	[dreg:$0x3] =	wrdreg s5  }
0x22: {  	[dreg:$0x4] =	wrdreg $0xC0  }
0x23: {  	_ =	task [dreg:s7], $0x5FFFF  }
0x24: {  	[dreg:$0x1] =	wrdreg $0xFFFFFFFF  }
0x25: {  	[dreg:$0x0] =	wrdreg $0x60  }
0x26: {  	[dreg:$0x2] =	wrdreg s25  }
0x27: {  	[dreg:$0x3] =	wrdreg s2  }
0x28: {  	[dreg:$0x4] =	wrdreg $0x9  }
0x29: {  	_ =	task.clear_ibuf [dreg:s7], $0x5FFFF;
	_ =	strace $0x90000049  }
0x2a: {  	s29 =	simm.s32 $0x9;
	_ =	strace $0x8000004B  }
0x2b: {  	_ =	swait.ge [sflag:s29], $0x1  }
0x2c: {  	[sflag:s29] =	ssyncadd.s32 $0xFFFFFFFF  }
0x2d: {  	_ =	strace $0x9000004B  }
0x2e: {  	_ =	sfence  }
0x2f: {  	s30 =	sld [smem:$0x0];
	_ =	sdelay $0x2  }
0x30: {  	s31 =	sshll.u32 s1, $0xD;
	s1 =	sshrl.u32 s1, $0x2  }
0x31: {  	s3 =	sand.u32 $0x4000, s31;
	s1 =	sadd.s32 s1, s30  }
0x32: {  	s0 =	sor.u32 s3, s0;
	s1 =	sshll.u32 s1, $0x11  }
0x33: {  	s0 =	sor.u32 s1, s0  }
0x34: {  	s0 =	sadd.s32 $0x8F2B, s0  }
0x35: {  	[sflag:s0] =	ssyncadd.remote.s32 $0x1  }
0x36: {  	_ =	sfence.sel $0xFFFF  }
0x37: {  	[dreg:$0x0] =	wrdreg $0xFFFFFFFF;
	(pc) =	sbr.abs _section_cstart, $3  }
0x38: {  	[dreg:$0x1] =	wrdreg $0xFFFFFFFF  }
0x39: {  	_ =	task.clear_ibuf [dreg:s7], $0x2FFFF;
	_ =	strace $0x9FFFFFFF  }
0x3a: {  	(tm) =	ssettm $0x7FFFFFFF  }
0x3b: {  	_ =	shalt  }
tec
execute0_lowered:
.L_overlay_start_1:
0x0: {  	(tag) =	ssettag $0x1  }
0x1: {  	s0 =	srdreg.scid  }
0x2: {  	s1 =	sshll.u32 s0, $0x4  }
0x3: {  	s0 =	stileid.u32;
	s1 =	sand.u32 $0x10, s1  }
0x4: {  	s1 =	sor.u32 s0, s1  }
0x5: {  	s6 =	rddreg [dreg:$0x0];
	s4 =	simm.s32 $0x1;
	s2 =	sshll.u32 s1, $0x7  }
0x6: {  	s7 =	simm.s32 $0x2;
	s12 =	simm.s32 $0x0;
	s1 =	ssub.s32 $0x1000, s2  }
0x7: {  	s8 =	simm.s32 $0x8000;
	s13 =	simm.s32 $0x0;
	s3 =	sand.u32 $0xF80, s1  }
0x8: {  	s9 =	simm.s32 $0x0;
	s5 =	sshrl.u32 s1, $0xC;
	p0 =	sne.s32 s3, $0x0  }
.Ltmp0:
0x9: {  	s1 =	rddreg [dreg:$0x2];
	s4 =	simm.s32 @!p0 $0x0;
	(pc) =	sbr.rel .LBB1_1-.Ltmp0, $4  }
0xa: {  	s11 =	simm.s32 $0x0;
	s3 =	rddreg [dreg:$0x1];
	s5 =	sadd.s32 s4, s5  }
0xb: {  	_ =	strace $0x8000004A;
	s4 =	simm.s32 $0x1;
	s5 =	smul.u32 $0xC8, s5  }
0xc: {  	s6 =	sadd.s32 $0xA00, s6;
	s10 =	smov.u32 s2;
	[sflag:s4] =	ssyncpa.u1 $0x0  }
0xd: {  	p0 =	por $0x0, $0x0;
	[sflag:s7] =	ssyncpa.u1 $0x0;
	s7 =	sor.u32 $0x1, s5  }
.LBB1_4:
0xe: {  	s16 =	sshll.u32 s13, $0x3;
	s17 =	sand.u32 $0x78, s13  }
0xf: {  	s30 =	sand.u32 $0x3E00, s13;
	s12 =	sshll.u32 s12, $0xE;
	s16 =	sand.u32 $0xC00, s16  }
0x10: {  	s31 =	sand.u32 $0x7, s13;
	s16 =	sor.u32 s17, s16;
	s17 =	sadd.s32 s3, s30  }
0x11: {  	s13 =	sshll.u32 s31, $0x12;
	s16 =	sshrl.u32 s16, $0x3;
	s12 =	sadd.s32 s12, s17  }
0x12: {  	[tilespmem:s15+$0x0 ss:$0x81] =	vst.msk $0xffff, v0;
	s13 =	sor.u32 $0x400, s13;
	s12 =	sadd.s32 s16, s12  }
0x13: {  	[hbm4b:s12+s13] =	stream.strided.scatter [tilespmem:s14], [sflag:$0x2], $0x1000, s8, s13, $0x20;
	[tilespmem:$0x4040] =	vst v63  }
.LBB1_5:
0x14: {  	s14 =	sadd.s32 $0x1, s9  }
0x15: {  	s12 =	sadd.s32 $0x1000, s10;
	s16 =	smov.u32 s10;
	p2 =	sgt.s32 s14, $0xC7  }
0x16: {  	s16 =	smov.u32 @p2 s12  }
0x17: {  	s14 =	simm.s32 @p2 $0x0;
	p2 =	sgt.s32 s16, $0xFFF  }
0x18: {  	s16 =	smov.u32 @p2 s2;
	p2 =	sne.s32 s11, s7  }
.Ltmp1:
0x19: {  	p1 =	slt.u32 s11, $0x2;
	(pc) =	sbr.rel @!p2 .LBB1_6-.Ltmp1, $4  }
0x1a: {  	s15 =	simm.s32 @!p1 $0x2  }
0x1b: {  	s13 =	smov.u32 s10;
	p0 =	por !p0, !p0;
	_ =	swait.ge @!p1 [sflag:s15], $0x1000  }
0x1c: {  	s12 =	smov.u32 s9;
	[sflag:s15] =	ssyncset.done @!p1 $0x0;
	s9 =	smov.u32 s14  }
0x1d: {  	s11 =	sadd.s32 $0x1, s11;
	[sflag:s15] =	ssyncadd.s32 @!p1 $0xFFFFF000;
	s10 =	smov.u32 s16  }
.LBB1_1:
0x1e: {  	p1 =	sge.u32 s11, s5  }
0x1f: {  	s14 =	sand.u32 @!p1 $0x1FFFFFF, s9  }
0x20: {  	s15 =	smulhi.u32 @!p1 $0x147AE15, s14;
	_ =	sdelay $0x1  }
0x21: {  	s15 =	smul.u32 @!p1 $0xC8, s15  }
0x22: {  	s16 =	sxor.u32 @!p1 $0xFFFFFFFF, s11;
	s17 =	smul.u32 @!p1 $0xC80, s10  }
0x23: {  	s31 =	sadd.s32 $0xFFFFFFFF, s11;
	s16 =	sshll.u32 @!p1 s16, $0xC;
	s14 =	ssub.s32 @!p1 s14, s15  }
0x24: {  	s15 =	sand.u32 @!p1 $0x1000, s16;
	s16 =	sadd.s32 @!p1 s6, s17;
	s14 =	sshll.u32 @!p1 s14, $0x4  }
0x25: {  	s17 =	simm.s32 @!p1 $0x6400;
	s14 =	sadd.s32 @!p1 s14, s16;
	s16 =	simm.s32 @!p1 $0x20  }
0x26: {  	[tilespmem:s15], [sflag:$0x1] =	stream.strided.gather @!p1 [hbm4b:s14+s16], $0x1000, s17, s16, $0x38;
	[tilespmem:$0x4040] =	vst v63  }
0x27: {  	p1 =	sge.u32 s31, s5  }
.Ltmp2:
0x28: {  	_ = 	snop;
	(pc) =	sbr.rel @p1 .LBB1_5-.Ltmp2, $1  }
0x29: {  	_ =	sdelay $0x3  }
0x2a: {  	s14 =	simm.s32 $0x1  }
0x2b: {  	_ =	swait.ge [sflag:s4], $0x1000;
	s14 =	simm.s32 @!p0 $0x0  }
0x2c: {  	[sflag:s4] =	ssyncset.done $0x0;
	s15 =	sshll.u32 s14, $0xC  }
0x2d: {  	[sflag:s4] =	ssyncadd.s32 $0xFFFFF000;
	s18 =	sor.u32 $0x10, s15  }
0x2e: {  	s14 =	smul.u32 $0x4080, s14;
	v1 =	vld [tilespmem:s18+$0x0]  }
0x2f: {  	s30 =	sand.u32 $0x1, s11;
	v0 =	vld [tilespmem:s18+$0xFFFFFFF0]  }
0x30: {  	s15 =	smul.u32 $0x4080, s30;
	s14 =	sshrl.u32 s14, $0x2  }
0x31: {  	s16 =	sor.u32 $0x2000, s14  }
0x32: {  	s31 =	sshrl.u32 s15, $0x2;
	s15 =	sadd.s32 $0x0, s16  }
0x33: {  	s17 =	simm.s32 $0x4;
	s18 =	sadd.s32 $0x20, s18;
	s14 =	sor.u32 $0x2000, s31;
	[tilespmem:s15+$0x810 ss:$0x81] =	vst.msk $0xffff, v1  }
.LBB1_3:
0x34: {  	v1 =	vld [tilespmem:s18+$0x0];
	p1 =	sne.s32 s17, $0x1FC;
	[tilespmem:s15+$0x0 ss:$0x81] =	vst.msk $0xffff, v0;
	s15 =	smov.u32 s17;
	s17 =	sadd.s32 $0x4, s17  }
.Ltmp3:
0x35: {  	v0 =	vld [tilespmem:s18+$0xFFFFFFF0];
	(pc) =	sbr.rel @p1 .LBB1_3-.Ltmp3, $4  }
0x36: {  	_ = 	snop  }
0x37: {  	s15 =	sshra.s32 s15, $0x2  }
0x38: {  	s15 =	sadd.s32 s15, s16  }
0x39: {  	s18 =	sadd.s32 $0x20, s18;
	[tilespmem:s15+$0x810 ss:$0x81] =	vst.msk $0xffff, v1  }
.Ltmp4:
0x3a: {  	_ = 	snop;
	(pc) =	sbr.rel .LBB1_4-.Ltmp4, $1  }
0x3b: {  	_ =	sdelay $0x3  }
.LBB1_6:
0x3c: {  	_ =	sfence.sel $0x180000  }
0x3d: {  	s2 =	simm.s32 $0x1;
	[bflag:$0x0] =	sbarrier.arrive $0xFFFF  }
0x3e: {  	s31 =	simm.s32 $0x2;
	[sflag:s2] =	ssyncpa.u1 $0x1  }
0x3f: {  	[sflag:s31] =	ssyncpa.u1 $0x1  }
0x40: {  	p0 =	sne.s32 s0, $0x0;
	_ =	strace $0x9000004A  }
0x41: {  	s0 =	sadd.s32 @!p0 $0x100000, s1;
	[bflag:$0x2] =	sbarrier.arrive $0xFFFF  }
0x42: {  	[sflag:s0] =	ssyncadd.tile.s32 @!p0 $0x1;
	_ =	shalt  }
.Lfunc_end1:
_tile_overlayer_lowered:
.L_overlay_start_2:
0x43: {  	(tag) =	ssettag $0x2  }
0x44: {  	s0 =	rddreg [dreg:$0x0];
	s2 =	stileid.u32  }
0x45: {  	s1 =	rddreg [dreg:$0x1];
	p0 =	sne.s32 s2, $0x0  }
0x46: {  	s3 =	rddreg [dreg:$0x2];
	[bflag:$0x3] =	sbarrier.arrive $0xFFFF;
	s2 =	simm.s32 @!p0 $0x1C01  }
0x47: {  	[timem:s3], [sflag:s2] =	dma.local @!p0 [hbm:s0], s1  }
0x48: {  	s0 =	simm.s32 @!p0 $0x1  }
0x49: {  	_ =	swait.ge @!p0 [sflag:s0], s1  }
0x4a: {  	s1 =	ssub.s32 @!p0 $0x0, s1;
	[sflag:s0] =	ssyncset.done @!p0 $0x0  }
0x4b: {  	[sflag:s0] =	ssyncadd.s32 @!p0 s1  }
0x4c: {  	[bflag:$0x3] =	sbarrier.arrive $0xFFFF  }
0x4d: {  	_ =	shalt  }

</sc_bundles>
